<compile_context>
chip_gen: v7x
topology: tpu7x:2x2x1
jax: 0.10.2.dev20260603
libtpu: 0.0.44.dev20260713+nightly
codegen_flags: <defaults>
</compile_context>

<pallas_src>
import functools

import jax
import jax.numpy as jnp
from jax import lax
from jax.experimental import pallas as pl
from jax.experimental.pallas import tpu as pltpu
from jax.experimental.pallas import tpu_sc as plsc

N = 10000
D = 128
D2 = D // 2
NS = 16
L = 16
K = 128
E = 320000
T16 = 160
EP = NS * T16 * K
CB = T16 + 1
CLEN = CB * K
HALF = N // 2
AGG_ROWS = 5120
ZR = AGG_ROWS // NS

_mesh = plsc.VectorSubcoreMesh(core_axis_name="c", subcore_axis_name="s")
_sc_params = pltpu.CompilerParams(needs_layout_passes=False,
                                 use_tc_tiling_on_sc=False)


def _compact_body(srcr, dstr, csrc_hbm, cdst_hbm, nch_hbm,
                  src_t, dst_t, csrc, cdst, nchbuf):
    c = lax.axis_index("c")
    s = lax.axis_index("s")
    lo = c * HALF

    pltpu.sync_copy(srcr.at[pl.ds(s * T16, T16)], src_t)
    pltpu.sync_copy(dstr.at[pl.ds(s * T16, T16)], dst_t)

    iota = jnp.arange(L, dtype=jnp.int32)

    def chunk(r, off):
        for j in range(K // L):
            dv = dst_t[r, pl.ds(j * L, L)]
            m = (dv >= lo) & (dv < lo + HALF)
            scan = plsc.cumsum(m.astype(jnp.int32))
            pos = jnp.where(m, off + scan - 1, CLEN + iota)
            plsc.store_scatter(cdst, [pos], dv - lo)
            sv = src_t[r, pl.ds(j * L, L)]
            plsc.store_scatter(csrc, [pos], sv)
            off = off + scan[L - 1]
        return off

    cnt = lax.fori_loop(0, T16, chunk, jnp.int32(0))

    for k in range(K // L):
        csrc[pl.ds(cnt + k * L, L)] = iota
        cdst[pl.ds(cnt + k * L, L)] = HALF + iota

    nch = (cnt + K - 1) // K
    nchbuf[...] = jnp.zeros((L,), jnp.int32) + nch
    pltpu.sync_copy(nchbuf, nch_hbm.at[c, s])
    pltpu.sync_copy(csrc.at[pl.ds(0, CLEN)], csrc_hbm.at[c, s])
    pltpu.sync_copy(cdst.at[pl.ds(0, CLEN)], cdst_hbm.at[c, s])


_sc_compact = pl.kernel(
    _compact_body,
    out_type=(jax.ShapeDtypeStruct((2, NS, CLEN), jnp.int32),
              jax.ShapeDtypeStruct((2, NS, CLEN), jnp.int32),
              jax.ShapeDtypeStruct((2, NS, L), jnp.int32)),
    mesh=_mesh,
    compiler_params=_sc_params,
    scratch_types=[
        pltpu.VMEM((T16, K), jnp.int32),
        pltpu.VMEM((T16, K), jnp.int32),
        pltpu.VMEM((CLEN + L,), jnp.int32),
        pltpu.VMEM((CLEN + L,), jnp.int32),
        pltpu.VMEM((L,), jnp.int32),
    ],
)


def _make_agg(p, with_counts):

    def body(h_hbm, csrc_hbm, cdst_hbm, nch_hbm, *refs):
        if with_counts:
            (out_hbm, cnt_hbm, csrc_l, cdst_l, rows, idxg, ones, zcnt, idx,
             nch_s, agg_sh, cnt_sh, sem) = refs
        else:
            (out_hbm, csrc_l, cdst_l, rows, idxg, idx,
             nch_s, agg_sh, sem) = refs
        c = lax.axis_index("c")
        s = lax.axis_index("s")

        iota = jnp.arange(L, dtype=jnp.int32)

        def fill_idx(base, n):
            for j in range(K // L):
                off = 16 * j if 16 * j < n else 16 * j - n
                idx[pl.ds(16 * j, L)] = base + off + iota

        @pl.loop(0, K)
        def _(i):
            for j in range(D2 // L):
                rows[i, pl.ds(j * L, L)] = jnp.zeros((L,), jnp.float32)

        if with_counts:
            @pl.loop(0, K)
            def _(i):
                zcnt[i, :] = jnp.zeros((L,), jnp.float32)

            @pl.loop(0, K)
            def _(i):
                ones[i, :] = jnp.ones((L,), jnp.float32)

        zb = s * ZR
        for base, n in ((0, K), (K, K), (2 * K, ZR - 2 * K)):
            fill_idx(zb + base, n)
            pltpu.sync_copy(rows, agg_sh.at[idx])
            if with_counts:
                pltpu.sync_copy(zcnt, cnt_sh.at[idx])

        pltpu.sync_copy(csrc_hbm.at[c, s], csrc_l)
        pltpu.sync_copy(cdst_hbm.at[c, s], cdst_l)
        pltpu.async_copy(nch_hbm.at[c, s], nch_s, sem).wait()
        nch = nch_s[...][0]
        plsc.subcore_barrier()

        def _step(t, carry):
            for j in range(K // L):
                v = csrc_l[t, pl.ds(j * L, L)]
                idxg[pl.ds(j * L, L)] = v * 2 + p
            pltpu.async_copy(h_hbm.at[idxg], rows, sem).wait()
            pltpu.sync_copy(rows, agg_sh.at[cdst_l.at[t]], add=True)
            if with_counts:
                pltpu.sync_copy(ones, cnt_sh.at[cdst_l.at[t]], add=True)
            return carry

        lax.fori_loop(0, nch, _step, jnp.int32(0))
        plsc.subcore_barrier()

        hb = c * AGG_ROWS + zb
        for base, n in ((0, K), (K, K), (2 * K, ZR - 2 * K)):
            fill_idx(zb + base, n)
            pltpu.async_copy(agg_sh.at[idx], rows, sem).wait()
            pltpu.sync_copy(rows.at[:n], out_hbm.at[pl.ds(hb + base, n)])
            if with_counts:
                pltpu.async_copy(cnt_sh.at[idx], zcnt, sem).wait()
                pltpu.sync_copy(zcnt.at[:n], cnt_hbm.at[pl.ds(hb + base, n)])

    agg_ty = jax.ShapeDtypeStruct((2 * AGG_ROWS, D2), jnp.float32)
    scratch = [
        pltpu.VMEM((CB, K), jnp.int32),
        pltpu.VMEM((CB, K), jnp.int32),
        pltpu.VMEM((K, D2), jnp.float32),
        pltpu.VMEM((K,), jnp.int32),
    ]
    if with_counts:
        out_type = (agg_ty,
                    jax.ShapeDtypeStruct((2 * AGG_ROWS, L), jnp.float32))
        scratch += [
            pltpu.VMEM((K, L), jnp.float32),
            pltpu.VMEM((K, L), jnp.float32),
        ]
    else:
        out_type = agg_ty
    scratch += [
        pltpu.VMEM((K,), jnp.int32),
        pltpu.VMEM((L,), jnp.int32),
        pltpu.VMEM_SHARED((AGG_ROWS, D2), jnp.float32),
    ]
    if with_counts:
        scratch += [pltpu.VMEM_SHARED((AGG_ROWS, L), jnp.float32)]
    scratch += [pltpu.SemaphoreType.DMA]

    return pl.kernel(body, out_type=out_type, mesh=_mesh,
                     compiler_params=_sc_params, scratch_types=scratch)


_sc_agg_p0 = _make_agg(0, True)
_sc_agg_p1 = _make_agg(1, False)
_sc_agg_p0nc = _make_agg(0, False)

_R = 1000


def _combine_body(do_relu, p, h, c0, w, b, o):
    cnt = c0[:, 0:1]
    hn = (p[...] + h[...]) / (cnt + 1.0)
    acc = jnp.dot(hn, w[...], preferred_element_type=jnp.float32) + b[...]
    o[...] = jnp.maximum(acc, 0.0) if do_relu else acc


def _combine(p, h, c0, w, b, do_relu):
    return pl.pallas_call(
        functools.partial(_combine_body, do_relu),
        grid=(N // _R,),
        in_specs=[
            pl.BlockSpec((_R, D), lambda i: (i, 0)),
            pl.BlockSpec((_R, D), lambda i: (i, 0)),
            pl.BlockSpec((_R, L), lambda i: (i, 0)),
            pl.BlockSpec((D, D), lambda i: (0, 0)),
            pl.BlockSpec((1, D), lambda i: (0, 0)),
        ],
        out_specs=pl.BlockSpec((_R, D), lambda i: (i, 0)),
        out_shape=jax.ShapeDtypeStruct((N, D), jnp.float32),
    )(p, h, c0, w, b)


def _unpad(a):
    return jnp.concatenate([a[:HALF], a[AGG_ROWS:AGG_ROWS + HALF]])


def kernel(x, edge_index, W1, b1, W2, b2):
    src = edge_index[0].astype(jnp.int32)
    dst = edge_index[1].astype(jnp.int32)
    pad = EP - E
    src_p = jnp.concatenate([src, jnp.zeros((pad,), jnp.int32)])
    dst_p = jnp.concatenate([dst, jnp.full((pad,), N, jnp.int32)])
    src_r = src_p.reshape(NS * T16, K)
    dst_r = dst_p.reshape(NS * T16, K)

    csrc, cdst, nch = _sc_compact(src_r, dst_r)
    csrc = csrc.reshape(2, NS, CB, K)
    cdst = cdst.reshape(2, NS, CB, K)

    xv = x.reshape(2 * N, D2)
    a0, cnt1p = _sc_agg_p0(xv, csrc, cdst, nch)
    a1 = _sc_agg_p1(xv, csrc, cdst, nch)
    agg1 = jnp.concatenate([_unpad(a0), _unpad(a1)], axis=1)
    cnt1 = _unpad(cnt1p)
    h1 = _combine(agg1, x, cnt1, W1, b1.reshape(1, D), True)

    hv = h1.reshape(2 * N, D2)
    b0 = _sc_agg_p0nc(hv, csrc, cdst, nch)
    b1h = _sc_agg_p1(hv, csrc, cdst, nch)
    agg2 = jnp.concatenate([_unpad(b0), _unpad(b1h)], axis=1)
    out = _combine(agg2, h1, cnt1, W2, b2.reshape(1, D), False)
    return out

# --- scband reference (transcript-rebuilt; emitter-appended) ---
"""Pipeline reference for scband-sage-7086696038727 (READ-ONLY COPY).

The authoritative reference and input builder live on the scoring server;
editing this copy changes nothing except your own understanding.
"""

import jax, jax.numpy as jnp
import numpy as np

N_NODES = 10000
N_EDGES = 320000
D_IN = 128
D_HID = 128
D_OUT = 128


def setup_inputs(seed: int = 0) -> dict:
    key = jax.random.key(seed)
    k_x, k_e, k_w1, k_b1, k_w2, k_b2 = jax.random.split(key, 6)
    x = jax.random.normal(k_x, (N_NODES, D_IN), dtype=jnp.float32)
    edge_index = jax.random.randint(k_e, (2, N_EDGES), 0, N_NODES, dtype=jnp.int64)
    # SAGEConv 'gcn' aggregator uses only fc_neigh (no fc_self)
    W1 = jax.random.normal(k_w1, (D_IN, D_HID), dtype=jnp.float32) / np.sqrt(D_IN)
    b1 = jnp.zeros((D_HID,), dtype=jnp.float32)
    W2 = jax.random.normal(k_w2, (D_HID, D_OUT), dtype=jnp.float32) / np.sqrt(D_HID)
    b2 = jnp.zeros((D_OUT,), dtype=jnp.float32)
    return {"x": x, "edge_index": edge_index, "W1": W1, "b1": b1, "W2": W2, "b2": b2}


def reference(x, edge_index, W1, b1, W2, b2):
    # DGL SAGEConv(aggregator_type='gcn'):
    #   h_neigh = (sum_{j in N(i)} h_j + h_i) / (in_deg(i) + 1)
    #   out = fc_neigh(h_neigh)
    # Dropout is identity in eval mode.
    src = edge_index[0]
    dst = edge_index[1]
    n = x.shape[0]
    deg = jnp.bincount(dst, length=n).astype(x.dtype)
    denom = (deg + 1.0)[:, None]

    def sage_gcn(h, W, b):
        agg = jax.ops.segment_sum(h[src], dst, num_segments=n)
        h_neigh = (agg + h) / denom
        return h_neigh @ W + b

    h = sage_gcn(x, W1, b1)
    h = jax.nn.relu(h)
    h = sage_gcn(h, W2, b2)
    return h

if __name__ == "__main__":
    import jax
    _d = setup_inputs()
    print(jax.jit(kernel)(*tuple(_d.values())))

</pallas_src>

<mosaic_0001>
#map = affine_map<(d0, d1) -> (0, 0)>
#map1 = affine_map<(d0, d1) -> (0, 0, 0, 0)>
#map2 = affine_map<(d0, d1) -> (0, 0, 0)>
module attributes {stable_mosaic.version = 14 : i64} {
  func.func @body(%arg0: i32, %arg1: i32, %arg2: memref<20000x64xf32, #tpu.memory_space<hbm>>, %arg3: memref<2x16x161x128xi32, #tpu.memory_space<hbm>>, %arg4: memref<2x16x161x128xi32, #tpu.memory_space<hbm>>, %arg5: memref<2x16x16xi32, #tpu.memory_space<hbm>>, %arg6: memref<10240x64xf32, #tpu.memory_space<hbm>>, %arg7: memref<161x128xi32, #tpu.memory_space<vmem>>, %arg8: memref<161x128xi32, #tpu.memory_space<vmem>>, %arg9: memref<128x64xf32, #tpu.memory_space<vmem>>, %arg10: memref<128xi32, #tpu.memory_space<vmem>>, %arg11: memref<128xi32, #tpu.memory_space<vmem>>, %arg12: memref<16xi32, #tpu.memory_space<vmem>>, %arg13: memref<5120x64xf32, #tpu.memory_space<vmem_shared>>, %arg14: memref<!tpu.dma_semaphore, #tpu.memory_space<semaphore_mem>>) attributes {dimension_semantics = [#tpu.dimension_semantics<core_parallel>, #tpu.dimension_semantics<subcore_parallel>], iteration_bounds = array<i64: 2, 16>, scalar_prefetch = 0 : i64, scratch_operands = 8 : i64, tpu.core_type = #tpu.core_type<sc_vector_subcore>, window_params = [{transform_indices = #map}, {transform_indices = #map1}, {transform_indices = #map1}, {transform_indices = #map2}, {transform_indices = #map}]} {
    %iota3A = tpu.iota {dimensions = array<i32: 0>} : vector<16xi32>
    %scan3A = arith.constant 0 : i32
    %scan3A_0 = arith.constant 128 : i32
    %scan3A_1 = arith.addi %scan3A, %scan3A_0 : i32
    %scan3A_2 = arith.constant 1 : i32
    scf.for %scan3A_351 = %scan3A to %scan3A_1 step %scan3A_2  : i32 {
      %mul3A_352 = arith.constant 1 : i32
      %mul3A_353 = arith.muli %scan3A_351, %mul3A_352 : i32
      %add3A_354 = arith.constant 0 : i32
      %add3A_355 = arith.addi %add3A_354, %mul3A_353 : i32
      %broadcast_in_dim3A = arith.constant 0.000000e+00 : f32
      %broadcast_in_dim3A_356 = vector.broadcast %broadcast_in_dim3A : f32 to vector<16xf32>
      %swap3A_357 = arith.index_cast %add3A_355 : i32 to index
      %swap3A_358 = arith.constant 0 : index
      %swap3A_359 = tpu.vector_load %arg9[%swap3A_357, %swap3A_358] {strides = array<i32>} : memref<128x64xf32, #tpu.memory_space<vmem>>, vector<16xf32>,
      tpu.vector_store %arg9[%swap3A_357, %swap3A_358], %broadcast_in_dim3A_356 {strides = array<i32>} : memref<128x64xf32, #tpu.memory_space<vmem>>, vector<16xf32>,
      %broadcast_in_dim3A_360 = arith.constant 0.000000e+00 : f32
      %broadcast_in_dim3A_361 = vector.broadcast %broadcast_in_dim3A_360 : f32 to vector<16xf32>
      %swap3A_362 = arith.index_cast %add3A_355 : i32 to index
      %swap3A_363 = arith.constant 16 : index
      %swap3A_364 = tpu.vector_load %arg9[%swap3A_362, %swap3A_363] {strides = array<i32>} : memref<128x64xf32, #tpu.memory_space<vmem>>, vector<16xf32>,
      tpu.vector_store %arg9[%swap3A_362, %swap3A_363], %broadcast_in_dim3A_361 {strides = array<i32>} : memref<128x64xf32, #tpu.memory_space<vmem>>, vector<16xf32>,
      %broadcast_in_dim3A_365 = arith.constant 0.000000e+00 : f32
      %broadcast_in_dim3A_366 = vector.broadcast %broadcast_in_dim3A_365 : f32 to vector<16xf32>
      %swap3A_367 = arith.index_cast %add3A_355 : i32 to index
      %swap3A_368 = arith.constant 32 : index
      %swap3A_369 = tpu.vector_load %arg9[%swap3A_367, %swap3A_368] {strides = array<i32>} : memref<128x64xf32, #tpu.memory_space<vmem>>, vector<16xf32>,
      tpu.vector_store %arg9[%swap3A_367, %swap3A_368], %broadcast_in_dim3A_366 {strides = array<i32>} : memref<128x64xf32, #tpu.memory_space<vmem>>, vector<16xf32>,
      %broadcast_in_dim3A_370 = arith.constant 0.000000e+00 : f32
      %broadcast_in_dim3A_371 = vector.broadcast %broadcast_in_dim3A_370 : f32 to vector<16xf32>
      %swap3A_372 = arith.index_cast %add3A_355 : i32 to index
      %swap3A_373 = arith.constant 48 : index
      %swap3A_374 = tpu.vector_load %arg9[%swap3A_372, %swap3A_373] {strides = array<i32>} : memref<128x64xf32, #tpu.memory_space<vmem>>, vector<16xf32>,
      tpu.vector_store %arg9[%swap3A_372, %swap3A_373], %broadcast_in_dim3A_371 {strides = array<i32>} : memref<128x64xf32, #tpu.memory_space<vmem>>, vector<16xf32>,
    }
    %scan3A_3 = arith.constant 128 : i32
    %mul3A = arith.constant 320 : i32
    %mul3A_4 = arith.muli %arg1, %mul3A : i32
    %add3A = arith.constant 0 : i32
    %add3A_5 = arith.addi %mul3A_4, %add3A : i32
    %add3A_6 = arith.constant 0 : i32
    %add3A_7 = arith.addi %add3A_5, %add3A_6 : i32
    %add3A_8 = vector.broadcast %add3A_7 : i32 to vector<16xi32>
    %add3A_9 = arith.addi %add3A_8, %iota3A : vector<16xi32>
    %swap3A = arith.constant 0 : index
    %swap3A_10 = tpu.vector_load %arg11[%swap3A] {strides = array<i32>} : memref<128xi32, #tpu.memory_space<vmem>>, vector<16xi32>,
    tpu.vector_store %arg11[%swap3A], %add3A_9 {strides = array<i32>} : memref<128xi32, #tpu.memory_space<vmem>>, vector<16xi32>,
    %add3A_11 = arith.constant 16 : i32
    %add3A_12 = arith.addi %add3A_5, %add3A_11 : i32
    %add3A_13 = vector.broadcast %add3A_12 : i32 to vector<16xi32>
    %add3A_14 = arith.addi %add3A_13, %iota3A : vector<16xi32>
    %swap3A_15 = arith.constant 16 : index
    %swap3A_16 = tpu.vector_load %arg11[%swap3A_15] {strides = array<i32>} : memref<128xi32, #tpu.memory_space<vmem>>, vector<16xi32>,
    tpu.vector_store %arg11[%swap3A_15], %add3A_14 {strides = array<i32>} : memref<128xi32, #tpu.memory_space<vmem>>, vector<16xi32>,
    %add3A_17 = arith.constant 32 : i32
    %add3A_18 = arith.addi %add3A_5, %add3A_17 : i32
    %add3A_19 = vector.broadcast %add3A_18 : i32 to vector<16xi32>
    %add3A_20 = arith.addi %add3A_19, %iota3A : vector<16xi32>
    %swap3A_21 = arith.constant 32 : index
    %swap3A_22 = tpu.vector_load %arg11[%swap3A_21] {strides = array<i32>} : memref<128xi32, #tpu.memory_space<vmem>>, vector<16xi32>,
    tpu.vector_store %arg11[%swap3A_21], %add3A_20 {strides = array<i32>} : memref<128xi32, #tpu.memory_space<vmem>>, vector<16xi32>,
    %add3A_23 = arith.constant 48 : i32
    %add3A_24 = arith.addi %add3A_5, %add3A_23 : i32
    %add3A_25 = vector.broadcast %add3A_24 : i32 to vector<16xi32>
    %add3A_26 = arith.addi %add3A_25, %iota3A : vector<16xi32>
    %swap3A_27 = arith.constant 48 : index
    %swap3A_28 = tpu.vector_load %arg11[%swap3A_27] {strides = array<i32>} : memref<128xi32, #tpu.memory_space<vmem>>, vector<16xi32>,
    tpu.vector_store %arg11[%swap3A_27], %add3A_26 {strides = array<i32>} : memref<128xi32, #tpu.memory_space<vmem>>, vector<16xi32>,
    %add3A_29 = arith.constant 64 : i32
    %add3A_30 = arith.addi %add3A_5, %add3A_29 : i32
    %add3A_31 = vector.broadcast %add3A_30 : i32 to vector<16xi32>
    %add3A_32 = arith.addi %add3A_31, %iota3A : vector<16xi32>
    %swap3A_33 = arith.constant 64 : index
    %swap3A_34 = tpu.vector_load %arg11[%swap3A_33] {strides = array<i32>} : memref<128xi32, #tpu.memory_space<vmem>>, vector<16xi32>,
    tpu.vector_store %arg11[%swap3A_33], %add3A_32 {strides = array<i32>} : memref<128xi32, #tpu.memory_space<vmem>>, vector<16xi32>,
    %add3A_35 = arith.constant 80 : i32
    %add3A_36 = arith.addi %add3A_5, %add3A_35 : i32
    %add3A_37 = vector.broadcast %add3A_36 : i32 to vector<16xi32>
    %add3A_38 = arith.addi %add3A_37, %iota3A : vector<16xi32>
    %swap3A_39 = arith.constant 80 : index
    %swap3A_40 = tpu.vector_load %arg11[%swap3A_39] {strides = array<i32>} : memref<128xi32, #tpu.memory_space<vmem>>, vector<16xi32>,
    tpu.vector_store %arg11[%swap3A_39], %add3A_38 {strides = array<i32>} : memref<128xi32, #tpu.memory_space<vmem>>, vector<16xi32>,
    %add3A_41 = arith.constant 96 : i32
    %add3A_42 = arith.addi %add3A_5, %add3A_41 : i32
    %add3A_43 = vector.broadcast %add3A_42 : i32 to vector<16xi32>
    %add3A_44 = arith.addi %add3A_43, %iota3A : vector<16xi32>
    %swap3A_45 = arith.constant 96 : index
    %swap3A_46 = tpu.vector_load %arg11[%swap3A_45] {strides = array<i32>} : memref<128xi32, #tpu.memory_space<vmem>>, vector<16xi32>,
    tpu.vector_store %arg11[%swap3A_45], %add3A_44 {strides = array<i32>} : memref<128xi32, #tpu.memory_space<vmem>>, vector<16xi32>,
    %add3A_47 = arith.constant 112 : i32
    %add3A_48 = arith.addi %add3A_5, %add3A_47 : i32
    %add3A_49 = vector.broadcast %add3A_48 : i32 to vector<16xi32>
    %add3A_50 = arith.addi %add3A_49, %iota3A : vector<16xi32>
    %swap3A_51 = arith.constant 112 : index
    %swap3A_52 = tpu.vector_load %arg11[%swap3A_51] {strides = array<i32>} : memref<128xi32, #tpu.memory_space<vmem>>, vector<16xi32>,
    tpu.vector_store %arg11[%swap3A_51], %add3A_50 {strides = array<i32>} : memref<128xi32, #tpu.memory_space<vmem>>, vector<16xi32>,
    "tpu.region"() ({
      %run_scoped3A = tpu.sem_alloc : memref<!tpu.dma_semaphore, #tpu.memory_space<semaphore_mem>>
      %dma_start3A_351 = arith.constant 0 : i32
      %dma_start3A_352 = arith.constant 0 : i32
      %dma_start3A_353 = tpu.memref_slice %arg13[%dma_start3A_351, %dma_start3A_352] : memref<5120x64xf32, #tpu.memory_space<vmem_shared>> -> memref<5120x64xf32, #tpu.memory_space<vmem_shared>>
      tpu.enqueue_indirect_dma source(%arg9 : memref<128x64xf32, #tpu.memory_space<vmem>>) target(%dma_start3A_353 : memref<5120x64xf32, #tpu.memory_space<vmem_shared>>) offsets(%arg11 : memref<128xi32, #tpu.memory_space<vmem>>) semaphore(%run_scoped3A : memref<!tpu.dma_semaphore, #tpu.memory_space<semaphore_mem>>)
      %dma_wait3A_354 = arith.constant 0 : i32
      %dma_wait3A_355 = arith.constant 0 : i32
      %dma_wait3A_356 = tpu.memref_slice %arg13[%dma_wait3A_354, %dma_wait3A_355] : memref<5120x64xf32, #tpu.memory_space<vmem_shared>> -> memref<5120x64xf32, #tpu.memory_space<vmem_shared>>
      tpu.wait_indirect_dma semaphore(%run_scoped3A : memref<!tpu.dma_semaphore, #tpu.memory_space<semaphore_mem>>) src(%arg9 : memref<128x64xf32, #tpu.memory_space<vmem>>) dst(%dma_wait3A_356 : memref<5120x64xf32, #tpu.memory_space<vmem_shared>>)
      tpu.yield
    }) : () -> ()
    %add3A_53 = arith.constant 128 : i32
    %add3A_54 = arith.addi %mul3A_4, %add3A_53 : i32
    %add3A_55 = arith.constant 0 : i32
    %add3A_56 = arith.addi %add3A_54, %add3A_55 : i32
    %add3A_57 = vector.broadcast %add3A_56 : i32 to vector<16xi32>
    %add3A_58 = arith.addi %add3A_57, %iota3A : vector<16xi32>
    %swap3A_59 = arith.constant 0 : index
    %swap3A_60 = tpu.vector_load %arg11[%swap3A_59] {strides = array<i32>} : memref<128xi32, #tpu.memory_space<vmem>>, vector<16xi32>,
    tpu.vector_store %arg11[%swap3A_59], %add3A_58 {strides = array<i32>} : memref<128xi32, #tpu.memory_space<vmem>>, vector<16xi32>,
    %add3A_61 = arith.constant 16 : i32
    %add3A_62 = arith.addi %add3A_54, %add3A_61 : i32
    %add3A_63 = vector.broadcast %add3A_62 : i32 to vector<16xi32>
    %add3A_64 = arith.addi %add3A_63, %iota3A : vector<16xi32>
    %swap3A_65 = arith.constant 16 : index
    %swap3A_66 = tpu.vector_load %arg11[%swap3A_65] {strides = array<i32>} : memref<128xi32, #tpu.memory_space<vmem>>, vector<16xi32>,
    tpu.vector_store %arg11[%swap3A_65], %add3A_64 {strides = array<i32>} : memref<128xi32, #tpu.memory_space<vmem>>, vector<16xi32>,
    %add3A_67 = arith.constant 32 : i32
    %add3A_68 = arith.addi %add3A_54, %add3A_67 : i32
    %add3A_69 = vector.broadcast %add3A_68 : i32 to vector<16xi32>
    %add3A_70 = arith.addi %add3A_69, %iota3A : vector<16xi32>
    %swap3A_71 = arith.constant 32 : index
    %swap3A_72 = tpu.vector_load %arg11[%swap3A_71] {strides = array<i32>} : memref<128xi32, #tpu.memory_space<vmem>>, vector<16xi32>,
    tpu.vector_store %arg11[%swap3A_71], %add3A_70 {strides = array<i32>} : memref<128xi32, #tpu.memory_space<vmem>>, vector<16xi32>,
    %add3A_73 = arith.constant 48 : i32
    %add3A_74 = arith.addi %add3A_54, %add3A_73 : i32
    %add3A_75 = vector.broadcast %add3A_74 : i32 to vector<16xi32>
    %add3A_76 = arith.addi %add3A_75, %iota3A : vector<16xi32>
    %swap3A_77 = arith.constant 48 : index
    %swap3A_78 = tpu.vector_load %arg11[%swap3A_77] {strides = array<i32>} : memref<128xi32, #tpu.memory_space<vmem>>, vector<16xi32>,
    tpu.vector_store %arg11[%swap3A_77], %add3A_76 {strides = array<i32>} : memref<128xi32, #tpu.memory_space<vmem>>, vector<16xi32>,
    %add3A_79 = arith.constant 64 : i32
    %add3A_80 = arith.addi %add3A_54, %add3A_79 : i32
    %add3A_81 = vector.broadcast %add3A_80 : i32 to vector<16xi32>
    %add3A_82 = arith.addi %add3A_81, %iota3A : vector<16xi32>
    %swap3A_83 = arith.constant 64 : index
    %swap3A_84 = tpu.vector_load %arg11[%swap3A_83] {strides = array<i32>} : memref<128xi32, #tpu.memory_space<vmem>>, vector<16xi32>,
    tpu.vector_store %arg11[%swap3A_83], %add3A_82 {strides = array<i32>} : memref<128xi32, #tpu.memory_space<vmem>>, vector<16xi32>,
    %add3A_85 = arith.constant 80 : i32
    %add3A_86 = arith.addi %add3A_54, %add3A_85 : i32
    %add3A_87 = vector.broadcast %add3A_86 : i32 to vector<16xi32>
    %add3A_88 = arith.addi %add3A_87, %iota3A : vector<16xi32>
    %swap3A_89 = arith.constant 80 : index
    %swap3A_90 = tpu.vector_load %arg11[%swap3A_89] {strides = array<i32>} : memref<128xi32, #tpu.memory_space<vmem>>, vector<16xi32>,
    tpu.vector_store %arg11[%swap3A_89], %add3A_88 {strides = array<i32>} : memref<128xi32, #tpu.memory_space<vmem>>, vector<16xi32>,
    %add3A_91 = arith.constant 96 : i32
    %add3A_92 = arith.addi %add3A_54, %add3A_91 : i32
    %add3A_93 = vector.broadcast %add3A_92 : i32 to vector<16xi32>
    %add3A_94 = arith.addi %add3A_93, %iota3A : vector<16xi32>
    %swap3A_95 = arith.constant 96 : index
    %swap3A_96 = tpu.vector_load %arg11[%swap3A_95] {strides = array<i32>} : memref<128xi32, #tpu.memory_space<vmem>>, vector<16xi32>,
    tpu.vector_store %arg11[%swap3A_95], %add3A_94 {strides = array<i32>} : memref<128xi32, #tpu.memory_space<vmem>>, vector<16xi32>,
    %add3A_97 = arith.constant 112 : i32
    %add3A_98 = arith.addi %add3A_54, %add3A_97 : i32
    %add3A_99 = vector.broadcast %add3A_98 : i32 to vector<16xi32>
    %add3A_100 = arith.addi %add3A_99, %iota3A : vector<16xi32>
    %swap3A_101 = arith.constant 112 : index
    %swap3A_102 = tpu.vector_load %arg11[%swap3A_101] {strides = array<i32>} : memref<128xi32, #tpu.memory_space<vmem>>, vector<16xi32>,
    tpu.vector_store %arg11[%swap3A_101], %add3A_100 {strides = array<i32>} : memref<128xi32, #tpu.memory_space<vmem>>, vector<16xi32>,
    "tpu.region"() ({
      %run_scoped3A = tpu.sem_alloc : memref<!tpu.dma_semaphore, #tpu.memory_space<semaphore_mem>>
      %dma_start3A_351 = arith.constant 0 : i32
      %dma_start3A_352 = arith.constant 0 : i32
      %dma_start3A_353 = tpu.memref_slice %arg13[%dma_start3A_351, %dma_start3A_352] : memref<5120x64xf32, #tpu.memory_space<vmem_shared>> -> memref<5120x64xf32, #tpu.memory_space<vmem_shared>>
      tpu.enqueue_indirect_dma source(%arg9 : memref<128x64xf32, #tpu.memory_space<vmem>>) target(%dma_start3A_353 : memref<5120x64xf32, #tpu.memory_space<vmem_shared>>) offsets(%arg11 : memref<128xi32, #tpu.memory_space<vmem>>) semaphore(%run_scoped3A : memref<!tpu.dma_semaphore, #tpu.memory_space<semaphore_mem>>)
      %dma_wait3A_354 = arith.constant 0 : i32
      %dma_wait3A_355 = arith.constant 0 : i32
      %dma_wait3A_356 = tpu.memref_slice %arg13[%dma_wait3A_354, %dma_wait3A_355] : memref<5120x64xf32, #tpu.memory_space<vmem_shared>> -> memref<5120x64xf32, #tpu.memory_space<vmem_shared>>
      tpu.wait_indirect_dma semaphore(%run_scoped3A : memref<!tpu.dma_semaphore, #tpu.memory_space<semaphore_mem>>) src(%arg9 : memref<128x64xf32, #tpu.memory_space<vmem>>) dst(%dma_wait3A_356 : memref<5120x64xf32, #tpu.memory_space<vmem_shared>>)
      tpu.yield
    }) : () -> ()
    %add3A_103 = arith.constant 256 : i32
    %add3A_104 = arith.addi %mul3A_4, %add3A_103 : i32
    %add3A_105 = arith.constant 0 : i32
    %add3A_106 = arith.addi %add3A_104, %add3A_105 : i32
    %add3A_107 = vector.broadcast %add3A_106 : i32 to vector<16xi32>
    %add3A_108 = arith.addi %add3A_107, %iota3A : vector<16xi32>
    %swap3A_109 = arith.constant 0 : index
    %swap3A_110 = tpu.vector_load %arg11[%swap3A_109] {strides = array<i32>} : memref<128xi32, #tpu.memory_space<vmem>>, vector<16xi32>,
    tpu.vector_store %arg11[%swap3A_109], %add3A_108 {strides = array<i32>} : memref<128xi32, #tpu.memory_space<vmem>>, vector<16xi32>,
    %add3A_111 = arith.constant 16 : i32
    %add3A_112 = arith.addi %add3A_104, %add3A_111 : i32
    %add3A_113 = vector.broadcast %add3A_112 : i32 to vector<16xi32>
    %add3A_114 = arith.addi %add3A_113, %iota3A : vector<16xi32>
    %swap3A_115 = arith.constant 16 : index
    %swap3A_116 = tpu.vector_load %arg11[%swap3A_115] {strides = array<i32>} : memref<128xi32, #tpu.memory_space<vmem>>, vector<16xi32>,
    tpu.vector_store %arg11[%swap3A_115], %add3A_114 {strides = array<i32>} : memref<128xi32, #tpu.memory_space<vmem>>, vector<16xi32>,
    %add3A_117 = arith.constant 32 : i32
    %add3A_118 = arith.addi %add3A_104, %add3A_117 : i32
    %add3A_119 = vector.broadcast %add3A_118 : i32 to vector<16xi32>
    %add3A_120 = arith.addi %add3A_119, %iota3A : vector<16xi32>
    %swap3A_121 = arith.constant 32 : index
    %swap3A_122 = tpu.vector_load %arg11[%swap3A_121] {strides = array<i32>} : memref<128xi32, #tpu.memory_space<vmem>>, vector<16xi32>,
    tpu.vector_store %arg11[%swap3A_121], %add3A_120 {strides = array<i32>} : memref<128xi32, #tpu.memory_space<vmem>>, vector<16xi32>,
    %add3A_123 = arith.constant 48 : i32
    %add3A_124 = arith.addi %add3A_104, %add3A_123 : i32
    %add3A_125 = vector.broadcast %add3A_124 : i32 to vector<16xi32>
    %add3A_126 = arith.addi %add3A_125, %iota3A : vector<16xi32>
    %swap3A_127 = arith.constant 48 : index
    %swap3A_128 = tpu.vector_load %arg11[%swap3A_127] {strides = array<i32>} : memref<128xi32, #tpu.memory_space<vmem>>, vector<16xi32>,
    tpu.vector_store %arg11[%swap3A_127], %add3A_126 {strides = array<i32>} : memref<128xi32, #tpu.memory_space<vmem>>, vector<16xi32>,
    %add3A_129 = arith.constant 0 : i32
    %add3A_130 = arith.addi %add3A_104, %add3A_129 : i32
    %add3A_131 = vector.broadcast %add3A_130 : i32 to vector<16xi32>
    %add3A_132 = arith.addi %add3A_131, %iota3A : vector<16xi32>
    %swap3A_133 = arith.constant 64 : index
    %swap3A_134 = tpu.vector_load %arg11[%swap3A_133] {strides = array<i32>} : memref<128xi32, #tpu.memory_space<vmem>>, vector<16xi32>,
    tpu.vector_store %arg11[%swap3A_133], %add3A_132 {strides = array<i32>} : memref<128xi32, #tpu.memory_space<vmem>>, vector<16xi32>,
    %add3A_135 = arith.constant 16 : i32
    %add3A_136 = arith.addi %add3A_104, %add3A_135 : i32
    %add3A_137 = vector.broadcast %add3A_136 : i32 to vector<16xi32>
    %add3A_138 = arith.addi %add3A_137, %iota3A : vector<16xi32>
    %swap3A_139 = arith.constant 80 : index
    %swap3A_140 = tpu.vector_load %arg11[%swap3A_139] {strides = array<i32>} : memref<128xi32, #tpu.memory_space<vmem>>, vector<16xi32>,
    tpu.vector_store %arg11[%swap3A_139], %add3A_138 {strides = array<i32>} : memref<128xi32, #tpu.memory_space<vmem>>, vector<16xi32>,
    %add3A_141 = arith.constant 32 : i32
    %add3A_142 = arith.addi %add3A_104, %add3A_141 : i32
    %add3A_143 = vector.broadcast %add3A_142 : i32 to vector<16xi32>
    %add3A_144 = arith.addi %add3A_143, %iota3A : vector<16xi32>
    %swap3A_145 = arith.constant 96 : index
    %swap3A_146 = tpu.vector_load %arg11[%swap3A_145] {strides = array<i32>} : memref<128xi32, #tpu.memory_space<vmem>>, vector<16xi32>,
    tpu.vector_store %arg11[%swap3A_145], %add3A_144 {strides = array<i32>} : memref<128xi32, #tpu.memory_space<vmem>>, vector<16xi32>,
    %add3A_147 = arith.constant 48 : i32
    %add3A_148 = arith.addi %add3A_104, %add3A_147 : i32
    %add3A_149 = vector.broadcast %add3A_148 : i32 to vector<16xi32>
    %add3A_150 = arith.addi %add3A_149, %iota3A : vector<16xi32>
    %swap3A_151 = arith.constant 112 : index
    %swap3A_152 = tpu.vector_load %arg11[%swap3A_151] {strides = array<i32>} : memref<128xi32, #tpu.memory_space<vmem>>, vector<16xi32>,
    tpu.vector_store %arg11[%swap3A_151], %add3A_150 {strides = array<i32>} : memref<128xi32, #tpu.memory_space<vmem>>, vector<16xi32>,
    "tpu.region"() ({
      %run_scoped3A = tpu.sem_alloc : memref<!tpu.dma_semaphore, #tpu.memory_space<semaphore_mem>>
      %dma_start3A_351 = arith.constant 0 : i32
      %dma_start3A_352 = arith.constant 0 : i32
      %dma_start3A_353 = tpu.memref_slice %arg13[%dma_start3A_351, %dma_start3A_352] : memref<5120x64xf32, #tpu.memory_space<vmem_shared>> -> memref<5120x64xf32, #tpu.memory_space<vmem_shared>>
      tpu.enqueue_indirect_dma source(%arg9 : memref<128x64xf32, #tpu.memory_space<vmem>>) target(%dma_start3A_353 : memref<5120x64xf32, #tpu.memory_space<vmem_shared>>) offsets(%arg11 : memref<128xi32, #tpu.memory_space<vmem>>) semaphore(%run_scoped3A : memref<!tpu.dma_semaphore, #tpu.memory_space<semaphore_mem>>)
      %dma_wait3A_354 = arith.constant 0 : i32
      %dma_wait3A_355 = arith.constant 0 : i32
      %dma_wait3A_356 = tpu.memref_slice %arg13[%dma_wait3A_354, %dma_wait3A_355] : memref<5120x64xf32, #tpu.memory_space<vmem_shared>> -> memref<5120x64xf32, #tpu.memory_space<vmem_shared>>
      tpu.wait_indirect_dma semaphore(%run_scoped3A : memref<!tpu.dma_semaphore, #tpu.memory_space<semaphore_mem>>) src(%arg9 : memref<128x64xf32, #tpu.memory_space<vmem>>) dst(%dma_wait3A_356 : memref<5120x64xf32, #tpu.memory_space<vmem_shared>>)
      tpu.yield
    }) : () -> ()
    "tpu.region"() ({
      %run_scoped3A = tpu.sem_alloc : memref<!tpu.dma_semaphore, #tpu.memory_space<semaphore_mem>>
      %dma_start3A_351 = arith.constant 0 : i32
      %dma_start3A_352 = arith.constant 0 : i32
      %dma_start3A_353 = tpu.memref_slice %arg3[%arg0, %arg1, %dma_start3A_351, %dma_start3A_352] : memref<2x16x161x128xi32, #tpu.memory_space<hbm>> -> memref<1x1x161x128xi32, #tpu.memory_space<hbm>>
      %dma_start3A_354 = tpu.memref_squeeze %dma_start3A_353 : memref<1x1x161x128xi32, #tpu.memory_space<hbm>> -> memref<161x128xi32, #tpu.memory_space<hbm>>
      %dma_start3A_355 = arith.constant 0 : i32
      %dma_start3A_356 = arith.constant 0 : i32
      %dma_start3A_357 = tpu.memref_slice %arg3[%arg0, %arg1, %dma_start3A_355, %dma_start3A_356] : memref<2x16x161x128xi32, #tpu.memory_space<hbm>> -> memref<1x1x161x128xi32, #tpu.memory_space<hbm>>
      %dma_start3A_358 = tpu.memref_squeeze %dma_start3A_357 : memref<1x1x161x128xi32, #tpu.memory_space<hbm>> -> memref<161x128xi32, #tpu.memory_space<hbm>>
      tpu.enqueue_dma source(%dma_start3A_358 : memref<161x128xi32, #tpu.memory_space<hbm>>) target(%arg7 : memref<161x128xi32, #tpu.memory_space<vmem>>) target_semaphore(%run_scoped3A : memref<!tpu.dma_semaphore, #tpu.memory_space<semaphore_mem>>)
      %dma_wait3A_359 = arith.constant 0 : i32
      %dma_wait3A_360 = arith.constant 0 : i32
      %dma_wait3A_361 = tpu.memref_slice %arg3[%arg0, %arg1, %dma_wait3A_359, %dma_wait3A_360] : memref<2x16x161x128xi32, #tpu.memory_space<hbm>> -> memref<1x1x161x128xi32, #tpu.memory_space<hbm>>
      %dma_wait3A_362 = tpu.memref_squeeze %dma_wait3A_361 : memref<1x1x161x128xi32, #tpu.memory_space<hbm>> -> memref<161x128xi32, #tpu.memory_space<hbm>>
      %dma_wait3A_363 = arith.constant 0 : i32
      %dma_wait3A_364 = arith.constant 0 : i32
      %dma_wait3A_365 = tpu.memref_slice %arg3[%arg0, %arg1, %dma_wait3A_363, %dma_wait3A_364] : memref<2x16x161x128xi32, #tpu.memory_space<hbm>> -> memref<1x1x161x128xi32, #tpu.memory_space<hbm>>
      %dma_wait3A_366 = tpu.memref_squeeze %dma_wait3A_365 : memref<1x1x161x128xi32, #tpu.memory_space<hbm>> -> memref<161x128xi32, #tpu.memory_space<hbm>>
      tpu.wait_dma2 semaphore(%run_scoped3A : memref<!tpu.dma_semaphore, #tpu.memory_space<semaphore_mem>>) src(%dma_wait3A_366 : memref<161x128xi32, #tpu.memory_space<hbm>>) dst(%arg7 : memref<161x128xi32, #tpu.memory_space<vmem>>)
      tpu.yield
    }) : () -> ()
    "tpu.region"() ({
      %run_scoped3A = tpu.sem_alloc : memref<!tpu.dma_semaphore, #tpu.memory_space<semaphore_mem>>
      %dma_start3A_351 = arith.constant 0 : i32
      %dma_start3A_352 = arith.constant 0 : i32
      %dma_start3A_353 = tpu.memref_slice %arg4[%arg0, %arg1, %dma_start3A_351, %dma_start3A_352] : memref<2x16x161x128xi32, #tpu.memory_space<hbm>> -> memref<1x1x161x128xi32, #tpu.memory_space<hbm>>
      %dma_start3A_354 = tpu.memref_squeeze %dma_start3A_353 : memref<1x1x161x128xi32, #tpu.memory_space<hbm>> -> memref<161x128xi32, #tpu.memory_space<hbm>>
      %dma_start3A_355 = arith.constant 0 : i32
      %dma_start3A_356 = arith.constant 0 : i32
      %dma_start3A_357 = tpu.memref_slice %arg4[%arg0, %arg1, %dma_start3A_355, %dma_start3A_356] : memref<2x16x161x128xi32, #tpu.memory_space<hbm>> -> memref<1x1x161x128xi32, #tpu.memory_space<hbm>>
      %dma_start3A_358 = tpu.memref_squeeze %dma_start3A_357 : memref<1x1x161x128xi32, #tpu.memory_space<hbm>> -> memref<161x128xi32, #tpu.memory_space<hbm>>
      tpu.enqueue_dma source(%dma_start3A_358 : memref<161x128xi32, #tpu.memory_space<hbm>>) target(%arg8 : memref<161x128xi32, #tpu.memory_space<vmem>>) target_semaphore(%run_scoped3A : memref<!tpu.dma_semaphore, #tpu.memory_space<semaphore_mem>>)
      %dma_wait3A_359 = arith.constant 0 : i32
      %dma_wait3A_360 = arith.constant 0 : i32
      %dma_wait3A_361 = tpu.memref_slice %arg4[%arg0, %arg1, %dma_wait3A_359, %dma_wait3A_360] : memref<2x16x161x128xi32, #tpu.memory_space<hbm>> -> memref<1x1x161x128xi32, #tpu.memory_space<hbm>>
      %dma_wait3A_362 = tpu.memref_squeeze %dma_wait3A_361 : memref<1x1x161x128xi32, #tpu.memory_space<hbm>> -> memref<161x128xi32, #tpu.memory_space<hbm>>
      %dma_wait3A_363 = arith.constant 0 : i32
      %dma_wait3A_364 = arith.constant 0 : i32
      %dma_wait3A_365 = tpu.memref_slice %arg4[%arg0, %arg1, %dma_wait3A_363, %dma_wait3A_364] : memref<2x16x161x128xi32, #tpu.memory_space<hbm>> -> memref<1x1x161x128xi32, #tpu.memory_space<hbm>>
      %dma_wait3A_366 = tpu.memref_squeeze %dma_wait3A_365 : memref<1x1x161x128xi32, #tpu.memory_space<hbm>> -> memref<161x128xi32, #tpu.memory_space<hbm>>
      tpu.wait_dma2 semaphore(%run_scoped3A : memref<!tpu.dma_semaphore, #tpu.memory_space<semaphore_mem>>) src(%dma_wait3A_366 : memref<161x128xi32, #tpu.memory_space<hbm>>) dst(%arg8 : memref<161x128xi32, #tpu.memory_space<vmem>>)
      tpu.yield
    }) : () -> ()
    %dma_start3A = arith.constant 0 : i32
    %dma_start3A_153 = tpu.memref_slice %arg5[%arg0, %arg1, %dma_start3A] : memref<2x16x16xi32, #tpu.memory_space<hbm>> -> memref<1x1x16xi32, #tpu.memory_space<hbm>>
    %dma_start3A_154 = tpu.memref_squeeze %dma_start3A_153 : memref<1x1x16xi32, #tpu.memory_space<hbm>> -> memref<16xi32, #tpu.memory_space<hbm>>
    %dma_start3A_155 = arith.constant 0 : i32
    %dma_start3A_156 = tpu.memref_slice %arg5[%arg0, %arg1, %dma_start3A_155] : memref<2x16x16xi32, #tpu.memory_space<hbm>> -> memref<1x1x16xi32, #tpu.memory_space<hbm>>
    %dma_start3A_157 = tpu.memref_squeeze %dma_start3A_156 : memref<1x1x16xi32, #tpu.memory_space<hbm>> -> memref<16xi32, #tpu.memory_space<hbm>>
    tpu.enqueue_dma source(%dma_start3A_157 : memref<16xi32, #tpu.memory_space<hbm>>) target(%arg12 : memref<16xi32, #tpu.memory_space<vmem>>) target_semaphore(%arg14 : memref<!tpu.dma_semaphore, #tpu.memory_space<semaphore_mem>>)
    %dma_wait3A = arith.constant 0 : i32
    %dma_wait3A_158 = tpu.memref_slice %arg5[%arg0, %arg1, %dma_wait3A] : memref<2x16x16xi32, #tpu.memory_space<hbm>> -> memref<1x1x16xi32, #tpu.memory_space<hbm>>
    %dma_wait3A_159 = tpu.memref_squeeze %dma_wait3A_158 : memref<1x1x16xi32, #tpu.memory_space<hbm>> -> memref<16xi32, #tpu.memory_space<hbm>>
    %dma_wait3A_160 = arith.constant 0 : i32
    %dma_wait3A_161 = tpu.memref_slice %arg5[%arg0, %arg1, %dma_wait3A_160] : memref<2x16x16xi32, #tpu.memory_space<hbm>> -> memref<1x1x16xi32, #tpu.memory_space<hbm>>
    %dma_wait3A_162 = tpu.memref_squeeze %dma_wait3A_161 : memref<1x1x16xi32, #tpu.memory_space<hbm>> -> memref<16xi32, #tpu.memory_space<hbm>>
    tpu.wait_dma2 semaphore(%arg14 : memref<!tpu.dma_semaphore, #tpu.memory_space<semaphore_mem>>) src(%dma_wait3A_162 : memref<16xi32, #tpu.memory_space<hbm>>) dst(%arg12 : memref<16xi32, #tpu.memory_space<vmem>>)
    %get3A = arith.constant 0 : index
    %get3A_163 = tpu.vector_load %arg12[%get3A] {strides = array<i32>} : memref<16xi32, #tpu.memory_space<vmem>>, vector<16xi32>,
    %slice3A = vector.extract_strided_slice %get3A_163 {offsets = [0], sizes = [1], strides = [1]} : vector<16xi32> to vector<1xi32>
    %squeeze3A = vector.extract %slice3A[0] : i32 from vector<1xi32>
    %barrier3A = arith.constant 0 : index
    tpu.barrier barrier_id(%barrier3A)
    %while3A = arith.constant 0 : i32
    %while3A_164 = arith.constant 0 : i32
    %while3A_165 = arith.subi %squeeze3A, %while3A_164 : i32
    %while3A_166 = arith.addi %while3A_164, %while3A_165 : i32
    %while3A_167 = arith.constant 1 : i32
    %while3A_168 = arith.divsi %while3A_165, %while3A_167 : i32
    %while3A_169 = arith.muli %while3A_168, %while3A_167 : i32
    %while3A_170 = arith.addi %while3A_164, %while3A_169 : i32
    %while3A_171 = arith.constant 1 : i32
    scf.for %while3A_351 = %while3A_164 to %while3A_170 step %while3A_171  : i32 {
      %get3A_352 = arith.index_cast %while3A_351 : i32 to index
      %get3A_353 = arith.constant 0 : index
      %get3A_354 = tpu.vector_load %arg7[%get3A_352, %get3A_353] {strides = array<i32>} : memref<161x128xi32, #tpu.memory_space<vmem>>, vector<16xi32>,
      %mul3A_355 = arith.constant 2 : i32
      %mul3A_356 = vector.broadcast %mul3A_355 : i32 to vector<16xi32>
      %mul3A_357 = arith.muli %get3A_354, %mul3A_356 : vector<16xi32>
      %add3A_358 = arith.constant 1 : i32
      %add3A_359 = vector.broadcast %add3A_358 : i32 to vector<16xi32>
      %add3A_360 = arith.addi %mul3A_357, %add3A_359 : vector<16xi32>
      %swap3A_361 = arith.constant 0 : index
      %swap3A_362 = tpu.vector_load %arg10[%swap3A_361] {strides = array<i32>} : memref<128xi32, #tpu.memory_space<vmem>>, vector<16xi32>,
      tpu.vector_store %arg10[%swap3A_361], %add3A_360 {strides = array<i32>} : memref<128xi32, #tpu.memory_space<vmem>>, vector<16xi32>,
      %get3A_363 = arith.index_cast %while3A_351 : i32 to index
      %get3A_364 = arith.constant 16 : index
      %get3A_365 = tpu.vector_load %arg7[%get3A_363, %get3A_364] {strides = array<i32>} : memref<161x128xi32, #tpu.memory_space<vmem>>, vector<16xi32>,
      %mul3A_366 = arith.constant 2 : i32
      %mul3A_367 = vector.broadcast %mul3A_366 : i32 to vector<16xi32>
      %mul3A_368 = arith.muli %get3A_365, %mul3A_367 : vector<16xi32>
      %add3A_369 = arith.constant 1 : i32
      %add3A_370 = vector.broadcast %add3A_369 : i32 to vector<16xi32>
      %add3A_371 = arith.addi %mul3A_368, %add3A_370 : vector<16xi32>
      %swap3A_372 = arith.constant 16 : index
      %swap3A_373 = tpu.vector_load %arg10[%swap3A_372] {strides = array<i32>} : memref<128xi32, #tpu.memory_space<vmem>>, vector<16xi32>,
      tpu.vector_store %arg10[%swap3A_372], %add3A_371 {strides = array<i32>} : memref<128xi32, #tpu.memory_space<vmem>>, vector<16xi32>,
      %get3A_374 = arith.index_cast %while3A_351 : i32 to index
      %get3A_375 = arith.constant 32 : index
      %get3A_376 = tpu.vector_load %arg7[%get3A_374, %get3A_375] {strides = array<i32>} : memref<161x128xi32, #tpu.memory_space<vmem>>, vector<16xi32>,
      %mul3A_377 = arith.constant 2 : i32
      %mul3A_378 = vector.broadcast %mul3A_377 : i32 to vector<16xi32>
      %mul3A_379 = arith.muli %get3A_376, %mul3A_378 : vector<16xi32>
      %add3A_380 = arith.constant 1 : i32
      %add3A_381 = vector.broadcast %add3A_380 : i32 to vector<16xi32>
      %add3A_382 = arith.addi %mul3A_379, %add3A_381 : vector<16xi32>
      %swap3A_383 = arith.constant 32 : index
      %swap3A_384 = tpu.vector_load %arg10[%swap3A_383] {strides = array<i32>} : memref<128xi32, #tpu.memory_space<vmem>>, vector<16xi32>,
      tpu.vector_store %arg10[%swap3A_383], %add3A_382 {strides = array<i32>} : memref<128xi32, #tpu.memory_space<vmem>>, vector<16xi32>,
      %get3A_385 = arith.index_cast %while3A_351 : i32 to index
      %get3A_386 = arith.constant 48 : index
      %get3A_387 = tpu.vector_load %arg7[%get3A_385, %get3A_386] {strides = array<i32>} : memref<161x128xi32, #tpu.memory_space<vmem>>, vector<16xi32>,
      %mul3A_388 = arith.constant 2 : i32
      %mul3A_389 = vector.broadcast %mul3A_388 : i32 to vector<16xi32>
      %mul3A_390 = arith.muli %get3A_387, %mul3A_389 : vector<16xi32>
      %add3A_391 = arith.constant 1 : i32
      %add3A_392 = vector.broadcast %add3A_391 : i32 to vector<16xi32>
      %add3A_393 = arith.addi %mul3A_390, %add3A_392 : vector<16xi32>
      %swap3A_394 = arith.constant 48 : index
      %swap3A_395 = tpu.vector_load %arg10[%swap3A_394] {strides = array<i32>} : memref<128xi32, #tpu.memory_space<vmem>>, vector<16xi32>,
      tpu.vector_store %arg10[%swap3A_394], %add3A_393 {strides = array<i32>} : memref<128xi32, #tpu.memory_space<vmem>>, vector<16xi32>,
      %get3A_396 = arith.index_cast %while3A_351 : i32 to index
      %get3A_397 = arith.constant 64 : index
      %get3A_398 = tpu.vector_load %arg7[%get3A_396, %get3A_397] {strides = array<i32>} : memref<161x128xi32, #tpu.memory_space<vmem>>, vector<16xi32>,
      %mul3A_399 = arith.constant 2 : i32
      %mul3A_400 = vector.broadcast %mul3A_399 : i32 to vector<16xi32>
      %mul3A_401 = arith.muli %get3A_398, %mul3A_400 : vector<16xi32>
      %add3A_402 = arith.constant 1 : i32
      %add3A_403 = vector.broadcast %add3A_402 : i32 to vector<16xi32>
      %add3A_404 = arith.addi %mul3A_401, %add3A_403 : vector<16xi32>
      %swap3A_405 = arith.constant 64 : index
      %swap3A_406 = tpu.vector_load %arg10[%swap3A_405] {strides = array<i32>} : memref<128xi32, #tpu.memory_space<vmem>>, vector<16xi32>,
      tpu.vector_store %arg10[%swap3A_405], %add3A_404 {strides = array<i32>} : memref<128xi32, #tpu.memory_space<vmem>>, vector<16xi32>,
      %get3A_407 = arith.index_cast %while3A_351 : i32 to index
      %get3A_408 = arith.constant 80 : index
      %get3A_409 = tpu.vector_load %arg7[%get3A_407, %get3A_408] {strides = array<i32>} : memref<161x128xi32, #tpu.memory_space<vmem>>, vector<16xi32>,
      %mul3A_410 = arith.constant 2 : i32
      %mul3A_411 = vector.broadcast %mul3A_410 : i32 to vector<16xi32>
      %mul3A_412 = arith.muli %get3A_409, %mul3A_411 : vector<16xi32>
      %add3A_413 = arith.constant 1 : i32
      %add3A_414 = vector.broadcast %add3A_413 : i32 to vector<16xi32>
      %add3A_415 = arith.addi %mul3A_412, %add3A_414 : vector<16xi32>
      %swap3A_416 = arith.constant 80 : index
      %swap3A_417 = tpu.vector_load %arg10[%swap3A_416] {strides = array<i32>} : memref<128xi32, #tpu.memory_space<vmem>>, vector<16xi32>,
      tpu.vector_store %arg10[%swap3A_416], %add3A_415 {strides = array<i32>} : memref<128xi32, #tpu.memory_space<vmem>>, vector<16xi32>,
      %get3A_418 = arith.index_cast %while3A_351 : i32 to index
      %get3A_419 = arith.constant 96 : index
      %get3A_420 = tpu.vector_load %arg7[%get3A_418, %get3A_419] {strides = array<i32>} : memref<161x128xi32, #tpu.memory_space<vmem>>, vector<16xi32>,
      %mul3A_421 = arith.constant 2 : i32
      %mul3A_422 = vector.broadcast %mul3A_421 : i32 to vector<16xi32>
      %mul3A_423 = arith.muli %get3A_420, %mul3A_422 : vector<16xi32>
      %add3A_424 = arith.constant 1 : i32
      %add3A_425 = vector.broadcast %add3A_424 : i32 to vector<16xi32>
      %add3A_426 = arith.addi %mul3A_423, %add3A_425 : vector<16xi32>
      %swap3A_427 = arith.constant 96 : index
      %swap3A_428 = tpu.vector_load %arg10[%swap3A_427] {strides = array<i32>} : memref<128xi32, #tpu.memory_space<vmem>>, vector<16xi32>,
      tpu.vector_store %arg10[%swap3A_427], %add3A_426 {strides = array<i32>} : memref<128xi32, #tpu.memory_space<vmem>>, vector<16xi32>,
      %get3A_429 = arith.index_cast %while3A_351 : i32 to index
      %get3A_430 = arith.constant 112 : index
      %get3A_431 = tpu.vector_load %arg7[%get3A_429, %get3A_430] {strides = array<i32>} : memref<161x128xi32, #tpu.memory_space<vmem>>, vector<16xi32>,
      %mul3A_432 = arith.constant 2 : i32
      %mul3A_433 = vector.broadcast %mul3A_432 : i32 to vector<16xi32>
      %mul3A_434 = arith.muli %get3A_431, %mul3A_433 : vector<16xi32>
      %add3A_435 = arith.constant 1 : i32
      %add3A_436 = vector.broadcast %add3A_435 : i32 to vector<16xi32>
      %add3A_437 = arith.addi %mul3A_434, %add3A_436 : vector<16xi32>
      %swap3A_438 = arith.constant 112 : index
      %swap3A_439 = tpu.vector_load %arg10[%swap3A_438] {strides = array<i32>} : memref<128xi32, #tpu.memory_space<vmem>>, vector<16xi32>,
      tpu.vector_store %arg10[%swap3A_438], %add3A_437 {strides = array<i32>} : memref<128xi32, #tpu.memory_space<vmem>>, vector<16xi32>,
      %dma_start3A_440 = arith.constant 0 : i32
      %dma_start3A_441 = arith.constant 0 : i32
      %dma_start3A_442 = tpu.memref_slice %arg2[%dma_start3A_440, %dma_start3A_441] : memref<20000x64xf32, #tpu.memory_space<hbm>> -> memref<20000x64xf32, #tpu.memory_space<hbm>>
      tpu.enqueue_indirect_dma source(%dma_start3A_442 : memref<20000x64xf32, #tpu.memory_space<hbm>>) target(%arg9 : memref<128x64xf32, #tpu.memory_space<vmem>>) offsets(%arg10 : memref<128xi32, #tpu.memory_space<vmem>>) semaphore(%arg14 : memref<!tpu.dma_semaphore, #tpu.memory_space<semaphore_mem>>)
      %dma_wait3A_443 = arith.constant 0 : i32
      %dma_wait3A_444 = arith.constant 0 : i32
      %dma_wait3A_445 = tpu.memref_slice %arg2[%dma_wait3A_443, %dma_wait3A_444] : memref<20000x64xf32, #tpu.memory_space<hbm>> -> memref<20000x64xf32, #tpu.memory_space<hbm>>
      tpu.wait_indirect_dma semaphore(%arg14 : memref<!tpu.dma_semaphore, #tpu.memory_space<semaphore_mem>>) src(%dma_wait3A_445 : memref<20000x64xf32, #tpu.memory_space<hbm>>) dst(%arg9 : memref<128x64xf32, #tpu.memory_space<vmem>>)
      "tpu.region"() ({
        %run_scoped3A = tpu.sem_alloc : memref<!tpu.dma_semaphore, #tpu.memory_space<semaphore_mem>>
        %dma_start3A_446 = arith.constant 0 : i32
        %dma_start3A_447 = tpu.memref_slice %arg8[%while3A_351, %dma_start3A_446] : memref<161x128xi32, #tpu.memory_space<vmem>> -> memref<1x128xi32, #tpu.memory_space<vmem>>
        %dma_start3A_448 = tpu.memref_squeeze %dma_start3A_447 : memref<1x128xi32, #tpu.memory_space<vmem>> -> memref<128xi32, #tpu.memory_space<vmem>>
        %dma_start3A_449 = arith.constant 0 : i32
        %dma_start3A_450 = arith.constant 0 : i32
        %dma_start3A_451 = tpu.memref_slice %arg13[%dma_start3A_449, %dma_start3A_450] : memref<5120x64xf32, #tpu.memory_space<vmem_shared>> -> memref<5120x64xf32, #tpu.memory_space<vmem_shared>>
        tpu.enqueue_indirect_dma source(%arg9 : memref<128x64xf32, #tpu.memory_space<vmem>>) target(%dma_start3A_451 : memref<5120x64xf32, #tpu.memory_space<vmem_shared>>) offsets(%dma_start3A_448 : memref<128xi32, #tpu.memory_space<vmem>>) semaphore(%run_scoped3A : memref<!tpu.dma_semaphore, #tpu.memory_space<semaphore_mem>>) {add = true}
        %dma_wait3A_452 = arith.constant 0 : i32
        %dma_wait3A_453 = tpu.memref_slice %arg8[%while3A_351, %dma_wait3A_452] : memref<161x128xi32, #tpu.memory_space<vmem>> -> memref<1x128xi32, #tpu.memory_space<vmem>>
        %dma_wait3A_454 = tpu.memref_squeeze %dma_wait3A_453 : memref<1x128xi32, #tpu.memory_space<vmem>> -> memref<128xi32, #tpu.memory_space<vmem>>
        %dma_wait3A_455 = arith.constant 0 : i32
        %dma_wait3A_456 = arith.constant 0 : i32
        %dma_wait3A_457 = tpu.memref_slice %arg13[%dma_wait3A_455, %dma_wait3A_456] : memref<5120x64xf32, #tpu.memory_space<vmem_shared>> -> memref<5120x64xf32, #tpu.memory_space<vmem_shared>>
        tpu.wait_indirect_dma semaphore(%run_scoped3A : memref<!tpu.dma_semaphore, #tpu.memory_space<semaphore_mem>>) src(%arg9 : memref<128x64xf32, #tpu.memory_space<vmem>>) dst(%dma_wait3A_457 : memref<5120x64xf32, #tpu.memory_space<vmem_shared>>)
        tpu.yield
      }) : () -> ()
    }
    %while3A_172 = arith.constant 1 : i32
    scf.for %while3A_351 = %while3A_170 to %while3A_166 step %while3A_172  : i32 {
      %get3A_352 = arith.index_cast %while3A_351 : i32 to index
      %get3A_353 = arith.constant 0 : index
      %get3A_354 = tpu.vector_load %arg7[%get3A_352, %get3A_353] {strides = array<i32>} : memref<161x128xi32, #tpu.memory_space<vmem>>, vector<16xi32>,
      %mul3A_355 = arith.constant 2 : i32
      %mul3A_356 = vector.broadcast %mul3A_355 : i32 to vector<16xi32>
      %mul3A_357 = arith.muli %get3A_354, %mul3A_356 : vector<16xi32>
      %add3A_358 = arith.constant 1 : i32
      %add3A_359 = vector.broadcast %add3A_358 : i32 to vector<16xi32>
      %add3A_360 = arith.addi %mul3A_357, %add3A_359 : vector<16xi32>
      %swap3A_361 = arith.constant 0 : index
      %swap3A_362 = tpu.vector_load %arg10[%swap3A_361] {strides = array<i32>} : memref<128xi32, #tpu.memory_space<vmem>>, vector<16xi32>,
      tpu.vector_store %arg10[%swap3A_361], %add3A_360 {strides = array<i32>} : memref<128xi32, #tpu.memory_space<vmem>>, vector<16xi32>,
      %get3A_363 = arith.index_cast %while3A_351 : i32 to index
      %get3A_364 = arith.constant 16 : index
      %get3A_365 = tpu.vector_load %arg7[%get3A_363, %get3A_364] {strides = array<i32>} : memref<161x128xi32, #tpu.memory_space<vmem>>, vector<16xi32>,
      %mul3A_366 = arith.constant 2 : i32
      %mul3A_367 = vector.broadcast %mul3A_366 : i32 to vector<16xi32>
      %mul3A_368 = arith.muli %get3A_365, %mul3A_367 : vector<16xi32>
      %add3A_369 = arith.constant 1 : i32
      %add3A_370 = vector.broadcast %add3A_369 : i32 to vector<16xi32>
      %add3A_371 = arith.addi %mul3A_368, %add3A_370 : vector<16xi32>
      %swap3A_372 = arith.constant 16 : index
      %swap3A_373 = tpu.vector_load %arg10[%swap3A_372] {strides = array<i32>} : memref<128xi32, #tpu.memory_space<vmem>>, vector<16xi32>,
      tpu.vector_store %arg10[%swap3A_372], %add3A_371 {strides = array<i32>} : memref<128xi32, #tpu.memory_space<vmem>>, vector<16xi32>,
      %get3A_374 = arith.index_cast %while3A_351 : i32 to index
      %get3A_375 = arith.constant 32 : index
      %get3A_376 = tpu.vector_load %arg7[%get3A_374, %get3A_375] {strides = array<i32>} : memref<161x128xi32, #tpu.memory_space<vmem>>, vector<16xi32>,
      %mul3A_377 = arith.constant 2 : i32
      %mul3A_378 = vector.broadcast %mul3A_377 : i32 to vector<16xi32>
      %mul3A_379 = arith.muli %get3A_376, %mul3A_378 : vector<16xi32>
      %add3A_380 = arith.constant 1 : i32
      %add3A_381 = vector.broadcast %add3A_380 : i32 to vector<16xi32>
      %add3A_382 = arith.addi %mul3A_379, %add3A_381 : vector<16xi32>
      %swap3A_383 = arith.constant 32 : index
      %swap3A_384 = tpu.vector_load %arg10[%swap3A_383] {strides = array<i32>} : memref<128xi32, #tpu.memory_space<vmem>>, vector<16xi32>,
      tpu.vector_store %arg10[%swap3A_383], %add3A_382 {strides = array<i32>} : memref<128xi32, #tpu.memory_space<vmem>>, vector<16xi32>,
      %get3A_385 = arith.index_cast %while3A_351 : i32 to index
      %get3A_386 = arith.constant 48 : index
      %get3A_387 = tpu.vector_load %arg7[%get3A_385, %get3A_386] {strides = array<i32>} : memref<161x128xi32, #tpu.memory_space<vmem>>, vector<16xi32>,
      %mul3A_388 = arith.constant 2 : i32
      %mul3A_389 = vector.broadcast %mul3A_388 : i32 to vector<16xi32>
      %mul3A_390 = arith.muli %get3A_387, %mul3A_389 : vector<16xi32>
      %add3A_391 = arith.constant 1 : i32
      %add3A_392 = vector.broadcast %add3A_391 : i32 to vector<16xi32>
      %add3A_393 = arith.addi %mul3A_390, %add3A_392 : vector<16xi32>
      %swap3A_394 = arith.constant 48 : index
      %swap3A_395 = tpu.vector_load %arg10[%swap3A_394] {strides = array<i32>} : memref<128xi32, #tpu.memory_space<vmem>>, vector<16xi32>,
      tpu.vector_store %arg10[%swap3A_394], %add3A_393 {strides = array<i32>} : memref<128xi32, #tpu.memory_space<vmem>>, vector<16xi32>,
      %get3A_396 = arith.index_cast %while3A_351 : i32 to index
      %get3A_397 = arith.constant 64 : index
      %get3A_398 = tpu.vector_load %arg7[%get3A_396, %get3A_397] {strides = array<i32>} : memref<161x128xi32, #tpu.memory_space<vmem>>, vector<16xi32>,
      %mul3A_399 = arith.constant 2 : i32
      %mul3A_400 = vector.broadcast %mul3A_399 : i32 to vector<16xi32>
      %mul3A_401 = arith.muli %get3A_398, %mul3A_400 : vector<16xi32>
      %add3A_402 = arith.constant 1 : i32
      %add3A_403 = vector.broadcast %add3A_402 : i32 to vector<16xi32>
      %add3A_404 = arith.addi %mul3A_401, %add3A_403 : vector<16xi32>
      %swap3A_405 = arith.constant 64 : index
      %swap3A_406 = tpu.vector_load %arg10[%swap3A_405] {strides = array<i32>} : memref<128xi32, #tpu.memory_space<vmem>>, vector<16xi32>,
      tpu.vector_store %arg10[%swap3A_405], %add3A_404 {strides = array<i32>} : memref<128xi32, #tpu.memory_space<vmem>>, vector<16xi32>,
      %get3A_407 = arith.index_cast %while3A_351 : i32 to index
      %get3A_408 = arith.constant 80 : index
      %get3A_409 = tpu.vector_load %arg7[%get3A_407, %get3A_408] {strides = array<i32>} : memref<161x128xi32, #tpu.memory_space<vmem>>, vector<16xi32>,
      %mul3A_410 = arith.constant 2 : i32
      %mul3A_411 = vector.broadcast %mul3A_410 : i32 to vector<16xi32>
      %mul3A_412 = arith.muli %get3A_409, %mul3A_411 : vector<16xi32>
      %add3A_413 = arith.constant 1 : i32
      %add3A_414 = vector.broadcast %add3A_413 : i32 to vector<16xi32>
      %add3A_415 = arith.addi %mul3A_412, %add3A_414 : vector<16xi32>
      %swap3A_416 = arith.constant 80 : index
      %swap3A_417 = tpu.vector_load %arg10[%swap3A_416] {strides = array<i32>} : memref<128xi32, #tpu.memory_space<vmem>>, vector<16xi32>,
      tpu.vector_store %arg10[%swap3A_416], %add3A_415 {strides = array<i32>} : memref<128xi32, #tpu.memory_space<vmem>>, vector<16xi32>,
      %get3A_418 = arith.index_cast %while3A_351 : i32 to index
      %get3A_419 = arith.constant 96 : index
      %get3A_420 = tpu.vector_load %arg7[%get3A_418, %get3A_419] {strides = array<i32>} : memref<161x128xi32, #tpu.memory_space<vmem>>, vector<16xi32>,
      %mul3A_421 = arith.constant 2 : i32
      %mul3A_422 = vector.broadcast %mul3A_421 : i32 to vector<16xi32>
      %mul3A_423 = arith.muli %get3A_420, %mul3A_422 : vector<16xi32>
      %add3A_424 = arith.constant 1 : i32
      %add3A_425 = vector.broadcast %add3A_424 : i32 to vector<16xi32>
      %add3A_426 = arith.addi %mul3A_423, %add3A_425 : vector<16xi32>
      %swap3A_427 = arith.constant 96 : index
      %swap3A_428 = tpu.vector_load %arg10[%swap3A_427] {strides = array<i32>} : memref<128xi32, #tpu.memory_space<vmem>>, vector<16xi32>,
      tpu.vector_store %arg10[%swap3A_427], %add3A_426 {strides = array<i32>} : memref<128xi32, #tpu.memory_space<vmem>>, vector<16xi32>,
      %get3A_429 = arith.index_cast %while3A_351 : i32 to index
      %get3A_430 = arith.constant 112 : index
      %get3A_431 = tpu.vector_load %arg7[%get3A_429, %get3A_430] {strides = array<i32>} : memref<161x128xi32, #tpu.memory_space<vmem>>, vector<16xi32>,
      %mul3A_432 = arith.constant 2 : i32
      %mul3A_433 = vector.broadcast %mul3A_432 : i32 to vector<16xi32>
      %mul3A_434 = arith.muli %get3A_431, %mul3A_433 : vector<16xi32>
      %add3A_435 = arith.constant 1 : i32
      %add3A_436 = vector.broadcast %add3A_435 : i32 to vector<16xi32>
      %add3A_437 = arith.addi %mul3A_434, %add3A_436 : vector<16xi32>
      %swap3A_438 = arith.constant 112 : index
      %swap3A_439 = tpu.vector_load %arg10[%swap3A_438] {strides = array<i32>} : memref<128xi32, #tpu.memory_space<vmem>>, vector<16xi32>,
      tpu.vector_store %arg10[%swap3A_438], %add3A_437 {strides = array<i32>} : memref<128xi32, #tpu.memory_space<vmem>>, vector<16xi32>,
      %dma_start3A_440 = arith.constant 0 : i32
      %dma_start3A_441 = arith.constant 0 : i32
      %dma_start3A_442 = tpu.memref_slice %arg2[%dma_start3A_440, %dma_start3A_441] : memref<20000x64xf32, #tpu.memory_space<hbm>> -> memref<20000x64xf32, #tpu.memory_space<hbm>>
      tpu.enqueue_indirect_dma source(%dma_start3A_442 : memref<20000x64xf32, #tpu.memory_space<hbm>>) target(%arg9 : memref<128x64xf32, #tpu.memory_space<vmem>>) offsets(%arg10 : memref<128xi32, #tpu.memory_space<vmem>>) semaphore(%arg14 : memref<!tpu.dma_semaphore, #tpu.memory_space<semaphore_mem>>)
      %dma_wait3A_443 = arith.constant 0 : i32
      %dma_wait3A_444 = arith.constant 0 : i32
      %dma_wait3A_445 = tpu.memref_slice %arg2[%dma_wait3A_443, %dma_wait3A_444] : memref<20000x64xf32, #tpu.memory_space<hbm>> -> memref<20000x64xf32, #tpu.memory_space<hbm>>
      tpu.wait_indirect_dma semaphore(%arg14 : memref<!tpu.dma_semaphore, #tpu.memory_space<semaphore_mem>>) src(%dma_wait3A_445 : memref<20000x64xf32, #tpu.memory_space<hbm>>) dst(%arg9 : memref<128x64xf32, #tpu.memory_space<vmem>>)
      "tpu.region"() ({
        %run_scoped3A = tpu.sem_alloc : memref<!tpu.dma_semaphore, #tpu.memory_space<semaphore_mem>>
        %dma_start3A_446 = arith.constant 0 : i32
        %dma_start3A_447 = tpu.memref_slice %arg8[%while3A_351, %dma_start3A_446] : memref<161x128xi32, #tpu.memory_space<vmem>> -> memref<1x128xi32, #tpu.memory_space<vmem>>
        %dma_start3A_448 = tpu.memref_squeeze %dma_start3A_447 : memref<1x128xi32, #tpu.memory_space<vmem>> -> memref<128xi32, #tpu.memory_space<vmem>>
        %dma_start3A_449 = arith.constant 0 : i32
        %dma_start3A_450 = arith.constant 0 : i32
        %dma_start3A_451 = tpu.memref_slice %arg13[%dma_start3A_449, %dma_start3A_450] : memref<5120x64xf32, #tpu.memory_space<vmem_shared>> -> memref<5120x64xf32, #tpu.memory_space<vmem_shared>>
        tpu.enqueue_indirect_dma source(%arg9 : memref<128x64xf32, #tpu.memory_space<vmem>>) target(%dma_start3A_451 : memref<5120x64xf32, #tpu.memory_space<vmem_shared>>) offsets(%dma_start3A_448 : memref<128xi32, #tpu.memory_space<vmem>>) semaphore(%run_scoped3A : memref<!tpu.dma_semaphore, #tpu.memory_space<semaphore_mem>>) {add = true}
        %dma_wait3A_452 = arith.constant 0 : i32
        %dma_wait3A_453 = tpu.memref_slice %arg8[%while3A_351, %dma_wait3A_452] : memref<161x128xi32, #tpu.memory_space<vmem>> -> memref<1x128xi32, #tpu.memory_space<vmem>>
        %dma_wait3A_454 = tpu.memref_squeeze %dma_wait3A_453 : memref<1x128xi32, #tpu.memory_space<vmem>> -> memref<128xi32, #tpu.memory_space<vmem>>
        %dma_wait3A_455 = arith.constant 0 : i32
        %dma_wait3A_456 = arith.constant 0 : i32
        %dma_wait3A_457 = tpu.memref_slice %arg13[%dma_wait3A_455, %dma_wait3A_456] : memref<5120x64xf32, #tpu.memory_space<vmem_shared>> -> memref<5120x64xf32, #tpu.memory_space<vmem_shared>>
        tpu.wait_indirect_dma semaphore(%run_scoped3A : memref<!tpu.dma_semaphore, #tpu.memory_space<semaphore_mem>>) src(%arg9 : memref<128x64xf32, #tpu.memory_space<vmem>>) dst(%dma_wait3A_457 : memref<5120x64xf32, #tpu.memory_space<vmem_shared>>)
        tpu.yield
      }) : () -> ()
    }
    %barrier3A_173 = arith.constant 0 : index
    tpu.barrier barrier_id(%barrier3A_173)
    %mul3A_174 = arith.constant 5120 : i32
    %mul3A_175 = arith.muli %arg0, %mul3A_174 : i32
    %add3A_176 = arith.addi %mul3A_175, %mul3A_4 : i32
    %add3A_177 = arith.constant 0 : i32
    %add3A_178 = arith.addi %mul3A_4, %add3A_177 : i32
    %add3A_179 = arith.constant 0 : i32
    %add3A_180 = arith.addi %add3A_178, %add3A_179 : i32
    %add3A_181 = vector.broadcast %add3A_180 : i32 to vector<16xi32>
    %add3A_182 = arith.addi %add3A_181, %iota3A : vector<16xi32>
    %swap3A_183 = arith.constant 0 : index
    %swap3A_184 = tpu.vector_load %arg11[%swap3A_183] {strides = array<i32>} : memref<128xi32, #tpu.memory_space<vmem>>, vector<16xi32>,
    tpu.vector_store %arg11[%swap3A_183], %add3A_182 {strides = array<i32>} : memref<128xi32, #tpu.memory_space<vmem>>, vector<16xi32>,
    %add3A_185 = arith.constant 16 : i32
    %add3A_186 = arith.addi %add3A_178, %add3A_185 : i32
    %add3A_187 = vector.broadcast %add3A_186 : i32 to vector<16xi32>
    %add3A_188 = arith.addi %add3A_187, %iota3A : vector<16xi32>
    %swap3A_189 = arith.constant 16 : index
    %swap3A_190 = tpu.vector_load %arg11[%swap3A_189] {strides = array<i32>} : memref<128xi32, #tpu.memory_space<vmem>>, vector<16xi32>,
    tpu.vector_store %arg11[%swap3A_189], %add3A_188 {strides = array<i32>} : memref<128xi32, #tpu.memory_space<vmem>>, vector<16xi32>,
    %add3A_191 = arith.constant 32 : i32
    %add3A_192 = arith.addi %add3A_178, %add3A_191 : i32
    %add3A_193 = vector.broadcast %add3A_192 : i32 to vector<16xi32>
    %add3A_194 = arith.addi %add3A_193, %iota3A : vector<16xi32>
    %swap3A_195 = arith.constant 32 : index
    %swap3A_196 = tpu.vector_load %arg11[%swap3A_195] {strides = array<i32>} : memref<128xi32, #tpu.memory_space<vmem>>, vector<16xi32>,
    tpu.vector_store %arg11[%swap3A_195], %add3A_194 {strides = array<i32>} : memref<128xi32, #tpu.memory_space<vmem>>, vector<16xi32>,
    %add3A_197 = arith.constant 48 : i32
    %add3A_198 = arith.addi %add3A_178, %add3A_197 : i32
    %add3A_199 = vector.broadcast %add3A_198 : i32 to vector<16xi32>
    %add3A_200 = arith.addi %add3A_199, %iota3A : vector<16xi32>
    %swap3A_201 = arith.constant 48 : index
    %swap3A_202 = tpu.vector_load %arg11[%swap3A_201] {strides = array<i32>} : memref<128xi32, #tpu.memory_space<vmem>>, vector<16xi32>,
    tpu.vector_store %arg11[%swap3A_201], %add3A_200 {strides = array<i32>} : memref<128xi32, #tpu.memory_space<vmem>>, vector<16xi32>,
    %add3A_203 = arith.constant 64 : i32
    %add3A_204 = arith.addi %add3A_178, %add3A_203 : i32
    %add3A_205 = vector.broadcast %add3A_204 : i32 to vector<16xi32>
    %add3A_206 = arith.addi %add3A_205, %iota3A : vector<16xi32>
    %swap3A_207 = arith.constant 64 : index
    %swap3A_208 = tpu.vector_load %arg11[%swap3A_207] {strides = array<i32>} : memref<128xi32, #tpu.memory_space<vmem>>, vector<16xi32>,
    tpu.vector_store %arg11[%swap3A_207], %add3A_206 {strides = array<i32>} : memref<128xi32, #tpu.memory_space<vmem>>, vector<16xi32>,
    %add3A_209 = arith.constant 80 : i32
    %add3A_210 = arith.addi %add3A_178, %add3A_209 : i32
    %add3A_211 = vector.broadcast %add3A_210 : i32 to vector<16xi32>
    %add3A_212 = arith.addi %add3A_211, %iota3A : vector<16xi32>
    %swap3A_213 = arith.constant 80 : index
    %swap3A_214 = tpu.vector_load %arg11[%swap3A_213] {strides = array<i32>} : memref<128xi32, #tpu.memory_space<vmem>>, vector<16xi32>,
    tpu.vector_store %arg11[%swap3A_213], %add3A_212 {strides = array<i32>} : memref<128xi32, #tpu.memory_space<vmem>>, vector<16xi32>,
    %add3A_215 = arith.constant 96 : i32
    %add3A_216 = arith.addi %add3A_178, %add3A_215 : i32
    %add3A_217 = vector.broadcast %add3A_216 : i32 to vector<16xi32>
    %add3A_218 = arith.addi %add3A_217, %iota3A : vector<16xi32>
    %swap3A_219 = arith.constant 96 : index
    %swap3A_220 = tpu.vector_load %arg11[%swap3A_219] {strides = array<i32>} : memref<128xi32, #tpu.memory_space<vmem>>, vector<16xi32>,
    tpu.vector_store %arg11[%swap3A_219], %add3A_218 {strides = array<i32>} : memref<128xi32, #tpu.memory_space<vmem>>, vector<16xi32>,
    %add3A_221 = arith.constant 112 : i32
    %add3A_222 = arith.addi %add3A_178, %add3A_221 : i32
    %add3A_223 = vector.broadcast %add3A_222 : i32 to vector<16xi32>
    %add3A_224 = arith.addi %add3A_223, %iota3A : vector<16xi32>
    %swap3A_225 = arith.constant 112 : index
    %swap3A_226 = tpu.vector_load %arg11[%swap3A_225] {strides = array<i32>} : memref<128xi32, #tpu.memory_space<vmem>>, vector<16xi32>,
    tpu.vector_store %arg11[%swap3A_225], %add3A_224 {strides = array<i32>} : memref<128xi32, #tpu.memory_space<vmem>>, vector<16xi32>,
    %dma_start3A_227 = arith.constant 0 : i32
    %dma_start3A_228 = arith.constant 0 : i32
    %dma_start3A_229 = tpu.memref_slice %arg13[%dma_start3A_227, %dma_start3A_228] : memref<5120x64xf32, #tpu.memory_space<vmem_shared>> -> memref<5120x64xf32, #tpu.memory_space<vmem_shared>>
    tpu.enqueue_indirect_dma source(%dma_start3A_229 : memref<5120x64xf32, #tpu.memory_space<vmem_shared>>) target(%arg9 : memref<128x64xf32, #tpu.memory_space<vmem>>) offsets(%arg11 : memref<128xi32, #tpu.memory_space<vmem>>) semaphore(%arg14 : memref<!tpu.dma_semaphore, #tpu.memory_space<semaphore_mem>>)
    %dma_wait3A_230 = arith.constant 0 : i32
    %dma_wait3A_231 = arith.constant 0 : i32
    %dma_wait3A_232 = tpu.memref_slice %arg13[%dma_wait3A_230, %dma_wait3A_231] : memref<5120x64xf32, #tpu.memory_space<vmem_shared>> -> memref<5120x64xf32, #tpu.memory_space<vmem_shared>>
    tpu.wait_indirect_dma semaphore(%arg14 : memref<!tpu.dma_semaphore, #tpu.memory_space<semaphore_mem>>) src(%dma_wait3A_232 : memref<5120x64xf32, #tpu.memory_space<vmem_shared>>) dst(%arg9 : memref<128x64xf32, #tpu.memory_space<vmem>>)
    %add3A_233 = arith.constant 0 : i32
    %add3A_234 = arith.addi %add3A_176, %add3A_233 : i32
    "tpu.region"() ({
      %run_scoped3A = tpu.sem_alloc : memref<!tpu.dma_semaphore, #tpu.memory_space<semaphore_mem>>
      %dma_start3A_351 = arith.constant 0 : i32
      %dma_start3A_352 = arith.constant 0 : i32
      %dma_start3A_353 = tpu.memref_slice %arg9[%dma_start3A_351, %dma_start3A_352] : memref<128x64xf32, #tpu.memory_space<vmem>> -> memref<128x64xf32, #tpu.memory_space<vmem>>
      %dma_start3A_354 = arith.constant 0 : i32
      %dma_start3A_355 = tpu.memref_slice %arg6[%add3A_234, %dma_start3A_354] : memref<10240x64xf32, #tpu.memory_space<hbm>> -> memref<128x64xf32, #tpu.memory_space<hbm>>
      %dma_start3A_356 = arith.constant 0 : i32
      %dma_start3A_357 = tpu.memref_slice %arg6[%add3A_234, %dma_start3A_356] : memref<10240x64xf32, #tpu.memory_space<hbm>> -> memref<128x64xf32, #tpu.memory_space<hbm>>
      %dma_start3A_358 = arith.constant 0 : i32
      %dma_start3A_359 = arith.constant 0 : i32
      %dma_start3A_360 = tpu.memref_slice %arg9[%dma_start3A_358, %dma_start3A_359] : memref<128x64xf32, #tpu.memory_space<vmem>> -> memref<128x64xf32, #tpu.memory_space<vmem>>
      tpu.enqueue_dma source(%dma_start3A_360 : memref<128x64xf32, #tpu.memory_space<vmem>>) target(%dma_start3A_357 : memref<128x64xf32, #tpu.memory_space<hbm>>) target_semaphore(%run_scoped3A : memref<!tpu.dma_semaphore, #tpu.memory_space<semaphore_mem>>)
      %dma_wait3A_361 = arith.constant 0 : i32
      %dma_wait3A_362 = arith.constant 0 : i32
      %dma_wait3A_363 = tpu.memref_slice %arg9[%dma_wait3A_361, %dma_wait3A_362] : memref<128x64xf32, #tpu.memory_space<vmem>> -> memref<128x64xf32, #tpu.memory_space<vmem>>
      %dma_wait3A_364 = arith.constant 0 : i32
      %dma_wait3A_365 = tpu.memref_slice %arg6[%add3A_234, %dma_wait3A_364] : memref<10240x64xf32, #tpu.memory_space<hbm>> -> memref<128x64xf32, #tpu.memory_space<hbm>>
      %dma_wait3A_366 = arith.constant 0 : i32
      %dma_wait3A_367 = tpu.memref_slice %arg6[%add3A_234, %dma_wait3A_366] : memref<10240x64xf32, #tpu.memory_space<hbm>> -> memref<128x64xf32, #tpu.memory_space<hbm>>
      %dma_wait3A_368 = arith.constant 0 : i32
      %dma_wait3A_369 = arith.constant 0 : i32
      %dma_wait3A_370 = tpu.memref_slice %arg9[%dma_wait3A_368, %dma_wait3A_369] : memref<128x64xf32, #tpu.memory_space<vmem>> -> memref<128x64xf32, #tpu.memory_space<vmem>>
      tpu.wait_dma2 semaphore(%run_scoped3A : memref<!tpu.dma_semaphore, #tpu.memory_space<semaphore_mem>>) src(%dma_wait3A_370 : memref<128x64xf32, #tpu.memory_space<vmem>>) dst(%dma_wait3A_367 : memref<128x64xf32, #tpu.memory_space<hbm>>)
      tpu.yield
    }) : () -> ()
    %add3A_235 = arith.constant 128 : i32
    %add3A_236 = arith.addi %mul3A_4, %add3A_235 : i32
    %add3A_237 = arith.constant 0 : i32
    %add3A_238 = arith.addi %add3A_236, %add3A_237 : i32
    %add3A_239 = vector.broadcast %add3A_238 : i32 to vector<16xi32>
    %add3A_240 = arith.addi %add3A_239, %iota3A : vector<16xi32>
    %swap3A_241 = arith.constant 0 : index
    %swap3A_242 = tpu.vector_load %arg11[%swap3A_241] {strides = array<i32>} : memref<128xi32, #tpu.memory_space<vmem>>, vector<16xi32>,
    tpu.vector_store %arg11[%swap3A_241], %add3A_240 {strides = array<i32>} : memref<128xi32, #tpu.memory_space<vmem>>, vector<16xi32>,
    %add3A_243 = arith.constant 16 : i32
    %add3A_244 = arith.addi %add3A_236, %add3A_243 : i32
    %add3A_245 = vector.broadcast %add3A_244 : i32 to vector<16xi32>
    %add3A_246 = arith.addi %add3A_245, %iota3A : vector<16xi32>
    %swap3A_247 = arith.constant 16 : index
    %swap3A_248 = tpu.vector_load %arg11[%swap3A_247] {strides = array<i32>} : memref<128xi32, #tpu.memory_space<vmem>>, vector<16xi32>,
    tpu.vector_store %arg11[%swap3A_247], %add3A_246 {strides = array<i32>} : memref<128xi32, #tpu.memory_space<vmem>>, vector<16xi32>,
    %add3A_249 = arith.constant 32 : i32
    %add3A_250 = arith.addi %add3A_236, %add3A_249 : i32
    %add3A_251 = vector.broadcast %add3A_250 : i32 to vector<16xi32>
    %add3A_252 = arith.addi %add3A_251, %iota3A : vector<16xi32>
    %swap3A_253 = arith.constant 32 : index
    %swap3A_254 = tpu.vector_load %arg11[%swap3A_253] {strides = array<i32>} : memref<128xi32, #tpu.memory_space<vmem>>, vector<16xi32>,
    tpu.vector_store %arg11[%swap3A_253], %add3A_252 {strides = array<i32>} : memref<128xi32, #tpu.memory_space<vmem>>, vector<16xi32>,
    %add3A_255 = arith.constant 48 : i32
    %add3A_256 = arith.addi %add3A_236, %add3A_255 : i32
    %add3A_257 = vector.broadcast %add3A_256 : i32 to vector<16xi32>
    %add3A_258 = arith.addi %add3A_257, %iota3A : vector<16xi32>
    %swap3A_259 = arith.constant 48 : index
    %swap3A_260 = tpu.vector_load %arg11[%swap3A_259] {strides = array<i32>} : memref<128xi32, #tpu.memory_space<vmem>>, vector<16xi32>,
    tpu.vector_store %arg11[%swap3A_259], %add3A_258 {strides = array<i32>} : memref<128xi32, #tpu.memory_space<vmem>>, vector<16xi32>,
    %add3A_261 = arith.constant 64 : i32
    %add3A_262 = arith.addi %add3A_236, %add3A_261 : i32
    %add3A_263 = vector.broadcast %add3A_262 : i32 to vector<16xi32>
    %add3A_264 = arith.addi %add3A_263, %iota3A : vector<16xi32>
    %swap3A_265 = arith.constant 64 : index
    %swap3A_266 = tpu.vector_load %arg11[%swap3A_265] {strides = array<i32>} : memref<128xi32, #tpu.memory_space<vmem>>, vector<16xi32>,
    tpu.vector_store %arg11[%swap3A_265], %add3A_264 {strides = array<i32>} : memref<128xi32, #tpu.memory_space<vmem>>, vector<16xi32>,
    %add3A_267 = arith.constant 80 : i32
    %add3A_268 = arith.addi %add3A_236, %add3A_267 : i32
    %add3A_269 = vector.broadcast %add3A_268 : i32 to vector<16xi32>
    %add3A_270 = arith.addi %add3A_269, %iota3A : vector<16xi32>
    %swap3A_271 = arith.constant 80 : index
    %swap3A_272 = tpu.vector_load %arg11[%swap3A_271] {strides = array<i32>} : memref<128xi32, #tpu.memory_space<vmem>>, vector<16xi32>,
    tpu.vector_store %arg11[%swap3A_271], %add3A_270 {strides = array<i32>} : memref<128xi32, #tpu.memory_space<vmem>>, vector<16xi32>,
    %add3A_273 = arith.constant 96 : i32
    %add3A_274 = arith.addi %add3A_236, %add3A_273 : i32
    %add3A_275 = vector.broadcast %add3A_274 : i32 to vector<16xi32>
    %add3A_276 = arith.addi %add3A_275, %iota3A : vector<16xi32>
    %swap3A_277 = arith.constant 96 : index
    %swap3A_278 = tpu.vector_load %arg11[%swap3A_277] {strides = array<i32>} : memref<128xi32, #tpu.memory_space<vmem>>, vector<16xi32>,
    tpu.vector_store %arg11[%swap3A_277], %add3A_276 {strides = array<i32>} : memref<128xi32, #tpu.memory_space<vmem>>, vector<16xi32>,
    %add3A_279 = arith.constant 112 : i32
    %add3A_280 = arith.addi %add3A_236, %add3A_279 : i32
    %add3A_281 = vector.broadcast %add3A_280 : i32 to vector<16xi32>
    %add3A_282 = arith.addi %add3A_281, %iota3A : vector<16xi32>
    %swap3A_283 = arith.constant 112 : index
    %swap3A_284 = tpu.vector_load %arg11[%swap3A_283] {strides = array<i32>} : memref<128xi32, #tpu.memory_space<vmem>>, vector<16xi32>,
    tpu.vector_store %arg11[%swap3A_283], %add3A_282 {strides = array<i32>} : memref<128xi32, #tpu.memory_space<vmem>>, vector<16xi32>,
    %dma_start3A_285 = arith.constant 0 : i32
    %dma_start3A_286 = arith.constant 0 : i32
    %dma_start3A_287 = tpu.memref_slice %arg13[%dma_start3A_285, %dma_start3A_286] : memref<5120x64xf32, #tpu.memory_space<vmem_shared>> -> memref<5120x64xf32, #tpu.memory_space<vmem_shared>>
    tpu.enqueue_indirect_dma source(%dma_start3A_287 : memref<5120x64xf32, #tpu.memory_space<vmem_shared>>) target(%arg9 : memref<128x64xf32, #tpu.memory_space<vmem>>) offsets(%arg11 : memref<128xi32, #tpu.memory_space<vmem>>) semaphore(%arg14 : memref<!tpu.dma_semaphore, #tpu.memory_space<semaphore_mem>>)
    %dma_wait3A_288 = arith.constant 0 : i32
    %dma_wait3A_289 = arith.constant 0 : i32
    %dma_wait3A_290 = tpu.memref_slice %arg13[%dma_wait3A_288, %dma_wait3A_289] : memref<5120x64xf32, #tpu.memory_space<vmem_shared>> -> memref<5120x64xf32, #tpu.memory_space<vmem_shared>>
    tpu.wait_indirect_dma semaphore(%arg14 : memref<!tpu.dma_semaphore, #tpu.memory_space<semaphore_mem>>) src(%dma_wait3A_290 : memref<5120x64xf32, #tpu.memory_space<vmem_shared>>) dst(%arg9 : memref<128x64xf32, #tpu.memory_space<vmem>>)
    %add3A_291 = arith.constant 128 : i32
    %add3A_292 = arith.addi %add3A_176, %add3A_291 : i32
    "tpu.region"() ({
      %run_scoped3A = tpu.sem_alloc : memref<!tpu.dma_semaphore, #tpu.memory_space<semaphore_mem>>
      %dma_start3A_351 = arith.constant 0 : i32
      %dma_start3A_352 = arith.constant 0 : i32
      %dma_start3A_353 = tpu.memref_slice %arg9[%dma_start3A_351, %dma_start3A_352] : memref<128x64xf32, #tpu.memory_space<vmem>> -> memref<128x64xf32, #tpu.memory_space<vmem>>
      %dma_start3A_354 = arith.constant 0 : i32
      %dma_start3A_355 = tpu.memref_slice %arg6[%add3A_292, %dma_start3A_354] : memref<10240x64xf32, #tpu.memory_space<hbm>> -> memref<128x64xf32, #tpu.memory_space<hbm>>
      %dma_start3A_356 = arith.constant 0 : i32
      %dma_start3A_357 = tpu.memref_slice %arg6[%add3A_292, %dma_start3A_356] : memref<10240x64xf32, #tpu.memory_space<hbm>> -> memref<128x64xf32, #tpu.memory_space<hbm>>
      %dma_start3A_358 = arith.constant 0 : i32
      %dma_start3A_359 = arith.constant 0 : i32
      %dma_start3A_360 = tpu.memref_slice %arg9[%dma_start3A_358, %dma_start3A_359] : memref<128x64xf32, #tpu.memory_space<vmem>> -> memref<128x64xf32, #tpu.memory_space<vmem>>
      tpu.enqueue_dma source(%dma_start3A_360 : memref<128x64xf32, #tpu.memory_space<vmem>>) target(%dma_start3A_357 : memref<128x64xf32, #tpu.memory_space<hbm>>) target_semaphore(%run_scoped3A : memref<!tpu.dma_semaphore, #tpu.memory_space<semaphore_mem>>)
      %dma_wait3A_361 = arith.constant 0 : i32
      %dma_wait3A_362 = arith.constant 0 : i32
      %dma_wait3A_363 = tpu.memref_slice %arg9[%dma_wait3A_361, %dma_wait3A_362] : memref<128x64xf32, #tpu.memory_space<vmem>> -> memref<128x64xf32, #tpu.memory_space<vmem>>
      %dma_wait3A_364 = arith.constant 0 : i32
      %dma_wait3A_365 = tpu.memref_slice %arg6[%add3A_292, %dma_wait3A_364] : memref<10240x64xf32, #tpu.memory_space<hbm>> -> memref<128x64xf32, #tpu.memory_space<hbm>>
      %dma_wait3A_366 = arith.constant 0 : i32
      %dma_wait3A_367 = tpu.memref_slice %arg6[%add3A_292, %dma_wait3A_366] : memref<10240x64xf32, #tpu.memory_space<hbm>> -> memref<128x64xf32, #tpu.memory_space<hbm>>
      %dma_wait3A_368 = arith.constant 0 : i32
      %dma_wait3A_369 = arith.constant 0 : i32
      %dma_wait3A_370 = tpu.memref_slice %arg9[%dma_wait3A_368, %dma_wait3A_369] : memref<128x64xf32, #tpu.memory_space<vmem>> -> memref<128x64xf32, #tpu.memory_space<vmem>>
      tpu.wait_dma2 semaphore(%run_scoped3A : memref<!tpu.dma_semaphore, #tpu.memory_space<semaphore_mem>>) src(%dma_wait3A_370 : memref<128x64xf32, #tpu.memory_space<vmem>>) dst(%dma_wait3A_367 : memref<128x64xf32, #tpu.memory_space<hbm>>)
      tpu.yield
    }) : () -> ()
    %add3A_293 = arith.constant 256 : i32
    %add3A_294 = arith.addi %mul3A_4, %add3A_293 : i32
    %add3A_295 = arith.constant 0 : i32
    %add3A_296 = arith.addi %add3A_294, %add3A_295 : i32
    %add3A_297 = vector.broadcast %add3A_296 : i32 to vector<16xi32>
    %add3A_298 = arith.addi %add3A_297, %iota3A : vector<16xi32>
    %swap3A_299 = arith.constant 0 : index
    %swap3A_300 = tpu.vector_load %arg11[%swap3A_299] {strides = array<i32>} : memref<128xi32, #tpu.memory_space<vmem>>, vector<16xi32>,
    tpu.vector_store %arg11[%swap3A_299], %add3A_298 {strides = array<i32>} : memref<128xi32, #tpu.memory_space<vmem>>, vector<16xi32>,
    %add3A_301 = arith.constant 16 : i32
    %add3A_302 = arith.addi %add3A_294, %add3A_301 : i32
    %add3A_303 = vector.broadcast %add3A_302 : i32 to vector<16xi32>
    %add3A_304 = arith.addi %add3A_303, %iota3A : vector<16xi32>
    %swap3A_305 = arith.constant 16 : index
    %swap3A_306 = tpu.vector_load %arg11[%swap3A_305] {strides = array<i32>} : memref<128xi32, #tpu.memory_space<vmem>>, vector<16xi32>,
    tpu.vector_store %arg11[%swap3A_305], %add3A_304 {strides = array<i32>} : memref<128xi32, #tpu.memory_space<vmem>>, vector<16xi32>,
    %add3A_307 = arith.constant 32 : i32
    %add3A_308 = arith.addi %add3A_294, %add3A_307 : i32
    %add3A_309 = vector.broadcast %add3A_308 : i32 to vector<16xi32>
    %add3A_310 = arith.addi %add3A_309, %iota3A : vector<16xi32>
    %swap3A_311 = arith.constant 32 : index
    %swap3A_312 = tpu.vector_load %arg11[%swap3A_311] {strides = array<i32>} : memref<128xi32, #tpu.memory_space<vmem>>, vector<16xi32>,
    tpu.vector_store %arg11[%swap3A_311], %add3A_310 {strides = array<i32>} : memref<128xi32, #tpu.memory_space<vmem>>, vector<16xi32>,
    %add3A_313 = arith.constant 48 : i32
    %add3A_314 = arith.addi %add3A_294, %add3A_313 : i32
    %add3A_315 = vector.broadcast %add3A_314 : i32 to vector<16xi32>
    %add3A_316 = arith.addi %add3A_315, %iota3A : vector<16xi32>
    %swap3A_317 = arith.constant 48 : index
    %swap3A_318 = tpu.vector_load %arg11[%swap3A_317] {strides = array<i32>} : memref<128xi32, #tpu.memory_space<vmem>>, vector<16xi32>,
    tpu.vector_store %arg11[%swap3A_317], %add3A_316 {strides = array<i32>} : memref<128xi32, #tpu.memory_space<vmem>>, vector<16xi32>,
    %add3A_319 = arith.constant 0 : i32
    %add3A_320 = arith.addi %add3A_294, %add3A_319 : i32
    %add3A_321 = vector.broadcast %add3A_320 : i32 to vector<16xi32>
    %add3A_322 = arith.addi %add3A_321, %iota3A : vector<16xi32>
    %swap3A_323 = arith.constant 64 : index
    %swap3A_324 = tpu.vector_load %arg11[%swap3A_323] {strides = array<i32>} : memref<128xi32, #tpu.memory_space<vmem>>, vector<16xi32>,
    tpu.vector_store %arg11[%swap3A_323], %add3A_322 {strides = array<i32>} : memref<128xi32, #tpu.memory_space<vmem>>, vector<16xi32>,
    %add3A_325 = arith.constant 16 : i32
    %add3A_326 = arith.addi %add3A_294, %add3A_325 : i32
    %add3A_327 = vector.broadcast %add3A_326 : i32 to vector<16xi32>
    %add3A_328 = arith.addi %add3A_327, %iota3A : vector<16xi32>
    %swap3A_329 = arith.constant 80 : index
    %swap3A_330 = tpu.vector_load %arg11[%swap3A_329] {strides = array<i32>} : memref<128xi32, #tpu.memory_space<vmem>>, vector<16xi32>,
    tpu.vector_store %arg11[%swap3A_329], %add3A_328 {strides = array<i32>} : memref<128xi32, #tpu.memory_space<vmem>>, vector<16xi32>,
    %add3A_331 = arith.constant 32 : i32
    %add3A_332 = arith.addi %add3A_294, %add3A_331 : i32
    %add3A_333 = vector.broadcast %add3A_332 : i32 to vector<16xi32>
    %add3A_334 = arith.addi %add3A_333, %iota3A : vector<16xi32>
    %swap3A_335 = arith.constant 96 : index
    %swap3A_336 = tpu.vector_load %arg11[%swap3A_335] {strides = array<i32>} : memref<128xi32, #tpu.memory_space<vmem>>, vector<16xi32>,
    tpu.vector_store %arg11[%swap3A_335], %add3A_334 {strides = array<i32>} : memref<128xi32, #tpu.memory_space<vmem>>, vector<16xi32>,
    %add3A_337 = arith.constant 48 : i32
    %add3A_338 = arith.addi %add3A_294, %add3A_337 : i32
    %add3A_339 = vector.broadcast %add3A_338 : i32 to vector<16xi32>
    %add3A_340 = arith.addi %add3A_339, %iota3A : vector<16xi32>
    %swap3A_341 = arith.constant 112 : index
    %swap3A_342 = tpu.vector_load %arg11[%swap3A_341] {strides = array<i32>} : memref<128xi32, #tpu.memory_space<vmem>>, vector<16xi32>,
    tpu.vector_store %arg11[%swap3A_341], %add3A_340 {strides = array<i32>} : memref<128xi32, #tpu.memory_space<vmem>>, vector<16xi32>,
    %dma_start3A_343 = arith.constant 0 : i32
    %dma_start3A_344 = arith.constant 0 : i32
    %dma_start3A_345 = tpu.memref_slice %arg13[%dma_start3A_343, %dma_start3A_344] : memref<5120x64xf32, #tpu.memory_space<vmem_shared>> -> memref<5120x64xf32, #tpu.memory_space<vmem_shared>>
    tpu.enqueue_indirect_dma source(%dma_start3A_345 : memref<5120x64xf32, #tpu.memory_space<vmem_shared>>) target(%arg9 : memref<128x64xf32, #tpu.memory_space<vmem>>) offsets(%arg11 : memref<128xi32, #tpu.memory_space<vmem>>) semaphore(%arg14 : memref<!tpu.dma_semaphore, #tpu.memory_space<semaphore_mem>>)
    %dma_wait3A_346 = arith.constant 0 : i32
    %dma_wait3A_347 = arith.constant 0 : i32
    %dma_wait3A_348 = tpu.memref_slice %arg13[%dma_wait3A_346, %dma_wait3A_347] : memref<5120x64xf32, #tpu.memory_space<vmem_shared>> -> memref<5120x64xf32, #tpu.memory_space<vmem_shared>>
    tpu.wait_indirect_dma semaphore(%arg14 : memref<!tpu.dma_semaphore, #tpu.memory_space<semaphore_mem>>) src(%dma_wait3A_348 : memref<5120x64xf32, #tpu.memory_space<vmem_shared>>) dst(%arg9 : memref<128x64xf32, #tpu.memory_space<vmem>>)
    %add3A_349 = arith.constant 256 : i32
    %add3A_350 = arith.addi %add3A_176, %add3A_349 : i32
    "tpu.region"() ({
      %run_scoped3A = tpu.sem_alloc : memref<!tpu.dma_semaphore, #tpu.memory_space<semaphore_mem>>
      %dma_start3A_351 = arith.constant 0 : i32
      %dma_start3A_352 = arith.constant 0 : i32
      %dma_start3A_353 = tpu.memref_slice %arg9[%dma_start3A_351, %dma_start3A_352] : memref<128x64xf32, #tpu.memory_space<vmem>> -> memref<64x64xf32, #tpu.memory_space<vmem>>
      %dma_start3A_354 = arith.constant 0 : i32
      %dma_start3A_355 = tpu.memref_slice %arg6[%add3A_350, %dma_start3A_354] : memref<10240x64xf32, #tpu.memory_space<hbm>> -> memref<64x64xf32, #tpu.memory_space<hbm>>
      %dma_start3A_356 = arith.constant 0 : i32
      %dma_start3A_357 = tpu.memref_slice %arg6[%add3A_350, %dma_start3A_356] : memref<10240x64xf32, #tpu.memory_space<hbm>> -> memref<64x64xf32, #tpu.memory_space<hbm>>
      %dma_start3A_358 = arith.constant 0 : i32
      %dma_start3A_359 = arith.constant 0 : i32
      %dma_start3A_360 = tpu.memref_slice %arg9[%dma_start3A_358, %dma_start3A_359] : memref<128x64xf32, #tpu.memory_space<vmem>> -> memref<64x64xf32, #tpu.memory_space<vmem>>
      tpu.enqueue_dma source(%dma_start3A_360 : memref<64x64xf32, #tpu.memory_space<vmem>>) target(%dma_start3A_357 : memref<64x64xf32, #tpu.memory_space<hbm>>) target_semaphore(%run_scoped3A : memref<!tpu.dma_semaphore, #tpu.memory_space<semaphore_mem>>)
      %dma_wait3A_361 = arith.constant 0 : i32
      %dma_wait3A_362 = arith.constant 0 : i32
      %dma_wait3A_363 = tpu.memref_slice %arg9[%dma_wait3A_361, %dma_wait3A_362] : memref<128x64xf32, #tpu.memory_space<vmem>> -> memref<64x64xf32, #tpu.memory_space<vmem>>
      %dma_wait3A_364 = arith.constant 0 : i32
      %dma_wait3A_365 = tpu.memref_slice %arg6[%add3A_350, %dma_wait3A_364] : memref<10240x64xf32, #tpu.memory_space<hbm>> -> memref<64x64xf32, #tpu.memory_space<hbm>>
      %dma_wait3A_366 = arith.constant 0 : i32
      %dma_wait3A_367 = tpu.memref_slice %arg6[%add3A_350, %dma_wait3A_366] : memref<10240x64xf32, #tpu.memory_space<hbm>> -> memref<64x64xf32, #tpu.memory_space<hbm>>
      %dma_wait3A_368 = arith.constant 0 : i32
      %dma_wait3A_369 = arith.constant 0 : i32
      %dma_wait3A_370 = tpu.memref_slice %arg9[%dma_wait3A_368, %dma_wait3A_369] : memref<128x64xf32, #tpu.memory_space<vmem>> -> memref<64x64xf32, #tpu.memory_space<vmem>>
      tpu.wait_dma2 semaphore(%run_scoped3A : memref<!tpu.dma_semaphore, #tpu.memory_space<semaphore_mem>>) src(%dma_wait3A_370 : memref<64x64xf32, #tpu.memory_space<vmem>>) dst(%dma_wait3A_367 : memref<64x64xf32, #tpu.memory_space<hbm>>)
      tpu.yield
    }) : () -> ()
    return
  }
}

#map = affine_map<(d0, d1) -> (0, 0)>
#map1 = affine_map<(d0, d1) -> (0, 0, 0, 0)>
#map2 = affine_map<(d0, d1) -> (0, 0, 0)>
module attributes {stable_mosaic.version = 14 : i64} {
  func.func @body(%arg0: i32, %arg1: i32, %arg2: memref<20000x64xf32, #tpu.memory_space<hbm>>, %arg3: memref<2x16x161x128xi32, #tpu.memory_space<hbm>>, %arg4: memref<2x16x161x128xi32, #tpu.memory_space<hbm>>, %arg5: memref<2x16x16xi32, #tpu.memory_space<hbm>>, %arg6: memref<10240x64xf32, #tpu.memory_space<hbm>>, %arg7: memref<10240x16xf32, #tpu.memory_space<hbm>>, %arg8: memref<161x128xi32, #tpu.memory_space<vmem>>, %arg9: memref<161x128xi32, #tpu.memory_space<vmem>>, %arg10: memref<128x64xf32, #tpu.memory_space<vmem>>, %arg11: memref<128xi32, #tpu.memory_space<vmem>>, %arg12: memref<128x16xf32, #tpu.memory_space<vmem>>, %arg13: memref<128x16xf32, #tpu.memory_space<vmem>>, %arg14: memref<128xi32, #tpu.memory_space<vmem>>, %arg15: memref<16xi32, #tpu.memory_space<vmem>>, %arg16: memref<5120x64xf32, #tpu.memory_space<vmem_shared>>, %arg17: memref<5120x16xf32, #tpu.memory_space<vmem_shared>>, %arg18: memref<!tpu.dma_semaphore, #tpu.memory_space<semaphore_mem>>) attributes {dimension_semantics = [#tpu.dimension_semantics<core_parallel>, #tpu.dimension_semantics<subcore_parallel>], iteration_bounds = array<i64: 2, 16>, scalar_prefetch = 0 : i64, scratch_operands = 11 : i64, tpu.core_type = #tpu.core_type<sc_vector_subcore>, window_params = [{transform_indices = #map}, {transform_indices = #map1}, {transform_indices = #map1}, {transform_indices = #map2}, {transform_indices = #map}, {transform_indices = #map}]} {
    %iota3A = tpu.iota {dimensions = array<i32: 0>} : vector<16xi32>
    %scan3A = arith.constant 0 : i32
    %scan3A_0 = arith.constant 128 : i32
    %scan3A_1 = arith.addi %scan3A, %scan3A_0 : i32
    %scan3A_2 = arith.constant 1 : i32
    scf.for %scan3A_385 = %scan3A to %scan3A_1 step %scan3A_2  : i32 {
      %mul3A_386 = arith.constant 1 : i32
      %mul3A_387 = arith.muli %scan3A_385, %mul3A_386 : i32
      %add3A_388 = arith.constant 0 : i32
      %add3A_389 = arith.addi %add3A_388, %mul3A_387 : i32
      %broadcast_in_dim3A = arith.constant 0.000000e+00 : f32
      %broadcast_in_dim3A_390 = vector.broadcast %broadcast_in_dim3A : f32 to vector<16xf32>
      %swap3A_391 = arith.index_cast %add3A_389 : i32 to index
      %swap3A_392 = arith.constant 0 : index
      %swap3A_393 = tpu.vector_load %arg10[%swap3A_391, %swap3A_392] {strides = array<i32>} : memref<128x64xf32, #tpu.memory_space<vmem>>, vector<16xf32>,
      tpu.vector_store %arg10[%swap3A_391, %swap3A_392], %broadcast_in_dim3A_390 {strides = array<i32>} : memref<128x64xf32, #tpu.memory_space<vmem>>, vector<16xf32>,
      %broadcast_in_dim3A_394 = arith.constant 0.000000e+00 : f32
      %broadcast_in_dim3A_395 = vector.broadcast %broadcast_in_dim3A_394 : f32 to vector<16xf32>
      %swap3A_396 = arith.index_cast %add3A_389 : i32 to index
      %swap3A_397 = arith.constant 16 : index
      %swap3A_398 = tpu.vector_load %arg10[%swap3A_396, %swap3A_397] {strides = array<i32>} : memref<128x64xf32, #tpu.memory_space<vmem>>, vector<16xf32>,
      tpu.vector_store %arg10[%swap3A_396, %swap3A_397], %broadcast_in_dim3A_395 {strides = array<i32>} : memref<128x64xf32, #tpu.memory_space<vmem>>, vector<16xf32>,
      %broadcast_in_dim3A_399 = arith.constant 0.000000e+00 : f32
      %broadcast_in_dim3A_400 = vector.broadcast %broadcast_in_dim3A_399 : f32 to vector<16xf32>
      %swap3A_401 = arith.index_cast %add3A_389 : i32 to index
      %swap3A_402 = arith.constant 32 : index
      %swap3A_403 = tpu.vector_load %arg10[%swap3A_401, %swap3A_402] {strides = array<i32>} : memref<128x64xf32, #tpu.memory_space<vmem>>, vector<16xf32>,
      tpu.vector_store %arg10[%swap3A_401, %swap3A_402], %broadcast_in_dim3A_400 {strides = array<i32>} : memref<128x64xf32, #tpu.memory_space<vmem>>, vector<16xf32>,
      %broadcast_in_dim3A_404 = arith.constant 0.000000e+00 : f32
      %broadcast_in_dim3A_405 = vector.broadcast %broadcast_in_dim3A_404 : f32 to vector<16xf32>
      %swap3A_406 = arith.index_cast %add3A_389 : i32 to index
      %swap3A_407 = arith.constant 48 : index
      %swap3A_408 = tpu.vector_load %arg10[%swap3A_406, %swap3A_407] {strides = array<i32>} : memref<128x64xf32, #tpu.memory_space<vmem>>, vector<16xf32>,
      tpu.vector_store %arg10[%swap3A_406, %swap3A_407], %broadcast_in_dim3A_405 {strides = array<i32>} : memref<128x64xf32, #tpu.memory_space<vmem>>, vector<16xf32>,
    }
    %scan3A_3 = arith.constant 128 : i32
    %scan3A_4 = arith.constant 0 : i32
    %scan3A_5 = arith.constant 128 : i32
    %scan3A_6 = arith.addi %scan3A_4, %scan3A_5 : i32
    %scan3A_7 = arith.constant 1 : i32
    scf.for %scan3A_385 = %scan3A_4 to %scan3A_6 step %scan3A_7  : i32 {
      %mul3A_386 = arith.constant 1 : i32
      %mul3A_387 = arith.muli %scan3A_385, %mul3A_386 : i32
      %add3A_388 = arith.constant 0 : i32
      %add3A_389 = arith.addi %add3A_388, %mul3A_387 : i32
      %broadcast_in_dim3A = arith.constant 0.000000e+00 : f32
      %broadcast_in_dim3A_390 = vector.broadcast %broadcast_in_dim3A : f32 to vector<16xf32>
      %swap3A_391 = arith.index_cast %add3A_389 : i32 to index
      %swap3A_392 = arith.constant 0 : index
      %swap3A_393 = tpu.vector_load %arg13[%swap3A_391, %swap3A_392] {strides = array<i32>} : memref<128x16xf32, #tpu.memory_space<vmem>>, vector<16xf32>,
      tpu.vector_store %arg13[%swap3A_391, %swap3A_392], %broadcast_in_dim3A_390 {strides = array<i32>} : memref<128x16xf32, #tpu.memory_space<vmem>>, vector<16xf32>,
    }
    %scan3A_8 = arith.constant 128 : i32
    %scan3A_9 = arith.constant 0 : i32
    %scan3A_10 = arith.constant 128 : i32
    %scan3A_11 = arith.addi %scan3A_9, %scan3A_10 : i32
    %scan3A_12 = arith.constant 1 : i32
    scf.for %scan3A_385 = %scan3A_9 to %scan3A_11 step %scan3A_12  : i32 {
      %mul3A_386 = arith.constant 1 : i32
      %mul3A_387 = arith.muli %scan3A_385, %mul3A_386 : i32
      %add3A_388 = arith.constant 0 : i32
      %add3A_389 = arith.addi %add3A_388, %mul3A_387 : i32
      %broadcast_in_dim3A = arith.constant 1.000000e+00 : f32
      %broadcast_in_dim3A_390 = vector.broadcast %broadcast_in_dim3A : f32 to vector<16xf32>
      %swap3A_391 = arith.index_cast %add3A_389 : i32 to index
      %swap3A_392 = arith.constant 0 : index
      %swap3A_393 = tpu.vector_load %arg12[%swap3A_391, %swap3A_392] {strides = array<i32>} : memref<128x16xf32, #tpu.memory_space<vmem>>, vector<16xf32>,
      tpu.vector_store %arg12[%swap3A_391, %swap3A_392], %broadcast_in_dim3A_390 {strides = array<i32>} : memref<128x16xf32, #tpu.memory_space<vmem>>, vector<16xf32>,
    }
    %scan3A_13 = arith.constant 128 : i32
    %mul3A = arith.constant 320 : i32
    %mul3A_14 = arith.muli %arg1, %mul3A : i32
    %add3A = arith.constant 0 : i32
    %add3A_15 = arith.addi %mul3A_14, %add3A : i32
    %add3A_16 = arith.constant 0 : i32
    %add3A_17 = arith.addi %add3A_15, %add3A_16 : i32
    %add3A_18 = vector.broadcast %add3A_17 : i32 to vector<16xi32>
    %add3A_19 = arith.addi %add3A_18, %iota3A : vector<16xi32>
    %swap3A = arith.constant 0 : index
    %swap3A_20 = tpu.vector_load %arg14[%swap3A] {strides = array<i32>} : memref<128xi32, #tpu.memory_space<vmem>>, vector<16xi32>,
    tpu.vector_store %arg14[%swap3A], %add3A_19 {strides = array<i32>} : memref<128xi32, #tpu.memory_space<vmem>>, vector<16xi32>,
    %add3A_21 = arith.constant 16 : i32
    %add3A_22 = arith.addi %add3A_15, %add3A_21 : i32
    %add3A_23 = vector.broadcast %add3A_22 : i32 to vector<16xi32>
    %add3A_24 = arith.addi %add3A_23, %iota3A : vector<16xi32>
    %swap3A_25 = arith.constant 16 : index
    %swap3A_26 = tpu.vector_load %arg14[%swap3A_25] {strides = array<i32>} : memref<128xi32, #tpu.memory_space<vmem>>, vector<16xi32>,
    tpu.vector_store %arg14[%swap3A_25], %add3A_24 {strides = array<i32>} : memref<128xi32, #tpu.memory_space<vmem>>, vector<16xi32>,
    %add3A_27 = arith.constant 32 : i32
    %add3A_28 = arith.addi %add3A_15, %add3A_27 : i32
    %add3A_29 = vector.broadcast %add3A_28 : i32 to vector<16xi32>
    %add3A_30 = arith.addi %add3A_29, %iota3A : vector<16xi32>
    %swap3A_31 = arith.constant 32 : index
    %swap3A_32 = tpu.vector_load %arg14[%swap3A_31] {strides = array<i32>} : memref<128xi32, #tpu.memory_space<vmem>>, vector<16xi32>,
    tpu.vector_store %arg14[%swap3A_31], %add3A_30 {strides = array<i32>} : memref<128xi32, #tpu.memory_space<vmem>>, vector<16xi32>,
    %add3A_33 = arith.constant 48 : i32
    %add3A_34 = arith.addi %add3A_15, %add3A_33 : i32
    %add3A_35 = vector.broadcast %add3A_34 : i32 to vector<16xi32>
    %add3A_36 = arith.addi %add3A_35, %iota3A : vector<16xi32>
    %swap3A_37 = arith.constant 48 : index
    %swap3A_38 = tpu.vector_load %arg14[%swap3A_37] {strides = array<i32>} : memref<128xi32, #tpu.memory_space<vmem>>, vector<16xi32>,
    tpu.vector_store %arg14[%swap3A_37], %add3A_36 {strides = array<i32>} : memref<128xi32, #tpu.memory_space<vmem>>, vector<16xi32>,
    %add3A_39 = arith.constant 64 : i32
    %add3A_40 = arith.addi %add3A_15, %add3A_39 : i32
    %add3A_41 = vector.broadcast %add3A_40 : i32 to vector<16xi32>
    %add3A_42 = arith.addi %add3A_41, %iota3A : vector<16xi32>
    %swap3A_43 = arith.constant 64 : index
    %swap3A_44 = tpu.vector_load %arg14[%swap3A_43] {strides = array<i32>} : memref<128xi32, #tpu.memory_space<vmem>>, vector<16xi32>,
    tpu.vector_store %arg14[%swap3A_43], %add3A_42 {strides = array<i32>} : memref<128xi32, #tpu.memory_space<vmem>>, vector<16xi32>,
    %add3A_45 = arith.constant 80 : i32
    %add3A_46 = arith.addi %add3A_15, %add3A_45 : i32
    %add3A_47 = vector.broadcast %add3A_46 : i32 to vector<16xi32>
    %add3A_48 = arith.addi %add3A_47, %iota3A : vector<16xi32>
    %swap3A_49 = arith.constant 80 : index
    %swap3A_50 = tpu.vector_load %arg14[%swap3A_49] {strides = array<i32>} : memref<128xi32, #tpu.memory_space<vmem>>, vector<16xi32>,
    tpu.vector_store %arg14[%swap3A_49], %add3A_48 {strides = array<i32>} : memref<128xi32, #tpu.memory_space<vmem>>, vector<16xi32>,
    %add3A_51 = arith.constant 96 : i32
    %add3A_52 = arith.addi %add3A_15, %add3A_51 : i32
    %add3A_53 = vector.broadcast %add3A_52 : i32 to vector<16xi32>
    %add3A_54 = arith.addi %add3A_53, %iota3A : vector<16xi32>
    %swap3A_55 = arith.constant 96 : index
    %swap3A_56 = tpu.vector_load %arg14[%swap3A_55] {strides = array<i32>} : memref<128xi32, #tpu.memory_space<vmem>>, vector<16xi32>,
    tpu.vector_store %arg14[%swap3A_55], %add3A_54 {strides = array<i32>} : memref<128xi32, #tpu.memory_space<vmem>>, vector<16xi32>,
    %add3A_57 = arith.constant 112 : i32
    %add3A_58 = arith.addi %add3A_15, %add3A_57 : i32
    %add3A_59 = vector.broadcast %add3A_58 : i32 to vector<16xi32>
    %add3A_60 = arith.addi %add3A_59, %iota3A : vector<16xi32>
    %swap3A_61 = arith.constant 112 : index
    %swap3A_62 = tpu.vector_load %arg14[%swap3A_61] {strides = array<i32>} : memref<128xi32, #tpu.memory_space<vmem>>, vector<16xi32>,
    tpu.vector_store %arg14[%swap3A_61], %add3A_60 {strides = array<i32>} : memref<128xi32, #tpu.memory_space<vmem>>, vector<16xi32>,
    "tpu.region"() ({
      %run_scoped3A = tpu.sem_alloc : memref<!tpu.dma_semaphore, #tpu.memory_space<semaphore_mem>>
      %dma_start3A_385 = arith.constant 0 : i32
      %dma_start3A_386 = arith.constant 0 : i32
      %dma_start3A_387 = tpu.memref_slice %arg16[%dma_start3A_385, %dma_start3A_386] : memref<5120x64xf32, #tpu.memory_space<vmem_shared>> -> memref<5120x64xf32, #tpu.memory_space<vmem_shared>>
      tpu.enqueue_indirect_dma source(%arg10 : memref<128x64xf32, #tpu.memory_space<vmem>>) target(%dma_start3A_387 : memref<5120x64xf32, #tpu.memory_space<vmem_shared>>) offsets(%arg14 : memref<128xi32, #tpu.memory_space<vmem>>) semaphore(%run_scoped3A : memref<!tpu.dma_semaphore, #tpu.memory_space<semaphore_mem>>)
      %dma_wait3A_388 = arith.constant 0 : i32
      %dma_wait3A_389 = arith.constant 0 : i32
      %dma_wait3A_390 = tpu.memref_slice %arg16[%dma_wait3A_388, %dma_wait3A_389] : memref<5120x64xf32, #tpu.memory_space<vmem_shared>> -> memref<5120x64xf32, #tpu.memory_space<vmem_shared>>
      tpu.wait_indirect_dma semaphore(%run_scoped3A : memref<!tpu.dma_semaphore, #tpu.memory_space<semaphore_mem>>) src(%arg10 : memref<128x64xf32, #tpu.memory_space<vmem>>) dst(%dma_wait3A_390 : memref<5120x64xf32, #tpu.memory_space<vmem_shared>>)
      tpu.yield
    }) : () -> ()
    "tpu.region"() ({
      %run_scoped3A = tpu.sem_alloc : memref<!tpu.dma_semaphore, #tpu.memory_space<semaphore_mem>>
      %dma_start3A_385 = arith.constant 0 : i32
      %dma_start3A_386 = arith.constant 0 : i32
      %dma_start3A_387 = tpu.memref_slice %arg17[%dma_start3A_385, %dma_start3A_386] : memref<5120x16xf32, #tpu.memory_space<vmem_shared>> -> memref<5120x16xf32, #tpu.memory_space<vmem_shared>>
      tpu.enqueue_indirect_dma source(%arg13 : memref<128x16xf32, #tpu.memory_space<vmem>>) target(%dma_start3A_387 : memref<5120x16xf32, #tpu.memory_space<vmem_shared>>) offsets(%arg14 : memref<128xi32, #tpu.memory_space<vmem>>) semaphore(%run_scoped3A : memref<!tpu.dma_semaphore, #tpu.memory_space<semaphore_mem>>)
      %dma_wait3A_388 = arith.constant 0 : i32
      %dma_wait3A_389 = arith.constant 0 : i32
      %dma_wait3A_390 = tpu.memref_slice %arg17[%dma_wait3A_388, %dma_wait3A_389] : memref<5120x16xf32, #tpu.memory_space<vmem_shared>> -> memref<5120x16xf32, #tpu.memory_space<vmem_shared>>
      tpu.wait_indirect_dma semaphore(%run_scoped3A : memref<!tpu.dma_semaphore, #tpu.memory_space<semaphore_mem>>) src(%arg13 : memref<128x16xf32, #tpu.memory_space<vmem>>) dst(%dma_wait3A_390 : memref<5120x16xf32, #tpu.memory_space<vmem_shared>>)
      tpu.yield
    }) : () -> ()
    %add3A_63 = arith.constant 128 : i32
    %add3A_64 = arith.addi %mul3A_14, %add3A_63 : i32
    %add3A_65 = arith.constant 0 : i32
    %add3A_66 = arith.addi %add3A_64, %add3A_65 : i32
    %add3A_67 = vector.broadcast %add3A_66 : i32 to vector<16xi32>
    %add3A_68 = arith.addi %add3A_67, %iota3A : vector<16xi32>
    %swap3A_69 = arith.constant 0 : index
    %swap3A_70 = tpu.vector_load %arg14[%swap3A_69] {strides = array<i32>} : memref<128xi32, #tpu.memory_space<vmem>>, vector<16xi32>,
    tpu.vector_store %arg14[%swap3A_69], %add3A_68 {strides = array<i32>} : memref<128xi32, #tpu.memory_space<vmem>>, vector<16xi32>,
    %add3A_71 = arith.constant 16 : i32
    %add3A_72 = arith.addi %add3A_64, %add3A_71 : i32
    %add3A_73 = vector.broadcast %add3A_72 : i32 to vector<16xi32>
    %add3A_74 = arith.addi %add3A_73, %iota3A : vector<16xi32>
    %swap3A_75 = arith.constant 16 : index
    %swap3A_76 = tpu.vector_load %arg14[%swap3A_75] {strides = array<i32>} : memref<128xi32, #tpu.memory_space<vmem>>, vector<16xi32>,
    tpu.vector_store %arg14[%swap3A_75], %add3A_74 {strides = array<i32>} : memref<128xi32, #tpu.memory_space<vmem>>, vector<16xi32>,
    %add3A_77 = arith.constant 32 : i32
    %add3A_78 = arith.addi %add3A_64, %add3A_77 : i32
    %add3A_79 = vector.broadcast %add3A_78 : i32 to vector<16xi32>
    %add3A_80 = arith.addi %add3A_79, %iota3A : vector<16xi32>
    %swap3A_81 = arith.constant 32 : index
    %swap3A_82 = tpu.vector_load %arg14[%swap3A_81] {strides = array<i32>} : memref<128xi32, #tpu.memory_space<vmem>>, vector<16xi32>,
    tpu.vector_store %arg14[%swap3A_81], %add3A_80 {strides = array<i32>} : memref<128xi32, #tpu.memory_space<vmem>>, vector<16xi32>,
    %add3A_83 = arith.constant 48 : i32
    %add3A_84 = arith.addi %add3A_64, %add3A_83 : i32
    %add3A_85 = vector.broadcast %add3A_84 : i32 to vector<16xi32>
    %add3A_86 = arith.addi %add3A_85, %iota3A : vector<16xi32>
    %swap3A_87 = arith.constant 48 : index
    %swap3A_88 = tpu.vector_load %arg14[%swap3A_87] {strides = array<i32>} : memref<128xi32, #tpu.memory_space<vmem>>, vector<16xi32>,
    tpu.vector_store %arg14[%swap3A_87], %add3A_86 {strides = array<i32>} : memref<128xi32, #tpu.memory_space<vmem>>, vector<16xi32>,
    %add3A_89 = arith.constant 64 : i32
    %add3A_90 = arith.addi %add3A_64, %add3A_89 : i32
    %add3A_91 = vector.broadcast %add3A_90 : i32 to vector<16xi32>
    %add3A_92 = arith.addi %add3A_91, %iota3A : vector<16xi32>
    %swap3A_93 = arith.constant 64 : index
    %swap3A_94 = tpu.vector_load %arg14[%swap3A_93] {strides = array<i32>} : memref<128xi32, #tpu.memory_space<vmem>>, vector<16xi32>,
    tpu.vector_store %arg14[%swap3A_93], %add3A_92 {strides = array<i32>} : memref<128xi32, #tpu.memory_space<vmem>>, vector<16xi32>,
    %add3A_95 = arith.constant 80 : i32
    %add3A_96 = arith.addi %add3A_64, %add3A_95 : i32
    %add3A_97 = vector.broadcast %add3A_96 : i32 to vector<16xi32>
    %add3A_98 = arith.addi %add3A_97, %iota3A : vector<16xi32>
    %swap3A_99 = arith.constant 80 : index
    %swap3A_100 = tpu.vector_load %arg14[%swap3A_99] {strides = array<i32>} : memref<128xi32, #tpu.memory_space<vmem>>, vector<16xi32>,
    tpu.vector_store %arg14[%swap3A_99], %add3A_98 {strides = array<i32>} : memref<128xi32, #tpu.memory_space<vmem>>, vector<16xi32>,
    %add3A_101 = arith.constant 96 : i32
    %add3A_102 = arith.addi %add3A_64, %add3A_101 : i32
    %add3A_103 = vector.broadcast %add3A_102 : i32 to vector<16xi32>
    %add3A_104 = arith.addi %add3A_103, %iota3A : vector<16xi32>
    %swap3A_105 = arith.constant 96 : index
    %swap3A_106 = tpu.vector_load %arg14[%swap3A_105] {strides = array<i32>} : memref<128xi32, #tpu.memory_space<vmem>>, vector<16xi32>,
    tpu.vector_store %arg14[%swap3A_105], %add3A_104 {strides = array<i32>} : memref<128xi32, #tpu.memory_space<vmem>>, vector<16xi32>,
    %add3A_107 = arith.constant 112 : i32
    %add3A_108 = arith.addi %add3A_64, %add3A_107 : i32
    %add3A_109 = vector.broadcast %add3A_108 : i32 to vector<16xi32>
    %add3A_110 = arith.addi %add3A_109, %iota3A : vector<16xi32>
    %swap3A_111 = arith.constant 112 : index
    %swap3A_112 = tpu.vector_load %arg14[%swap3A_111] {strides = array<i32>} : memref<128xi32, #tpu.memory_space<vmem>>, vector<16xi32>,
    tpu.vector_store %arg14[%swap3A_111], %add3A_110 {strides = array<i32>} : memref<128xi32, #tpu.memory_space<vmem>>, vector<16xi32>,
    "tpu.region"() ({
      %run_scoped3A = tpu.sem_alloc : memref<!tpu.dma_semaphore, #tpu.memory_space<semaphore_mem>>
      %dma_start3A_385 = arith.constant 0 : i32
      %dma_start3A_386 = arith.constant 0 : i32
      %dma_start3A_387 = tpu.memref_slice %arg16[%dma_start3A_385, %dma_start3A_386] : memref<5120x64xf32, #tpu.memory_space<vmem_shared>> -> memref<5120x64xf32, #tpu.memory_space<vmem_shared>>
      tpu.enqueue_indirect_dma source(%arg10 : memref<128x64xf32, #tpu.memory_space<vmem>>) target(%dma_start3A_387 : memref<5120x64xf32, #tpu.memory_space<vmem_shared>>) offsets(%arg14 : memref<128xi32, #tpu.memory_space<vmem>>) semaphore(%run_scoped3A : memref<!tpu.dma_semaphore, #tpu.memory_space<semaphore_mem>>)
      %dma_wait3A_388 = arith.constant 0 : i32
      %dma_wait3A_389 = arith.constant 0 : i32
      %dma_wait3A_390 = tpu.memref_slice %arg16[%dma_wait3A_388, %dma_wait3A_389] : memref<5120x64xf32, #tpu.memory_space<vmem_shared>> -> memref<5120x64xf32, #tpu.memory_space<vmem_shared>>
      tpu.wait_indirect_dma semaphore(%run_scoped3A : memref<!tpu.dma_semaphore, #tpu.memory_space<semaphore_mem>>) src(%arg10 : memref<128x64xf32, #tpu.memory_space<vmem>>) dst(%dma_wait3A_390 : memref<5120x64xf32, #tpu.memory_space<vmem_shared>>)
      tpu.yield
    }) : () -> ()
    "tpu.region"() ({
      %run_scoped3A = tpu.sem_alloc : memref<!tpu.dma_semaphore, #tpu.memory_space<semaphore_mem>>
      %dma_start3A_385 = arith.constant 0 : i32
      %dma_start3A_386 = arith.constant 0 : i32
      %dma_start3A_387 = tpu.memref_slice %arg17[%dma_start3A_385, %dma_start3A_386] : memref<5120x16xf32, #tpu.memory_space<vmem_shared>> -> memref<5120x16xf32, #tpu.memory_space<vmem_shared>>
      tpu.enqueue_indirect_dma source(%arg13 : memref<128x16xf32, #tpu.memory_space<vmem>>) target(%dma_start3A_387 : memref<5120x16xf32, #tpu.memory_space<vmem_shared>>) offsets(%arg14 : memref<128xi32, #tpu.memory_space<vmem>>) semaphore(%run_scoped3A : memref<!tpu.dma_semaphore, #tpu.memory_space<semaphore_mem>>)
      %dma_wait3A_388 = arith.constant 0 : i32
      %dma_wait3A_389 = arith.constant 0 : i32
      %dma_wait3A_390 = tpu.memref_slice %arg17[%dma_wait3A_388, %dma_wait3A_389] : memref<5120x16xf32, #tpu.memory_space<vmem_shared>> -> memref<5120x16xf32, #tpu.memory_space<vmem_shared>>
      tpu.wait_indirect_dma semaphore(%run_scoped3A : memref<!tpu.dma_semaphore, #tpu.memory_space<semaphore_mem>>) src(%arg13 : memref<128x16xf32, #tpu.memory_space<vmem>>) dst(%dma_wait3A_390 : memref<5120x16xf32, #tpu.memory_space<vmem_shared>>)
      tpu.yield
    }) : () -> ()
    %add3A_113 = arith.constant 256 : i32
    %add3A_114 = arith.addi %mul3A_14, %add3A_113 : i32
    %add3A_115 = arith.constant 0 : i32
    %add3A_116 = arith.addi %add3A_114, %add3A_115 : i32
    %add3A_117 = vector.broadcast %add3A_116 : i32 to vector<16xi32>
    %add3A_118 = arith.addi %add3A_117, %iota3A : vector<16xi32>
    %swap3A_119 = arith.constant 0 : index
    %swap3A_120 = tpu.vector_load %arg14[%swap3A_119] {strides = array<i32>} : memref<128xi32, #tpu.memory_space<vmem>>, vector<16xi32>,
    tpu.vector_store %arg14[%swap3A_119], %add3A_118 {strides = array<i32>} : memref<128xi32, #tpu.memory_space<vmem>>, vector<16xi32>,
    %add3A_121 = arith.constant 16 : i32
    %add3A_122 = arith.addi %add3A_114, %add3A_121 : i32
    %add3A_123 = vector.broadcast %add3A_122 : i32 to vector<16xi32>
    %add3A_124 = arith.addi %add3A_123, %iota3A : vector<16xi32>
    %swap3A_125 = arith.constant 16 : index
    %swap3A_126 = tpu.vector_load %arg14[%swap3A_125] {strides = array<i32>} : memref<128xi32, #tpu.memory_space<vmem>>, vector<16xi32>,
    tpu.vector_store %arg14[%swap3A_125], %add3A_124 {strides = array<i32>} : memref<128xi32, #tpu.memory_space<vmem>>, vector<16xi32>,
    %add3A_127 = arith.constant 32 : i32
    %add3A_128 = arith.addi %add3A_114, %add3A_127 : i32
    %add3A_129 = vector.broadcast %add3A_128 : i32 to vector<16xi32>
    %add3A_130 = arith.addi %add3A_129, %iota3A : vector<16xi32>
    %swap3A_131 = arith.constant 32 : index
    %swap3A_132 = tpu.vector_load %arg14[%swap3A_131] {strides = array<i32>} : memref<128xi32, #tpu.memory_space<vmem>>, vector<16xi32>,
    tpu.vector_store %arg14[%swap3A_131], %add3A_130 {strides = array<i32>} : memref<128xi32, #tpu.memory_space<vmem>>, vector<16xi32>,
    %add3A_133 = arith.constant 48 : i32
    %add3A_134 = arith.addi %add3A_114, %add3A_133 : i32
    %add3A_135 = vector.broadcast %add3A_134 : i32 to vector<16xi32>
    %add3A_136 = arith.addi %add3A_135, %iota3A : vector<16xi32>
    %swap3A_137 = arith.constant 48 : index
    %swap3A_138 = tpu.vector_load %arg14[%swap3A_137] {strides = array<i32>} : memref<128xi32, #tpu.memory_space<vmem>>, vector<16xi32>,
    tpu.vector_store %arg14[%swap3A_137], %add3A_136 {strides = array<i32>} : memref<128xi32, #tpu.memory_space<vmem>>, vector<16xi32>,
    %add3A_139 = arith.constant 0 : i32
    %add3A_140 = arith.addi %add3A_114, %add3A_139 : i32
    %add3A_141 = vector.broadcast %add3A_140 : i32 to vector<16xi32>
    %add3A_142 = arith.addi %add3A_141, %iota3A : vector<16xi32>
    %swap3A_143 = arith.constant 64 : index
    %swap3A_144 = tpu.vector_load %arg14[%swap3A_143] {strides = array<i32>} : memref<128xi32, #tpu.memory_space<vmem>>, vector<16xi32>,
    tpu.vector_store %arg14[%swap3A_143], %add3A_142 {strides = array<i32>} : memref<128xi32, #tpu.memory_space<vmem>>, vector<16xi32>,
    %add3A_145 = arith.constant 16 : i32
    %add3A_146 = arith.addi %add3A_114, %add3A_145 : i32
    %add3A_147 = vector.broadcast %add3A_146 : i32 to vector<16xi32>
    %add3A_148 = arith.addi %add3A_147, %iota3A : vector<16xi32>
    %swap3A_149 = arith.constant 80 : index
    %swap3A_150 = tpu.vector_load %arg14[%swap3A_149] {strides = array<i32>} : memref<128xi32, #tpu.memory_space<vmem>>, vector<16xi32>,
    tpu.vector_store %arg14[%swap3A_149], %add3A_148 {strides = array<i32>} : memref<128xi32, #tpu.memory_space<vmem>>, vector<16xi32>,
    %add3A_151 = arith.constant 32 : i32
    %add3A_152 = arith.addi %add3A_114, %add3A_151 : i32
    %add3A_153 = vector.broadcast %add3A_152 : i32 to vector<16xi32>
    %add3A_154 = arith.addi %add3A_153, %iota3A : vector<16xi32>
    %swap3A_155 = arith.constant 96 : index
    %swap3A_156 = tpu.vector_load %arg14[%swap3A_155] {strides = array<i32>} : memref<128xi32, #tpu.memory_space<vmem>>, vector<16xi32>,
    tpu.vector_store %arg14[%swap3A_155], %add3A_154 {strides = array<i32>} : memref<128xi32, #tpu.memory_space<vmem>>, vector<16xi32>,
    %add3A_157 = arith.constant 48 : i32
    %add3A_158 = arith.addi %add3A_114, %add3A_157 : i32
    %add3A_159 = vector.broadcast %add3A_158 : i32 to vector<16xi32>
    %add3A_160 = arith.addi %add3A_159, %iota3A : vector<16xi32>
    %swap3A_161 = arith.constant 112 : index
    %swap3A_162 = tpu.vector_load %arg14[%swap3A_161] {strides = array<i32>} : memref<128xi32, #tpu.memory_space<vmem>>, vector<16xi32>,
    tpu.vector_store %arg14[%swap3A_161], %add3A_160 {strides = array<i32>} : memref<128xi32, #tpu.memory_space<vmem>>, vector<16xi32>,
    "tpu.region"() ({
      %run_scoped3A = tpu.sem_alloc : memref<!tpu.dma_semaphore, #tpu.memory_space<semaphore_mem>>
      %dma_start3A_385 = arith.constant 0 : i32
      %dma_start3A_386 = arith.constant 0 : i32
      %dma_start3A_387 = tpu.memref_slice %arg16[%dma_start3A_385, %dma_start3A_386] : memref<5120x64xf32, #tpu.memory_space<vmem_shared>> -> memref<5120x64xf32, #tpu.memory_space<vmem_shared>>
      tpu.enqueue_indirect_dma source(%arg10 : memref<128x64xf32, #tpu.memory_space<vmem>>) target(%dma_start3A_387 : memref<5120x64xf32, #tpu.memory_space<vmem_shared>>) offsets(%arg14 : memref<128xi32, #tpu.memory_space<vmem>>) semaphore(%run_scoped3A : memref<!tpu.dma_semaphore, #tpu.memory_space<semaphore_mem>>)
      %dma_wait3A_388 = arith.constant 0 : i32
      %dma_wait3A_389 = arith.constant 0 : i32
      %dma_wait3A_390 = tpu.memref_slice %arg16[%dma_wait3A_388, %dma_wait3A_389] : memref<5120x64xf32, #tpu.memory_space<vmem_shared>> -> memref<5120x64xf32, #tpu.memory_space<vmem_shared>>
      tpu.wait_indirect_dma semaphore(%run_scoped3A : memref<!tpu.dma_semaphore, #tpu.memory_space<semaphore_mem>>) src(%arg10 : memref<128x64xf32, #tpu.memory_space<vmem>>) dst(%dma_wait3A_390 : memref<5120x64xf32, #tpu.memory_space<vmem_shared>>)
      tpu.yield
    }) : () -> ()
    "tpu.region"() ({
      %run_scoped3A = tpu.sem_alloc : memref<!tpu.dma_semaphore, #tpu.memory_space<semaphore_mem>>
      %dma_start3A_385 = arith.constant 0 : i32
      %dma_start3A_386 = arith.constant 0 : i32
      %dma_start3A_387 = tpu.memref_slice %arg17[%dma_start3A_385, %dma_start3A_386] : memref<5120x16xf32, #tpu.memory_space<vmem_shared>> -> memref<5120x16xf32, #tpu.memory_space<vmem_shared>>
      tpu.enqueue_indirect_dma source(%arg13 : memref<128x16xf32, #tpu.memory_space<vmem>>) target(%dma_start3A_387 : memref<5120x16xf32, #tpu.memory_space<vmem_shared>>) offsets(%arg14 : memref<128xi32, #tpu.memory_space<vmem>>) semaphore(%run_scoped3A : memref<!tpu.dma_semaphore, #tpu.memory_space<semaphore_mem>>)
      %dma_wait3A_388 = arith.constant 0 : i32
      %dma_wait3A_389 = arith.constant 0 : i32
      %dma_wait3A_390 = tpu.memref_slice %arg17[%dma_wait3A_388, %dma_wait3A_389] : memref<5120x16xf32, #tpu.memory_space<vmem_shared>> -> memref<5120x16xf32, #tpu.memory_space<vmem_shared>>
      tpu.wait_indirect_dma semaphore(%run_scoped3A : memref<!tpu.dma_semaphore, #tpu.memory_space<semaphore_mem>>) src(%arg13 : memref<128x16xf32, #tpu.memory_space<vmem>>) dst(%dma_wait3A_390 : memref<5120x16xf32, #tpu.memory_space<vmem_shared>>)
      tpu.yield
    }) : () -> ()
    "tpu.region"() ({
      %run_scoped3A = tpu.sem_alloc : memref<!tpu.dma_semaphore, #tpu.memory_space<semaphore_mem>>
      %dma_start3A_385 = arith.constant 0 : i32
      %dma_start3A_386 = arith.constant 0 : i32
      %dma_start3A_387 = tpu.memref_slice %arg3[%arg0, %arg1, %dma_start3A_385, %dma_start3A_386] : memref<2x16x161x128xi32, #tpu.memory_space<hbm>> -> memref<1x1x161x128xi32, #tpu.memory_space<hbm>>
      %dma_start3A_388 = tpu.memref_squeeze %dma_start3A_387 : memref<1x1x161x128xi32, #tpu.memory_space<hbm>> -> memref<161x128xi32, #tpu.memory_space<hbm>>
      %dma_start3A_389 = arith.constant 0 : i32
      %dma_start3A_390 = arith.constant 0 : i32
      %dma_start3A_391 = tpu.memref_slice %arg3[%arg0, %arg1, %dma_start3A_389, %dma_start3A_390] : memref<2x16x161x128xi32, #tpu.memory_space<hbm>> -> memref<1x1x161x128xi32, #tpu.memory_space<hbm>>
      %dma_start3A_392 = tpu.memref_squeeze %dma_start3A_391 : memref<1x1x161x128xi32, #tpu.memory_space<hbm>> -> memref<161x128xi32, #tpu.memory_space<hbm>>
      tpu.enqueue_dma source(%dma_start3A_392 : memref<161x128xi32, #tpu.memory_space<hbm>>) target(%arg8 : memref<161x128xi32, #tpu.memory_space<vmem>>) target_semaphore(%run_scoped3A : memref<!tpu.dma_semaphore, #tpu.memory_space<semaphore_mem>>)
      %dma_wait3A_393 = arith.constant 0 : i32
      %dma_wait3A_394 = arith.constant 0 : i32
      %dma_wait3A_395 = tpu.memref_slice %arg3[%arg0, %arg1, %dma_wait3A_393, %dma_wait3A_394] : memref<2x16x161x128xi32, #tpu.memory_space<hbm>> -> memref<1x1x161x128xi32, #tpu.memory_space<hbm>>
      %dma_wait3A_396 = tpu.memref_squeeze %dma_wait3A_395 : memref<1x1x161x128xi32, #tpu.memory_space<hbm>> -> memref<161x128xi32, #tpu.memory_space<hbm>>
      %dma_wait3A_397 = arith.constant 0 : i32
      %dma_wait3A_398 = arith.constant 0 : i32
      %dma_wait3A_399 = tpu.memref_slice %arg3[%arg0, %arg1, %dma_wait3A_397, %dma_wait3A_398] : memref<2x16x161x128xi32, #tpu.memory_space<hbm>> -> memref<1x1x161x128xi32, #tpu.memory_space<hbm>>
      %dma_wait3A_400 = tpu.memref_squeeze %dma_wait3A_399 : memref<1x1x161x128xi32, #tpu.memory_space<hbm>> -> memref<161x128xi32, #tpu.memory_space<hbm>>
      tpu.wait_dma2 semaphore(%run_scoped3A : memref<!tpu.dma_semaphore, #tpu.memory_space<semaphore_mem>>) src(%dma_wait3A_400 : memref<161x128xi32, #tpu.memory_space<hbm>>) dst(%arg8 : memref<161x128xi32, #tpu.memory_space<vmem>>)
      tpu.yield
    }) : () -> ()
    "tpu.region"() ({
      %run_scoped3A = tpu.sem_alloc : memref<!tpu.dma_semaphore, #tpu.memory_space<semaphore_mem>>
      %dma_start3A_385 = arith.constant 0 : i32
      %dma_start3A_386 = arith.constant 0 : i32
      %dma_start3A_387 = tpu.memref_slice %arg4[%arg0, %arg1, %dma_start3A_385, %dma_start3A_386] : memref<2x16x161x128xi32, #tpu.memory_space<hbm>> -> memref<1x1x161x128xi32, #tpu.memory_space<hbm>>
      %dma_start3A_388 = tpu.memref_squeeze %dma_start3A_387 : memref<1x1x161x128xi32, #tpu.memory_space<hbm>> -> memref<161x128xi32, #tpu.memory_space<hbm>>
      %dma_start3A_389 = arith.constant 0 : i32
      %dma_start3A_390 = arith.constant 0 : i32
      %dma_start3A_391 = tpu.memref_slice %arg4[%arg0, %arg1, %dma_start3A_389, %dma_start3A_390] : memref<2x16x161x128xi32, #tpu.memory_space<hbm>> -> memref<1x1x161x128xi32, #tpu.memory_space<hbm>>
      %dma_start3A_392 = tpu.memref_squeeze %dma_start3A_391 : memref<1x1x161x128xi32, #tpu.memory_space<hbm>> -> memref<161x128xi32, #tpu.memory_space<hbm>>
      tpu.enqueue_dma source(%dma_start3A_392 : memref<161x128xi32, #tpu.memory_space<hbm>>) target(%arg9 : memref<161x128xi32, #tpu.memory_space<vmem>>) target_semaphore(%run_scoped3A : memref<!tpu.dma_semaphore, #tpu.memory_space<semaphore_mem>>)
      %dma_wait3A_393 = arith.constant 0 : i32
      %dma_wait3A_394 = arith.constant 0 : i32
      %dma_wait3A_395 = tpu.memref_slice %arg4[%arg0, %arg1, %dma_wait3A_393, %dma_wait3A_394] : memref<2x16x161x128xi32, #tpu.memory_space<hbm>> -> memref<1x1x161x128xi32, #tpu.memory_space<hbm>>
      %dma_wait3A_396 = tpu.memref_squeeze %dma_wait3A_395 : memref<1x1x161x128xi32, #tpu.memory_space<hbm>> -> memref<161x128xi32, #tpu.memory_space<hbm>>
      %dma_wait3A_397 = arith.constant 0 : i32
      %dma_wait3A_398 = arith.constant 0 : i32
      %dma_wait3A_399 = tpu.memref_slice %arg4[%arg0, %arg1, %dma_wait3A_397, %dma_wait3A_398] : memref<2x16x161x128xi32, #tpu.memory_space<hbm>> -> memref<1x1x161x128xi32, #tpu.memory_space<hbm>>
      %dma_wait3A_400 = tpu.memref_squeeze %dma_wait3A_399 : memref<1x1x161x128xi32, #tpu.memory_space<hbm>> -> memref<161x128xi32, #tpu.memory_space<hbm>>
      tpu.wait_dma2 semaphore(%run_scoped3A : memref<!tpu.dma_semaphore, #tpu.memory_space<semaphore_mem>>) src(%dma_wait3A_400 : memref<161x128xi32, #tpu.memory_space<hbm>>) dst(%arg9 : memref<161x128xi32, #tpu.memory_space<vmem>>)
      tpu.yield
    }) : () -> ()
    %dma_start3A = arith.constant 0 : i32
    %dma_start3A_163 = tpu.memref_slice %arg5[%arg0, %arg1, %dma_start3A] : memref<2x16x16xi32, #tpu.memory_space<hbm>> -> memref<1x1x16xi32, #tpu.memory_space<hbm>>
    %dma_start3A_164 = tpu.memref_squeeze %dma_start3A_163 : memref<1x1x16xi32, #tpu.memory_space<hbm>> -> memref<16xi32, #tpu.memory_space<hbm>>
    %dma_start3A_165 = arith.constant 0 : i32
    %dma_start3A_166 = tpu.memref_slice %arg5[%arg0, %arg1, %dma_start3A_165] : memref<2x16x16xi32, #tpu.memory_space<hbm>> -> memref<1x1x16xi32, #tpu.memory_space<hbm>>
    %dma_start3A_167 = tpu.memref_squeeze %dma_start3A_166 : memref<1x1x16xi32, #tpu.memory_space<hbm>> -> memref<16xi32, #tpu.memory_space<hbm>>
    tpu.enqueue_dma source(%dma_start3A_167 : memref<16xi32, #tpu.memory_space<hbm>>) target(%arg15 : memref<16xi32, #tpu.memory_space<vmem>>) target_semaphore(%arg18 : memref<!tpu.dma_semaphore, #tpu.memory_space<semaphore_mem>>)
    %dma_wait3A = arith.constant 0 : i32
    %dma_wait3A_168 = tpu.memref_slice %arg5[%arg0, %arg1, %dma_wait3A] : memref<2x16x16xi32, #tpu.memory_space<hbm>> -> memref<1x1x16xi32, #tpu.memory_space<hbm>>
    %dma_wait3A_169 = tpu.memref_squeeze %dma_wait3A_168 : memref<1x1x16xi32, #tpu.memory_space<hbm>> -> memref<16xi32, #tpu.memory_space<hbm>>
    %dma_wait3A_170 = arith.constant 0 : i32
    %dma_wait3A_171 = tpu.memref_slice %arg5[%arg0, %arg1, %dma_wait3A_170] : memref<2x16x16xi32, #tpu.memory_space<hbm>> -> memref<1x1x16xi32, #tpu.memory_space<hbm>>
    %dma_wait3A_172 = tpu.memref_squeeze %dma_wait3A_171 : memref<1x1x16xi32, #tpu.memory_space<hbm>> -> memref<16xi32, #tpu.memory_space<hbm>>
    tpu.wait_dma2 semaphore(%arg18 : memref<!tpu.dma_semaphore, #tpu.memory_space<semaphore_mem>>) src(%dma_wait3A_172 : memref<16xi32, #tpu.memory_space<hbm>>) dst(%arg15 : memref<16xi32, #tpu.memory_space<vmem>>)
    %get3A = arith.constant 0 : index
    %get3A_173 = tpu.vector_load %arg15[%get3A] {strides = array<i32>} : memref<16xi32, #tpu.memory_space<vmem>>, vector<16xi32>,
    %slice3A = vector.extract_strided_slice %get3A_173 {offsets = [0], sizes = [1], strides = [1]} : vector<16xi32> to vector<1xi32>
    %squeeze3A = vector.extract %slice3A[0] : i32 from vector<1xi32>
    %barrier3A = arith.constant 0 : index
    tpu.barrier barrier_id(%barrier3A)
    %while3A = arith.constant 0 : i32
    %while3A_174 = arith.constant 0 : i32
    %while3A_175 = arith.subi %squeeze3A, %while3A_174 : i32
    %while3A_176 = arith.addi %while3A_174, %while3A_175 : i32
    %while3A_177 = arith.constant 1 : i32
    %while3A_178 = arith.divsi %while3A_175, %while3A_177 : i32
    %while3A_179 = arith.muli %while3A_178, %while3A_177 : i32
    %while3A_180 = arith.addi %while3A_174, %while3A_179 : i32
    %while3A_181 = arith.constant 1 : i32
    scf.for %while3A_385 = %while3A_174 to %while3A_180 step %while3A_181  : i32 {
      %get3A_386 = arith.index_cast %while3A_385 : i32 to index
      %get3A_387 = arith.constant 0 : index
      %get3A_388 = tpu.vector_load %arg8[%get3A_386, %get3A_387] {strides = array<i32>} : memref<161x128xi32, #tpu.memory_space<vmem>>, vector<16xi32>,
      %mul3A_389 = arith.constant 2 : i32
      %mul3A_390 = vector.broadcast %mul3A_389 : i32 to vector<16xi32>
      %mul3A_391 = arith.muli %get3A_388, %mul3A_390 : vector<16xi32>
      %add3A_392 = arith.constant 0 : i32
      %add3A_393 = vector.broadcast %add3A_392 : i32 to vector<16xi32>
      %add3A_394 = arith.addi %mul3A_391, %add3A_393 : vector<16xi32>
      %swap3A_395 = arith.constant 0 : index
      %swap3A_396 = tpu.vector_load %arg11[%swap3A_395] {strides = array<i32>} : memref<128xi32, #tpu.memory_space<vmem>>, vector<16xi32>,
      tpu.vector_store %arg11[%swap3A_395], %add3A_394 {strides = array<i32>} : memref<128xi32, #tpu.memory_space<vmem>>, vector<16xi32>,
      %get3A_397 = arith.index_cast %while3A_385 : i32 to index
      %get3A_398 = arith.constant 16 : index
      %get3A_399 = tpu.vector_load %arg8[%get3A_397, %get3A_398] {strides = array<i32>} : memref<161x128xi32, #tpu.memory_space<vmem>>, vector<16xi32>,
      %mul3A_400 = arith.constant 2 : i32
      %mul3A_401 = vector.broadcast %mul3A_400 : i32 to vector<16xi32>
      %mul3A_402 = arith.muli %get3A_399, %mul3A_401 : vector<16xi32>
      %add3A_403 = arith.constant 0 : i32
      %add3A_404 = vector.broadcast %add3A_403 : i32 to vector<16xi32>
      %add3A_405 = arith.addi %mul3A_402, %add3A_404 : vector<16xi32>
      %swap3A_406 = arith.constant 16 : index
      %swap3A_407 = tpu.vector_load %arg11[%swap3A_406] {strides = array<i32>} : memref<128xi32, #tpu.memory_space<vmem>>, vector<16xi32>,
      tpu.vector_store %arg11[%swap3A_406], %add3A_405 {strides = array<i32>} : memref<128xi32, #tpu.memory_space<vmem>>, vector<16xi32>,
      %get3A_408 = arith.index_cast %while3A_385 : i32 to index
      %get3A_409 = arith.constant 32 : index
      %get3A_410 = tpu.vector_load %arg8[%get3A_408, %get3A_409] {strides = array<i32>} : memref<161x128xi32, #tpu.memory_space<vmem>>, vector<16xi32>,
      %mul3A_411 = arith.constant 2 : i32
      %mul3A_412 = vector.broadcast %mul3A_411 : i32 to vector<16xi32>
      %mul3A_413 = arith.muli %get3A_410, %mul3A_412 : vector<16xi32>
      %add3A_414 = arith.constant 0 : i32
      %add3A_415 = vector.broadcast %add3A_414 : i32 to vector<16xi32>
      %add3A_416 = arith.addi %mul3A_413, %add3A_415 : vector<16xi32>
      %swap3A_417 = arith.constant 32 : index
      %swap3A_418 = tpu.vector_load %arg11[%swap3A_417] {strides = array<i32>} : memref<128xi32, #tpu.memory_space<vmem>>, vector<16xi32>,
      tpu.vector_store %arg11[%swap3A_417], %add3A_416 {strides = array<i32>} : memref<128xi32, #tpu.memory_space<vmem>>, vector<16xi32>,
      %get3A_419 = arith.index_cast %while3A_385 : i32 to index
      %get3A_420 = arith.constant 48 : index
      %get3A_421 = tpu.vector_load %arg8[%get3A_419, %get3A_420] {strides = array<i32>} : memref<161x128xi32, #tpu.memory_space<vmem>>, vector<16xi32>,
      %mul3A_422 = arith.constant 2 : i32
      %mul3A_423 = vector.broadcast %mul3A_422 : i32 to vector<16xi32>
      %mul3A_424 = arith.muli %get3A_421, %mul3A_423 : vector<16xi32>
      %add3A_425 = arith.constant 0 : i32
      %add3A_426 = vector.broadcast %add3A_425 : i32 to vector<16xi32>
      %add3A_427 = arith.addi %mul3A_424, %add3A_426 : vector<16xi32>
      %swap3A_428 = arith.constant 48 : index
      %swap3A_429 = tpu.vector_load %arg11[%swap3A_428] {strides = array<i32>} : memref<128xi32, #tpu.memory_space<vmem>>, vector<16xi32>,
      tpu.vector_store %arg11[%swap3A_428], %add3A_427 {strides = array<i32>} : memref<128xi32, #tpu.memory_space<vmem>>, vector<16xi32>,
      %get3A_430 = arith.index_cast %while3A_385 : i32 to index
      %get3A_431 = arith.constant 64 : index
      %get3A_432 = tpu.vector_load %arg8[%get3A_430, %get3A_431] {strides = array<i32>} : memref<161x128xi32, #tpu.memory_space<vmem>>, vector<16xi32>,
      %mul3A_433 = arith.constant 2 : i32
      %mul3A_434 = vector.broadcast %mul3A_433 : i32 to vector<16xi32>
      %mul3A_435 = arith.muli %get3A_432, %mul3A_434 : vector<16xi32>
      %add3A_436 = arith.constant 0 : i32
      %add3A_437 = vector.broadcast %add3A_436 : i32 to vector<16xi32>
      %add3A_438 = arith.addi %mul3A_435, %add3A_437 : vector<16xi32>
      %swap3A_439 = arith.constant 64 : index
      %swap3A_440 = tpu.vector_load %arg11[%swap3A_439] {strides = array<i32>} : memref<128xi32, #tpu.memory_space<vmem>>, vector<16xi32>,
      tpu.vector_store %arg11[%swap3A_439], %add3A_438 {strides = array<i32>} : memref<128xi32, #tpu.memory_space<vmem>>, vector<16xi32>,
      %get3A_441 = arith.index_cast %while3A_385 : i32 to index
      %get3A_442 = arith.constant 80 : index
      %get3A_443 = tpu.vector_load %arg8[%get3A_441, %get3A_442] {strides = array<i32>} : memref<161x128xi32, #tpu.memory_space<vmem>>, vector<16xi32>,
      %mul3A_444 = arith.constant 2 : i32
      %mul3A_445 = vector.broadcast %mul3A_444 : i32 to vector<16xi32>
      %mul3A_446 = arith.muli %get3A_443, %mul3A_445 : vector<16xi32>
      %add3A_447 = arith.constant 0 : i32
      %add3A_448 = vector.broadcast %add3A_447 : i32 to vector<16xi32>
      %add3A_449 = arith.addi %mul3A_446, %add3A_448 : vector<16xi32>
      %swap3A_450 = arith.constant 80 : index
      %swap3A_451 = tpu.vector_load %arg11[%swap3A_450] {strides = array<i32>} : memref<128xi32, #tpu.memory_space<vmem>>, vector<16xi32>,
      tpu.vector_store %arg11[%swap3A_450], %add3A_449 {strides = array<i32>} : memref<128xi32, #tpu.memory_space<vmem>>, vector<16xi32>,
      %get3A_452 = arith.index_cast %while3A_385 : i32 to index
      %get3A_453 = arith.constant 96 : index
      %get3A_454 = tpu.vector_load %arg8[%get3A_452, %get3A_453] {strides = array<i32>} : memref<161x128xi32, #tpu.memory_space<vmem>>, vector<16xi32>,
      %mul3A_455 = arith.constant 2 : i32
      %mul3A_456 = vector.broadcast %mul3A_455 : i32 to vector<16xi32>
      %mul3A_457 = arith.muli %get3A_454, %mul3A_456 : vector<16xi32>
      %add3A_458 = arith.constant 0 : i32
      %add3A_459 = vector.broadcast %add3A_458 : i32 to vector<16xi32>
      %add3A_460 = arith.addi %mul3A_457, %add3A_459 : vector<16xi32>
      %swap3A_461 = arith.constant 96 : index
      %swap3A_462 = tpu.vector_load %arg11[%swap3A_461] {strides = array<i32>} : memref<128xi32, #tpu.memory_space<vmem>>, vector<16xi32>,
      tpu.vector_store %arg11[%swap3A_461], %add3A_460 {strides = array<i32>} : memref<128xi32, #tpu.memory_space<vmem>>, vector<16xi32>,
      %get3A_463 = arith.index_cast %while3A_385 : i32 to index
      %get3A_464 = arith.constant 112 : index
      %get3A_465 = tpu.vector_load %arg8[%get3A_463, %get3A_464] {strides = array<i32>} : memref<161x128xi32, #tpu.memory_space<vmem>>, vector<16xi32>,
      %mul3A_466 = arith.constant 2 : i32
      %mul3A_467 = vector.broadcast %mul3A_466 : i32 to vector<16xi32>
      %mul3A_468 = arith.muli %get3A_465, %mul3A_467 : vector<16xi32>
      %add3A_469 = arith.constant 0 : i32
      %add3A_470 = vector.broadcast %add3A_469 : i32 to vector<16xi32>
      %add3A_471 = arith.addi %mul3A_468, %add3A_470 : vector<16xi32>
      %swap3A_472 = arith.constant 112 : index
      %swap3A_473 = tpu.vector_load %arg11[%swap3A_472] {strides = array<i32>} : memref<128xi32, #tpu.memory_space<vmem>>, vector<16xi32>,
      tpu.vector_store %arg11[%swap3A_472], %add3A_471 {strides = array<i32>} : memref<128xi32, #tpu.memory_space<vmem>>, vector<16xi32>,
      %dma_start3A_474 = arith.constant 0 : i32
      %dma_start3A_475 = arith.constant 0 : i32
      %dma_start3A_476 = tpu.memref_slice %arg2[%dma_start3A_474, %dma_start3A_475] : memref<20000x64xf32, #tpu.memory_space<hbm>> -> memref<20000x64xf32, #tpu.memory_space<hbm>>
      tpu.enqueue_indirect_dma source(%dma_start3A_476 : memref<20000x64xf32, #tpu.memory_space<hbm>>) target(%arg10 : memref<128x64xf32, #tpu.memory_space<vmem>>) offsets(%arg11 : memref<128xi32, #tpu.memory_space<vmem>>) semaphore(%arg18 : memref<!tpu.dma_semaphore, #tpu.memory_space<semaphore_mem>>)
      %dma_wait3A_477 = arith.constant 0 : i32
      %dma_wait3A_478 = arith.constant 0 : i32
      %dma_wait3A_479 = tpu.memref_slice %arg2[%dma_wait3A_477, %dma_wait3A_478] : memref<20000x64xf32, #tpu.memory_space<hbm>> -> memref<20000x64xf32, #tpu.memory_space<hbm>>
      tpu.wait_indirect_dma semaphore(%arg18 : memref<!tpu.dma_semaphore, #tpu.memory_space<semaphore_mem>>) src(%dma_wait3A_479 : memref<20000x64xf32, #tpu.memory_space<hbm>>) dst(%arg10 : memref<128x64xf32, #tpu.memory_space<vmem>>)
      "tpu.region"() ({
        %run_scoped3A = tpu.sem_alloc : memref<!tpu.dma_semaphore, #tpu.memory_space<semaphore_mem>>
        %dma_start3A_480 = arith.constant 0 : i32
        %dma_start3A_481 = tpu.memref_slice %arg9[%while3A_385, %dma_start3A_480] : memref<161x128xi32, #tpu.memory_space<vmem>> -> memref<1x128xi32, #tpu.memory_space<vmem>>
        %dma_start3A_482 = tpu.memref_squeeze %dma_start3A_481 : memref<1x128xi32, #tpu.memory_space<vmem>> -> memref<128xi32, #tpu.memory_space<vmem>>
        %dma_start3A_483 = arith.constant 0 : i32
        %dma_start3A_484 = arith.constant 0 : i32
        %dma_start3A_485 = tpu.memref_slice %arg16[%dma_start3A_483, %dma_start3A_484] : memref<5120x64xf32, #tpu.memory_space<vmem_shared>> -> memref<5120x64xf32, #tpu.memory_space<vmem_shared>>
        tpu.enqueue_indirect_dma source(%arg10 : memref<128x64xf32, #tpu.memory_space<vmem>>) target(%dma_start3A_485 : memref<5120x64xf32, #tpu.memory_space<vmem_shared>>) offsets(%dma_start3A_482 : memref<128xi32, #tpu.memory_space<vmem>>) semaphore(%run_scoped3A : memref<!tpu.dma_semaphore, #tpu.memory_space<semaphore_mem>>) {add = true}
        %dma_wait3A_486 = arith.constant 0 : i32
        %dma_wait3A_487 = tpu.memref_slice %arg9[%while3A_385, %dma_wait3A_486] : memref<161x128xi32, #tpu.memory_space<vmem>> -> memref<1x128xi32, #tpu.memory_space<vmem>>
        %dma_wait3A_488 = tpu.memref_squeeze %dma_wait3A_487 : memref<1x128xi32, #tpu.memory_space<vmem>> -> memref<128xi32, #tpu.memory_space<vmem>>
        %dma_wait3A_489 = arith.constant 0 : i32
        %dma_wait3A_490 = arith.constant 0 : i32
        %dma_wait3A_491 = tpu.memref_slice %arg16[%dma_wait3A_489, %dma_wait3A_490] : memref<5120x64xf32, #tpu.memory_space<vmem_shared>> -> memref<5120x64xf32, #tpu.memory_space<vmem_shared>>
        tpu.wait_indirect_dma semaphore(%run_scoped3A : memref<!tpu.dma_semaphore, #tpu.memory_space<semaphore_mem>>) src(%arg10 : memref<128x64xf32, #tpu.memory_space<vmem>>) dst(%dma_wait3A_491 : memref<5120x64xf32, #tpu.memory_space<vmem_shared>>)
        tpu.yield
      }) : () -> ()
      "tpu.region"() ({
        %run_scoped3A = tpu.sem_alloc : memref<!tpu.dma_semaphore, #tpu.memory_space<semaphore_mem>>
        %dma_start3A_480 = arith.constant 0 : i32
        %dma_start3A_481 = tpu.memref_slice %arg9[%while3A_385, %dma_start3A_480] : memref<161x128xi32, #tpu.memory_space<vmem>> -> memref<1x128xi32, #tpu.memory_space<vmem>>
        %dma_start3A_482 = tpu.memref_squeeze %dma_start3A_481 : memref<1x128xi32, #tpu.memory_space<vmem>> -> memref<128xi32, #tpu.memory_space<vmem>>
        %dma_start3A_483 = arith.constant 0 : i32
        %dma_start3A_484 = arith.constant 0 : i32
        %dma_start3A_485 = tpu.memref_slice %arg17[%dma_start3A_483, %dma_start3A_484] : memref<5120x16xf32, #tpu.memory_space<vmem_shared>> -> memref<5120x16xf32, #tpu.memory_space<vmem_shared>>
        tpu.enqueue_indirect_dma source(%arg12 : memref<128x16xf32, #tpu.memory_space<vmem>>) target(%dma_start3A_485 : memref<5120x16xf32, #tpu.memory_space<vmem_shared>>) offsets(%dma_start3A_482 : memref<128xi32, #tpu.memory_space<vmem>>) semaphore(%run_scoped3A : memref<!tpu.dma_semaphore, #tpu.memory_space<semaphore_mem>>) {add = true}
        %dma_wait3A_486 = arith.constant 0 : i32
        %dma_wait3A_487 = tpu.memref_slice %arg9[%while3A_385, %dma_wait3A_486] : memref<161x128xi32, #tpu.memory_space<vmem>> -> memref<1x128xi32, #tpu.memory_space<vmem>>
        %dma_wait3A_488 = tpu.memref_squeeze %dma_wait3A_487 : memref<1x128xi32, #tpu.memory_space<vmem>> -> memref<128xi32, #tpu.memory_space<vmem>>
        %dma_wait3A_489 = arith.constant 0 : i32
        %dma_wait3A_490 = arith.constant 0 : i32
        %dma_wait3A_491 = tpu.memref_slice %arg17[%dma_wait3A_489, %dma_wait3A_490] : memref<5120x16xf32, #tpu.memory_space<vmem_shared>> -> memref<5120x16xf32, #tpu.memory_space<vmem_shared>>
        tpu.wait_indirect_dma semaphore(%run_scoped3A : memref<!tpu.dma_semaphore, #tpu.memory_space<semaphore_mem>>) src(%arg12 : memref<128x16xf32, #tpu.memory_space<vmem>>) dst(%dma_wait3A_491 : memref<5120x16xf32, #tpu.memory_space<vmem_shared>>)
        tpu.yield
      }) : () -> ()
    }
    %while3A_182 = arith.constant 1 : i32
    scf.for %while3A_385 = %while3A_180 to %while3A_176 step %while3A_182  : i32 {
      %get3A_386 = arith.index_cast %while3A_385 : i32 to index
      %get3A_387 = arith.constant 0 : index
      %get3A_388 = tpu.vector_load %arg8[%get3A_386, %get3A_387] {strides = array<i32>} : memref<161x128xi32, #tpu.memory_space<vmem>>, vector<16xi32>,
      %mul3A_389 = arith.constant 2 : i32
      %mul3A_390 = vector.broadcast %mul3A_389 : i32 to vector<16xi32>
      %mul3A_391 = arith.muli %get3A_388, %mul3A_390 : vector<16xi32>
      %add3A_392 = arith.constant 0 : i32
      %add3A_393 = vector.broadcast %add3A_392 : i32 to vector<16xi32>
      %add3A_394 = arith.addi %mul3A_391, %add3A_393 : vector<16xi32>
      %swap3A_395 = arith.constant 0 : index
      %swap3A_396 = tpu.vector_load %arg11[%swap3A_395] {strides = array<i32>} : memref<128xi32, #tpu.memory_space<vmem>>, vector<16xi32>,
      tpu.vector_store %arg11[%swap3A_395], %add3A_394 {strides = array<i32>} : memref<128xi32, #tpu.memory_space<vmem>>, vector<16xi32>,
      %get3A_397 = arith.index_cast %while3A_385 : i32 to index
      %get3A_398 = arith.constant 16 : index
      %get3A_399 = tpu.vector_load %arg8[%get3A_397, %get3A_398] {strides = array<i32>} : memref<161x128xi32, #tpu.memory_space<vmem>>, vector<16xi32>,
      %mul3A_400 = arith.constant 2 : i32
      %mul3A_401 = vector.broadcast %mul3A_400 : i32 to vector<16xi32>
      %mul3A_402 = arith.muli %get3A_399, %mul3A_401 : vector<16xi32>
      %add3A_403 = arith.constant 0 : i32
      %add3A_404 = vector.broadcast %add3A_403 : i32 to vector<16xi32>
      %add3A_405 = arith.addi %mul3A_402, %add3A_404 : vector<16xi32>
      %swap3A_406 = arith.constant 16 : index
      %swap3A_407 = tpu.vector_load %arg11[%swap3A_406] {strides = array<i32>} : memref<128xi32, #tpu.memory_space<vmem>>, vector<16xi32>,
      tpu.vector_store %arg11[%swap3A_406], %add3A_405 {strides = array<i32>} : memref<128xi32, #tpu.memory_space<vmem>>, vector<16xi32>,
      %get3A_408 = arith.index_cast %while3A_385 : i32 to index
      %get3A_409 = arith.constant 32 : index
      %get3A_410 = tpu.vector_load %arg8[%get3A_408, %get3A_409] {strides = array<i32>} : memref<161x128xi32, #tpu.memory_space<vmem>>, vector<16xi32>,
      %mul3A_411 = arith.constant 2 : i32
      %mul3A_412 = vector.broadcast %mul3A_411 : i32 to vector<16xi32>
      %mul3A_413 = arith.muli %get3A_410, %mul3A_412 : vector<16xi32>
      %add3A_414 = arith.constant 0 : i32
      %add3A_415 = vector.broadcast %add3A_414 : i32 to vector<16xi32>
      %add3A_416 = arith.addi %mul3A_413, %add3A_415 : vector<16xi32>
      %swap3A_417 = arith.constant 32 : index
      %swap3A_418 = tpu.vector_load %arg11[%swap3A_417] {strides = array<i32>} : memref<128xi32, #tpu.memory_space<vmem>>, vector<16xi32>,
      tpu.vector_store %arg11[%swap3A_417], %add3A_416 {strides = array<i32>} : memref<128xi32, #tpu.memory_space<vmem>>, vector<16xi32>,
      %get3A_419 = arith.index_cast %while3A_385 : i32 to index
      %get3A_420 = arith.constant 48 : index
      %get3A_421 = tpu.vector_load %arg8[%get3A_419, %get3A_420] {strides = array<i32>} : memref<161x128xi32, #tpu.memory_space<vmem>>, vector<16xi32>,
      %mul3A_422 = arith.constant 2 : i32
      %mul3A_423 = vector.broadcast %mul3A_422 : i32 to vector<16xi32>
      %mul3A_424 = arith.muli %get3A_421, %mul3A_423 : vector<16xi32>
      %add3A_425 = arith.constant 0 : i32
      %add3A_426 = vector.broadcast %add3A_425 : i32 to vector<16xi32>
      %add3A_427 = arith.addi %mul3A_424, %add3A_426 : vector<16xi32>
      %swap3A_428 = arith.constant 48 : index
      %swap3A_429 = tpu.vector_load %arg11[%swap3A_428] {strides = array<i32>} : memref<128xi32, #tpu.memory_space<vmem>>, vector<16xi32>,
      tpu.vector_store %arg11[%swap3A_428], %add3A_427 {strides = array<i32>} : memref<128xi32, #tpu.memory_space<vmem>>, vector<16xi32>,
      %get3A_430 = arith.index_cast %while3A_385 : i32 to index
      %get3A_431 = arith.constant 64 : index
      %get3A_432 = tpu.vector_load %arg8[%get3A_430, %get3A_431] {strides = array<i32>} : memref<161x128xi32, #tpu.memory_space<vmem>>, vector<16xi32>,
      %mul3A_433 = arith.constant 2 : i32
      %mul3A_434 = vector.broadcast %mul3A_433 : i32 to vector<16xi32>
      %mul3A_435 = arith.muli %get3A_432, %mul3A_434 : vector<16xi32>
      %add3A_436 = arith.constant 0 : i32
      %add3A_437 = vector.broadcast %add3A_436 : i32 to vector<16xi32>
      %add3A_438 = arith.addi %mul3A_435, %add3A_437 : vector<16xi32>
      %swap3A_439 = arith.constant 64 : index
      %swap3A_440 = tpu.vector_load %arg11[%swap3A_439] {strides = array<i32>} : memref<128xi32, #tpu.memory_space<vmem>>, vector<16xi32>,
      tpu.vector_store %arg11[%swap3A_439], %add3A_438 {strides = array<i32>} : memref<128xi32, #tpu.memory_space<vmem>>, vector<16xi32>,
      %get3A_441 = arith.index_cast %while3A_385 : i32 to index
      %get3A_442 = arith.constant 80 : index
      %get3A_443 = tpu.vector_load %arg8[%get3A_441, %get3A_442] {strides = array<i32>} : memref<161x128xi32, #tpu.memory_space<vmem>>, vector<16xi32>,
      %mul3A_444 = arith.constant 2 : i32
      %mul3A_445 = vector.broadcast %mul3A_444 : i32 to vector<16xi32>
      %mul3A_446 = arith.muli %get3A_443, %mul3A_445 : vector<16xi32>
      %add3A_447 = arith.constant 0 : i32
      %add3A_448 = vector.broadcast %add3A_447 : i32 to vector<16xi32>
      %add3A_449 = arith.addi %mul3A_446, %add3A_448 : vector<16xi32>
      %swap3A_450 = arith.constant 80 : index
      %swap3A_451 = tpu.vector_load %arg11[%swap3A_450] {strides = array<i32>} : memref<128xi32, #tpu.memory_space<vmem>>, vector<16xi32>,
      tpu.vector_store %arg11[%swap3A_450], %add3A_449 {strides = array<i32>} : memref<128xi32, #tpu.memory_space<vmem>>, vector<16xi32>,
      %get3A_452 = arith.index_cast %while3A_385 : i32 to index
      %get3A_453 = arith.constant 96 : index
      %get3A_454 = tpu.vector_load %arg8[%get3A_452, %get3A_453] {strides = array<i32>} : memref<161x128xi32, #tpu.memory_space<vmem>>, vector<16xi32>,
      %mul3A_455 = arith.constant 2 : i32
      %mul3A_456 = vector.broadcast %mul3A_455 : i32 to vector<16xi32>
      %mul3A_457 = arith.muli %get3A_454, %mul3A_456 : vector<16xi32>
      %add3A_458 = arith.constant 0 : i32
      %add3A_459 = vector.broadcast %add3A_458 : i32 to vector<16xi32>
      %add3A_460 = arith.addi %mul3A_457, %add3A_459 : vector<16xi32>
      %swap3A_461 = arith.constant 96 : index
      %swap3A_462 = tpu.vector_load %arg11[%swap3A_461] {strides = array<i32>} : memref<128xi32, #tpu.memory_space<vmem>>, vector<16xi32>,
      tpu.vector_store %arg11[%swap3A_461], %add3A_460 {strides = array<i32>} : memref<128xi32, #tpu.memory_space<vmem>>, vector<16xi32>,
      %get3A_463 = arith.index_cast %while3A_385 : i32 to index
      %get3A_464 = arith.constant 112 : index
      %get3A_465 = tpu.vector_load %arg8[%get3A_463, %get3A_464] {strides = array<i32>} : memref<161x128xi32, #tpu.memory_space<vmem>>, vector<16xi32>,
      %mul3A_466 = arith.constant 2 : i32
      %mul3A_467 = vector.broadcast %mul3A_466 : i32 to vector<16xi32>
      %mul3A_468 = arith.muli %get3A_465, %mul3A_467 : vector<16xi32>
      %add3A_469 = arith.constant 0 : i32
      %add3A_470 = vector.broadcast %add3A_469 : i32 to vector<16xi32>
      %add3A_471 = arith.addi %mul3A_468, %add3A_470 : vector<16xi32>
      %swap3A_472 = arith.constant 112 : index
      %swap3A_473 = tpu.vector_load %arg11[%swap3A_472] {strides = array<i32>} : memref<128xi32, #tpu.memory_space<vmem>>, vector<16xi32>,
      tpu.vector_store %arg11[%swap3A_472], %add3A_471 {strides = array<i32>} : memref<128xi32, #tpu.memory_space<vmem>>, vector<16xi32>,
      %dma_start3A_474 = arith.constant 0 : i32
      %dma_start3A_475 = arith.constant 0 : i32
      %dma_start3A_476 = tpu.memref_slice %arg2[%dma_start3A_474, %dma_start3A_475] : memref<20000x64xf32, #tpu.memory_space<hbm>> -> memref<20000x64xf32, #tpu.memory_space<hbm>>
      tpu.enqueue_indirect_dma source(%dma_start3A_476 : memref<20000x64xf32, #tpu.memory_space<hbm>>) target(%arg10 : memref<128x64xf32, #tpu.memory_space<vmem>>) offsets(%arg11 : memref<128xi32, #tpu.memory_space<vmem>>) semaphore(%arg18 : memref<!tpu.dma_semaphore, #tpu.memory_space<semaphore_mem>>)
      %dma_wait3A_477 = arith.constant 0 : i32
      %dma_wait3A_478 = arith.constant 0 : i32
      %dma_wait3A_479 = tpu.memref_slice %arg2[%dma_wait3A_477, %dma_wait3A_478] : memref<20000x64xf32, #tpu.memory_space<hbm>> -> memref<20000x64xf32, #tpu.memory_space<hbm>>
      tpu.wait_indirect_dma semaphore(%arg18 : memref<!tpu.dma_semaphore, #tpu.memory_space<semaphore_mem>>) src(%dma_wait3A_479 : memref<20000x64xf32, #tpu.memory_space<hbm>>) dst(%arg10 : memref<128x64xf32, #tpu.memory_space<vmem>>)
      "tpu.region"() ({
        %run_scoped3A = tpu.sem_alloc : memref<!tpu.dma_semaphore, #tpu.memory_space<semaphore_mem>>
        %dma_start3A_480 = arith.constant 0 : i32
        %dma_start3A_481 = tpu.memref_slice %arg9[%while3A_385, %dma_start3A_480] : memref<161x128xi32, #tpu.memory_space<vmem>> -> memref<1x128xi32, #tpu.memory_space<vmem>>
        %dma_start3A_482 = tpu.memref_squeeze %dma_start3A_481 : memref<1x128xi32, #tpu.memory_space<vmem>> -> memref<128xi32, #tpu.memory_space<vmem>>
        %dma_start3A_483 = arith.constant 0 : i32
        %dma_start3A_484 = arith.constant 0 : i32
        %dma_start3A_485 = tpu.memref_slice %arg16[%dma_start3A_483, %dma_start3A_484] : memref<5120x64xf32, #tpu.memory_space<vmem_shared>> -> memref<5120x64xf32, #tpu.memory_space<vmem_shared>>
        tpu.enqueue_indirect_dma source(%arg10 : memref<128x64xf32, #tpu.memory_space<vmem>>) target(%dma_start3A_485 : memref<5120x64xf32, #tpu.memory_space<vmem_shared>>) offsets(%dma_start3A_482 : memref<128xi32, #tpu.memory_space<vmem>>) semaphore(%run_scoped3A : memref<!tpu.dma_semaphore, #tpu.memory_space<semaphore_mem>>) {add = true}
        %dma_wait3A_486 = arith.constant 0 : i32
        %dma_wait3A_487 = tpu.memref_slice %arg9[%while3A_385, %dma_wait3A_486] : memref<161x128xi32, #tpu.memory_space<vmem>> -> memref<1x128xi32, #tpu.memory_space<vmem>>
        %dma_wait3A_488 = tpu.memref_squeeze %dma_wait3A_487 : memref<1x128xi32, #tpu.memory_space<vmem>> -> memref<128xi32, #tpu.memory_space<vmem>>
        %dma_wait3A_489 = arith.constant 0 : i32
        %dma_wait3A_490 = arith.constant 0 : i32
        %dma_wait3A_491 = tpu.memref_slice %arg16[%dma_wait3A_489, %dma_wait3A_490] : memref<5120x64xf32, #tpu.memory_space<vmem_shared>> -> memref<5120x64xf32, #tpu.memory_space<vmem_shared>>
        tpu.wait_indirect_dma semaphore(%run_scoped3A : memref<!tpu.dma_semaphore, #tpu.memory_space<semaphore_mem>>) src(%arg10 : memref<128x64xf32, #tpu.memory_space<vmem>>) dst(%dma_wait3A_491 : memref<5120x64xf32, #tpu.memory_space<vmem_shared>>)
        tpu.yield
      }) : () -> ()
      "tpu.region"() ({
        %run_scoped3A = tpu.sem_alloc : memref<!tpu.dma_semaphore, #tpu.memory_space<semaphore_mem>>
        %dma_start3A_480 = arith.constant 0 : i32
        %dma_start3A_481 = tpu.memref_slice %arg9[%while3A_385, %dma_start3A_480] : memref<161x128xi32, #tpu.memory_space<vmem>> -> memref<1x128xi32, #tpu.memory_space<vmem>>
        %dma_start3A_482 = tpu.memref_squeeze %dma_start3A_481 : memref<1x128xi32, #tpu.memory_space<vmem>> -> memref<128xi32, #tpu.memory_space<vmem>>
        %dma_start3A_483 = arith.constant 0 : i32
        %dma_start3A_484 = arith.constant 0 : i32
        %dma_start3A_485 = tpu.memref_slice %arg17[%dma_start3A_483, %dma_start3A_484] : memref<5120x16xf32, #tpu.memory_space<vmem_shared>> -> memref<5120x16xf32, #tpu.memory_space<vmem_shared>>
        tpu.enqueue_indirect_dma source(%arg12 : memref<128x16xf32, #tpu.memory_space<vmem>>) target(%dma_start3A_485 : memref<5120x16xf32, #tpu.memory_space<vmem_shared>>) offsets(%dma_start3A_482 : memref<128xi32, #tpu.memory_space<vmem>>) semaphore(%run_scoped3A : memref<!tpu.dma_semaphore, #tpu.memory_space<semaphore_mem>>) {add = true}
        %dma_wait3A_486 = arith.constant 0 : i32
        %dma_wait3A_487 = tpu.memref_slice %arg9[%while3A_385, %dma_wait3A_486] : memref<161x128xi32, #tpu.memory_space<vmem>> -> memref<1x128xi32, #tpu.memory_space<vmem>>
        %dma_wait3A_488 = tpu.memref_squeeze %dma_wait3A_487 : memref<1x128xi32, #tpu.memory_space<vmem>> -> memref<128xi32, #tpu.memory_space<vmem>>
        %dma_wait3A_489 = arith.constant 0 : i32
        %dma_wait3A_490 = arith.constant 0 : i32
        %dma_wait3A_491 = tpu.memref_slice %arg17[%dma_wait3A_489, %dma_wait3A_490] : memref<5120x16xf32, #tpu.memory_space<vmem_shared>> -> memref<5120x16xf32, #tpu.memory_space<vmem_shared>>
        tpu.wait_indirect_dma semaphore(%run_scoped3A : memref<!tpu.dma_semaphore, #tpu.memory_space<semaphore_mem>>) src(%arg12 : memref<128x16xf32, #tpu.memory_space<vmem>>) dst(%dma_wait3A_491 : memref<5120x16xf32, #tpu.memory_space<vmem_shared>>)
        tpu.yield
      }) : () -> ()
    }
    %barrier3A_183 = arith.constant 0 : index
    tpu.barrier barrier_id(%barrier3A_183)
    %mul3A_184 = arith.constant 5120 : i32
    %mul3A_185 = arith.muli %arg0, %mul3A_184 : i32
    %add3A_186 = arith.addi %mul3A_185, %mul3A_14 : i32
    %add3A_187 = arith.constant 0 : i32
    %add3A_188 = arith.addi %mul3A_14, %add3A_187 : i32
    %add3A_189 = arith.constant 0 : i32
    %add3A_190 = arith.addi %add3A_188, %add3A_189 : i32
    %add3A_191 = vector.broadcast %add3A_190 : i32 to vector<16xi32>
    %add3A_192 = arith.addi %add3A_191, %iota3A : vector<16xi32>
    %swap3A_193 = arith.constant 0 : index
    %swap3A_194 = tpu.vector_load %arg14[%swap3A_193] {strides = array<i32>} : memref<128xi32, #tpu.memory_space<vmem>>, vector<16xi32>,
    tpu.vector_store %arg14[%swap3A_193], %add3A_192 {strides = array<i32>} : memref<128xi32, #tpu.memory_space<vmem>>, vector<16xi32>,
    %add3A_195 = arith.constant 16 : i32
    %add3A_196 = arith.addi %add3A_188, %add3A_195 : i32
    %add3A_197 = vector.broadcast %add3A_196 : i32 to vector<16xi32>
    %add3A_198 = arith.addi %add3A_197, %iota3A : vector<16xi32>
    %swap3A_199 = arith.constant 16 : index
    %swap3A_200 = tpu.vector_load %arg14[%swap3A_199] {strides = array<i32>} : memref<128xi32, #tpu.memory_space<vmem>>, vector<16xi32>,
    tpu.vector_store %arg14[%swap3A_199], %add3A_198 {strides = array<i32>} : memref<128xi32, #tpu.memory_space<vmem>>, vector<16xi32>,
    %add3A_201 = arith.constant 32 : i32
    %add3A_202 = arith.addi %add3A_188, %add3A_201 : i32
    %add3A_203 = vector.broadcast %add3A_202 : i32 to vector<16xi32>
    %add3A_204 = arith.addi %add3A_203, %iota3A : vector<16xi32>
    %swap3A_205 = arith.constant 32 : index
    %swap3A_206 = tpu.vector_load %arg14[%swap3A_205] {strides = array<i32>} : memref<128xi32, #tpu.memory_space<vmem>>, vector<16xi32>,
    tpu.vector_store %arg14[%swap3A_205], %add3A_204 {strides = array<i32>} : memref<128xi32, #tpu.memory_space<vmem>>, vector<16xi32>,
    %add3A_207 = arith.constant 48 : i32
    %add3A_208 = arith.addi %add3A_188, %add3A_207 : i32
    %add3A_209 = vector.broadcast %add3A_208 : i32 to vector<16xi32>
    %add3A_210 = arith.addi %add3A_209, %iota3A : vector<16xi32>
    %swap3A_211 = arith.constant 48 : index
    %swap3A_212 = tpu.vector_load %arg14[%swap3A_211] {strides = array<i32>} : memref<128xi32, #tpu.memory_space<vmem>>, vector<16xi32>,
    tpu.vector_store %arg14[%swap3A_211], %add3A_210 {strides = array<i32>} : memref<128xi32, #tpu.memory_space<vmem>>, vector<16xi32>,
    %add3A_213 = arith.constant 64 : i32
    %add3A_214 = arith.addi %add3A_188, %add3A_213 : i32
    %add3A_215 = vector.broadcast %add3A_214 : i32 to vector<16xi32>
    %add3A_216 = arith.addi %add3A_215, %iota3A : vector<16xi32>
    %swap3A_217 = arith.constant 64 : index
    %swap3A_218 = tpu.vector_load %arg14[%swap3A_217] {strides = array<i32>} : memref<128xi32, #tpu.memory_space<vmem>>, vector<16xi32>,
    tpu.vector_store %arg14[%swap3A_217], %add3A_216 {strides = array<i32>} : memref<128xi32, #tpu.memory_space<vmem>>, vector<16xi32>,
    %add3A_219 = arith.constant 80 : i32
    %add3A_220 = arith.addi %add3A_188, %add3A_219 : i32
    %add3A_221 = vector.broadcast %add3A_220 : i32 to vector<16xi32>
    %add3A_222 = arith.addi %add3A_221, %iota3A : vector<16xi32>
    %swap3A_223 = arith.constant 80 : index
    %swap3A_224 = tpu.vector_load %arg14[%swap3A_223] {strides = array<i32>} : memref<128xi32, #tpu.memory_space<vmem>>, vector<16xi32>,
    tpu.vector_store %arg14[%swap3A_223], %add3A_222 {strides = array<i32>} : memref<128xi32, #tpu.memory_space<vmem>>, vector<16xi32>,
    %add3A_225 = arith.constant 96 : i32
    %add3A_226 = arith.addi %add3A_188, %add3A_225 : i32
    %add3A_227 = vector.broadcast %add3A_226 : i32 to vector<16xi32>
    %add3A_228 = arith.addi %add3A_227, %iota3A : vector<16xi32>
    %swap3A_229 = arith.constant 96 : index
    %swap3A_230 = tpu.vector_load %arg14[%swap3A_229] {strides = array<i32>} : memref<128xi32, #tpu.memory_space<vmem>>, vector<16xi32>,
    tpu.vector_store %arg14[%swap3A_229], %add3A_228 {strides = array<i32>} : memref<128xi32, #tpu.memory_space<vmem>>, vector<16xi32>,
    %add3A_231 = arith.constant 112 : i32
    %add3A_232 = arith.addi %add3A_188, %add3A_231 : i32
    %add3A_233 = vector.broadcast %add3A_232 : i32 to vector<16xi32>
    %add3A_234 = arith.addi %add3A_233, %iota3A : vector<16xi32>
    %swap3A_235 = arith.constant 112 : index
    %swap3A_236 = tpu.vector_load %arg14[%swap3A_235] {strides = array<i32>} : memref<128xi32, #tpu.memory_space<vmem>>, vector<16xi32>,
    tpu.vector_store %arg14[%swap3A_235], %add3A_234 {strides = array<i32>} : memref<128xi32, #tpu.memory_space<vmem>>, vector<16xi32>,
    %dma_start3A_237 = arith.constant 0 : i32
    %dma_start3A_238 = arith.constant 0 : i32
    %dma_start3A_239 = tpu.memref_slice %arg16[%dma_start3A_237, %dma_start3A_238] : memref<5120x64xf32, #tpu.memory_space<vmem_shared>> -> memref<5120x64xf32, #tpu.memory_space<vmem_shared>>
    tpu.enqueue_indirect_dma source(%dma_start3A_239 : memref<5120x64xf32, #tpu.memory_space<vmem_shared>>) target(%arg10 : memref<128x64xf32, #tpu.memory_space<vmem>>) offsets(%arg14 : memref<128xi32, #tpu.memory_space<vmem>>) semaphore(%arg18 : memref<!tpu.dma_semaphore, #tpu.memory_space<semaphore_mem>>)
    %dma_wait3A_240 = arith.constant 0 : i32
    %dma_wait3A_241 = arith.constant 0 : i32
    %dma_wait3A_242 = tpu.memref_slice %arg16[%dma_wait3A_240, %dma_wait3A_241] : memref<5120x64xf32, #tpu.memory_space<vmem_shared>> -> memref<5120x64xf32, #tpu.memory_space<vmem_shared>>
    tpu.wait_indirect_dma semaphore(%arg18 : memref<!tpu.dma_semaphore, #tpu.memory_space<semaphore_mem>>) src(%dma_wait3A_242 : memref<5120x64xf32, #tpu.memory_space<vmem_shared>>) dst(%arg10 : memref<128x64xf32, #tpu.memory_space<vmem>>)
    %add3A_243 = arith.constant 0 : i32
    %add3A_244 = arith.addi %add3A_186, %add3A_243 : i32
    "tpu.region"() ({
      %run_scoped3A = tpu.sem_alloc : memref<!tpu.dma_semaphore, #tpu.memory_space<semaphore_mem>>
      %dma_start3A_385 = arith.constant 0 : i32
      %dma_start3A_386 = arith.constant 0 : i32
      %dma_start3A_387 = tpu.memref_slice %arg10[%dma_start3A_385, %dma_start3A_386] : memref<128x64xf32, #tpu.memory_space<vmem>> -> memref<128x64xf32, #tpu.memory_space<vmem>>
      %dma_start3A_388 = arith.constant 0 : i32
      %dma_start3A_389 = tpu.memref_slice %arg6[%add3A_244, %dma_start3A_388] : memref<10240x64xf32, #tpu.memory_space<hbm>> -> memref<128x64xf32, #tpu.memory_space<hbm>>
      %dma_start3A_390 = arith.constant 0 : i32
      %dma_start3A_391 = tpu.memref_slice %arg6[%add3A_244, %dma_start3A_390] : memref<10240x64xf32, #tpu.memory_space<hbm>> -> memref<128x64xf32, #tpu.memory_space<hbm>>
      %dma_start3A_392 = arith.constant 0 : i32
      %dma_start3A_393 = arith.constant 0 : i32
      %dma_start3A_394 = tpu.memref_slice %arg10[%dma_start3A_392, %dma_start3A_393] : memref<128x64xf32, #tpu.memory_space<vmem>> -> memref<128x64xf32, #tpu.memory_space<vmem>>
      tpu.enqueue_dma source(%dma_start3A_394 : memref<128x64xf32, #tpu.memory_space<vmem>>) target(%dma_start3A_391 : memref<128x64xf32, #tpu.memory_space<hbm>>) target_semaphore(%run_scoped3A : memref<!tpu.dma_semaphore, #tpu.memory_space<semaphore_mem>>)
      %dma_wait3A_395 = arith.constant 0 : i32
      %dma_wait3A_396 = arith.constant 0 : i32
      %dma_wait3A_397 = tpu.memref_slice %arg10[%dma_wait3A_395, %dma_wait3A_396] : memref<128x64xf32, #tpu.memory_space<vmem>> -> memref<128x64xf32, #tpu.memory_space<vmem>>
      %dma_wait3A_398 = arith.constant 0 : i32
      %dma_wait3A_399 = tpu.memref_slice %arg6[%add3A_244, %dma_wait3A_398] : memref<10240x64xf32, #tpu.memory_space<hbm>> -> memref<128x64xf32, #tpu.memory_space<hbm>>
      %dma_wait3A_400 = arith.constant 0 : i32
      %dma_wait3A_401 = tpu.memref_slice %arg6[%add3A_244, %dma_wait3A_400] : memref<10240x64xf32, #tpu.memory_space<hbm>> -> memref<128x64xf32, #tpu.memory_space<hbm>>
      %dma_wait3A_402 = arith.constant 0 : i32
      %dma_wait3A_403 = arith.constant 0 : i32
      %dma_wait3A_404 = tpu.memref_slice %arg10[%dma_wait3A_402, %dma_wait3A_403] : memref<128x64xf32, #tpu.memory_space<vmem>> -> memref<128x64xf32, #tpu.memory_space<vmem>>
      tpu.wait_dma2 semaphore(%run_scoped3A : memref<!tpu.dma_semaphore, #tpu.memory_space<semaphore_mem>>) src(%dma_wait3A_404 : memref<128x64xf32, #tpu.memory_space<vmem>>) dst(%dma_wait3A_401 : memref<128x64xf32, #tpu.memory_space<hbm>>)
      tpu.yield
    }) : () -> ()
    %dma_start3A_245 = arith.constant 0 : i32
    %dma_start3A_246 = arith.constant 0 : i32
    %dma_start3A_247 = tpu.memref_slice %arg17[%dma_start3A_245, %dma_start3A_246] : memref<5120x16xf32, #tpu.memory_space<vmem_shared>> -> memref<5120x16xf32, #tpu.memory_space<vmem_shared>>
    tpu.enqueue_indirect_dma source(%dma_start3A_247 : memref<5120x16xf32, #tpu.memory_space<vmem_shared>>) target(%arg13 : memref<128x16xf32, #tpu.memory_space<vmem>>) offsets(%arg14 : memref<128xi32, #tpu.memory_space<vmem>>) semaphore(%arg18 : memref<!tpu.dma_semaphore, #tpu.memory_space<semaphore_mem>>)
    %dma_wait3A_248 = arith.constant 0 : i32
    %dma_wait3A_249 = arith.constant 0 : i32
    %dma_wait3A_250 = tpu.memref_slice %arg17[%dma_wait3A_248, %dma_wait3A_249] : memref<5120x16xf32, #tpu.memory_space<vmem_shared>> -> memref<5120x16xf32, #tpu.memory_space<vmem_shared>>
    tpu.wait_indirect_dma semaphore(%arg18 : memref<!tpu.dma_semaphore, #tpu.memory_space<semaphore_mem>>) src(%dma_wait3A_250 : memref<5120x16xf32, #tpu.memory_space<vmem_shared>>) dst(%arg13 : memref<128x16xf32, #tpu.memory_space<vmem>>)
    %add3A_251 = arith.constant 0 : i32
    %add3A_252 = arith.addi %add3A_186, %add3A_251 : i32
    "tpu.region"() ({
      %run_scoped3A = tpu.sem_alloc : memref<!tpu.dma_semaphore, #tpu.memory_space<semaphore_mem>>
      %dma_start3A_385 = arith.constant 0 : i32
      %dma_start3A_386 = arith.constant 0 : i32
      %dma_start3A_387 = tpu.memref_slice %arg13[%dma_start3A_385, %dma_start3A_386] : memref<128x16xf32, #tpu.memory_space<vmem>> -> memref<128x16xf32, #tpu.memory_space<vmem>>
      %dma_start3A_388 = arith.constant 0 : i32
      %dma_start3A_389 = tpu.memref_slice %arg7[%add3A_252, %dma_start3A_388] : memref<10240x16xf32, #tpu.memory_space<hbm>> -> memref<128x16xf32, #tpu.memory_space<hbm>>
      %dma_start3A_390 = arith.constant 0 : i32
      %dma_start3A_391 = tpu.memref_slice %arg7[%add3A_252, %dma_start3A_390] : memref<10240x16xf32, #tpu.memory_space<hbm>> -> memref<128x16xf32, #tpu.memory_space<hbm>>
      %dma_start3A_392 = arith.constant 0 : i32
      %dma_start3A_393 = arith.constant 0 : i32
      %dma_start3A_394 = tpu.memref_slice %arg13[%dma_start3A_392, %dma_start3A_393] : memref<128x16xf32, #tpu.memory_space<vmem>> -> memref<128x16xf32, #tpu.memory_space<vmem>>
      tpu.enqueue_dma source(%dma_start3A_394 : memref<128x16xf32, #tpu.memory_space<vmem>>) target(%dma_start3A_391 : memref<128x16xf32, #tpu.memory_space<hbm>>) target_semaphore(%run_scoped3A : memref<!tpu.dma_semaphore, #tpu.memory_space<semaphore_mem>>)
      %dma_wait3A_395 = arith.constant 0 : i32
      %dma_wait3A_396 = arith.constant 0 : i32
      %dma_wait3A_397 = tpu.memref_slice %arg13[%dma_wait3A_395, %dma_wait3A_396] : memref<128x16xf32, #tpu.memory_space<vmem>> -> memref<128x16xf32, #tpu.memory_space<vmem>>
      %dma_wait3A_398 = arith.constant 0 : i32
      %dma_wait3A_399 = tpu.memref_slice %arg7[%add3A_252, %dma_wait3A_398] : memref<10240x16xf32, #tpu.memory_space<hbm>> -> memref<128x16xf32, #tpu.memory_space<hbm>>
      %dma_wait3A_400 = arith.constant 0 : i32
      %dma_wait3A_401 = tpu.memref_slice %arg7[%add3A_252, %dma_wait3A_400] : memref<10240x16xf32, #tpu.memory_space<hbm>> -> memref<128x16xf32, #tpu.memory_space<hbm>>
      %dma_wait3A_402 = arith.constant 0 : i32
      %dma_wait3A_403 = arith.constant 0 : i32
      %dma_wait3A_404 = tpu.memref_slice %arg13[%dma_wait3A_402, %dma_wait3A_403] : memref<128x16xf32, #tpu.memory_space<vmem>> -> memref<128x16xf32, #tpu.memory_space<vmem>>
      tpu.wait_dma2 semaphore(%run_scoped3A : memref<!tpu.dma_semaphore, #tpu.memory_space<semaphore_mem>>) src(%dma_wait3A_404 : memref<128x16xf32, #tpu.memory_space<vmem>>) dst(%dma_wait3A_401 : memref<128x16xf32, #tpu.memory_space<hbm>>)
      tpu.yield
    }) : () -> ()
    %add3A_253 = arith.constant 128 : i32
    %add3A_254 = arith.addi %mul3A_14, %add3A_253 : i32
    %add3A_255 = arith.constant 0 : i32
    %add3A_256 = arith.addi %add3A_254, %add3A_255 : i32
    %add3A_257 = vector.broadcast %add3A_256 : i32 to vector<16xi32>
    %add3A_258 = arith.addi %add3A_257, %iota3A : vector<16xi32>
    %swap3A_259 = arith.constant 0 : index
    %swap3A_260 = tpu.vector_load %arg14[%swap3A_259] {strides = array<i32>} : memref<128xi32, #tpu.memory_space<vmem>>, vector<16xi32>,
    tpu.vector_store %arg14[%swap3A_259], %add3A_258 {strides = array<i32>} : memref<128xi32, #tpu.memory_space<vmem>>, vector<16xi32>,
    %add3A_261 = arith.constant 16 : i32
    %add3A_262 = arith.addi %add3A_254, %add3A_261 : i32
    %add3A_263 = vector.broadcast %add3A_262 : i32 to vector<16xi32>
    %add3A_264 = arith.addi %add3A_263, %iota3A : vector<16xi32>
    %swap3A_265 = arith.constant 16 : index
    %swap3A_266 = tpu.vector_load %arg14[%swap3A_265] {strides = array<i32>} : memref<128xi32, #tpu.memory_space<vmem>>, vector<16xi32>,
    tpu.vector_store %arg14[%swap3A_265], %add3A_264 {strides = array<i32>} : memref<128xi32, #tpu.memory_space<vmem>>, vector<16xi32>,
    %add3A_267 = arith.constant 32 : i32
    %add3A_268 = arith.addi %add3A_254, %add3A_267 : i32
    %add3A_269 = vector.broadcast %add3A_268 : i32 to vector<16xi32>
    %add3A_270 = arith.addi %add3A_269, %iota3A : vector<16xi32>
    %swap3A_271 = arith.constant 32 : index
    %swap3A_272 = tpu.vector_load %arg14[%swap3A_271] {strides = array<i32>} : memref<128xi32, #tpu.memory_space<vmem>>, vector<16xi32>,
    tpu.vector_store %arg14[%swap3A_271], %add3A_270 {strides = array<i32>} : memref<128xi32, #tpu.memory_space<vmem>>, vector<16xi32>,
    %add3A_273 = arith.constant 48 : i32
    %add3A_274 = arith.addi %add3A_254, %add3A_273 : i32
    %add3A_275 = vector.broadcast %add3A_274 : i32 to vector<16xi32>
    %add3A_276 = arith.addi %add3A_275, %iota3A : vector<16xi32>
    %swap3A_277 = arith.constant 48 : index
    %swap3A_278 = tpu.vector_load %arg14[%swap3A_277] {strides = array<i32>} : memref<128xi32, #tpu.memory_space<vmem>>, vector<16xi32>,
    tpu.vector_store %arg14[%swap3A_277], %add3A_276 {strides = array<i32>} : memref<128xi32, #tpu.memory_space<vmem>>, vector<16xi32>,
    %add3A_279 = arith.constant 64 : i32
    %add3A_280 = arith.addi %add3A_254, %add3A_279 : i32
    %add3A_281 = vector.broadcast %add3A_280 : i32 to vector<16xi32>
    %add3A_282 = arith.addi %add3A_281, %iota3A : vector<16xi32>
    %swap3A_283 = arith.constant 64 : index
    %swap3A_284 = tpu.vector_load %arg14[%swap3A_283] {strides = array<i32>} : memref<128xi32, #tpu.memory_space<vmem>>, vector<16xi32>,
    tpu.vector_store %arg14[%swap3A_283], %add3A_282 {strides = array<i32>} : memref<128xi32, #tpu.memory_space<vmem>>, vector<16xi32>,
    %add3A_285 = arith.constant 80 : i32
    %add3A_286 = arith.addi %add3A_254, %add3A_285 : i32
    %add3A_287 = vector.broadcast %add3A_286 : i32 to vector<16xi32>
    %add3A_288 = arith.addi %add3A_287, %iota3A : vector<16xi32>
    %swap3A_289 = arith.constant 80 : index
    %swap3A_290 = tpu.vector_load %arg14[%swap3A_289] {strides = array<i32>} : memref<128xi32, #tpu.memory_space<vmem>>, vector<16xi32>,
    tpu.vector_store %arg14[%swap3A_289], %add3A_288 {strides = array<i32>} : memref<128xi32, #tpu.memory_space<vmem>>, vector<16xi32>,
    %add3A_291 = arith.constant 96 : i32
    %add3A_292 = arith.addi %add3A_254, %add3A_291 : i32
    %add3A_293 = vector.broadcast %add3A_292 : i32 to vector<16xi32>
    %add3A_294 = arith.addi %add3A_293, %iota3A : vector<16xi32>
    %swap3A_295 = arith.constant 96 : index
    %swap3A_296 = tpu.vector_load %arg14[%swap3A_295] {strides = array<i32>} : memref<128xi32, #tpu.memory_space<vmem>>, vector<16xi32>,
    tpu.vector_store %arg14[%swap3A_295], %add3A_294 {strides = array<i32>} : memref<128xi32, #tpu.memory_space<vmem>>, vector<16xi32>,
    %add3A_297 = arith.constant 112 : i32
    %add3A_298 = arith.addi %add3A_254, %add3A_297 : i32
    %add3A_299 = vector.broadcast %add3A_298 : i32 to vector<16xi32>
    %add3A_300 = arith.addi %add3A_299, %iota3A : vector<16xi32>
    %swap3A_301 = arith.constant 112 : index
    %swap3A_302 = tpu.vector_load %arg14[%swap3A_301] {strides = array<i32>} : memref<128xi32, #tpu.memory_space<vmem>>, vector<16xi32>,
    tpu.vector_store %arg14[%swap3A_301], %add3A_300 {strides = array<i32>} : memref<128xi32, #tpu.memory_space<vmem>>, vector<16xi32>,
    %dma_start3A_303 = arith.constant 0 : i32
    %dma_start3A_304 = arith.constant 0 : i32
    %dma_start3A_305 = tpu.memref_slice %arg16[%dma_start3A_303, %dma_start3A_304] : memref<5120x64xf32, #tpu.memory_space<vmem_shared>> -> memref<5120x64xf32, #tpu.memory_space<vmem_shared>>
    tpu.enqueue_indirect_dma source(%dma_start3A_305 : memref<5120x64xf32, #tpu.memory_space<vmem_shared>>) target(%arg10 : memref<128x64xf32, #tpu.memory_space<vmem>>) offsets(%arg14 : memref<128xi32, #tpu.memory_space<vmem>>) semaphore(%arg18 : memref<!tpu.dma_semaphore, #tpu.memory_space<semaphore_mem>>)
    %dma_wait3A_306 = arith.constant 0 : i32
    %dma_wait3A_307 = arith.constant 0 : i32
    %dma_wait3A_308 = tpu.memref_slice %arg16[%dma_wait3A_306, %dma_wait3A_307] : memref<5120x64xf32, #tpu.memory_space<vmem_shared>> -> memref<5120x64xf32, #tpu.memory_space<vmem_shared>>
    tpu.wait_indirect_dma semaphore(%arg18 : memref<!tpu.dma_semaphore, #tpu.memory_space<semaphore_mem>>) src(%dma_wait3A_308 : memref<5120x64xf32, #tpu.memory_space<vmem_shared>>) dst(%arg10 : memref<128x64xf32, #tpu.memory_space<vmem>>)
    %add3A_309 = arith.constant 128 : i32
    %add3A_310 = arith.addi %add3A_186, %add3A_309 : i32
    "tpu.region"() ({
      %run_scoped3A = tpu.sem_alloc : memref<!tpu.dma_semaphore, #tpu.memory_space<semaphore_mem>>
      %dma_start3A_385 = arith.constant 0 : i32
      %dma_start3A_386 = arith.constant 0 : i32
      %dma_start3A_387 = tpu.memref_slice %arg10[%dma_start3A_385, %dma_start3A_386] : memref<128x64xf32, #tpu.memory_space<vmem>> -> memref<128x64xf32, #tpu.memory_space<vmem>>
      %dma_start3A_388 = arith.constant 0 : i32
      %dma_start3A_389 = tpu.memref_slice %arg6[%add3A_310, %dma_start3A_388] : memref<10240x64xf32, #tpu.memory_space<hbm>> -> memref<128x64xf32, #tpu.memory_space<hbm>>
      %dma_start3A_390 = arith.constant 0 : i32
      %dma_start3A_391 = tpu.memref_slice %arg6[%add3A_310, %dma_start3A_390] : memref<10240x64xf32, #tpu.memory_space<hbm>> -> memref<128x64xf32, #tpu.memory_space<hbm>>
      %dma_start3A_392 = arith.constant 0 : i32
      %dma_start3A_393 = arith.constant 0 : i32
      %dma_start3A_394 = tpu.memref_slice %arg10[%dma_start3A_392, %dma_start3A_393] : memref<128x64xf32, #tpu.memory_space<vmem>> -> memref<128x64xf32, #tpu.memory_space<vmem>>
      tpu.enqueue_dma source(%dma_start3A_394 : memref<128x64xf32, #tpu.memory_space<vmem>>) target(%dma_start3A_391 : memref<128x64xf32, #tpu.memory_space<hbm>>) target_semaphore(%run_scoped3A : memref<!tpu.dma_semaphore, #tpu.memory_space<semaphore_mem>>)
      %dma_wait3A_395 = arith.constant 0 : i32
      %dma_wait3A_396 = arith.constant 0 : i32
      %dma_wait3A_397 = tpu.memref_slice %arg10[%dma_wait3A_395, %dma_wait3A_396] : memref<128x64xf32, #tpu.memory_space<vmem>> -> memref<128x64xf32, #tpu.memory_space<vmem>>
      %dma_wait3A_398 = arith.constant 0 : i32
      %dma_wait3A_399 = tpu.memref_slice %arg6[%add3A_310, %dma_wait3A_398] : memref<10240x64xf32, #tpu.memory_space<hbm>> -> memref<128x64xf32, #tpu.memory_space<hbm>>
      %dma_wait3A_400 = arith.constant 0 : i32
      %dma_wait3A_401 = tpu.memref_slice %arg6[%add3A_310, %dma_wait3A_400] : memref<10240x64xf32, #tpu.memory_space<hbm>> -> memref<128x64xf32, #tpu.memory_space<hbm>>
      %dma_wait3A_402 = arith.constant 0 : i32
      %dma_wait3A_403 = arith.constant 0 : i32
      %dma_wait3A_404 = tpu.memref_slice %arg10[%dma_wait3A_402, %dma_wait3A_403] : memref<128x64xf32, #tpu.memory_space<vmem>> -> memref<128x64xf32, #tpu.memory_space<vmem>>
      tpu.wait_dma2 semaphore(%run_scoped3A : memref<!tpu.dma_semaphore, #tpu.memory_space<semaphore_mem>>) src(%dma_wait3A_404 : memref<128x64xf32, #tpu.memory_space<vmem>>) dst(%dma_wait3A_401 : memref<128x64xf32, #tpu.memory_space<hbm>>)
      tpu.yield
    }) : () -> ()
    %dma_start3A_311 = arith.constant 0 : i32
    %dma_start3A_312 = arith.constant 0 : i32
    %dma_start3A_313 = tpu.memref_slice %arg17[%dma_start3A_311, %dma_start3A_312] : memref<5120x16xf32, #tpu.memory_space<vmem_shared>> -> memref<5120x16xf32, #tpu.memory_space<vmem_shared>>
    tpu.enqueue_indirect_dma source(%dma_start3A_313 : memref<5120x16xf32, #tpu.memory_space<vmem_shared>>) target(%arg13 : memref<128x16xf32, #tpu.memory_space<vmem>>) offsets(%arg14 : memref<128xi32, #tpu.memory_space<vmem>>) semaphore(%arg18 : memref<!tpu.dma_semaphore, #tpu.memory_space<semaphore_mem>>)
    %dma_wait3A_314 = arith.constant 0 : i32
    %dma_wait3A_315 = arith.constant 0 : i32
    %dma_wait3A_316 = tpu.memref_slice %arg17[%dma_wait3A_314, %dma_wait3A_315] : memref<5120x16xf32, #tpu.memory_space<vmem_shared>> -> memref<5120x16xf32, #tpu.memory_space<vmem_shared>>
    tpu.wait_indirect_dma semaphore(%arg18 : memref<!tpu.dma_semaphore, #tpu.memory_space<semaphore_mem>>) src(%dma_wait3A_316 : memref<5120x16xf32, #tpu.memory_space<vmem_shared>>) dst(%arg13 : memref<128x16xf32, #tpu.memory_space<vmem>>)
    %add3A_317 = arith.constant 128 : i32
    %add3A_318 = arith.addi %add3A_186, %add3A_317 : i32
    "tpu.region"() ({
      %run_scoped3A = tpu.sem_alloc : memref<!tpu.dma_semaphore, #tpu.memory_space<semaphore_mem>>
      %dma_start3A_385 = arith.constant 0 : i32
      %dma_start3A_386 = arith.constant 0 : i32
      %dma_start3A_387 = tpu.memref_slice %arg13[%dma_start3A_385, %dma_start3A_386] : memref<128x16xf32, #tpu.memory_space<vmem>> -> memref<128x16xf32, #tpu.memory_space<vmem>>
      %dma_start3A_388 = arith.constant 0 : i32
      %dma_start3A_389 = tpu.memref_slice %arg7[%add3A_318, %dma_start3A_388] : memref<10240x16xf32, #tpu.memory_space<hbm>> -> memref<128x16xf32, #tpu.memory_space<hbm>>
      %dma_start3A_390 = arith.constant 0 : i32
      %dma_start3A_391 = tpu.memref_slice %arg7[%add3A_318, %dma_start3A_390] : memref<10240x16xf32, #tpu.memory_space<hbm>> -> memref<128x16xf32, #tpu.memory_space<hbm>>
      %dma_start3A_392 = arith.constant 0 : i32
      %dma_start3A_393 = arith.constant 0 : i32
      %dma_start3A_394 = tpu.memref_slice %arg13[%dma_start3A_392, %dma_start3A_393] : memref<128x16xf32, #tpu.memory_space<vmem>> -> memref<128x16xf32, #tpu.memory_space<vmem>>
      tpu.enqueue_dma source(%dma_start3A_394 : memref<128x16xf32, #tpu.memory_space<vmem>>) target(%dma_start3A_391 : memref<128x16xf32, #tpu.memory_space<hbm>>) target_semaphore(%run_scoped3A : memref<!tpu.dma_semaphore, #tpu.memory_space<semaphore_mem>>)
      %dma_wait3A_395 = arith.constant 0 : i32
      %dma_wait3A_396 = arith.constant 0 : i32
      %dma_wait3A_397 = tpu.memref_slice %arg13[%dma_wait3A_395, %dma_wait3A_396] : memref<128x16xf32, #tpu.memory_space<vmem>> -> memref<128x16xf32, #tpu.memory_space<vmem>>
      %dma_wait3A_398 = arith.constant 0 : i32
      %dma_wait3A_399 = tpu.memref_slice %arg7[%add3A_318, %dma_wait3A_398] : memref<10240x16xf32, #tpu.memory_space<hbm>> -> memref<128x16xf32, #tpu.memory_space<hbm>>
      %dma_wait3A_400 = arith.constant 0 : i32
      %dma_wait3A_401 = tpu.memref_slice %arg7[%add3A_318, %dma_wait3A_400] : memref<10240x16xf32, #tpu.memory_space<hbm>> -> memref<128x16xf32, #tpu.memory_space<hbm>>
      %dma_wait3A_402 = arith.constant 0 : i32
      %dma_wait3A_403 = arith.constant 0 : i32
      %dma_wait3A_404 = tpu.memref_slice %arg13[%dma_wait3A_402, %dma_wait3A_403] : memref<128x16xf32, #tpu.memory_space<vmem>> -> memref<128x16xf32, #tpu.memory_space<vmem>>
      tpu.wait_dma2 semaphore(%run_scoped3A : memref<!tpu.dma_semaphore, #tpu.memory_space<semaphore_mem>>) src(%dma_wait3A_404 : memref<128x16xf32, #tpu.memory_space<vmem>>) dst(%dma_wait3A_401 : memref<128x16xf32, #tpu.memory_space<hbm>>)
      tpu.yield
    }) : () -> ()
    %add3A_319 = arith.constant 256 : i32
    %add3A_320 = arith.addi %mul3A_14, %add3A_319 : i32
    %add3A_321 = arith.constant 0 : i32
    %add3A_322 = arith.addi %add3A_320, %add3A_321 : i32
    %add3A_323 = vector.broadcast %add3A_322 : i32 to vector<16xi32>
    %add3A_324 = arith.addi %add3A_323, %iota3A : vector<16xi32>
    %swap3A_325 = arith.constant 0 : index
    %swap3A_326 = tpu.vector_load %arg14[%swap3A_325] {strides = array<i32>} : memref<128xi32, #tpu.memory_space<vmem>>, vector<16xi32>,
    tpu.vector_store %arg14[%swap3A_325], %add3A_324 {strides = array<i32>} : memref<128xi32, #tpu.memory_space<vmem>>, vector<16xi32>,
    %add3A_327 = arith.constant 16 : i32
    %add3A_328 = arith.addi %add3A_320, %add3A_327 : i32
    %add3A_329 = vector.broadcast %add3A_328 : i32 to vector<16xi32>
    %add3A_330 = arith.addi %add3A_329, %iota3A : vector<16xi32>
    %swap3A_331 = arith.constant 16 : index
    %swap3A_332 = tpu.vector_load %arg14[%swap3A_331] {strides = array<i32>} : memref<128xi32, #tpu.memory_space<vmem>>, vector<16xi32>,
    tpu.vector_store %arg14[%swap3A_331], %add3A_330 {strides = array<i32>} : memref<128xi32, #tpu.memory_space<vmem>>, vector<16xi32>,
    %add3A_333 = arith.constant 32 : i32
    %add3A_334 = arith.addi %add3A_320, %add3A_333 : i32
    %add3A_335 = vector.broadcast %add3A_334 : i32 to vector<16xi32>
    %add3A_336 = arith.addi %add3A_335, %iota3A : vector<16xi32>
    %swap3A_337 = arith.constant 32 : index
    %swap3A_338 = tpu.vector_load %arg14[%swap3A_337] {strides = array<i32>} : memref<128xi32, #tpu.memory_space<vmem>>, vector<16xi32>,
    tpu.vector_store %arg14[%swap3A_337], %add3A_336 {strides = array<i32>} : memref<128xi32, #tpu.memory_space<vmem>>, vector<16xi32>,
    %add3A_339 = arith.constant 48 : i32
    %add3A_340 = arith.addi %add3A_320, %add3A_339 : i32
    %add3A_341 = vector.broadcast %add3A_340 : i32 to vector<16xi32>
    %add3A_342 = arith.addi %add3A_341, %iota3A : vector<16xi32>
    %swap3A_343 = arith.constant 48 : index
    %swap3A_344 = tpu.vector_load %arg14[%swap3A_343] {strides = array<i32>} : memref<128xi32, #tpu.memory_space<vmem>>, vector<16xi32>,
    tpu.vector_store %arg14[%swap3A_343], %add3A_342 {strides = array<i32>} : memref<128xi32, #tpu.memory_space<vmem>>, vector<16xi32>,
    %add3A_345 = arith.constant 0 : i32
    %add3A_346 = arith.addi %add3A_320, %add3A_345 : i32
    %add3A_347 = vector.broadcast %add3A_346 : i32 to vector<16xi32>
    %add3A_348 = arith.addi %add3A_347, %iota3A : vector<16xi32>
    %swap3A_349 = arith.constant 64 : index
    %swap3A_350 = tpu.vector_load %arg14[%swap3A_349] {strides = array<i32>} : memref<128xi32, #tpu.memory_space<vmem>>, vector<16xi32>,
    tpu.vector_store %arg14[%swap3A_349], %add3A_348 {strides = array<i32>} : memref<128xi32, #tpu.memory_space<vmem>>, vector<16xi32>,
    %add3A_351 = arith.constant 16 : i32
    %add3A_352 = arith.addi %add3A_320, %add3A_351 : i32
    %add3A_353 = vector.broadcast %add3A_352 : i32 to vector<16xi32>
    %add3A_354 = arith.addi %add3A_353, %iota3A : vector<16xi32>
    %swap3A_355 = arith.constant 80 : index
    %swap3A_356 = tpu.vector_load %arg14[%swap3A_355] {strides = array<i32>} : memref<128xi32, #tpu.memory_space<vmem>>, vector<16xi32>,
    tpu.vector_store %arg14[%swap3A_355], %add3A_354 {strides = array<i32>} : memref<128xi32, #tpu.memory_space<vmem>>, vector<16xi32>,
    %add3A_357 = arith.constant 32 : i32
    %add3A_358 = arith.addi %add3A_320, %add3A_357 : i32
    %add3A_359 = vector.broadcast %add3A_358 : i32 to vector<16xi32>
    %add3A_360 = arith.addi %add3A_359, %iota3A : vector<16xi32>
    %swap3A_361 = arith.constant 96 : index
    %swap3A_362 = tpu.vector_load %arg14[%swap3A_361] {strides = array<i32>} : memref<128xi32, #tpu.memory_space<vmem>>, vector<16xi32>,
    tpu.vector_store %arg14[%swap3A_361], %add3A_360 {strides = array<i32>} : memref<128xi32, #tpu.memory_space<vmem>>, vector<16xi32>,
    %add3A_363 = arith.constant 48 : i32
    %add3A_364 = arith.addi %add3A_320, %add3A_363 : i32
    %add3A_365 = vector.broadcast %add3A_364 : i32 to vector<16xi32>
    %add3A_366 = arith.addi %add3A_365, %iota3A : vector<16xi32>
    %swap3A_367 = arith.constant 112 : index
    %swap3A_368 = tpu.vector_load %arg14[%swap3A_367] {strides = array<i32>} : memref<128xi32, #tpu.memory_space<vmem>>, vector<16xi32>,
    tpu.vector_store %arg14[%swap3A_367], %add3A_366 {strides = array<i32>} : memref<128xi32, #tpu.memory_space<vmem>>, vector<16xi32>,
    %dma_start3A_369 = arith.constant 0 : i32
    %dma_start3A_370 = arith.constant 0 : i32
    %dma_start3A_371 = tpu.memref_slice %arg16[%dma_start3A_369, %dma_start3A_370] : memref<5120x64xf32, #tpu.memory_space<vmem_shared>> -> memref<5120x64xf32, #tpu.memory_space<vmem_shared>>
    tpu.enqueue_indirect_dma source(%dma_start3A_371 : memref<5120x64xf32, #tpu.memory_space<vmem_shared>>) target(%arg10 : memref<128x64xf32, #tpu.memory_space<vmem>>) offsets(%arg14 : memref<128xi32, #tpu.memory_space<vmem>>) semaphore(%arg18 : memref<!tpu.dma_semaphore, #tpu.memory_space<semaphore_mem>>)
    %dma_wait3A_372 = arith.constant 0 : i32
    %dma_wait3A_373 = arith.constant 0 : i32
    %dma_wait3A_374 = tpu.memref_slice %arg16[%dma_wait3A_372, %dma_wait3A_373] : memref<5120x64xf32, #tpu.memory_space<vmem_shared>> -> memref<5120x64xf32, #tpu.memory_space<vmem_shared>>
    tpu.wait_indirect_dma semaphore(%arg18 : memref<!tpu.dma_semaphore, #tpu.memory_space<semaphore_mem>>) src(%dma_wait3A_374 : memref<5120x64xf32, #tpu.memory_space<vmem_shared>>) dst(%arg10 : memref<128x64xf32, #tpu.memory_space<vmem>>)
    %add3A_375 = arith.constant 256 : i32
    %add3A_376 = arith.addi %add3A_186, %add3A_375 : i32
    "tpu.region"() ({
      %run_scoped3A = tpu.sem_alloc : memref<!tpu.dma_semaphore, #tpu.memory_space<semaphore_mem>>
      %dma_start3A_385 = arith.constant 0 : i32
      %dma_start3A_386 = arith.constant 0 : i32
      %dma_start3A_387 = tpu.memref_slice %arg10[%dma_start3A_385, %dma_start3A_386] : memref<128x64xf32, #tpu.memory_space<vmem>> -> memref<64x64xf32, #tpu.memory_space<vmem>>
      %dma_start3A_388 = arith.constant 0 : i32
      %dma_start3A_389 = tpu.memref_slice %arg6[%add3A_376, %dma_start3A_388] : memref<10240x64xf32, #tpu.memory_space<hbm>> -> memref<64x64xf32, #tpu.memory_space<hbm>>
      %dma_start3A_390 = arith.constant 0 : i32
      %dma_start3A_391 = tpu.memref_slice %arg6[%add3A_376, %dma_start3A_390] : memref<10240x64xf32, #tpu.memory_space<hbm>> -> memref<64x64xf32, #tpu.memory_space<hbm>>
      %dma_start3A_392 = arith.constant 0 : i32
      %dma_start3A_393 = arith.constant 0 : i32
      %dma_start3A_394 = tpu.memref_slice %arg10[%dma_start3A_392, %dma_start3A_393] : memref<128x64xf32, #tpu.memory_space<vmem>> -> memref<64x64xf32, #tpu.memory_space<vmem>>
      tpu.enqueue_dma source(%dma_start3A_394 : memref<64x64xf32, #tpu.memory_space<vmem>>) target(%dma_start3A_391 : memref<64x64xf32, #tpu.memory_space<hbm>>) target_semaphore(%run_scoped3A : memref<!tpu.dma_semaphore, #tpu.memory_space<semaphore_mem>>)
      %dma_wait3A_395 = arith.constant 0 : i32
      %dma_wait3A_396 = arith.constant 0 : i32
      %dma_wait3A_397 = tpu.memref_slice %arg10[%dma_wait3A_395, %dma_wait3A_396] : memref<128x64xf32, #tpu.memory_space<vmem>> -> memref<64x64xf32, #tpu.memory_space<vmem>>
      %dma_wait3A_398 = arith.constant 0 : i32
      %dma_wait3A_399 = tpu.memref_slice %arg6[%add3A_376, %dma_wait3A_398] : memref<10240x64xf32, #tpu.memory_space<hbm>> -> memref<64x64xf32, #tpu.memory_space<hbm>>
      %dma_wait3A_400 = arith.constant 0 : i32
      %dma_wait3A_401 = tpu.memref_slice %arg6[%add3A_376, %dma_wait3A_400] : memref<10240x64xf32, #tpu.memory_space<hbm>> -> memref<64x64xf32, #tpu.memory_space<hbm>>
      %dma_wait3A_402 = arith.constant 0 : i32
      %dma_wait3A_403 = arith.constant 0 : i32
      %dma_wait3A_404 = tpu.memref_slice %arg10[%dma_wait3A_402, %dma_wait3A_403] : memref<128x64xf32, #tpu.memory_space<vmem>> -> memref<64x64xf32, #tpu.memory_space<vmem>>
      tpu.wait_dma2 semaphore(%run_scoped3A : memref<!tpu.dma_semaphore, #tpu.memory_space<semaphore_mem>>) src(%dma_wait3A_404 : memref<64x64xf32, #tpu.memory_space<vmem>>) dst(%dma_wait3A_401 : memref<64x64xf32, #tpu.memory_space<hbm>>)
      tpu.yield
    }) : () -> ()
    %dma_start3A_377 = arith.constant 0 : i32
    %dma_start3A_378 = arith.constant 0 : i32
    %dma_start3A_379 = tpu.memref_slice %arg17[%dma_start3A_377, %dma_start3A_378] : memref<5120x16xf32, #tpu.memory_space<vmem_shared>> -> memref<5120x16xf32, #tpu.memory_space<vmem_shared>>
    tpu.enqueue_indirect_dma source(%dma_start3A_379 : memref<5120x16xf32, #tpu.memory_space<vmem_shared>>) target(%arg13 : memref<128x16xf32, #tpu.memory_space<vmem>>) offsets(%arg14 : memref<128xi32, #tpu.memory_space<vmem>>) semaphore(%arg18 : memref<!tpu.dma_semaphore, #tpu.memory_space<semaphore_mem>>)
    %dma_wait3A_380 = arith.constant 0 : i32
    %dma_wait3A_381 = arith.constant 0 : i32
    %dma_wait3A_382 = tpu.memref_slice %arg17[%dma_wait3A_380, %dma_wait3A_381] : memref<5120x16xf32, #tpu.memory_space<vmem_shared>> -> memref<5120x16xf32, #tpu.memory_space<vmem_shared>>
    tpu.wait_indirect_dma semaphore(%arg18 : memref<!tpu.dma_semaphore, #tpu.memory_space<semaphore_mem>>) src(%dma_wait3A_382 : memref<5120x16xf32, #tpu.memory_space<vmem_shared>>) dst(%arg13 : memref<128x16xf32, #tpu.memory_space<vmem>>)
    %add3A_383 = arith.constant 256 : i32
    %add3A_384 = arith.addi %add3A_186, %add3A_383 : i32
    "tpu.region"() ({
      %run_scoped3A = tpu.sem_alloc : memref<!tpu.dma_semaphore, #tpu.memory_space<semaphore_mem>>
      %dma_start3A_385 = arith.constant 0 : i32
      %dma_start3A_386 = arith.constant 0 : i32
      %dma_start3A_387 = tpu.memref_slice %arg13[%dma_start3A_385, %dma_start3A_386] : memref<128x16xf32, #tpu.memory_space<vmem>> -> memref<64x16xf32, #tpu.memory_space<vmem>>
      %dma_start3A_388 = arith.constant 0 : i32
      %dma_start3A_389 = tpu.memref_slice %arg7[%add3A_384, %dma_start3A_388] : memref<10240x16xf32, #tpu.memory_space<hbm>> -> memref<64x16xf32, #tpu.memory_space<hbm>>
      %dma_start3A_390 = arith.constant 0 : i32
      %dma_start3A_391 = tpu.memref_slice %arg7[%add3A_384, %dma_start3A_390] : memref<10240x16xf32, #tpu.memory_space<hbm>> -> memref<64x16xf32, #tpu.memory_space<hbm>>
      %dma_start3A_392 = arith.constant 0 : i32
      %dma_start3A_393 = arith.constant 0 : i32
      %dma_start3A_394 = tpu.memref_slice %arg13[%dma_start3A_392, %dma_start3A_393] : memref<128x16xf32, #tpu.memory_space<vmem>> -> memref<64x16xf32, #tpu.memory_space<vmem>>
      tpu.enqueue_dma source(%dma_start3A_394 : memref<64x16xf32, #tpu.memory_space<vmem>>) target(%dma_start3A_391 : memref<64x16xf32, #tpu.memory_space<hbm>>) target_semaphore(%run_scoped3A : memref<!tpu.dma_semaphore, #tpu.memory_space<semaphore_mem>>)
      %dma_wait3A_395 = arith.constant 0 : i32
      %dma_wait3A_396 = arith.constant 0 : i32
      %dma_wait3A_397 = tpu.memref_slice %arg13[%dma_wait3A_395, %dma_wait3A_396] : memref<128x16xf32, #tpu.memory_space<vmem>> -> memref<64x16xf32, #tpu.memory_space<vmem>>
      %dma_wait3A_398 = arith.constant 0 : i32
      %dma_wait3A_399 = tpu.memref_slice %arg7[%add3A_384, %dma_wait3A_398] : memref<10240x16xf32, #tpu.memory_space<hbm>> -> memref<64x16xf32, #tpu.memory_space<hbm>>
      %dma_wait3A_400 = arith.constant 0 : i32
      %dma_wait3A_401 = tpu.memref_slice %arg7[%add3A_384, %dma_wait3A_400] : memref<10240x16xf32, #tpu.memory_space<hbm>> -> memref<64x16xf32, #tpu.memory_space<hbm>>
      %dma_wait3A_402 = arith.constant 0 : i32
      %dma_wait3A_403 = arith.constant 0 : i32
      %dma_wait3A_404 = tpu.memref_slice %arg13[%dma_wait3A_402, %dma_wait3A_403] : memref<128x16xf32, #tpu.memory_space<vmem>> -> memref<64x16xf32, #tpu.memory_space<vmem>>
      tpu.wait_dma2 semaphore(%run_scoped3A : memref<!tpu.dma_semaphore, #tpu.memory_space<semaphore_mem>>) src(%dma_wait3A_404 : memref<64x16xf32, #tpu.memory_space<vmem>>) dst(%dma_wait3A_401 : memref<64x16xf32, #tpu.memory_space<hbm>>)
      tpu.yield
    }) : () -> ()
    return
  }
}

#map = affine_map<(d0, d1) -> (0, 0)>
#map1 = affine_map<(d0, d1) -> (0, 0, 0)>
module attributes {stable_mosaic.version = 14 : i64} {
  func.func @_compact_body(%arg0: i32, %arg1: i32, %arg2: memref<2560x128xi32, #tpu.memory_space<hbm>>, %arg3: memref<2560x128xi32, #tpu.memory_space<hbm>>, %arg4: memref<2x16x20608xi32, #tpu.memory_space<hbm>>, %arg5: memref<2x16x20608xi32, #tpu.memory_space<hbm>>, %arg6: memref<2x16x16xi32, #tpu.memory_space<hbm>>, %arg7: memref<160x128xi32, #tpu.memory_space<vmem>>, %arg8: memref<160x128xi32, #tpu.memory_space<vmem>>, %arg9: memref<20624xi32, #tpu.memory_space<vmem>>, %arg10: memref<20624xi32, #tpu.memory_space<vmem>>, %arg11: memref<16xi32, #tpu.memory_space<vmem>>) attributes {dimension_semantics = [#tpu.dimension_semantics<core_parallel>, #tpu.dimension_semantics<subcore_parallel>], iteration_bounds = array<i64: 2, 16>, scalar_prefetch = 0 : i64, scratch_operands = 5 : i64, tpu.core_type = #tpu.core_type<sc_vector_subcore>, window_params = [{transform_indices = #map}, {transform_indices = #map}, {transform_indices = #map1}, {transform_indices = #map1}, {transform_indices = #map1}]} {
    %mul3A = arith.constant 5000 : i32
    %mul3A_0 = arith.muli %arg0, %mul3A : i32
    %mul3A_1 = arith.constant 160 : i32
    %mul3A_2 = arith.muli %arg1, %mul3A_1 : i32
    "tpu.region"() ({
      %run_scoped3A = tpu.sem_alloc : memref<!tpu.dma_semaphore, #tpu.memory_space<semaphore_mem>>
      %dma_start3A = arith.constant 0 : i32
      %dma_start3A_122 = tpu.memref_slice %arg2[%mul3A_2, %dma_start3A] : memref<2560x128xi32, #tpu.memory_space<hbm>> -> memref<160x128xi32, #tpu.memory_space<hbm>>
      %dma_start3A_123 = arith.constant 0 : i32
      %dma_start3A_124 = tpu.memref_slice %arg2[%mul3A_2, %dma_start3A_123] : memref<2560x128xi32, #tpu.memory_space<hbm>> -> memref<160x128xi32, #tpu.memory_space<hbm>>
      tpu.enqueue_dma source(%dma_start3A_124 : memref<160x128xi32, #tpu.memory_space<hbm>>) target(%arg7 : memref<160x128xi32, #tpu.memory_space<vmem>>) target_semaphore(%run_scoped3A : memref<!tpu.dma_semaphore, #tpu.memory_space<semaphore_mem>>)
      %dma_wait3A = arith.constant 0 : i32
      %dma_wait3A_125 = tpu.memref_slice %arg2[%mul3A_2, %dma_wait3A] : memref<2560x128xi32, #tpu.memory_space<hbm>> -> memref<160x128xi32, #tpu.memory_space<hbm>>
      %dma_wait3A_126 = arith.constant 0 : i32
      %dma_wait3A_127 = tpu.memref_slice %arg2[%mul3A_2, %dma_wait3A_126] : memref<2560x128xi32, #tpu.memory_space<hbm>> -> memref<160x128xi32, #tpu.memory_space<hbm>>
      tpu.wait_dma2 semaphore(%run_scoped3A : memref<!tpu.dma_semaphore, #tpu.memory_space<semaphore_mem>>) src(%dma_wait3A_127 : memref<160x128xi32, #tpu.memory_space<hbm>>) dst(%arg7 : memref<160x128xi32, #tpu.memory_space<vmem>>)
      tpu.yield
    }) : () -> ()
    %mul3A_3 = arith.constant 160 : i32
    %mul3A_4 = arith.muli %arg1, %mul3A_3 : i32
    "tpu.region"() ({
      %run_scoped3A = tpu.sem_alloc : memref<!tpu.dma_semaphore, #tpu.memory_space<semaphore_mem>>
      %dma_start3A = arith.constant 0 : i32
      %dma_start3A_122 = tpu.memref_slice %arg3[%mul3A_4, %dma_start3A] : memref<2560x128xi32, #tpu.memory_space<hbm>> -> memref<160x128xi32, #tpu.memory_space<hbm>>
      %dma_start3A_123 = arith.constant 0 : i32
      %dma_start3A_124 = tpu.memref_slice %arg3[%mul3A_4, %dma_start3A_123] : memref<2560x128xi32, #tpu.memory_space<hbm>> -> memref<160x128xi32, #tpu.memory_space<hbm>>
      tpu.enqueue_dma source(%dma_start3A_124 : memref<160x128xi32, #tpu.memory_space<hbm>>) target(%arg8 : memref<160x128xi32, #tpu.memory_space<vmem>>) target_semaphore(%run_scoped3A : memref<!tpu.dma_semaphore, #tpu.memory_space<semaphore_mem>>)
      %dma_wait3A = arith.constant 0 : i32
      %dma_wait3A_125 = tpu.memref_slice %arg3[%mul3A_4, %dma_wait3A] : memref<2560x128xi32, #tpu.memory_space<hbm>> -> memref<160x128xi32, #tpu.memory_space<hbm>>
      %dma_wait3A_126 = arith.constant 0 : i32
      %dma_wait3A_127 = tpu.memref_slice %arg3[%mul3A_4, %dma_wait3A_126] : memref<2560x128xi32, #tpu.memory_space<hbm>> -> memref<160x128xi32, #tpu.memory_space<hbm>>
      tpu.wait_dma2 semaphore(%run_scoped3A : memref<!tpu.dma_semaphore, #tpu.memory_space<semaphore_mem>>) src(%dma_wait3A_127 : memref<160x128xi32, #tpu.memory_space<hbm>>) dst(%arg8 : memref<160x128xi32, #tpu.memory_space<vmem>>)
      tpu.yield
    }) : () -> ()
    %iota3A = tpu.iota {dimensions = array<i32: 0>} : vector<16xi32>
    %scan3A = arith.constant 0 : i32
    %scan3A_5 = arith.constant 0 : i32
    %scan3A_6 = arith.constant 160 : i32
    %scan3A_7 = arith.addi %scan3A_5, %scan3A_6 : i32
    %scan3A_8 = arith.constant 1 : i32
    %scan3A_9 = scf.for %scan3A_122 = %scan3A_5 to %scan3A_7 step %scan3A_8 iter_args(%scan3A_123 = %scan3A) -> (i32)  : i32 {
      %get3A = arith.index_cast %scan3A_122 : i32 to index
      %get3A_124 = arith.constant 0 : index
      %get3A_125 = tpu.vector_load %arg8[%get3A, %get3A_124] {strides = array<i32>} : memref<160x128xi32, #tpu.memory_space<vmem>>, vector<16xi32>,
      %ge3A = vector.broadcast %mul3A_0 : i32 to vector<16xi32>
      %ge3A_126 = arith.cmpi sge, %get3A_125, %ge3A : vector<16xi32>
      %add3A_127 = arith.constant 5000 : i32
      %add3A_128 = arith.addi %mul3A_0, %add3A_127 : i32
      %lt3A = vector.broadcast %add3A_128 : i32 to vector<16xi32>
      %lt3A_129 = arith.cmpi slt, %get3A_125, %lt3A : vector<16xi32>
      %and3A_130 = arith.andi %ge3A_126, %lt3A_129 : vector<16xi1>
      %convert_element_type3A = arith.extui %and3A_130 : vector<16xi1> to vector<16xi32>
      %broadcast_in_dim3A_131 = arith.constant true
      %broadcast_in_dim3A_132 = vector.broadcast %broadcast_in_dim3A_131 : i1 to vector<16xi1>
      %masked_cumsum3A = tpu.scan <sum>, %convert_element_type3A masked %broadcast_in_dim3A_132 : vector<16xi32>, vector<16xi1> -> vector<16xi32>
      %add3A_133 = vector.broadcast %scan3A_123 : i32 to vector<16xi32>
      %add3A_134 = arith.addi %add3A_133, %masked_cumsum3A : vector<16xi32>
      %sub3A_135 = arith.constant 1 : i32
      %sub3A_136 = vector.broadcast %sub3A_135 : i32 to vector<16xi32>
      %sub3A_137 = arith.subi %add3A_134, %sub3A_136 : vector<16xi32>
      %add3A_138 = arith.constant 20608 : i32
      %add3A_139 = vector.broadcast %add3A_138 : i32 to vector<16xi32>
      %add3A_140 = arith.addi %add3A_139, %iota3A : vector<16xi32>
      %select_n3A_141 = arith.select %and3A_130, %sub3A_137, %add3A_140 : vector<16xi1>, vector<16xi32>
      %sub3A_142 = vector.broadcast %mul3A_0 : i32 to vector<16xi32>
      %sub3A_143 = arith.subi %get3A_125, %sub3A_142 : vector<16xi32>
      tpu.vector_store_idx %arg10[%select_n3A_141], %sub3A_143 : memref<20624xi32, #tpu.memory_space<vmem>>[vector<16xi32>], vector<16xi32>,
      %get3A_144 = arith.index_cast %scan3A_122 : i32 to index
      %get3A_145 = arith.constant 0 : index
      %get3A_146 = tpu.vector_load %arg7[%get3A_144, %get3A_145] {strides = array<i32>} : memref<160x128xi32, #tpu.memory_space<vmem>>, vector<16xi32>,
      tpu.vector_store_idx %arg9[%select_n3A_141], %get3A_146 : memref<20624xi32, #tpu.memory_space<vmem>>[vector<16xi32>], vector<16xi32>,
      %slice3A = vector.extract_strided_slice %masked_cumsum3A {offsets = [15], sizes = [1], strides = [1]} : vector<16xi32> to vector<1xi32>
      %squeeze3A = vector.extract %slice3A[0] : i32 from vector<1xi32>
      %add3A_147 = arith.addi %scan3A_123, %squeeze3A : i32
      %get3A_148 = arith.index_cast %scan3A_122 : i32 to index
      %get3A_149 = arith.constant 16 : index
      %get3A_150 = tpu.vector_load %arg8[%get3A_148, %get3A_149] {strides = array<i32>} : memref<160x128xi32, #tpu.memory_space<vmem>>, vector<16xi32>,
      %ge3A_151 = vector.broadcast %mul3A_0 : i32 to vector<16xi32>
      %ge3A_152 = arith.cmpi sge, %get3A_150, %ge3A_151 : vector<16xi32>
      %add3A_153 = arith.constant 5000 : i32
      %add3A_154 = arith.addi %mul3A_0, %add3A_153 : i32
      %lt3A_155 = vector.broadcast %add3A_154 : i32 to vector<16xi32>
      %lt3A_156 = arith.cmpi slt, %get3A_150, %lt3A_155 : vector<16xi32>
      %and3A_157 = arith.andi %ge3A_152, %lt3A_156 : vector<16xi1>
      %convert_element_type3A_158 = arith.extui %and3A_157 : vector<16xi1> to vector<16xi32>
      %broadcast_in_dim3A_159 = arith.constant true
      %broadcast_in_dim3A_160 = vector.broadcast %broadcast_in_dim3A_159 : i1 to vector<16xi1>
      %masked_cumsum3A_161 = tpu.scan <sum>, %convert_element_type3A_158 masked %broadcast_in_dim3A_160 : vector<16xi32>, vector<16xi1> -> vector<16xi32>
      %add3A_162 = vector.broadcast %add3A_147 : i32 to vector<16xi32>
      %add3A_163 = arith.addi %add3A_162, %masked_cumsum3A_161 : vector<16xi32>
      %sub3A_164 = arith.constant 1 : i32
      %sub3A_165 = vector.broadcast %sub3A_164 : i32 to vector<16xi32>
      %sub3A_166 = arith.subi %add3A_163, %sub3A_165 : vector<16xi32>
      %add3A_167 = arith.constant 20608 : i32
      %add3A_168 = vector.broadcast %add3A_167 : i32 to vector<16xi32>
      %add3A_169 = arith.addi %add3A_168, %iota3A : vector<16xi32>
      %select_n3A_170 = arith.select %and3A_157, %sub3A_166, %add3A_169 : vector<16xi1>, vector<16xi32>
      %sub3A_171 = vector.broadcast %mul3A_0 : i32 to vector<16xi32>
      %sub3A_172 = arith.subi %get3A_150, %sub3A_171 : vector<16xi32>
      tpu.vector_store_idx %arg10[%select_n3A_170], %sub3A_172 : memref<20624xi32, #tpu.memory_space<vmem>>[vector<16xi32>], vector<16xi32>,
      %get3A_173 = arith.index_cast %scan3A_122 : i32 to index
      %get3A_174 = arith.constant 16 : index
      %get3A_175 = tpu.vector_load %arg7[%get3A_173, %get3A_174] {strides = array<i32>} : memref<160x128xi32, #tpu.memory_space<vmem>>, vector<16xi32>,
      tpu.vector_store_idx %arg9[%select_n3A_170], %get3A_175 : memref<20624xi32, #tpu.memory_space<vmem>>[vector<16xi32>], vector<16xi32>,
      %slice3A_176 = vector.extract_strided_slice %masked_cumsum3A_161 {offsets = [15], sizes = [1], strides = [1]} : vector<16xi32> to vector<1xi32>
      %squeeze3A_177 = vector.extract %slice3A_176[0] : i32 from vector<1xi32>
      %add3A_178 = arith.addi %add3A_147, %squeeze3A_177 : i32
      %get3A_179 = arith.index_cast %scan3A_122 : i32 to index
      %get3A_180 = arith.constant 32 : index
      %get3A_181 = tpu.vector_load %arg8[%get3A_179, %get3A_180] {strides = array<i32>} : memref<160x128xi32, #tpu.memory_space<vmem>>, vector<16xi32>,
      %ge3A_182 = vector.broadcast %mul3A_0 : i32 to vector<16xi32>
      %ge3A_183 = arith.cmpi sge, %get3A_181, %ge3A_182 : vector<16xi32>
      %add3A_184 = arith.constant 5000 : i32
      %add3A_185 = arith.addi %mul3A_0, %add3A_184 : i32
      %lt3A_186 = vector.broadcast %add3A_185 : i32 to vector<16xi32>
      %lt3A_187 = arith.cmpi slt, %get3A_181, %lt3A_186 : vector<16xi32>
      %and3A_188 = arith.andi %ge3A_183, %lt3A_187 : vector<16xi1>
      %convert_element_type3A_189 = arith.extui %and3A_188 : vector<16xi1> to vector<16xi32>
      %broadcast_in_dim3A_190 = arith.constant true
      %broadcast_in_dim3A_191 = vector.broadcast %broadcast_in_dim3A_190 : i1 to vector<16xi1>
      %masked_cumsum3A_192 = tpu.scan <sum>, %convert_element_type3A_189 masked %broadcast_in_dim3A_191 : vector<16xi32>, vector<16xi1> -> vector<16xi32>
      %add3A_193 = vector.broadcast %add3A_178 : i32 to vector<16xi32>
      %add3A_194 = arith.addi %add3A_193, %masked_cumsum3A_192 : vector<16xi32>
      %sub3A_195 = arith.constant 1 : i32
      %sub3A_196 = vector.broadcast %sub3A_195 : i32 to vector<16xi32>
      %sub3A_197 = arith.subi %add3A_194, %sub3A_196 : vector<16xi32>
      %add3A_198 = arith.constant 20608 : i32
      %add3A_199 = vector.broadcast %add3A_198 : i32 to vector<16xi32>
      %add3A_200 = arith.addi %add3A_199, %iota3A : vector<16xi32>
      %select_n3A_201 = arith.select %and3A_188, %sub3A_197, %add3A_200 : vector<16xi1>, vector<16xi32>
      %sub3A_202 = vector.broadcast %mul3A_0 : i32 to vector<16xi32>
      %sub3A_203 = arith.subi %get3A_181, %sub3A_202 : vector<16xi32>
      tpu.vector_store_idx %arg10[%select_n3A_201], %sub3A_203 : memref<20624xi32, #tpu.memory_space<vmem>>[vector<16xi32>], vector<16xi32>,
      %get3A_204 = arith.index_cast %scan3A_122 : i32 to index
      %get3A_205 = arith.constant 32 : index
      %get3A_206 = tpu.vector_load %arg7[%get3A_204, %get3A_205] {strides = array<i32>} : memref<160x128xi32, #tpu.memory_space<vmem>>, vector<16xi32>,
      tpu.vector_store_idx %arg9[%select_n3A_201], %get3A_206 : memref<20624xi32, #tpu.memory_space<vmem>>[vector<16xi32>], vector<16xi32>,
      %slice3A_207 = vector.extract_strided_slice %masked_cumsum3A_192 {offsets = [15], sizes = [1], strides = [1]} : vector<16xi32> to vector<1xi32>
      %squeeze3A_208 = vector.extract %slice3A_207[0] : i32 from vector<1xi32>
      %add3A_209 = arith.addi %add3A_178, %squeeze3A_208 : i32
      %get3A_210 = arith.index_cast %scan3A_122 : i32 to index
      %get3A_211 = arith.constant 48 : index
      %get3A_212 = tpu.vector_load %arg8[%get3A_210, %get3A_211] {strides = array<i32>} : memref<160x128xi32, #tpu.memory_space<vmem>>, vector<16xi32>,
      %ge3A_213 = vector.broadcast %mul3A_0 : i32 to vector<16xi32>
      %ge3A_214 = arith.cmpi sge, %get3A_212, %ge3A_213 : vector<16xi32>
      %add3A_215 = arith.constant 5000 : i32
      %add3A_216 = arith.addi %mul3A_0, %add3A_215 : i32
      %lt3A_217 = vector.broadcast %add3A_216 : i32 to vector<16xi32>
      %lt3A_218 = arith.cmpi slt, %get3A_212, %lt3A_217 : vector<16xi32>
      %and3A_219 = arith.andi %ge3A_214, %lt3A_218 : vector<16xi1>
      %convert_element_type3A_220 = arith.extui %and3A_219 : vector<16xi1> to vector<16xi32>
      %broadcast_in_dim3A_221 = arith.constant true
      %broadcast_in_dim3A_222 = vector.broadcast %broadcast_in_dim3A_221 : i1 to vector<16xi1>
      %masked_cumsum3A_223 = tpu.scan <sum>, %convert_element_type3A_220 masked %broadcast_in_dim3A_222 : vector<16xi32>, vector<16xi1> -> vector<16xi32>
      %add3A_224 = vector.broadcast %add3A_209 : i32 to vector<16xi32>
      %add3A_225 = arith.addi %add3A_224, %masked_cumsum3A_223 : vector<16xi32>
      %sub3A_226 = arith.constant 1 : i32
      %sub3A_227 = vector.broadcast %sub3A_226 : i32 to vector<16xi32>
      %sub3A_228 = arith.subi %add3A_225, %sub3A_227 : vector<16xi32>
      %add3A_229 = arith.constant 20608 : i32
      %add3A_230 = vector.broadcast %add3A_229 : i32 to vector<16xi32>
      %add3A_231 = arith.addi %add3A_230, %iota3A : vector<16xi32>
      %select_n3A_232 = arith.select %and3A_219, %sub3A_228, %add3A_231 : vector<16xi1>, vector<16xi32>
      %sub3A_233 = vector.broadcast %mul3A_0 : i32 to vector<16xi32>
      %sub3A_234 = arith.subi %get3A_212, %sub3A_233 : vector<16xi32>
      tpu.vector_store_idx %arg10[%select_n3A_232], %sub3A_234 : memref<20624xi32, #tpu.memory_space<vmem>>[vector<16xi32>], vector<16xi32>,
      %get3A_235 = arith.index_cast %scan3A_122 : i32 to index
      %get3A_236 = arith.constant 48 : index
      %get3A_237 = tpu.vector_load %arg7[%get3A_235, %get3A_236] {strides = array<i32>} : memref<160x128xi32, #tpu.memory_space<vmem>>, vector<16xi32>,
      tpu.vector_store_idx %arg9[%select_n3A_232], %get3A_237 : memref<20624xi32, #tpu.memory_space<vmem>>[vector<16xi32>], vector<16xi32>,
      %slice3A_238 = vector.extract_strided_slice %masked_cumsum3A_223 {offsets = [15], sizes = [1], strides = [1]} : vector<16xi32> to vector<1xi32>
      %squeeze3A_239 = vector.extract %slice3A_238[0] : i32 from vector<1xi32>
      %add3A_240 = arith.addi %add3A_209, %squeeze3A_239 : i32
      %get3A_241 = arith.index_cast %scan3A_122 : i32 to index
      %get3A_242 = arith.constant 64 : index
      %get3A_243 = tpu.vector_load %arg8[%get3A_241, %get3A_242] {strides = array<i32>} : memref<160x128xi32, #tpu.memory_space<vmem>>, vector<16xi32>,
      %ge3A_244 = vector.broadcast %mul3A_0 : i32 to vector<16xi32>
      %ge3A_245 = arith.cmpi sge, %get3A_243, %ge3A_244 : vector<16xi32>
      %add3A_246 = arith.constant 5000 : i32
      %add3A_247 = arith.addi %mul3A_0, %add3A_246 : i32
      %lt3A_248 = vector.broadcast %add3A_247 : i32 to vector<16xi32>
      %lt3A_249 = arith.cmpi slt, %get3A_243, %lt3A_248 : vector<16xi32>
      %and3A_250 = arith.andi %ge3A_245, %lt3A_249 : vector<16xi1>
      %convert_element_type3A_251 = arith.extui %and3A_250 : vector<16xi1> to vector<16xi32>
      %broadcast_in_dim3A_252 = arith.constant true
      %broadcast_in_dim3A_253 = vector.broadcast %broadcast_in_dim3A_252 : i1 to vector<16xi1>
      %masked_cumsum3A_254 = tpu.scan <sum>, %convert_element_type3A_251 masked %broadcast_in_dim3A_253 : vector<16xi32>, vector<16xi1> -> vector<16xi32>
      %add3A_255 = vector.broadcast %add3A_240 : i32 to vector<16xi32>
      %add3A_256 = arith.addi %add3A_255, %masked_cumsum3A_254 : vector<16xi32>
      %sub3A_257 = arith.constant 1 : i32
      %sub3A_258 = vector.broadcast %sub3A_257 : i32 to vector<16xi32>
      %sub3A_259 = arith.subi %add3A_256, %sub3A_258 : vector<16xi32>
      %add3A_260 = arith.constant 20608 : i32
      %add3A_261 = vector.broadcast %add3A_260 : i32 to vector<16xi32>
      %add3A_262 = arith.addi %add3A_261, %iota3A : vector<16xi32>
      %select_n3A_263 = arith.select %and3A_250, %sub3A_259, %add3A_262 : vector<16xi1>, vector<16xi32>
      %sub3A_264 = vector.broadcast %mul3A_0 : i32 to vector<16xi32>
      %sub3A_265 = arith.subi %get3A_243, %sub3A_264 : vector<16xi32>
      tpu.vector_store_idx %arg10[%select_n3A_263], %sub3A_265 : memref<20624xi32, #tpu.memory_space<vmem>>[vector<16xi32>], vector<16xi32>,
      %get3A_266 = arith.index_cast %scan3A_122 : i32 to index
      %get3A_267 = arith.constant 64 : index
      %get3A_268 = tpu.vector_load %arg7[%get3A_266, %get3A_267] {strides = array<i32>} : memref<160x128xi32, #tpu.memory_space<vmem>>, vector<16xi32>,
      tpu.vector_store_idx %arg9[%select_n3A_263], %get3A_268 : memref<20624xi32, #tpu.memory_space<vmem>>[vector<16xi32>], vector<16xi32>,
      %slice3A_269 = vector.extract_strided_slice %masked_cumsum3A_254 {offsets = [15], sizes = [1], strides = [1]} : vector<16xi32> to vector<1xi32>
      %squeeze3A_270 = vector.extract %slice3A_269[0] : i32 from vector<1xi32>
      %add3A_271 = arith.addi %add3A_240, %squeeze3A_270 : i32
      %get3A_272 = arith.index_cast %scan3A_122 : i32 to index
      %get3A_273 = arith.constant 80 : index
      %get3A_274 = tpu.vector_load %arg8[%get3A_272, %get3A_273] {strides = array<i32>} : memref<160x128xi32, #tpu.memory_space<vmem>>, vector<16xi32>,
      %ge3A_275 = vector.broadcast %mul3A_0 : i32 to vector<16xi32>
      %ge3A_276 = arith.cmpi sge, %get3A_274, %ge3A_275 : vector<16xi32>
      %add3A_277 = arith.constant 5000 : i32
      %add3A_278 = arith.addi %mul3A_0, %add3A_277 : i32
      %lt3A_279 = vector.broadcast %add3A_278 : i32 to vector<16xi32>
      %lt3A_280 = arith.cmpi slt, %get3A_274, %lt3A_279 : vector<16xi32>
      %and3A_281 = arith.andi %ge3A_276, %lt3A_280 : vector<16xi1>
      %convert_element_type3A_282 = arith.extui %and3A_281 : vector<16xi1> to vector<16xi32>
      %broadcast_in_dim3A_283 = arith.constant true
      %broadcast_in_dim3A_284 = vector.broadcast %broadcast_in_dim3A_283 : i1 to vector<16xi1>
      %masked_cumsum3A_285 = tpu.scan <sum>, %convert_element_type3A_282 masked %broadcast_in_dim3A_284 : vector<16xi32>, vector<16xi1> -> vector<16xi32>
      %add3A_286 = vector.broadcast %add3A_271 : i32 to vector<16xi32>
      %add3A_287 = arith.addi %add3A_286, %masked_cumsum3A_285 : vector<16xi32>
      %sub3A_288 = arith.constant 1 : i32
      %sub3A_289 = vector.broadcast %sub3A_288 : i32 to vector<16xi32>
      %sub3A_290 = arith.subi %add3A_287, %sub3A_289 : vector<16xi32>
      %add3A_291 = arith.constant 20608 : i32
      %add3A_292 = vector.broadcast %add3A_291 : i32 to vector<16xi32>
      %add3A_293 = arith.addi %add3A_292, %iota3A : vector<16xi32>
      %select_n3A_294 = arith.select %and3A_281, %sub3A_290, %add3A_293 : vector<16xi1>, vector<16xi32>
      %sub3A_295 = vector.broadcast %mul3A_0 : i32 to vector<16xi32>
      %sub3A_296 = arith.subi %get3A_274, %sub3A_295 : vector<16xi32>
      tpu.vector_store_idx %arg10[%select_n3A_294], %sub3A_296 : memref<20624xi32, #tpu.memory_space<vmem>>[vector<16xi32>], vector<16xi32>,
      %get3A_297 = arith.index_cast %scan3A_122 : i32 to index
      %get3A_298 = arith.constant 80 : index
      %get3A_299 = tpu.vector_load %arg7[%get3A_297, %get3A_298] {strides = array<i32>} : memref<160x128xi32, #tpu.memory_space<vmem>>, vector<16xi32>,
      tpu.vector_store_idx %arg9[%select_n3A_294], %get3A_299 : memref<20624xi32, #tpu.memory_space<vmem>>[vector<16xi32>], vector<16xi32>,
      %slice3A_300 = vector.extract_strided_slice %masked_cumsum3A_285 {offsets = [15], sizes = [1], strides = [1]} : vector<16xi32> to vector<1xi32>
      %squeeze3A_301 = vector.extract %slice3A_300[0] : i32 from vector<1xi32>
      %add3A_302 = arith.addi %add3A_271, %squeeze3A_301 : i32
      %get3A_303 = arith.index_cast %scan3A_122 : i32 to index
      %get3A_304 = arith.constant 96 : index
      %get3A_305 = tpu.vector_load %arg8[%get3A_303, %get3A_304] {strides = array<i32>} : memref<160x128xi32, #tpu.memory_space<vmem>>, vector<16xi32>,
      %ge3A_306 = vector.broadcast %mul3A_0 : i32 to vector<16xi32>
      %ge3A_307 = arith.cmpi sge, %get3A_305, %ge3A_306 : vector<16xi32>
      %add3A_308 = arith.constant 5000 : i32
      %add3A_309 = arith.addi %mul3A_0, %add3A_308 : i32
      %lt3A_310 = vector.broadcast %add3A_309 : i32 to vector<16xi32>
      %lt3A_311 = arith.cmpi slt, %get3A_305, %lt3A_310 : vector<16xi32>
      %and3A_312 = arith.andi %ge3A_307, %lt3A_311 : vector<16xi1>
      %convert_element_type3A_313 = arith.extui %and3A_312 : vector<16xi1> to vector<16xi32>
      %broadcast_in_dim3A_314 = arith.constant true
      %broadcast_in_dim3A_315 = vector.broadcast %broadcast_in_dim3A_314 : i1 to vector<16xi1>
      %masked_cumsum3A_316 = tpu.scan <sum>, %convert_element_type3A_313 masked %broadcast_in_dim3A_315 : vector<16xi32>, vector<16xi1> -> vector<16xi32>
      %add3A_317 = vector.broadcast %add3A_302 : i32 to vector<16xi32>
      %add3A_318 = arith.addi %add3A_317, %masked_cumsum3A_316 : vector<16xi32>
      %sub3A_319 = arith.constant 1 : i32
      %sub3A_320 = vector.broadcast %sub3A_319 : i32 to vector<16xi32>
      %sub3A_321 = arith.subi %add3A_318, %sub3A_320 : vector<16xi32>
      %add3A_322 = arith.constant 20608 : i32
      %add3A_323 = vector.broadcast %add3A_322 : i32 to vector<16xi32>
      %add3A_324 = arith.addi %add3A_323, %iota3A : vector<16xi32>
      %select_n3A_325 = arith.select %and3A_312, %sub3A_321, %add3A_324 : vector<16xi1>, vector<16xi32>
      %sub3A_326 = vector.broadcast %mul3A_0 : i32 to vector<16xi32>
      %sub3A_327 = arith.subi %get3A_305, %sub3A_326 : vector<16xi32>
      tpu.vector_store_idx %arg10[%select_n3A_325], %sub3A_327 : memref<20624xi32, #tpu.memory_space<vmem>>[vector<16xi32>], vector<16xi32>,
      %get3A_328 = arith.index_cast %scan3A_122 : i32 to index
      %get3A_329 = arith.constant 96 : index
      %get3A_330 = tpu.vector_load %arg7[%get3A_328, %get3A_329] {strides = array<i32>} : memref<160x128xi32, #tpu.memory_space<vmem>>, vector<16xi32>,
      tpu.vector_store_idx %arg9[%select_n3A_325], %get3A_330 : memref<20624xi32, #tpu.memory_space<vmem>>[vector<16xi32>], vector<16xi32>,
      %slice3A_331 = vector.extract_strided_slice %masked_cumsum3A_316 {offsets = [15], sizes = [1], strides = [1]} : vector<16xi32> to vector<1xi32>
      %squeeze3A_332 = vector.extract %slice3A_331[0] : i32 from vector<1xi32>
      %add3A_333 = arith.addi %add3A_302, %squeeze3A_332 : i32
      %get3A_334 = arith.index_cast %scan3A_122 : i32 to index
      %get3A_335 = arith.constant 112 : index
      %get3A_336 = tpu.vector_load %arg8[%get3A_334, %get3A_335] {strides = array<i32>} : memref<160x128xi32, #tpu.memory_space<vmem>>, vector<16xi32>,
      %ge3A_337 = vector.broadcast %mul3A_0 : i32 to vector<16xi32>
      %ge3A_338 = arith.cmpi sge, %get3A_336, %ge3A_337 : vector<16xi32>
      %add3A_339 = arith.constant 5000 : i32
      %add3A_340 = arith.addi %mul3A_0, %add3A_339 : i32
      %lt3A_341 = vector.broadcast %add3A_340 : i32 to vector<16xi32>
      %lt3A_342 = arith.cmpi slt, %get3A_336, %lt3A_341 : vector<16xi32>
      %and3A_343 = arith.andi %ge3A_338, %lt3A_342 : vector<16xi1>
      %convert_element_type3A_344 = arith.extui %and3A_343 : vector<16xi1> to vector<16xi32>
      %broadcast_in_dim3A_345 = arith.constant true
      %broadcast_in_dim3A_346 = vector.broadcast %broadcast_in_dim3A_345 : i1 to vector<16xi1>
      %masked_cumsum3A_347 = tpu.scan <sum>, %convert_element_type3A_344 masked %broadcast_in_dim3A_346 : vector<16xi32>, vector<16xi1> -> vector<16xi32>
      %add3A_348 = vector.broadcast %add3A_333 : i32 to vector<16xi32>
      %add3A_349 = arith.addi %add3A_348, %masked_cumsum3A_347 : vector<16xi32>
      %sub3A_350 = arith.constant 1 : i32
      %sub3A_351 = vector.broadcast %sub3A_350 : i32 to vector<16xi32>
      %sub3A_352 = arith.subi %add3A_349, %sub3A_351 : vector<16xi32>
      %add3A_353 = arith.constant 20608 : i32
      %add3A_354 = vector.broadcast %add3A_353 : i32 to vector<16xi32>
      %add3A_355 = arith.addi %add3A_354, %iota3A : vector<16xi32>
      %select_n3A_356 = arith.select %and3A_343, %sub3A_352, %add3A_355 : vector<16xi1>, vector<16xi32>
      %sub3A_357 = vector.broadcast %mul3A_0 : i32 to vector<16xi32>
      %sub3A_358 = arith.subi %get3A_336, %sub3A_357 : vector<16xi32>
      tpu.vector_store_idx %arg10[%select_n3A_356], %sub3A_358 : memref<20624xi32, #tpu.memory_space<vmem>>[vector<16xi32>], vector<16xi32>,
      %get3A_359 = arith.index_cast %scan3A_122 : i32 to index
      %get3A_360 = arith.constant 112 : index
      %get3A_361 = tpu.vector_load %arg7[%get3A_359, %get3A_360] {strides = array<i32>} : memref<160x128xi32, #tpu.memory_space<vmem>>, vector<16xi32>,
      tpu.vector_store_idx %arg9[%select_n3A_356], %get3A_361 : memref<20624xi32, #tpu.memory_space<vmem>>[vector<16xi32>], vector<16xi32>,
      %slice3A_362 = vector.extract_strided_slice %masked_cumsum3A_347 {offsets = [15], sizes = [1], strides = [1]} : vector<16xi32> to vector<1xi32>
      %squeeze3A_363 = vector.extract %slice3A_362[0] : i32 from vector<1xi32>
      %add3A_364 = arith.addi %add3A_333, %squeeze3A_363 : i32
      scf.yield %add3A_364 : i32
    }
    %scan3A_10 = arith.constant 160 : i32
    %add3A = arith.constant 0 : i32
    %add3A_11 = arith.addi %scan3A_9, %add3A : i32
    %swap3A = arith.index_cast %add3A_11 : i32 to index
    %swap3A_12 = tpu.vector_load %arg9[%swap3A] {strides = array<i32>} : memref<20624xi32, #tpu.memory_space<vmem>>, vector<16xi32>,
    tpu.vector_store %arg9[%swap3A], %iota3A {strides = array<i32>} : memref<20624xi32, #tpu.memory_space<vmem>>, vector<16xi32>,
    %add3A_13 = arith.constant 5000 : i32
    %add3A_14 = vector.broadcast %add3A_13 : i32 to vector<16xi32>
    %add3A_15 = arith.addi %add3A_14, %iota3A : vector<16xi32>
    %add3A_16 = arith.constant 0 : i32
    %add3A_17 = arith.addi %scan3A_9, %add3A_16 : i32
    %swap3A_18 = arith.index_cast %add3A_17 : i32 to index
    %swap3A_19 = tpu.vector_load %arg10[%swap3A_18] {strides = array<i32>} : memref<20624xi32, #tpu.memory_space<vmem>>, vector<16xi32>,
    tpu.vector_store %arg10[%swap3A_18], %add3A_15 {strides = array<i32>} : memref<20624xi32, #tpu.memory_space<vmem>>, vector<16xi32>,
    %add3A_20 = arith.constant 16 : i32
    %add3A_21 = arith.addi %scan3A_9, %add3A_20 : i32
    %swap3A_22 = arith.index_cast %add3A_21 : i32 to index
    %swap3A_23 = tpu.vector_load %arg9[%swap3A_22] {strides = array<i32>} : memref<20624xi32, #tpu.memory_space<vmem>>, vector<16xi32>,
    tpu.vector_store %arg9[%swap3A_22], %iota3A {strides = array<i32>} : memref<20624xi32, #tpu.memory_space<vmem>>, vector<16xi32>,
    %add3A_24 = arith.constant 5000 : i32
    %add3A_25 = vector.broadcast %add3A_24 : i32 to vector<16xi32>
    %add3A_26 = arith.addi %add3A_25, %iota3A : vector<16xi32>
    %add3A_27 = arith.constant 16 : i32
    %add3A_28 = arith.addi %scan3A_9, %add3A_27 : i32
    %swap3A_29 = arith.index_cast %add3A_28 : i32 to index
    %swap3A_30 = tpu.vector_load %arg10[%swap3A_29] {strides = array<i32>} : memref<20624xi32, #tpu.memory_space<vmem>>, vector<16xi32>,
    tpu.vector_store %arg10[%swap3A_29], %add3A_26 {strides = array<i32>} : memref<20624xi32, #tpu.memory_space<vmem>>, vector<16xi32>,
    %add3A_31 = arith.constant 32 : i32
    %add3A_32 = arith.addi %scan3A_9, %add3A_31 : i32
    %swap3A_33 = arith.index_cast %add3A_32 : i32 to index
    %swap3A_34 = tpu.vector_load %arg9[%swap3A_33] {strides = array<i32>} : memref<20624xi32, #tpu.memory_space<vmem>>, vector<16xi32>,
    tpu.vector_store %arg9[%swap3A_33], %iota3A {strides = array<i32>} : memref<20624xi32, #tpu.memory_space<vmem>>, vector<16xi32>,
    %add3A_35 = arith.constant 5000 : i32
    %add3A_36 = vector.broadcast %add3A_35 : i32 to vector<16xi32>
    %add3A_37 = arith.addi %add3A_36, %iota3A : vector<16xi32>
    %add3A_38 = arith.constant 32 : i32
    %add3A_39 = arith.addi %scan3A_9, %add3A_38 : i32
    %swap3A_40 = arith.index_cast %add3A_39 : i32 to index
    %swap3A_41 = tpu.vector_load %arg10[%swap3A_40] {strides = array<i32>} : memref<20624xi32, #tpu.memory_space<vmem>>, vector<16xi32>,
    tpu.vector_store %arg10[%swap3A_40], %add3A_37 {strides = array<i32>} : memref<20624xi32, #tpu.memory_space<vmem>>, vector<16xi32>,
    %add3A_42 = arith.constant 48 : i32
    %add3A_43 = arith.addi %scan3A_9, %add3A_42 : i32
    %swap3A_44 = arith.index_cast %add3A_43 : i32 to index
    %swap3A_45 = tpu.vector_load %arg9[%swap3A_44] {strides = array<i32>} : memref<20624xi32, #tpu.memory_space<vmem>>, vector<16xi32>,
    tpu.vector_store %arg9[%swap3A_44], %iota3A {strides = array<i32>} : memref<20624xi32, #tpu.memory_space<vmem>>, vector<16xi32>,
    %add3A_46 = arith.constant 5000 : i32
    %add3A_47 = vector.broadcast %add3A_46 : i32 to vector<16xi32>
    %add3A_48 = arith.addi %add3A_47, %iota3A : vector<16xi32>
    %add3A_49 = arith.constant 48 : i32
    %add3A_50 = arith.addi %scan3A_9, %add3A_49 : i32
    %swap3A_51 = arith.index_cast %add3A_50 : i32 to index
    %swap3A_52 = tpu.vector_load %arg10[%swap3A_51] {strides = array<i32>} : memref<20624xi32, #tpu.memory_space<vmem>>, vector<16xi32>,
    tpu.vector_store %arg10[%swap3A_51], %add3A_48 {strides = array<i32>} : memref<20624xi32, #tpu.memory_space<vmem>>, vector<16xi32>,
    %add3A_53 = arith.constant 64 : i32
    %add3A_54 = arith.addi %scan3A_9, %add3A_53 : i32
    %swap3A_55 = arith.index_cast %add3A_54 : i32 to index
    %swap3A_56 = tpu.vector_load %arg9[%swap3A_55] {strides = array<i32>} : memref<20624xi32, #tpu.memory_space<vmem>>, vector<16xi32>,
    tpu.vector_store %arg9[%swap3A_55], %iota3A {strides = array<i32>} : memref<20624xi32, #tpu.memory_space<vmem>>, vector<16xi32>,
    %add3A_57 = arith.constant 5000 : i32
    %add3A_58 = vector.broadcast %add3A_57 : i32 to vector<16xi32>
    %add3A_59 = arith.addi %add3A_58, %iota3A : vector<16xi32>
    %add3A_60 = arith.constant 64 : i32
    %add3A_61 = arith.addi %scan3A_9, %add3A_60 : i32
    %swap3A_62 = arith.index_cast %add3A_61 : i32 to index
    %swap3A_63 = tpu.vector_load %arg10[%swap3A_62] {strides = array<i32>} : memref<20624xi32, #tpu.memory_space<vmem>>, vector<16xi32>,
    tpu.vector_store %arg10[%swap3A_62], %add3A_59 {strides = array<i32>} : memref<20624xi32, #tpu.memory_space<vmem>>, vector<16xi32>,
    %add3A_64 = arith.constant 80 : i32
    %add3A_65 = arith.addi %scan3A_9, %add3A_64 : i32
    %swap3A_66 = arith.index_cast %add3A_65 : i32 to index
    %swap3A_67 = tpu.vector_load %arg9[%swap3A_66] {strides = array<i32>} : memref<20624xi32, #tpu.memory_space<vmem>>, vector<16xi32>,
    tpu.vector_store %arg9[%swap3A_66], %iota3A {strides = array<i32>} : memref<20624xi32, #tpu.memory_space<vmem>>, vector<16xi32>,
    %add3A_68 = arith.constant 5000 : i32
    %add3A_69 = vector.broadcast %add3A_68 : i32 to vector<16xi32>
    %add3A_70 = arith.addi %add3A_69, %iota3A : vector<16xi32>
    %add3A_71 = arith.constant 80 : i32
    %add3A_72 = arith.addi %scan3A_9, %add3A_71 : i32
    %swap3A_73 = arith.index_cast %add3A_72 : i32 to index
    %swap3A_74 = tpu.vector_load %arg10[%swap3A_73] {strides = array<i32>} : memref<20624xi32, #tpu.memory_space<vmem>>, vector<16xi32>,
    tpu.vector_store %arg10[%swap3A_73], %add3A_70 {strides = array<i32>} : memref<20624xi32, #tpu.memory_space<vmem>>, vector<16xi32>,
    %add3A_75 = arith.constant 96 : i32
    %add3A_76 = arith.addi %scan3A_9, %add3A_75 : i32
    %swap3A_77 = arith.index_cast %add3A_76 : i32 to index
    %swap3A_78 = tpu.vector_load %arg9[%swap3A_77] {strides = array<i32>} : memref<20624xi32, #tpu.memory_space<vmem>>, vector<16xi32>,
    tpu.vector_store %arg9[%swap3A_77], %iota3A {strides = array<i32>} : memref<20624xi32, #tpu.memory_space<vmem>>, vector<16xi32>,
    %add3A_79 = arith.constant 5000 : i32
    %add3A_80 = vector.broadcast %add3A_79 : i32 to vector<16xi32>
    %add3A_81 = arith.addi %add3A_80, %iota3A : vector<16xi32>
    %add3A_82 = arith.constant 96 : i32
    %add3A_83 = arith.addi %scan3A_9, %add3A_82 : i32
    %swap3A_84 = arith.index_cast %add3A_83 : i32 to index
    %swap3A_85 = tpu.vector_load %arg10[%swap3A_84] {strides = array<i32>} : memref<20624xi32, #tpu.memory_space<vmem>>, vector<16xi32>,
    tpu.vector_store %arg10[%swap3A_84], %add3A_81 {strides = array<i32>} : memref<20624xi32, #tpu.memory_space<vmem>>, vector<16xi32>,
    %add3A_86 = arith.constant 112 : i32
    %add3A_87 = arith.addi %scan3A_9, %add3A_86 : i32
    %swap3A_88 = arith.index_cast %add3A_87 : i32 to index
    %swap3A_89 = tpu.vector_load %arg9[%swap3A_88] {strides = array<i32>} : memref<20624xi32, #tpu.memory_space<vmem>>, vector<16xi32>,
    tpu.vector_store %arg9[%swap3A_88], %iota3A {strides = array<i32>} : memref<20624xi32, #tpu.memory_space<vmem>>, vector<16xi32>,
    %add3A_90 = arith.constant 5000 : i32
    %add3A_91 = vector.broadcast %add3A_90 : i32 to vector<16xi32>
    %add3A_92 = arith.addi %add3A_91, %iota3A : vector<16xi32>
    %add3A_93 = arith.constant 112 : i32
    %add3A_94 = arith.addi %scan3A_9, %add3A_93 : i32
    %swap3A_95 = arith.index_cast %add3A_94 : i32 to index
    %swap3A_96 = tpu.vector_load %arg10[%swap3A_95] {strides = array<i32>} : memref<20624xi32, #tpu.memory_space<vmem>>, vector<16xi32>,
    tpu.vector_store %arg10[%swap3A_95], %add3A_92 {strides = array<i32>} : memref<20624xi32, #tpu.memory_space<vmem>>, vector<16xi32>,
    %add3A_97 = arith.constant 128 : i32
    %add3A_98 = arith.addi %scan3A_9, %add3A_97 : i32
    %sub3A = arith.constant 1 : i32
    %sub3A_99 = arith.subi %add3A_98, %sub3A : i32
    %jit3A = arith.constant 128 : i32
    %div3A = arith.divsi %sub3A_99, %jit3A : i32
    %sign3A = arith.constant 0 : i32
    %sign3A_100 = arith.cmpi sgt, %sub3A_99, %sign3A : i32
    %sign3A_101 = arith.extui %sign3A_100 : i1 to i32
    %sign3A_102 = arith.constant 0 : i32
    %sign3A_103 = arith.cmpi slt, %sub3A_99, %sign3A_102 : i32
    %sign3A_104 = arith.extui %sign3A_103 : i1 to i32
    %sign3A_105 = arith.subi %sign3A_101, %sign3A_104 : i32
    %sign3A_106 = arith.constant 0 : i32
    %sign3A_107 = arith.cmpi sgt, %jit3A, %sign3A_106 : i32
    %sign3A_108 = arith.extui %sign3A_107 : i1 to i32
    %sign3A_109 = arith.constant 0 : i32
    %sign3A_110 = arith.cmpi slt, %jit3A, %sign3A_109 : i32
    %sign3A_111 = arith.extui %sign3A_110 : i1 to i32
    %sign3A_112 = arith.subi %sign3A_108, %sign3A_111 : i32
    %ne3A = arith.cmpi ne, %sign3A_105, %sign3A_112 : i32
    %rem3A = arith.remsi %sub3A_99, %jit3A : i32
    %ne3A_113 = arith.constant 0 : i32
    %ne3A_114 = arith.cmpi ne, %rem3A, %ne3A_113 : i32
    %and3A = arith.andi %ne3A, %ne3A_114 : i1
    %sub3A_115 = arith.constant 1 : i32
    %sub3A_116 = arith.subi %div3A, %sub3A_115 : i32
    %select_n3A = arith.select %and3A, %sub3A_116, %div3A : i32
    %broadcast_in_dim3A = arith.constant 0 : i32
    %broadcast_in_dim3A_117 = vector.broadcast %broadcast_in_dim3A : i32 to vector<16xi32>
    %add3A_118 = vector.broadcast %select_n3A : i32 to vector<16xi32>
    %add3A_119 = arith.addi %broadcast_in_dim3A_117, %add3A_118 : vector<16xi32>
    %swap3A_120 = arith.constant 0 : index
    %swap3A_121 = tpu.vector_load %arg11[%swap3A_120] {strides = array<i32>} : memref<16xi32, #tpu.memory_space<vmem>>, vector<16xi32>,
    tpu.vector_store %arg11[%swap3A_120], %add3A_119 {strides = array<i32>} : memref<16xi32, #tpu.memory_space<vmem>>, vector<16xi32>,
    "tpu.region"() ({
      %run_scoped3A = tpu.sem_alloc : memref<!tpu.dma_semaphore, #tpu.memory_space<semaphore_mem>>
      %dma_start3A = arith.constant 0 : i32
      %dma_start3A_122 = tpu.memref_slice %arg6[%arg0, %arg1, %dma_start3A] : memref<2x16x16xi32, #tpu.memory_space<hbm>> -> memref<1x1x16xi32, #tpu.memory_space<hbm>>
      %dma_start3A_123 = tpu.memref_squeeze %dma_start3A_122 : memref<1x1x16xi32, #tpu.memory_space<hbm>> -> memref<16xi32, #tpu.memory_space<hbm>>
      %dma_start3A_124 = arith.constant 0 : i32
      %dma_start3A_125 = tpu.memref_slice %arg6[%arg0, %arg1, %dma_start3A_124] : memref<2x16x16xi32, #tpu.memory_space<hbm>> -> memref<1x1x16xi32, #tpu.memory_space<hbm>>
      %dma_start3A_126 = tpu.memref_squeeze %dma_start3A_125 : memref<1x1x16xi32, #tpu.memory_space<hbm>> -> memref<16xi32, #tpu.memory_space<hbm>>
      tpu.enqueue_dma source(%arg11 : memref<16xi32, #tpu.memory_space<vmem>>) target(%dma_start3A_126 : memref<16xi32, #tpu.memory_space<hbm>>) target_semaphore(%run_scoped3A : memref<!tpu.dma_semaphore, #tpu.memory_space<semaphore_mem>>)
      %dma_wait3A = arith.constant 0 : i32
      %dma_wait3A_127 = tpu.memref_slice %arg6[%arg0, %arg1, %dma_wait3A] : memref<2x16x16xi32, #tpu.memory_space<hbm>> -> memref<1x1x16xi32, #tpu.memory_space<hbm>>
      %dma_wait3A_128 = tpu.memref_squeeze %dma_wait3A_127 : memref<1x1x16xi32, #tpu.memory_space<hbm>> -> memref<16xi32, #tpu.memory_space<hbm>>
      %dma_wait3A_129 = arith.constant 0 : i32
      %dma_wait3A_130 = tpu.memref_slice %arg6[%arg0, %arg1, %dma_wait3A_129] : memref<2x16x16xi32, #tpu.memory_space<hbm>> -> memref<1x1x16xi32, #tpu.memory_space<hbm>>
      %dma_wait3A_131 = tpu.memref_squeeze %dma_wait3A_130 : memref<1x1x16xi32, #tpu.memory_space<hbm>> -> memref<16xi32, #tpu.memory_space<hbm>>
      tpu.wait_dma2 semaphore(%run_scoped3A : memref<!tpu.dma_semaphore, #tpu.memory_space<semaphore_mem>>) src(%arg11 : memref<16xi32, #tpu.memory_space<vmem>>) dst(%dma_wait3A_131 : memref<16xi32, #tpu.memory_space<hbm>>)
      tpu.yield
    }) : () -> ()
    "tpu.region"() ({
      %run_scoped3A = tpu.sem_alloc : memref<!tpu.dma_semaphore, #tpu.memory_space<semaphore_mem>>
      %dma_start3A = arith.constant 0 : i32
      %dma_start3A_122 = tpu.memref_slice %arg9[%dma_start3A] : memref<20624xi32, #tpu.memory_space<vmem>> -> memref<20608xi32, #tpu.memory_space<vmem>>
      %dma_start3A_123 = arith.constant 0 : i32
      %dma_start3A_124 = tpu.memref_slice %arg4[%arg0, %arg1, %dma_start3A_123] : memref<2x16x20608xi32, #tpu.memory_space<hbm>> -> memref<1x1x20608xi32, #tpu.memory_space<hbm>>
      %dma_start3A_125 = tpu.memref_squeeze %dma_start3A_124 : memref<1x1x20608xi32, #tpu.memory_space<hbm>> -> memref<20608xi32, #tpu.memory_space<hbm>>
      %dma_start3A_126 = arith.constant 0 : i32
      %dma_start3A_127 = tpu.memref_slice %arg4[%arg0, %arg1, %dma_start3A_126] : memref<2x16x20608xi32, #tpu.memory_space<hbm>> -> memref<1x1x20608xi32, #tpu.memory_space<hbm>>
      %dma_start3A_128 = tpu.memref_squeeze %dma_start3A_127 : memref<1x1x20608xi32, #tpu.memory_space<hbm>> -> memref<20608xi32, #tpu.memory_space<hbm>>
      %dma_start3A_129 = arith.constant 0 : i32
      %dma_start3A_130 = tpu.memref_slice %arg9[%dma_start3A_129] : memref<20624xi32, #tpu.memory_space<vmem>> -> memref<20608xi32, #tpu.memory_space<vmem>>
      tpu.enqueue_dma source(%dma_start3A_130 : memref<20608xi32, #tpu.memory_space<vmem>>) target(%dma_start3A_128 : memref<20608xi32, #tpu.memory_space<hbm>>) target_semaphore(%run_scoped3A : memref<!tpu.dma_semaphore, #tpu.memory_space<semaphore_mem>>)
      %dma_wait3A = arith.constant 0 : i32
      %dma_wait3A_131 = tpu.memref_slice %arg9[%dma_wait3A] : memref<20624xi32, #tpu.memory_space<vmem>> -> memref<20608xi32, #tpu.memory_space<vmem>>
      %dma_wait3A_132 = arith.constant 0 : i32
      %dma_wait3A_133 = tpu.memref_slice %arg4[%arg0, %arg1, %dma_wait3A_132] : memref<2x16x20608xi32, #tpu.memory_space<hbm>> -> memref<1x1x20608xi32, #tpu.memory_space<hbm>>
      %dma_wait3A_134 = tpu.memref_squeeze %dma_wait3A_133 : memref<1x1x20608xi32, #tpu.memory_space<hbm>> -> memref<20608xi32, #tpu.memory_space<hbm>>
      %dma_wait3A_135 = arith.constant 0 : i32
      %dma_wait3A_136 = tpu.memref_slice %arg4[%arg0, %arg1, %dma_wait3A_135] : memref<2x16x20608xi32, #tpu.memory_space<hbm>> -> memref<1x1x20608xi32, #tpu.memory_space<hbm>>
      %dma_wait3A_137 = tpu.memref_squeeze %dma_wait3A_136 : memref<1x1x20608xi32, #tpu.memory_space<hbm>> -> memref<20608xi32, #tpu.memory_space<hbm>>
      %dma_wait3A_138 = arith.constant 0 : i32
      %dma_wait3A_139 = tpu.memref_slice %arg9[%dma_wait3A_138] : memref<20624xi32, #tpu.memory_space<vmem>> -> memref<20608xi32, #tpu.memory_space<vmem>>
      tpu.wait_dma2 semaphore(%run_scoped3A : memref<!tpu.dma_semaphore, #tpu.memory_space<semaphore_mem>>) src(%dma_wait3A_139 : memref<20608xi32, #tpu.memory_space<vmem>>) dst(%dma_wait3A_137 : memref<20608xi32, #tpu.memory_space<hbm>>)
      tpu.yield
    }) : () -> ()
    "tpu.region"() ({
      %run_scoped3A = tpu.sem_alloc : memref<!tpu.dma_semaphore, #tpu.memory_space<semaphore_mem>>
      %dma_start3A = arith.constant 0 : i32
      %dma_start3A_122 = tpu.memref_slice %arg10[%dma_start3A] : memref<20624xi32, #tpu.memory_space<vmem>> -> memref<20608xi32, #tpu.memory_space<vmem>>
      %dma_start3A_123 = arith.constant 0 : i32
      %dma_start3A_124 = tpu.memref_slice %arg5[%arg0, %arg1, %dma_start3A_123] : memref<2x16x20608xi32, #tpu.memory_space<hbm>> -> memref<1x1x20608xi32, #tpu.memory_space<hbm>>
      %dma_start3A_125 = tpu.memref_squeeze %dma_start3A_124 : memref<1x1x20608xi32, #tpu.memory_space<hbm>> -> memref<20608xi32, #tpu.memory_space<hbm>>
      %dma_start3A_126 = arith.constant 0 : i32
      %dma_start3A_127 = tpu.memref_slice %arg5[%arg0, %arg1, %dma_start3A_126] : memref<2x16x20608xi32, #tpu.memory_space<hbm>> -> memref<1x1x20608xi32, #tpu.memory_space<hbm>>
      %dma_start3A_128 = tpu.memref_squeeze %dma_start3A_127 : memref<1x1x20608xi32, #tpu.memory_space<hbm>> -> memref<20608xi32, #tpu.memory_space<hbm>>
      %dma_start3A_129 = arith.constant 0 : i32
      %dma_start3A_130 = tpu.memref_slice %arg10[%dma_start3A_129] : memref<20624xi32, #tpu.memory_space<vmem>> -> memref<20608xi32, #tpu.memory_space<vmem>>
      tpu.enqueue_dma source(%dma_start3A_130 : memref<20608xi32, #tpu.memory_space<vmem>>) target(%dma_start3A_128 : memref<20608xi32, #tpu.memory_space<hbm>>) target_semaphore(%run_scoped3A : memref<!tpu.dma_semaphore, #tpu.memory_space<semaphore_mem>>)
      %dma_wait3A = arith.constant 0 : i32
      %dma_wait3A_131 = tpu.memref_slice %arg10[%dma_wait3A] : memref<20624xi32, #tpu.memory_space<vmem>> -> memref<20608xi32, #tpu.memory_space<vmem>>
      %dma_wait3A_132 = arith.constant 0 : i32
      %dma_wait3A_133 = tpu.memref_slice %arg5[%arg0, %arg1, %dma_wait3A_132] : memref<2x16x20608xi32, #tpu.memory_space<hbm>> -> memref<1x1x20608xi32, #tpu.memory_space<hbm>>
      %dma_wait3A_134 = tpu.memref_squeeze %dma_wait3A_133 : memref<1x1x20608xi32, #tpu.memory_space<hbm>> -> memref<20608xi32, #tpu.memory_space<hbm>>
      %dma_wait3A_135 = arith.constant 0 : i32
      %dma_wait3A_136 = tpu.memref_slice %arg5[%arg0, %arg1, %dma_wait3A_135] : memref<2x16x20608xi32, #tpu.memory_space<hbm>> -> memref<1x1x20608xi32, #tpu.memory_space<hbm>>
      %dma_wait3A_137 = tpu.memref_squeeze %dma_wait3A_136 : memref<1x1x20608xi32, #tpu.memory_space<hbm>> -> memref<20608xi32, #tpu.memory_space<hbm>>
      %dma_wait3A_138 = arith.constant 0 : i32
      %dma_wait3A_139 = tpu.memref_slice %arg10[%dma_wait3A_138] : memref<20624xi32, #tpu.memory_space<vmem>> -> memref<20608xi32, #tpu.memory_space<vmem>>
      tpu.wait_dma2 semaphore(%run_scoped3A : memref<!tpu.dma_semaphore, #tpu.memory_space<semaphore_mem>>) src(%dma_wait3A_139 : memref<20608xi32, #tpu.memory_space<vmem>>) dst(%dma_wait3A_137 : memref<20608xi32, #tpu.memory_space<hbm>>)
      tpu.yield
    }) : () -> ()
    return
  }
}

#map = affine_map<(d0, d1) -> (0, 0)>
#map1 = affine_map<(d0, d1) -> (0, 0, 0, 0)>
#map2 = affine_map<(d0, d1) -> (0, 0, 0)>
module attributes {stable_mosaic.version = 14 : i64} {
  func.func @body(%arg0: i32, %arg1: i32, %arg2: memref<20000x64xf32, #tpu.memory_space<hbm>>, %arg3: memref<2x16x161x128xi32, #tpu.memory_space<hbm>>, %arg4: memref<2x16x161x128xi32, #tpu.memory_space<hbm>>, %arg5: memref<2x16x16xi32, #tpu.memory_space<hbm>>, %arg6: memref<10240x64xf32, #tpu.memory_space<hbm>>, %arg7: memref<161x128xi32, #tpu.memory_space<vmem>>, %arg8: memref<161x128xi32, #tpu.memory_space<vmem>>, %arg9: memref<128x64xf32, #tpu.memory_space<vmem>>, %arg10: memref<128xi32, #tpu.memory_space<vmem>>, %arg11: memref<128xi32, #tpu.memory_space<vmem>>, %arg12: memref<16xi32, #tpu.memory_space<vmem>>, %arg13: memref<5120x64xf32, #tpu.memory_space<vmem_shared>>, %arg14: memref<!tpu.dma_semaphore, #tpu.memory_space<semaphore_mem>>) attributes {dimension_semantics = [#tpu.dimension_semantics<core_parallel>, #tpu.dimension_semantics<subcore_parallel>], iteration_bounds = array<i64: 2, 16>, scalar_prefetch = 0 : i64, scratch_operands = 8 : i64, tpu.core_type = #tpu.core_type<sc_vector_subcore>, window_params = [{transform_indices = #map}, {transform_indices = #map1}, {transform_indices = #map1}, {transform_indices = #map2}, {transform_indices = #map}]} {
    %iota3A = tpu.iota {dimensions = array<i32: 0>} : vector<16xi32>
    %scan3A = arith.constant 0 : i32
    %scan3A_0 = arith.constant 128 : i32
    %scan3A_1 = arith.addi %scan3A, %scan3A_0 : i32
    %scan3A_2 = arith.constant 1 : i32
    scf.for %scan3A_351 = %scan3A to %scan3A_1 step %scan3A_2  : i32 {
      %mul3A_352 = arith.constant 1 : i32
      %mul3A_353 = arith.muli %scan3A_351, %mul3A_352 : i32
      %add3A_354 = arith.constant 0 : i32
      %add3A_355 = arith.addi %add3A_354, %mul3A_353 : i32
      %broadcast_in_dim3A = arith.constant 0.000000e+00 : f32
      %broadcast_in_dim3A_356 = vector.broadcast %broadcast_in_dim3A : f32 to vector<16xf32>
      %swap3A_357 = arith.index_cast %add3A_355 : i32 to index
      %swap3A_358 = arith.constant 0 : index
      %swap3A_359 = tpu.vector_load %arg9[%swap3A_357, %swap3A_358] {strides = array<i32>} : memref<128x64xf32, #tpu.memory_space<vmem>>, vector<16xf32>,
      tpu.vector_store %arg9[%swap3A_357, %swap3A_358], %broadcast_in_dim3A_356 {strides = array<i32>} : memref<128x64xf32, #tpu.memory_space<vmem>>, vector<16xf32>,
      %broadcast_in_dim3A_360 = arith.constant 0.000000e+00 : f32
      %broadcast_in_dim3A_361 = vector.broadcast %broadcast_in_dim3A_360 : f32 to vector<16xf32>
      %swap3A_362 = arith.index_cast %add3A_355 : i32 to index
      %swap3A_363 = arith.constant 16 : index
      %swap3A_364 = tpu.vector_load %arg9[%swap3A_362, %swap3A_363] {strides = array<i32>} : memref<128x64xf32, #tpu.memory_space<vmem>>, vector<16xf32>,
      tpu.vector_store %arg9[%swap3A_362, %swap3A_363], %broadcast_in_dim3A_361 {strides = array<i32>} : memref<128x64xf32, #tpu.memory_space<vmem>>, vector<16xf32>,
      %broadcast_in_dim3A_365 = arith.constant 0.000000e+00 : f32
      %broadcast_in_dim3A_366 = vector.broadcast %broadcast_in_dim3A_365 : f32 to vector<16xf32>
      %swap3A_367 = arith.index_cast %add3A_355 : i32 to index
      %swap3A_368 = arith.constant 32 : index
      %swap3A_369 = tpu.vector_load %arg9[%swap3A_367, %swap3A_368] {strides = array<i32>} : memref<128x64xf32, #tpu.memory_space<vmem>>, vector<16xf32>,
      tpu.vector_store %arg9[%swap3A_367, %swap3A_368], %broadcast_in_dim3A_366 {strides = array<i32>} : memref<128x64xf32, #tpu.memory_space<vmem>>, vector<16xf32>,
      %broadcast_in_dim3A_370 = arith.constant 0.000000e+00 : f32
      %broadcast_in_dim3A_371 = vector.broadcast %broadcast_in_dim3A_370 : f32 to vector<16xf32>
      %swap3A_372 = arith.index_cast %add3A_355 : i32 to index
      %swap3A_373 = arith.constant 48 : index
      %swap3A_374 = tpu.vector_load %arg9[%swap3A_372, %swap3A_373] {strides = array<i32>} : memref<128x64xf32, #tpu.memory_space<vmem>>, vector<16xf32>,
      tpu.vector_store %arg9[%swap3A_372, %swap3A_373], %broadcast_in_dim3A_371 {strides = array<i32>} : memref<128x64xf32, #tpu.memory_space<vmem>>, vector<16xf32>,
    }
    %scan3A_3 = arith.constant 128 : i32
    %mul3A = arith.constant 320 : i32
    %mul3A_4 = arith.muli %arg1, %mul3A : i32
    %add3A = arith.constant 0 : i32
    %add3A_5 = arith.addi %mul3A_4, %add3A : i32
    %add3A_6 = arith.constant 0 : i32
    %add3A_7 = arith.addi %add3A_5, %add3A_6 : i32
    %add3A_8 = vector.broadcast %add3A_7 : i32 to vector<16xi32>
    %add3A_9 = arith.addi %add3A_8, %iota3A : vector<16xi32>
    %swap3A = arith.constant 0 : index
    %swap3A_10 = tpu.vector_load %arg11[%swap3A] {strides = array<i32>} : memref<128xi32, #tpu.memory_space<vmem>>, vector<16xi32>,
    tpu.vector_store %arg11[%swap3A], %add3A_9 {strides = array<i32>} : memref<128xi32, #tpu.memory_space<vmem>>, vector<16xi32>,
    %add3A_11 = arith.constant 16 : i32
    %add3A_12 = arith.addi %add3A_5, %add3A_11 : i32
    %add3A_13 = vector.broadcast %add3A_12 : i32 to vector<16xi32>
    %add3A_14 = arith.addi %add3A_13, %iota3A : vector<16xi32>
    %swap3A_15 = arith.constant 16 : index
    %swap3A_16 = tpu.vector_load %arg11[%swap3A_15] {strides = array<i32>} : memref<128xi32, #tpu.memory_space<vmem>>, vector<16xi32>,
    tpu.vector_store %arg11[%swap3A_15], %add3A_14 {strides = array<i32>} : memref<128xi32, #tpu.memory_space<vmem>>, vector<16xi32>,
    %add3A_17 = arith.constant 32 : i32
    %add3A_18 = arith.addi %add3A_5, %add3A_17 : i32
    %add3A_19 = vector.broadcast %add3A_18 : i32 to vector<16xi32>
    %add3A_20 = arith.addi %add3A_19, %iota3A : vector<16xi32>
    %swap3A_21 = arith.constant 32 : index
    %swap3A_22 = tpu.vector_load %arg11[%swap3A_21] {strides = array<i32>} : memref<128xi32, #tpu.memory_space<vmem>>, vector<16xi32>,
    tpu.vector_store %arg11[%swap3A_21], %add3A_20 {strides = array<i32>} : memref<128xi32, #tpu.memory_space<vmem>>, vector<16xi32>,
    %add3A_23 = arith.constant 48 : i32
    %add3A_24 = arith.addi %add3A_5, %add3A_23 : i32
    %add3A_25 = vector.broadcast %add3A_24 : i32 to vector<16xi32>
    %add3A_26 = arith.addi %add3A_25, %iota3A : vector<16xi32>
    %swap3A_27 = arith.constant 48 : index
    %swap3A_28 = tpu.vector_load %arg11[%swap3A_27] {strides = array<i32>} : memref<128xi32, #tpu.memory_space<vmem>>, vector<16xi32>,
    tpu.vector_store %arg11[%swap3A_27], %add3A_26 {strides = array<i32>} : memref<128xi32, #tpu.memory_space<vmem>>, vector<16xi32>,
    %add3A_29 = arith.constant 64 : i32
    %add3A_30 = arith.addi %add3A_5, %add3A_29 : i32
    %add3A_31 = vector.broadcast %add3A_30 : i32 to vector<16xi32>
    %add3A_32 = arith.addi %add3A_31, %iota3A : vector<16xi32>
    %swap3A_33 = arith.constant 64 : index
    %swap3A_34 = tpu.vector_load %arg11[%swap3A_33] {strides = array<i32>} : memref<128xi32, #tpu.memory_space<vmem>>, vector<16xi32>,
    tpu.vector_store %arg11[%swap3A_33], %add3A_32 {strides = array<i32>} : memref<128xi32, #tpu.memory_space<vmem>>, vector<16xi32>,
    %add3A_35 = arith.constant 80 : i32
    %add3A_36 = arith.addi %add3A_5, %add3A_35 : i32
    %add3A_37 = vector.broadcast %add3A_36 : i32 to vector<16xi32>
    %add3A_38 = arith.addi %add3A_37, %iota3A : vector<16xi32>
    %swap3A_39 = arith.constant 80 : index
    %swap3A_40 = tpu.vector_load %arg11[%swap3A_39] {strides = array<i32>} : memref<128xi32, #tpu.memory_space<vmem>>, vector<16xi32>,
    tpu.vector_store %arg11[%swap3A_39], %add3A_38 {strides = array<i32>} : memref<128xi32, #tpu.memory_space<vmem>>, vector<16xi32>,
    %add3A_41 = arith.constant 96 : i32
    %add3A_42 = arith.addi %add3A_5, %add3A_41 : i32
    %add3A_43 = vector.broadcast %add3A_42 : i32 to vector<16xi32>
    %add3A_44 = arith.addi %add3A_43, %iota3A : vector<16xi32>
    %swap3A_45 = arith.constant 96 : index
    %swap3A_46 = tpu.vector_load %arg11[%swap3A_45] {strides = array<i32>} : memref<128xi32, #tpu.memory_space<vmem>>, vector<16xi32>,
    tpu.vector_store %arg11[%swap3A_45], %add3A_44 {strides = array<i32>} : memref<128xi32, #tpu.memory_space<vmem>>, vector<16xi32>,
    %add3A_47 = arith.constant 112 : i32
    %add3A_48 = arith.addi %add3A_5, %add3A_47 : i32
    %add3A_49 = vector.broadcast %add3A_48 : i32 to vector<16xi32>
    %add3A_50 = arith.addi %add3A_49, %iota3A : vector<16xi32>
    %swap3A_51 = arith.constant 112 : index
    %swap3A_52 = tpu.vector_load %arg11[%swap3A_51] {strides = array<i32>} : memref<128xi32, #tpu.memory_space<vmem>>, vector<16xi32>,
    tpu.vector_store %arg11[%swap3A_51], %add3A_50 {strides = array<i32>} : memref<128xi32, #tpu.memory_space<vmem>>, vector<16xi32>,
    "tpu.region"() ({
      %run_scoped3A = tpu.sem_alloc : memref<!tpu.dma_semaphore, #tpu.memory_space<semaphore_mem>>
      %dma_start3A_351 = arith.constant 0 : i32
      %dma_start3A_352 = arith.constant 0 : i32
      %dma_start3A_353 = tpu.memref_slice %arg13[%dma_start3A_351, %dma_start3A_352] : memref<5120x64xf32, #tpu.memory_space<vmem_shared>> -> memref<5120x64xf32, #tpu.memory_space<vmem_shared>>
      tpu.enqueue_indirect_dma source(%arg9 : memref<128x64xf32, #tpu.memory_space<vmem>>) target(%dma_start3A_353 : memref<5120x64xf32, #tpu.memory_space<vmem_shared>>) offsets(%arg11 : memref<128xi32, #tpu.memory_space<vmem>>) semaphore(%run_scoped3A : memref<!tpu.dma_semaphore, #tpu.memory_space<semaphore_mem>>)
      %dma_wait3A_354 = arith.constant 0 : i32
      %dma_wait3A_355 = arith.constant 0 : i32
      %dma_wait3A_356 = tpu.memref_slice %arg13[%dma_wait3A_354, %dma_wait3A_355] : memref<5120x64xf32, #tpu.memory_space<vmem_shared>> -> memref<5120x64xf32, #tpu.memory_space<vmem_shared>>
      tpu.wait_indirect_dma semaphore(%run_scoped3A : memref<!tpu.dma_semaphore, #tpu.memory_space<semaphore_mem>>) src(%arg9 : memref<128x64xf32, #tpu.memory_space<vmem>>) dst(%dma_wait3A_356 : memref<5120x64xf32, #tpu.memory_space<vmem_shared>>)
      tpu.yield
    }) : () -> ()
    %add3A_53 = arith.constant 128 : i32
    %add3A_54 = arith.addi %mul3A_4, %add3A_53 : i32
    %add3A_55 = arith.constant 0 : i32
    %add3A_56 = arith.addi %add3A_54, %add3A_55 : i32
    %add3A_57 = vector.broadcast %add3A_56 : i32 to vector<16xi32>
    %add3A_58 = arith.addi %add3A_57, %iota3A : vector<16xi32>
    %swap3A_59 = arith.constant 0 : index
    %swap3A_60 = tpu.vector_load %arg11[%swap3A_59] {strides = array<i32>} : memref<128xi32, #tpu.memory_space<vmem>>, vector<16xi32>,
    tpu.vector_store %arg11[%swap3A_59], %add3A_58 {strides = array<i32>} : memref<128xi32, #tpu.memory_space<vmem>>, vector<16xi32>,
    %add3A_61 = arith.constant 16 : i32
    %add3A_62 = arith.addi %add3A_54, %add3A_61 : i32
    %add3A_63 = vector.broadcast %add3A_62 : i32 to vector<16xi32>
    %add3A_64 = arith.addi %add3A_63, %iota3A : vector<16xi32>
    %swap3A_65 = arith.constant 16 : index
    %swap3A_66 = tpu.vector_load %arg11[%swap3A_65] {strides = array<i32>} : memref<128xi32, #tpu.memory_space<vmem>>, vector<16xi32>,
    tpu.vector_store %arg11[%swap3A_65], %add3A_64 {strides = array<i32>} : memref<128xi32, #tpu.memory_space<vmem>>, vector<16xi32>,
    %add3A_67 = arith.constant 32 : i32
    %add3A_68 = arith.addi %add3A_54, %add3A_67 : i32
    %add3A_69 = vector.broadcast %add3A_68 : i32 to vector<16xi32>
    %add3A_70 = arith.addi %add3A_69, %iota3A : vector<16xi32>
    %swap3A_71 = arith.constant 32 : index
    %swap3A_72 = tpu.vector_load %arg11[%swap3A_71] {strides = array<i32>} : memref<128xi32, #tpu.memory_space<vmem>>, vector<16xi32>,
    tpu.vector_store %arg11[%swap3A_71], %add3A_70 {strides = array<i32>} : memref<128xi32, #tpu.memory_space<vmem>>, vector<16xi32>,
    %add3A_73 = arith.constant 48 : i32
    %add3A_74 = arith.addi %add3A_54, %add3A_73 : i32
    %add3A_75 = vector.broadcast %add3A_74 : i32 to vector<16xi32>
    %add3A_76 = arith.addi %add3A_75, %iota3A : vector<16xi32>
    %swap3A_77 = arith.constant 48 : index
    %swap3A_78 = tpu.vector_load %arg11[%swap3A_77] {strides = array<i32>} : memref<128xi32, #tpu.memory_space<vmem>>, vector<16xi32>,
    tpu.vector_store %arg11[%swap3A_77], %add3A_76 {strides = array<i32>} : memref<128xi32, #tpu.memory_space<vmem>>, vector<16xi32>,
    %add3A_79 = arith.constant 64 : i32
    %add3A_80 = arith.addi %add3A_54, %add3A_79 : i32
    %add3A_81 = vector.broadcast %add3A_80 : i32 to vector<16xi32>
    %add3A_82 = arith.addi %add3A_81, %iota3A : vector<16xi32>
    %swap3A_83 = arith.constant 64 : index
    %swap3A_84 = tpu.vector_load %arg11[%swap3A_83] {strides = array<i32>} : memref<128xi32, #tpu.memory_space<vmem>>, vector<16xi32>,
    tpu.vector_store %arg11[%swap3A_83], %add3A_82 {strides = array<i32>} : memref<128xi32, #tpu.memory_space<vmem>>, vector<16xi32>,
    %add3A_85 = arith.constant 80 : i32
    %add3A_86 = arith.addi %add3A_54, %add3A_85 : i32
    %add3A_87 = vector.broadcast %add3A_86 : i32 to vector<16xi32>
    %add3A_88 = arith.addi %add3A_87, %iota3A : vector<16xi32>
    %swap3A_89 = arith.constant 80 : index
    %swap3A_90 = tpu.vector_load %arg11[%swap3A_89] {strides = array<i32>} : memref<128xi32, #tpu.memory_space<vmem>>, vector<16xi32>,
    tpu.vector_store %arg11[%swap3A_89], %add3A_88 {strides = array<i32>} : memref<128xi32, #tpu.memory_space<vmem>>, vector<16xi32>,
    %add3A_91 = arith.constant 96 : i32
    %add3A_92 = arith.addi %add3A_54, %add3A_91 : i32
    %add3A_93 = vector.broadcast %add3A_92 : i32 to vector<16xi32>
    %add3A_94 = arith.addi %add3A_93, %iota3A : vector<16xi32>
    %swap3A_95 = arith.constant 96 : index
    %swap3A_96 = tpu.vector_load %arg11[%swap3A_95] {strides = array<i32>} : memref<128xi32, #tpu.memory_space<vmem>>, vector<16xi32>,
    tpu.vector_store %arg11[%swap3A_95], %add3A_94 {strides = array<i32>} : memref<128xi32, #tpu.memory_space<vmem>>, vector<16xi32>,
    %add3A_97 = arith.constant 112 : i32
    %add3A_98 = arith.addi %add3A_54, %add3A_97 : i32
    %add3A_99 = vector.broadcast %add3A_98 : i32 to vector<16xi32>
    %add3A_100 = arith.addi %add3A_99, %iota3A : vector<16xi32>
    %swap3A_101 = arith.constant 112 : index
    %swap3A_102 = tpu.vector_load %arg11[%swap3A_101] {strides = array<i32>} : memref<128xi32, #tpu.memory_space<vmem>>, vector<16xi32>,
    tpu.vector_store %arg11[%swap3A_101], %add3A_100 {strides = array<i32>} : memref<128xi32, #tpu.memory_space<vmem>>, vector<16xi32>,
    "tpu.region"() ({
      %run_scoped3A = tpu.sem_alloc : memref<!tpu.dma_semaphore, #tpu.memory_space<semaphore_mem>>
      %dma_start3A_351 = arith.constant 0 : i32
      %dma_start3A_352 = arith.constant 0 : i32
      %dma_start3A_353 = tpu.memref_slice %arg13[%dma_start3A_351, %dma_start3A_352] : memref<5120x64xf32, #tpu.memory_space<vmem_shared>> -> memref<5120x64xf32, #tpu.memory_space<vmem_shared>>
      tpu.enqueue_indirect_dma source(%arg9 : memref<128x64xf32, #tpu.memory_space<vmem>>) target(%dma_start3A_353 : memref<5120x64xf32, #tpu.memory_space<vmem_shared>>) offsets(%arg11 : memref<128xi32, #tpu.memory_space<vmem>>) semaphore(%run_scoped3A : memref<!tpu.dma_semaphore, #tpu.memory_space<semaphore_mem>>)
      %dma_wait3A_354 = arith.constant 0 : i32
      %dma_wait3A_355 = arith.constant 0 : i32
      %dma_wait3A_356 = tpu.memref_slice %arg13[%dma_wait3A_354, %dma_wait3A_355] : memref<5120x64xf32, #tpu.memory_space<vmem_shared>> -> memref<5120x64xf32, #tpu.memory_space<vmem_shared>>
      tpu.wait_indirect_dma semaphore(%run_scoped3A : memref<!tpu.dma_semaphore, #tpu.memory_space<semaphore_mem>>) src(%arg9 : memref<128x64xf32, #tpu.memory_space<vmem>>) dst(%dma_wait3A_356 : memref<5120x64xf32, #tpu.memory_space<vmem_shared>>)
      tpu.yield
    }) : () -> ()
    %add3A_103 = arith.constant 256 : i32
    %add3A_104 = arith.addi %mul3A_4, %add3A_103 : i32
    %add3A_105 = arith.constant 0 : i32
    %add3A_106 = arith.addi %add3A_104, %add3A_105 : i32
    %add3A_107 = vector.broadcast %add3A_106 : i32 to vector<16xi32>
    %add3A_108 = arith.addi %add3A_107, %iota3A : vector<16xi32>
    %swap3A_109 = arith.constant 0 : index
    %swap3A_110 = tpu.vector_load %arg11[%swap3A_109] {strides = array<i32>} : memref<128xi32, #tpu.memory_space<vmem>>, vector<16xi32>,
    tpu.vector_store %arg11[%swap3A_109], %add3A_108 {strides = array<i32>} : memref<128xi32, #tpu.memory_space<vmem>>, vector<16xi32>,
    %add3A_111 = arith.constant 16 : i32
    %add3A_112 = arith.addi %add3A_104, %add3A_111 : i32
    %add3A_113 = vector.broadcast %add3A_112 : i32 to vector<16xi32>
    %add3A_114 = arith.addi %add3A_113, %iota3A : vector<16xi32>
    %swap3A_115 = arith.constant 16 : index
    %swap3A_116 = tpu.vector_load %arg11[%swap3A_115] {strides = array<i32>} : memref<128xi32, #tpu.memory_space<vmem>>, vector<16xi32>,
    tpu.vector_store %arg11[%swap3A_115], %add3A_114 {strides = array<i32>} : memref<128xi32, #tpu.memory_space<vmem>>, vector<16xi32>,
    %add3A_117 = arith.constant 32 : i32
    %add3A_118 = arith.addi %add3A_104, %add3A_117 : i32
    %add3A_119 = vector.broadcast %add3A_118 : i32 to vector<16xi32>
    %add3A_120 = arith.addi %add3A_119, %iota3A : vector<16xi32>
    %swap3A_121 = arith.constant 32 : index
    %swap3A_122 = tpu.vector_load %arg11[%swap3A_121] {strides = array<i32>} : memref<128xi32, #tpu.memory_space<vmem>>, vector<16xi32>,
    tpu.vector_store %arg11[%swap3A_121], %add3A_120 {strides = array<i32>} : memref<128xi32, #tpu.memory_space<vmem>>, vector<16xi32>,
    %add3A_123 = arith.constant 48 : i32
    %add3A_124 = arith.addi %add3A_104, %add3A_123 : i32
    %add3A_125 = vector.broadcast %add3A_124 : i32 to vector<16xi32>
    %add3A_126 = arith.addi %add3A_125, %iota3A : vector<16xi32>
    %swap3A_127 = arith.constant 48 : index
    %swap3A_128 = tpu.vector_load %arg11[%swap3A_127] {strides = array<i32>} : memref<128xi32, #tpu.memory_space<vmem>>, vector<16xi32>,
    tpu.vector_store %arg11[%swap3A_127], %add3A_126 {strides = array<i32>} : memref<128xi32, #tpu.memory_space<vmem>>, vector<16xi32>,
    %add3A_129 = arith.constant 0 : i32
    %add3A_130 = arith.addi %add3A_104, %add3A_129 : i32
    %add3A_131 = vector.broadcast %add3A_130 : i32 to vector<16xi32>
    %add3A_132 = arith.addi %add3A_131, %iota3A : vector<16xi32>
    %swap3A_133 = arith.constant 64 : index
    %swap3A_134 = tpu.vector_load %arg11[%swap3A_133] {strides = array<i32>} : memref<128xi32, #tpu.memory_space<vmem>>, vector<16xi32>,
    tpu.vector_store %arg11[%swap3A_133], %add3A_132 {strides = array<i32>} : memref<128xi32, #tpu.memory_space<vmem>>, vector<16xi32>,
    %add3A_135 = arith.constant 16 : i32
    %add3A_136 = arith.addi %add3A_104, %add3A_135 : i32
    %add3A_137 = vector.broadcast %add3A_136 : i32 to vector<16xi32>
    %add3A_138 = arith.addi %add3A_137, %iota3A : vector<16xi32>
    %swap3A_139 = arith.constant 80 : index
    %swap3A_140 = tpu.vector_load %arg11[%swap3A_139] {strides = array<i32>} : memref<128xi32, #tpu.memory_space<vmem>>, vector<16xi32>,
    tpu.vector_store %arg11[%swap3A_139], %add3A_138 {strides = array<i32>} : memref<128xi32, #tpu.memory_space<vmem>>, vector<16xi32>,
    %add3A_141 = arith.constant 32 : i32
    %add3A_142 = arith.addi %add3A_104, %add3A_141 : i32
    %add3A_143 = vector.broadcast %add3A_142 : i32 to vector<16xi32>
    %add3A_144 = arith.addi %add3A_143, %iota3A : vector<16xi32>
    %swap3A_145 = arith.constant 96 : index
    %swap3A_146 = tpu.vector_load %arg11[%swap3A_145] {strides = array<i32>} : memref<128xi32, #tpu.memory_space<vmem>>, vector<16xi32>,
    tpu.vector_store %arg11[%swap3A_145], %add3A_144 {strides = array<i32>} : memref<128xi32, #tpu.memory_space<vmem>>, vector<16xi32>,
    %add3A_147 = arith.constant 48 : i32
    %add3A_148 = arith.addi %add3A_104, %add3A_147 : i32
    %add3A_149 = vector.broadcast %add3A_148 : i32 to vector<16xi32>
    %add3A_150 = arith.addi %add3A_149, %iota3A : vector<16xi32>
    %swap3A_151 = arith.constant 112 : index
    %swap3A_152 = tpu.vector_load %arg11[%swap3A_151] {strides = array<i32>} : memref<128xi32, #tpu.memory_space<vmem>>, vector<16xi32>,
    tpu.vector_store %arg11[%swap3A_151], %add3A_150 {strides = array<i32>} : memref<128xi32, #tpu.memory_space<vmem>>, vector<16xi32>,
    "tpu.region"() ({
      %run_scoped3A = tpu.sem_alloc : memref<!tpu.dma_semaphore, #tpu.memory_space<semaphore_mem>>
      %dma_start3A_351 = arith.constant 0 : i32
      %dma_start3A_352 = arith.constant 0 : i32
      %dma_start3A_353 = tpu.memref_slice %arg13[%dma_start3A_351, %dma_start3A_352] : memref<5120x64xf32, #tpu.memory_space<vmem_shared>> -> memref<5120x64xf32, #tpu.memory_space<vmem_shared>>
      tpu.enqueue_indirect_dma source(%arg9 : memref<128x64xf32, #tpu.memory_space<vmem>>) target(%dma_start3A_353 : memref<5120x64xf32, #tpu.memory_space<vmem_shared>>) offsets(%arg11 : memref<128xi32, #tpu.memory_space<vmem>>) semaphore(%run_scoped3A : memref<!tpu.dma_semaphore, #tpu.memory_space<semaphore_mem>>)
      %dma_wait3A_354 = arith.constant 0 : i32
      %dma_wait3A_355 = arith.constant 0 : i32
      %dma_wait3A_356 = tpu.memref_slice %arg13[%dma_wait3A_354, %dma_wait3A_355] : memref<5120x64xf32, #tpu.memory_space<vmem_shared>> -> memref<5120x64xf32, #tpu.memory_space<vmem_shared>>
      tpu.wait_indirect_dma semaphore(%run_scoped3A : memref<!tpu.dma_semaphore, #tpu.memory_space<semaphore_mem>>) src(%arg9 : memref<128x64xf32, #tpu.memory_space<vmem>>) dst(%dma_wait3A_356 : memref<5120x64xf32, #tpu.memory_space<vmem_shared>>)
      tpu.yield
    }) : () -> ()
    "tpu.region"() ({
      %run_scoped3A = tpu.sem_alloc : memref<!tpu.dma_semaphore, #tpu.memory_space<semaphore_mem>>
      %dma_start3A_351 = arith.constant 0 : i32
      %dma_start3A_352 = arith.constant 0 : i32
      %dma_start3A_353 = tpu.memref_slice %arg3[%arg0, %arg1, %dma_start3A_351, %dma_start3A_352] : memref<2x16x161x128xi32, #tpu.memory_space<hbm>> -> memref<1x1x161x128xi32, #tpu.memory_space<hbm>>
      %dma_start3A_354 = tpu.memref_squeeze %dma_start3A_353 : memref<1x1x161x128xi32, #tpu.memory_space<hbm>> -> memref<161x128xi32, #tpu.memory_space<hbm>>
      %dma_start3A_355 = arith.constant 0 : i32
      %dma_start3A_356 = arith.constant 0 : i32
      %dma_start3A_357 = tpu.memref_slice %arg3[%arg0, %arg1, %dma_start3A_355, %dma_start3A_356] : memref<2x16x161x128xi32, #tpu.memory_space<hbm>> -> memref<1x1x161x128xi32, #tpu.memory_space<hbm>>
      %dma_start3A_358 = tpu.memref_squeeze %dma_start3A_357 : memref<1x1x161x128xi32, #tpu.memory_space<hbm>> -> memref<161x128xi32, #tpu.memory_space<hbm>>
      tpu.enqueue_dma source(%dma_start3A_358 : memref<161x128xi32, #tpu.memory_space<hbm>>) target(%arg7 : memref<161x128xi32, #tpu.memory_space<vmem>>) target_semaphore(%run_scoped3A : memref<!tpu.dma_semaphore, #tpu.memory_space<semaphore_mem>>)
      %dma_wait3A_359 = arith.constant 0 : i32
      %dma_wait3A_360 = arith.constant 0 : i32
      %dma_wait3A_361 = tpu.memref_slice %arg3[%arg0, %arg1, %dma_wait3A_359, %dma_wait3A_360] : memref<2x16x161x128xi32, #tpu.memory_space<hbm>> -> memref<1x1x161x128xi32, #tpu.memory_space<hbm>>
      %dma_wait3A_362 = tpu.memref_squeeze %dma_wait3A_361 : memref<1x1x161x128xi32, #tpu.memory_space<hbm>> -> memref<161x128xi32, #tpu.memory_space<hbm>>
      %dma_wait3A_363 = arith.constant 0 : i32
      %dma_wait3A_364 = arith.constant 0 : i32
      %dma_wait3A_365 = tpu.memref_slice %arg3[%arg0, %arg1, %dma_wait3A_363, %dma_wait3A_364] : memref<2x16x161x128xi32, #tpu.memory_space<hbm>> -> memref<1x1x161x128xi32, #tpu.memory_space<hbm>>
      %dma_wait3A_366 = tpu.memref_squeeze %dma_wait3A_365 : memref<1x1x161x128xi32, #tpu.memory_space<hbm>> -> memref<161x128xi32, #tpu.memory_space<hbm>>
      tpu.wait_dma2 semaphore(%run_scoped3A : memref<!tpu.dma_semaphore, #tpu.memory_space<semaphore_mem>>) src(%dma_wait3A_366 : memref<161x128xi32, #tpu.memory_space<hbm>>) dst(%arg7 : memref<161x128xi32, #tpu.memory_space<vmem>>)
      tpu.yield
    }) : () -> ()
    "tpu.region"() ({
      %run_scoped3A = tpu.sem_alloc : memref<!tpu.dma_semaphore, #tpu.memory_space<semaphore_mem>>
      %dma_start3A_351 = arith.constant 0 : i32
      %dma_start3A_352 = arith.constant 0 : i32
      %dma_start3A_353 = tpu.memref_slice %arg4[%arg0, %arg1, %dma_start3A_351, %dma_start3A_352] : memref<2x16x161x128xi32, #tpu.memory_space<hbm>> -> memref<1x1x161x128xi32, #tpu.memory_space<hbm>>
      %dma_start3A_354 = tpu.memref_squeeze %dma_start3A_353 : memref<1x1x161x128xi32, #tpu.memory_space<hbm>> -> memref<161x128xi32, #tpu.memory_space<hbm>>
      %dma_start3A_355 = arith.constant 0 : i32
      %dma_start3A_356 = arith.constant 0 : i32
      %dma_start3A_357 = tpu.memref_slice %arg4[%arg0, %arg1, %dma_start3A_355, %dma_start3A_356] : memref<2x16x161x128xi32, #tpu.memory_space<hbm>> -> memref<1x1x161x128xi32, #tpu.memory_space<hbm>>
      %dma_start3A_358 = tpu.memref_squeeze %dma_start3A_357 : memref<1x1x161x128xi32, #tpu.memory_space<hbm>> -> memref<161x128xi32, #tpu.memory_space<hbm>>
      tpu.enqueue_dma source(%dma_start3A_358 : memref<161x128xi32, #tpu.memory_space<hbm>>) target(%arg8 : memref<161x128xi32, #tpu.memory_space<vmem>>) target_semaphore(%run_scoped3A : memref<!tpu.dma_semaphore, #tpu.memory_space<semaphore_mem>>)
      %dma_wait3A_359 = arith.constant 0 : i32
      %dma_wait3A_360 = arith.constant 0 : i32
      %dma_wait3A_361 = tpu.memref_slice %arg4[%arg0, %arg1, %dma_wait3A_359, %dma_wait3A_360] : memref<2x16x161x128xi32, #tpu.memory_space<hbm>> -> memref<1x1x161x128xi32, #tpu.memory_space<hbm>>
      %dma_wait3A_362 = tpu.memref_squeeze %dma_wait3A_361 : memref<1x1x161x128xi32, #tpu.memory_space<hbm>> -> memref<161x128xi32, #tpu.memory_space<hbm>>
      %dma_wait3A_363 = arith.constant 0 : i32
      %dma_wait3A_364 = arith.constant 0 : i32
      %dma_wait3A_365 = tpu.memref_slice %arg4[%arg0, %arg1, %dma_wait3A_363, %dma_wait3A_364] : memref<2x16x161x128xi32, #tpu.memory_space<hbm>> -> memref<1x1x161x128xi32, #tpu.memory_space<hbm>>
      %dma_wait3A_366 = tpu.memref_squeeze %dma_wait3A_365 : memref<1x1x161x128xi32, #tpu.memory_space<hbm>> -> memref<161x128xi32, #tpu.memory_space<hbm>>
      tpu.wait_dma2 semaphore(%run_scoped3A : memref<!tpu.dma_semaphore, #tpu.memory_space<semaphore_mem>>) src(%dma_wait3A_366 : memref<161x128xi32, #tpu.memory_space<hbm>>) dst(%arg8 : memref<161x128xi32, #tpu.memory_space<vmem>>)
      tpu.yield
    }) : () -> ()
    %dma_start3A = arith.constant 0 : i32
    %dma_start3A_153 = tpu.memref_slice %arg5[%arg0, %arg1, %dma_start3A] : memref<2x16x16xi32, #tpu.memory_space<hbm>> -> memref<1x1x16xi32, #tpu.memory_space<hbm>>
    %dma_start3A_154 = tpu.memref_squeeze %dma_start3A_153 : memref<1x1x16xi32, #tpu.memory_space<hbm>> -> memref<16xi32, #tpu.memory_space<hbm>>
    %dma_start3A_155 = arith.constant 0 : i32
    %dma_start3A_156 = tpu.memref_slice %arg5[%arg0, %arg1, %dma_start3A_155] : memref<2x16x16xi32, #tpu.memory_space<hbm>> -> memref<1x1x16xi32, #tpu.memory_space<hbm>>
    %dma_start3A_157 = tpu.memref_squeeze %dma_start3A_156 : memref<1x1x16xi32, #tpu.memory_space<hbm>> -> memref<16xi32, #tpu.memory_space<hbm>>
    tpu.enqueue_dma source(%dma_start3A_157 : memref<16xi32, #tpu.memory_space<hbm>>) target(%arg12 : memref<16xi32, #tpu.memory_space<vmem>>) target_semaphore(%arg14 : memref<!tpu.dma_semaphore, #tpu.memory_space<semaphore_mem>>)
    %dma_wait3A = arith.constant 0 : i32
    %dma_wait3A_158 = tpu.memref_slice %arg5[%arg0, %arg1, %dma_wait3A] : memref<2x16x16xi32, #tpu.memory_space<hbm>> -> memref<1x1x16xi32, #tpu.memory_space<hbm>>
    %dma_wait3A_159 = tpu.memref_squeeze %dma_wait3A_158 : memref<1x1x16xi32, #tpu.memory_space<hbm>> -> memref<16xi32, #tpu.memory_space<hbm>>
    %dma_wait3A_160 = arith.constant 0 : i32
    %dma_wait3A_161 = tpu.memref_slice %arg5[%arg0, %arg1, %dma_wait3A_160] : memref<2x16x16xi32, #tpu.memory_space<hbm>> -> memref<1x1x16xi32, #tpu.memory_space<hbm>>
    %dma_wait3A_162 = tpu.memref_squeeze %dma_wait3A_161 : memref<1x1x16xi32, #tpu.memory_space<hbm>> -> memref<16xi32, #tpu.memory_space<hbm>>
    tpu.wait_dma2 semaphore(%arg14 : memref<!tpu.dma_semaphore, #tpu.memory_space<semaphore_mem>>) src(%dma_wait3A_162 : memref<16xi32, #tpu.memory_space<hbm>>) dst(%arg12 : memref<16xi32, #tpu.memory_space<vmem>>)
    %get3A = arith.constant 0 : index
    %get3A_163 = tpu.vector_load %arg12[%get3A] {strides = array<i32>} : memref<16xi32, #tpu.memory_space<vmem>>, vector<16xi32>,
    %slice3A = vector.extract_strided_slice %get3A_163 {offsets = [0], sizes = [1], strides = [1]} : vector<16xi32> to vector<1xi32>
    %squeeze3A = vector.extract %slice3A[0] : i32 from vector<1xi32>
    %barrier3A = arith.constant 0 : index
    tpu.barrier barrier_id(%barrier3A)
    %while3A = arith.constant 0 : i32
    %while3A_164 = arith.constant 0 : i32
    %while3A_165 = arith.subi %squeeze3A, %while3A_164 : i32
    %while3A_166 = arith.addi %while3A_164, %while3A_165 : i32
    %while3A_167 = arith.constant 1 : i32
    %while3A_168 = arith.divsi %while3A_165, %while3A_167 : i32
    %while3A_169 = arith.muli %while3A_168, %while3A_167 : i32
    %while3A_170 = arith.addi %while3A_164, %while3A_169 : i32
    %while3A_171 = arith.constant 1 : i32
    scf.for %while3A_351 = %while3A_164 to %while3A_170 step %while3A_171  : i32 {
      %get3A_352 = arith.index_cast %while3A_351 : i32 to index
      %get3A_353 = arith.constant 0 : index
      %get3A_354 = tpu.vector_load %arg7[%get3A_352, %get3A_353] {strides = array<i32>} : memref<161x128xi32, #tpu.memory_space<vmem>>, vector<16xi32>,
      %mul3A_355 = arith.constant 2 : i32
      %mul3A_356 = vector.broadcast %mul3A_355 : i32 to vector<16xi32>
      %mul3A_357 = arith.muli %get3A_354, %mul3A_356 : vector<16xi32>
      %add3A_358 = arith.constant 1 : i32
      %add3A_359 = vector.broadcast %add3A_358 : i32 to vector<16xi32>
      %add3A_360 = arith.addi %mul3A_357, %add3A_359 : vector<16xi32>
      %swap3A_361 = arith.constant 0 : index
      %swap3A_362 = tpu.vector_load %arg10[%swap3A_361] {strides = array<i32>} : memref<128xi32, #tpu.memory_space<vmem>>, vector<16xi32>,
      tpu.vector_store %arg10[%swap3A_361], %add3A_360 {strides = array<i32>} : memref<128xi32, #tpu.memory_space<vmem>>, vector<16xi32>,
      %get3A_363 = arith.index_cast %while3A_351 : i32 to index
      %get3A_364 = arith.constant 16 : index
      %get3A_365 = tpu.vector_load %arg7[%get3A_363, %get3A_364] {strides = array<i32>} : memref<161x128xi32, #tpu.memory_space<vmem>>, vector<16xi32>,
      %mul3A_366 = arith.constant 2 : i32
      %mul3A_367 = vector.broadcast %mul3A_366 : i32 to vector<16xi32>
      %mul3A_368 = arith.muli %get3A_365, %mul3A_367 : vector<16xi32>
      %add3A_369 = arith.constant 1 : i32
      %add3A_370 = vector.broadcast %add3A_369 : i32 to vector<16xi32>
      %add3A_371 = arith.addi %mul3A_368, %add3A_370 : vector<16xi32>
      %swap3A_372 = arith.constant 16 : index
      %swap3A_373 = tpu.vector_load %arg10[%swap3A_372] {strides = array<i32>} : memref<128xi32, #tpu.memory_space<vmem>>, vector<16xi32>,
      tpu.vector_store %arg10[%swap3A_372], %add3A_371 {strides = array<i32>} : memref<128xi32, #tpu.memory_space<vmem>>, vector<16xi32>,
      %get3A_374 = arith.index_cast %while3A_351 : i32 to index
      %get3A_375 = arith.constant 32 : index
      %get3A_376 = tpu.vector_load %arg7[%get3A_374, %get3A_375] {strides = array<i32>} : memref<161x128xi32, #tpu.memory_space<vmem>>, vector<16xi32>,
      %mul3A_377 = arith.constant 2 : i32
      %mul3A_378 = vector.broadcast %mul3A_377 : i32 to vector<16xi32>
      %mul3A_379 = arith.muli %get3A_376, %mul3A_378 : vector<16xi32>
      %add3A_380 = arith.constant 1 : i32
      %add3A_381 = vector.broadcast %add3A_380 : i32 to vector<16xi32>
      %add3A_382 = arith.addi %mul3A_379, %add3A_381 : vector<16xi32>
      %swap3A_383 = arith.constant 32 : index
      %swap3A_384 = tpu.vector_load %arg10[%swap3A_383] {strides = array<i32>} : memref<128xi32, #tpu.memory_space<vmem>>, vector<16xi32>,
      tpu.vector_store %arg10[%swap3A_383], %add3A_382 {strides = array<i32>} : memref<128xi32, #tpu.memory_space<vmem>>, vector<16xi32>,
      %get3A_385 = arith.index_cast %while3A_351 : i32 to index
      %get3A_386 = arith.constant 48 : index
      %get3A_387 = tpu.vector_load %arg7[%get3A_385, %get3A_386] {strides = array<i32>} : memref<161x128xi32, #tpu.memory_space<vmem>>, vector<16xi32>,
      %mul3A_388 = arith.constant 2 : i32
      %mul3A_389 = vector.broadcast %mul3A_388 : i32 to vector<16xi32>
      %mul3A_390 = arith.muli %get3A_387, %mul3A_389 : vector<16xi32>
      %add3A_391 = arith.constant 1 : i32
      %add3A_392 = vector.broadcast %add3A_391 : i32 to vector<16xi32>
      %add3A_393 = arith.addi %mul3A_390, %add3A_392 : vector<16xi32>
      %swap3A_394 = arith.constant 48 : index
      %swap3A_395 = tpu.vector_load %arg10[%swap3A_394] {strides = array<i32>} : memref<128xi32, #tpu.memory_space<vmem>>, vector<16xi32>,
      tpu.vector_store %arg10[%swap3A_394], %add3A_393 {strides = array<i32>} : memref<128xi32, #tpu.memory_space<vmem>>, vector<16xi32>,
      %get3A_396 = arith.index_cast %while3A_351 : i32 to index
      %get3A_397 = arith.constant 64 : index
      %get3A_398 = tpu.vector_load %arg7[%get3A_396, %get3A_397] {strides = array<i32>} : memref<161x128xi32, #tpu.memory_space<vmem>>, vector<16xi32>,
      %mul3A_399 = arith.constant 2 : i32
      %mul3A_400 = vector.broadcast %mul3A_399 : i32 to vector<16xi32>
      %mul3A_401 = arith.muli %get3A_398, %mul3A_400 : vector<16xi32>
      %add3A_402 = arith.constant 1 : i32
      %add3A_403 = vector.broadcast %add3A_402 : i32 to vector<16xi32>
      %add3A_404 = arith.addi %mul3A_401, %add3A_403 : vector<16xi32>
      %swap3A_405 = arith.constant 64 : index
      %swap3A_406 = tpu.vector_load %arg10[%swap3A_405] {strides = array<i32>} : memref<128xi32, #tpu.memory_space<vmem>>, vector<16xi32>,
      tpu.vector_store %arg10[%swap3A_405], %add3A_404 {strides = array<i32>} : memref<128xi32, #tpu.memory_space<vmem>>, vector<16xi32>,
      %get3A_407 = arith.index_cast %while3A_351 : i32 to index
      %get3A_408 = arith.constant 80 : index
      %get3A_409 = tpu.vector_load %arg7[%get3A_407, %get3A_408] {strides = array<i32>} : memref<161x128xi32, #tpu.memory_space<vmem>>, vector<16xi32>,
      %mul3A_410 = arith.constant 2 : i32
      %mul3A_411 = vector.broadcast %mul3A_410 : i32 to vector<16xi32>
      %mul3A_412 = arith.muli %get3A_409, %mul3A_411 : vector<16xi32>
      %add3A_413 = arith.constant 1 : i32
      %add3A_414 = vector.broadcast %add3A_413 : i32 to vector<16xi32>
      %add3A_415 = arith.addi %mul3A_412, %add3A_414 : vector<16xi32>
      %swap3A_416 = arith.constant 80 : index
      %swap3A_417 = tpu.vector_load %arg10[%swap3A_416] {strides = array<i32>} : memref<128xi32, #tpu.memory_space<vmem>>, vector<16xi32>,
      tpu.vector_store %arg10[%swap3A_416], %add3A_415 {strides = array<i32>} : memref<128xi32, #tpu.memory_space<vmem>>, vector<16xi32>,
      %get3A_418 = arith.index_cast %while3A_351 : i32 to index
      %get3A_419 = arith.constant 96 : index
      %get3A_420 = tpu.vector_load %arg7[%get3A_418, %get3A_419] {strides = array<i32>} : memref<161x128xi32, #tpu.memory_space<vmem>>, vector<16xi32>,
      %mul3A_421 = arith.constant 2 : i32
      %mul3A_422 = vector.broadcast %mul3A_421 : i32 to vector<16xi32>
      %mul3A_423 = arith.muli %get3A_420, %mul3A_422 : vector<16xi32>
      %add3A_424 = arith.constant 1 : i32
      %add3A_425 = vector.broadcast %add3A_424 : i32 to vector<16xi32>
      %add3A_426 = arith.addi %mul3A_423, %add3A_425 : vector<16xi32>
      %swap3A_427 = arith.constant 96 : index
      %swap3A_428 = tpu.vector_load %arg10[%swap3A_427] {strides = array<i32>} : memref<128xi32, #tpu.memory_space<vmem>>, vector<16xi32>,
      tpu.vector_store %arg10[%swap3A_427], %add3A_426 {strides = array<i32>} : memref<128xi32, #tpu.memory_space<vmem>>, vector<16xi32>,
      %get3A_429 = arith.index_cast %while3A_351 : i32 to index
      %get3A_430 = arith.constant 112 : index
      %get3A_431 = tpu.vector_load %arg7[%get3A_429, %get3A_430] {strides = array<i32>} : memref<161x128xi32, #tpu.memory_space<vmem>>, vector<16xi32>,
      %mul3A_432 = arith.constant 2 : i32
      %mul3A_433 = vector.broadcast %mul3A_432 : i32 to vector<16xi32>
      %mul3A_434 = arith.muli %get3A_431, %mul3A_433 : vector<16xi32>
      %add3A_435 = arith.constant 1 : i32
      %add3A_436 = vector.broadcast %add3A_435 : i32 to vector<16xi32>
      %add3A_437 = arith.addi %mul3A_434, %add3A_436 : vector<16xi32>
      %swap3A_438 = arith.constant 112 : index
      %swap3A_439 = tpu.vector_load %arg10[%swap3A_438] {strides = array<i32>} : memref<128xi32, #tpu.memory_space<vmem>>, vector<16xi32>,
      tpu.vector_store %arg10[%swap3A_438], %add3A_437 {strides = array<i32>} : memref<128xi32, #tpu.memory_space<vmem>>, vector<16xi32>,
      %dma_start3A_440 = arith.constant 0 : i32
      %dma_start3A_441 = arith.constant 0 : i32
      %dma_start3A_442 = tpu.memref_slice %arg2[%dma_start3A_440, %dma_start3A_441] : memref<20000x64xf32, #tpu.memory_space<hbm>> -> memref<20000x64xf32, #tpu.memory_space<hbm>>
      tpu.enqueue_indirect_dma source(%dma_start3A_442 : memref<20000x64xf32, #tpu.memory_space<hbm>>) target(%arg9 : memref<128x64xf32, #tpu.memory_space<vmem>>) offsets(%arg10 : memref<128xi32, #tpu.memory_space<vmem>>) semaphore(%arg14 : memref<!tpu.dma_semaphore, #tpu.memory_space<semaphore_mem>>)
      %dma_wait3A_443 = arith.constant 0 : i32
      %dma_wait3A_444 = arith.constant 0 : i32
      %dma_wait3A_445 = tpu.memref_slice %arg2[%dma_wait3A_443, %dma_wait3A_444] : memref<20000x64xf32, #tpu.memory_space<hbm>> -> memref<20000x64xf32, #tpu.memory_space<hbm>>
      tpu.wait_indirect_dma semaphore(%arg14 : memref<!tpu.dma_semaphore, #tpu.memory_space<semaphore_mem>>) src(%dma_wait3A_445 : memref<20000x64xf32, #tpu.memory_space<hbm>>) dst(%arg9 : memref<128x64xf32, #tpu.memory_space<vmem>>)
      "tpu.region"() ({
        %run_scoped3A = tpu.sem_alloc : memref<!tpu.dma_semaphore, #tpu.memory_space<semaphore_mem>>
        %dma_start3A_446 = arith.constant 0 : i32
        %dma_start3A_447 = tpu.memref_slice %arg8[%while3A_351, %dma_start3A_446] : memref<161x128xi32, #tpu.memory_space<vmem>> -> memref<1x128xi32, #tpu.memory_space<vmem>>
        %dma_start3A_448 = tpu.memref_squeeze %dma_start3A_447 : memref<1x128xi32, #tpu.memory_space<vmem>> -> memref<128xi32, #tpu.memory_space<vmem>>
        %dma_start3A_449 = arith.constant 0 : i32
        %dma_start3A_450 = arith.constant 0 : i32
        %dma_start3A_451 = tpu.memref_slice %arg13[%dma_start3A_449, %dma_start3A_450] : memref<5120x64xf32, #tpu.memory_space<vmem_shared>> -> memref<5120x64xf32, #tpu.memory_space<vmem_shared>>
        tpu.enqueue_indirect_dma source(%arg9 : memref<128x64xf32, #tpu.memory_space<vmem>>) target(%dma_start3A_451 : memref<5120x64xf32, #tpu.memory_space<vmem_shared>>) offsets(%dma_start3A_448 : memref<128xi32, #tpu.memory_space<vmem>>) semaphore(%run_scoped3A : memref<!tpu.dma_semaphore, #tpu.memory_space<semaphore_mem>>) {add = true}
        %dma_wait3A_452 = arith.constant 0 : i32
        %dma_wait3A_453 = tpu.memref_slice %arg8[%while3A_351, %dma_wait3A_452] : memref<161x128xi32, #tpu.memory_space<vmem>> -> memref<1x128xi32, #tpu.memory_space<vmem>>
        %dma_wait3A_454 = tpu.memref_squeeze %dma_wait3A_453 : memref<1x128xi32, #tpu.memory_space<vmem>> -> memref<128xi32, #tpu.memory_space<vmem>>
        %dma_wait3A_455 = arith.constant 0 : i32
        %dma_wait3A_456 = arith.constant 0 : i32
        %dma_wait3A_457 = tpu.memref_slice %arg13[%dma_wait3A_455, %dma_wait3A_456] : memref<5120x64xf32, #tpu.memory_space<vmem_shared>> -> memref<5120x64xf32, #tpu.memory_space<vmem_shared>>
        tpu.wait_indirect_dma semaphore(%run_scoped3A : memref<!tpu.dma_semaphore, #tpu.memory_space<semaphore_mem>>) src(%arg9 : memref<128x64xf32, #tpu.memory_space<vmem>>) dst(%dma_wait3A_457 : memref<5120x64xf32, #tpu.memory_space<vmem_shared>>)
        tpu.yield
      }) : () -> ()
    }
    %while3A_172 = arith.constant 1 : i32
    scf.for %while3A_351 = %while3A_170 to %while3A_166 step %while3A_172  : i32 {
      %get3A_352 = arith.index_cast %while3A_351 : i32 to index
      %get3A_353 = arith.constant 0 : index
      %get3A_354 = tpu.vector_load %arg7[%get3A_352, %get3A_353] {strides = array<i32>} : memref<161x128xi32, #tpu.memory_space<vmem>>, vector<16xi32>,
      %mul3A_355 = arith.constant 2 : i32
      %mul3A_356 = vector.broadcast %mul3A_355 : i32 to vector<16xi32>
      %mul3A_357 = arith.muli %get3A_354, %mul3A_356 : vector<16xi32>
      %add3A_358 = arith.constant 1 : i32
      %add3A_359 = vector.broadcast %add3A_358 : i32 to vector<16xi32>
      %add3A_360 = arith.addi %mul3A_357, %add3A_359 : vector<16xi32>
      %swap3A_361 = arith.constant 0 : index
      %swap3A_362 = tpu.vector_load %arg10[%swap3A_361] {strides = array<i32>} : memref<128xi32, #tpu.memory_space<vmem>>, vector<16xi32>,
      tpu.vector_store %arg10[%swap3A_361], %add3A_360 {strides = array<i32>} : memref<128xi32, #tpu.memory_space<vmem>>, vector<16xi32>,
      %get3A_363 = arith.index_cast %while3A_351 : i32 to index
      %get3A_364 = arith.constant 16 : index
      %get3A_365 = tpu.vector_load %arg7[%get3A_363, %get3A_364] {strides = array<i32>} : memref<161x128xi32, #tpu.memory_space<vmem>>, vector<16xi32>,
      %mul3A_366 = arith.constant 2 : i32
      %mul3A_367 = vector.broadcast %mul3A_366 : i32 to vector<16xi32>
      %mul3A_368 = arith.muli %get3A_365, %mul3A_367 : vector<16xi32>
      %add3A_369 = arith.constant 1 : i32
      %add3A_370 = vector.broadcast %add3A_369 : i32 to vector<16xi32>
      %add3A_371 = arith.addi %mul3A_368, %add3A_370 : vector<16xi32>
      %swap3A_372 = arith.constant 16 : index
      %swap3A_373 = tpu.vector_load %arg10[%swap3A_372] {strides = array<i32>} : memref<128xi32, #tpu.memory_space<vmem>>, vector<16xi32>,
      tpu.vector_store %arg10[%swap3A_372], %add3A_371 {strides = array<i32>} : memref<128xi32, #tpu.memory_space<vmem>>, vector<16xi32>,
      %get3A_374 = arith.index_cast %while3A_351 : i32 to index
      %get3A_375 = arith.constant 32 : index
      %get3A_376 = tpu.vector_load %arg7[%get3A_374, %get3A_375] {strides = array<i32>} : memref<161x128xi32, #tpu.memory_space<vmem>>, vector<16xi32>,
      %mul3A_377 = arith.constant 2 : i32
      %mul3A_378 = vector.broadcast %mul3A_377 : i32 to vector<16xi32>
      %mul3A_379 = arith.muli %get3A_376, %mul3A_378 : vector<16xi32>
      %add3A_380 = arith.constant 1 : i32
      %add3A_381 = vector.broadcast %add3A_380 : i32 to vector<16xi32>
      %add3A_382 = arith.addi %mul3A_379, %add3A_381 : vector<16xi32>
      %swap3A_383 = arith.constant 32 : index
      %swap3A_384 = tpu.vector_load %arg10[%swap3A_383] {strides = array<i32>} : memref<128xi32, #tpu.memory_space<vmem>>, vector<16xi32>,
      tpu.vector_store %arg10[%swap3A_383], %add3A_382 {strides = array<i32>} : memref<128xi32, #tpu.memory_space<vmem>>, vector<16xi32>,
      %get3A_385 = arith.index_cast %while3A_351 : i32 to index
      %get3A_386 = arith.constant 48 : index
      %get3A_387 = tpu.vector_load %arg7[%get3A_385, %get3A_386] {strides = array<i32>} : memref<161x128xi32, #tpu.memory_space<vmem>>, vector<16xi32>,
      %mul3A_388 = arith.constant 2 : i32
      %mul3A_389 = vector.broadcast %mul3A_388 : i32 to vector<16xi32>
      %mul3A_390 = arith.muli %get3A_387, %mul3A_389 : vector<16xi32>
      %add3A_391 = arith.constant 1 : i32
      %add3A_392 = vector.broadcast %add3A_391 : i32 to vector<16xi32>
      %add3A_393 = arith.addi %mul3A_390, %add3A_392 : vector<16xi32>
      %swap3A_394 = arith.constant 48 : index
      %swap3A_395 = tpu.vector_load %arg10[%swap3A_394] {strides = array<i32>} : memref<128xi32, #tpu.memory_space<vmem>>, vector<16xi32>,
      tpu.vector_store %arg10[%swap3A_394], %add3A_393 {strides = array<i32>} : memref<128xi32, #tpu.memory_space<vmem>>, vector<16xi32>,
      %get3A_396 = arith.index_cast %while3A_351 : i32 to index
      %get3A_397 = arith.constant 64 : index
      %get3A_398 = tpu.vector_load %arg7[%get3A_396, %get3A_397] {strides = array<i32>} : memref<161x128xi32, #tpu.memory_space<vmem>>, vector<16xi32>,
      %mul3A_399 = arith.constant 2 : i32
      %mul3A_400 = vector.broadcast %mul3A_399 : i32 to vector<16xi32>
      %mul3A_401 = arith.muli %get3A_398, %mul3A_400 : vector<16xi32>
      %add3A_402 = arith.constant 1 : i32
      %add3A_403 = vector.broadcast %add3A_402 : i32 to vector<16xi32>
      %add3A_404 = arith.addi %mul3A_401, %add3A_403 : vector<16xi32>
      %swap3A_405 = arith.constant 64 : index
      %swap3A_406 = tpu.vector_load %arg10[%swap3A_405] {strides = array<i32>} : memref<128xi32, #tpu.memory_space<vmem>>, vector<16xi32>,
      tpu.vector_store %arg10[%swap3A_405], %add3A_404 {strides = array<i32>} : memref<128xi32, #tpu.memory_space<vmem>>, vector<16xi32>,
      %get3A_407 = arith.index_cast %while3A_351 : i32 to index
      %get3A_408 = arith.constant 80 : index
      %get3A_409 = tpu.vector_load %arg7[%get3A_407, %get3A_408] {strides = array<i32>} : memref<161x128xi32, #tpu.memory_space<vmem>>, vector<16xi32>,
      %mul3A_410 = arith.constant 2 : i32
      %mul3A_411 = vector.broadcast %mul3A_410 : i32 to vector<16xi32>
      %mul3A_412 = arith.muli %get3A_409, %mul3A_411 : vector<16xi32>
      %add3A_413 = arith.constant 1 : i32
      %add3A_414 = vector.broadcast %add3A_413 : i32 to vector<16xi32>
      %add3A_415 = arith.addi %mul3A_412, %add3A_414 : vector<16xi32>
      %swap3A_416 = arith.constant 80 : index
      %swap3A_417 = tpu.vector_load %arg10[%swap3A_416] {strides = array<i32>} : memref<128xi32, #tpu.memory_space<vmem>>, vector<16xi32>,
      tpu.vector_store %arg10[%swap3A_416], %add3A_415 {strides = array<i32>} : memref<128xi32, #tpu.memory_space<vmem>>, vector<16xi32>,
      %get3A_418 = arith.index_cast %while3A_351 : i32 to index
      %get3A_419 = arith.constant 96 : index
      %get3A_420 = tpu.vector_load %arg7[%get3A_418, %get3A_419] {strides = array<i32>} : memref<161x128xi32, #tpu.memory_space<vmem>>, vector<16xi32>,
      %mul3A_421 = arith.constant 2 : i32
      %mul3A_422 = vector.broadcast %mul3A_421 : i32 to vector<16xi32>
      %mul3A_423 = arith.muli %get3A_420, %mul3A_422 : vector<16xi32>
      %add3A_424 = arith.constant 1 : i32
      %add3A_425 = vector.broadcast %add3A_424 : i32 to vector<16xi32>
      %add3A_426 = arith.addi %mul3A_423, %add3A_425 : vector<16xi32>
      %swap3A_427 = arith.constant 96 : index
      %swap3A_428 = tpu.vector_load %arg10[%swap3A_427] {strides = array<i32>} : memref<128xi32, #tpu.memory_space<vmem>>, vector<16xi32>,
      tpu.vector_store %arg10[%swap3A_427], %add3A_426 {strides = array<i32>} : memref<128xi32, #tpu.memory_space<vmem>>, vector<16xi32>,
      %get3A_429 = arith.index_cast %while3A_351 : i32 to index
      %get3A_430 = arith.constant 112 : index
      %get3A_431 = tpu.vector_load %arg7[%get3A_429, %get3A_430] {strides = array<i32>} : memref<161x128xi32, #tpu.memory_space<vmem>>, vector<16xi32>,
      %mul3A_432 = arith.constant 2 : i32
      %mul3A_433 = vector.broadcast %mul3A_432 : i32 to vector<16xi32>
      %mul3A_434 = arith.muli %get3A_431, %mul3A_433 : vector<16xi32>
      %add3A_435 = arith.constant 1 : i32
      %add3A_436 = vector.broadcast %add3A_435 : i32 to vector<16xi32>
      %add3A_437 = arith.addi %mul3A_434, %add3A_436 : vector<16xi32>
      %swap3A_438 = arith.constant 112 : index
      %swap3A_439 = tpu.vector_load %arg10[%swap3A_438] {strides = array<i32>} : memref<128xi32, #tpu.memory_space<vmem>>, vector<16xi32>,
      tpu.vector_store %arg10[%swap3A_438], %add3A_437 {strides = array<i32>} : memref<128xi32, #tpu.memory_space<vmem>>, vector<16xi32>,
      %dma_start3A_440 = arith.constant 0 : i32
      %dma_start3A_441 = arith.constant 0 : i32
      %dma_start3A_442 = tpu.memref_slice %arg2[%dma_start3A_440, %dma_start3A_441] : memref<20000x64xf32, #tpu.memory_space<hbm>> -> memref<20000x64xf32, #tpu.memory_space<hbm>>
      tpu.enqueue_indirect_dma source(%dma_start3A_442 : memref<20000x64xf32, #tpu.memory_space<hbm>>) target(%arg9 : memref<128x64xf32, #tpu.memory_space<vmem>>) offsets(%arg10 : memref<128xi32, #tpu.memory_space<vmem>>) semaphore(%arg14 : memref<!tpu.dma_semaphore, #tpu.memory_space<semaphore_mem>>)
      %dma_wait3A_443 = arith.constant 0 : i32
      %dma_wait3A_444 = arith.constant 0 : i32
      %dma_wait3A_445 = tpu.memref_slice %arg2[%dma_wait3A_443, %dma_wait3A_444] : memref<20000x64xf32, #tpu.memory_space<hbm>> -> memref<20000x64xf32, #tpu.memory_space<hbm>>
      tpu.wait_indirect_dma semaphore(%arg14 : memref<!tpu.dma_semaphore, #tpu.memory_space<semaphore_mem>>) src(%dma_wait3A_445 : memref<20000x64xf32, #tpu.memory_space<hbm>>) dst(%arg9 : memref<128x64xf32, #tpu.memory_space<vmem>>)
      "tpu.region"() ({
        %run_scoped3A = tpu.sem_alloc : memref<!tpu.dma_semaphore, #tpu.memory_space<semaphore_mem>>
        %dma_start3A_446 = arith.constant 0 : i32
        %dma_start3A_447 = tpu.memref_slice %arg8[%while3A_351, %dma_start3A_446] : memref<161x128xi32, #tpu.memory_space<vmem>> -> memref<1x128xi32, #tpu.memory_space<vmem>>
        %dma_start3A_448 = tpu.memref_squeeze %dma_start3A_447 : memref<1x128xi32, #tpu.memory_space<vmem>> -> memref<128xi32, #tpu.memory_space<vmem>>
        %dma_start3A_449 = arith.constant 0 : i32
        %dma_start3A_450 = arith.constant 0 : i32
        %dma_start3A_451 = tpu.memref_slice %arg13[%dma_start3A_449, %dma_start3A_450] : memref<5120x64xf32, #tpu.memory_space<vmem_shared>> -> memref<5120x64xf32, #tpu.memory_space<vmem_shared>>
        tpu.enqueue_indirect_dma source(%arg9 : memref<128x64xf32, #tpu.memory_space<vmem>>) target(%dma_start3A_451 : memref<5120x64xf32, #tpu.memory_space<vmem_shared>>) offsets(%dma_start3A_448 : memref<128xi32, #tpu.memory_space<vmem>>) semaphore(%run_scoped3A : memref<!tpu.dma_semaphore, #tpu.memory_space<semaphore_mem>>) {add = true}
        %dma_wait3A_452 = arith.constant 0 : i32
        %dma_wait3A_453 = tpu.memref_slice %arg8[%while3A_351, %dma_wait3A_452] : memref<161x128xi32, #tpu.memory_space<vmem>> -> memref<1x128xi32, #tpu.memory_space<vmem>>
        %dma_wait3A_454 = tpu.memref_squeeze %dma_wait3A_453 : memref<1x128xi32, #tpu.memory_space<vmem>> -> memref<128xi32, #tpu.memory_space<vmem>>
        %dma_wait3A_455 = arith.constant 0 : i32
        %dma_wait3A_456 = arith.constant 0 : i32
        %dma_wait3A_457 = tpu.memref_slice %arg13[%dma_wait3A_455, %dma_wait3A_456] : memref<5120x64xf32, #tpu.memory_space<vmem_shared>> -> memref<5120x64xf32, #tpu.memory_space<vmem_shared>>
        tpu.wait_indirect_dma semaphore(%run_scoped3A : memref<!tpu.dma_semaphore, #tpu.memory_space<semaphore_mem>>) src(%arg9 : memref<128x64xf32, #tpu.memory_space<vmem>>) dst(%dma_wait3A_457 : memref<5120x64xf32, #tpu.memory_space<vmem_shared>>)
        tpu.yield
      }) : () -> ()
    }
    %barrier3A_173 = arith.constant 0 : index
    tpu.barrier barrier_id(%barrier3A_173)
    %mul3A_174 = arith.constant 5120 : i32
    %mul3A_175 = arith.muli %arg0, %mul3A_174 : i32
    %add3A_176 = arith.addi %mul3A_175, %mul3A_4 : i32
    %add3A_177 = arith.constant 0 : i32
    %add3A_178 = arith.addi %mul3A_4, %add3A_177 : i32
    %add3A_179 = arith.constant 0 : i32
    %add3A_180 = arith.addi %add3A_178, %add3A_179 : i32
    %add3A_181 = vector.broadcast %add3A_180 : i32 to vector<16xi32>
    %add3A_182 = arith.addi %add3A_181, %iota3A : vector<16xi32>
    %swap3A_183 = arith.constant 0 : index
    %swap3A_184 = tpu.vector_load %arg11[%swap3A_183] {strides = array<i32>} : memref<128xi32, #tpu.memory_space<vmem>>, vector<16xi32>,
    tpu.vector_store %arg11[%swap3A_183], %add3A_182 {strides = array<i32>} : memref<128xi32, #tpu.memory_space<vmem>>, vector<16xi32>,
    %add3A_185 = arith.constant 16 : i32
    %add3A_186 = arith.addi %add3A_178, %add3A_185 : i32
    %add3A_187 = vector.broadcast %add3A_186 : i32 to vector<16xi32>
    %add3A_188 = arith.addi %add3A_187, %iota3A : vector<16xi32>
    %swap3A_189 = arith.constant 16 : index
    %swap3A_190 = tpu.vector_load %arg11[%swap3A_189] {strides = array<i32>} : memref<128xi32, #tpu.memory_space<vmem>>, vector<16xi32>,
    tpu.vector_store %arg11[%swap3A_189], %add3A_188 {strides = array<i32>} : memref<128xi32, #tpu.memory_space<vmem>>, vector<16xi32>,
    %add3A_191 = arith.constant 32 : i32
    %add3A_192 = arith.addi %add3A_178, %add3A_191 : i32
    %add3A_193 = vector.broadcast %add3A_192 : i32 to vector<16xi32>
    %add3A_194 = arith.addi %add3A_193, %iota3A : vector<16xi32>
    %swap3A_195 = arith.constant 32 : index
    %swap3A_196 = tpu.vector_load %arg11[%swap3A_195] {strides = array<i32>} : memref<128xi32, #tpu.memory_space<vmem>>, vector<16xi32>,
    tpu.vector_store %arg11[%swap3A_195], %add3A_194 {strides = array<i32>} : memref<128xi32, #tpu.memory_space<vmem>>, vector<16xi32>,
    %add3A_197 = arith.constant 48 : i32
    %add3A_198 = arith.addi %add3A_178, %add3A_197 : i32
    %add3A_199 = vector.broadcast %add3A_198 : i32 to vector<16xi32>
    %add3A_200 = arith.addi %add3A_199, %iota3A : vector<16xi32>
    %swap3A_201 = arith.constant 48 : index
    %swap3A_202 = tpu.vector_load %arg11[%swap3A_201] {strides = array<i32>} : memref<128xi32, #tpu.memory_space<vmem>>, vector<16xi32>,
    tpu.vector_store %arg11[%swap3A_201], %add3A_200 {strides = array<i32>} : memref<128xi32, #tpu.memory_space<vmem>>, vector<16xi32>,
    %add3A_203 = arith.constant 64 : i32
    %add3A_204 = arith.addi %add3A_178, %add3A_203 : i32
    %add3A_205 = vector.broadcast %add3A_204 : i32 to vector<16xi32>
    %add3A_206 = arith.addi %add3A_205, %iota3A : vector<16xi32>
    %swap3A_207 = arith.constant 64 : index
    %swap3A_208 = tpu.vector_load %arg11[%swap3A_207] {strides = array<i32>} : memref<128xi32, #tpu.memory_space<vmem>>, vector<16xi32>,
    tpu.vector_store %arg11[%swap3A_207], %add3A_206 {strides = array<i32>} : memref<128xi32, #tpu.memory_space<vmem>>, vector<16xi32>,
    %add3A_209 = arith.constant 80 : i32
    %add3A_210 = arith.addi %add3A_178, %add3A_209 : i32
    %add3A_211 = vector.broadcast %add3A_210 : i32 to vector<16xi32>
    %add3A_212 = arith.addi %add3A_211, %iota3A : vector<16xi32>
    %swap3A_213 = arith.constant 80 : index
    %swap3A_214 = tpu.vector_load %arg11[%swap3A_213] {strides = array<i32>} : memref<128xi32, #tpu.memory_space<vmem>>, vector<16xi32>,
    tpu.vector_store %arg11[%swap3A_213], %add3A_212 {strides = array<i32>} : memref<128xi32, #tpu.memory_space<vmem>>, vector<16xi32>,
    %add3A_215 = arith.constant 96 : i32
    %add3A_216 = arith.addi %add3A_178, %add3A_215 : i32
    %add3A_217 = vector.broadcast %add3A_216 : i32 to vector<16xi32>
    %add3A_218 = arith.addi %add3A_217, %iota3A : vector<16xi32>
    %swap3A_219 = arith.constant 96 : index
    %swap3A_220 = tpu.vector_load %arg11[%swap3A_219] {strides = array<i32>} : memref<128xi32, #tpu.memory_space<vmem>>, vector<16xi32>,
    tpu.vector_store %arg11[%swap3A_219], %add3A_218 {strides = array<i32>} : memref<128xi32, #tpu.memory_space<vmem>>, vector<16xi32>,
    %add3A_221 = arith.constant 112 : i32
    %add3A_222 = arith.addi %add3A_178, %add3A_221 : i32
    %add3A_223 = vector.broadcast %add3A_222 : i32 to vector<16xi32>
    %add3A_224 = arith.addi %add3A_223, %iota3A : vector<16xi32>
    %swap3A_225 = arith.constant 112 : index
    %swap3A_226 = tpu.vector_load %arg11[%swap3A_225] {strides = array<i32>} : memref<128xi32, #tpu.memory_space<vmem>>, vector<16xi32>,
    tpu.vector_store %arg11[%swap3A_225], %add3A_224 {strides = array<i32>} : memref<128xi32, #tpu.memory_space<vmem>>, vector<16xi32>,
    %dma_start3A_227 = arith.constant 0 : i32
    %dma_start3A_228 = arith.constant 0 : i32
    %dma_start3A_229 = tpu.memref_slice %arg13[%dma_start3A_227, %dma_start3A_228] : memref<5120x64xf32, #tpu.memory_space<vmem_shared>> -> memref<5120x64xf32, #tpu.memory_space<vmem_shared>>
    tpu.enqueue_indirect_dma source(%dma_start3A_229 : memref<5120x64xf32, #tpu.memory_space<vmem_shared>>) target(%arg9 : memref<128x64xf32, #tpu.memory_space<vmem>>) offsets(%arg11 : memref<128xi32, #tpu.memory_space<vmem>>) semaphore(%arg14 : memref<!tpu.dma_semaphore, #tpu.memory_space<semaphore_mem>>)
    %dma_wait3A_230 = arith.constant 0 : i32
    %dma_wait3A_231 = arith.constant 0 : i32
    %dma_wait3A_232 = tpu.memref_slice %arg13[%dma_wait3A_230, %dma_wait3A_231] : memref<5120x64xf32, #tpu.memory_space<vmem_shared>> -> memref<5120x64xf32, #tpu.memory_space<vmem_shared>>
    tpu.wait_indirect_dma semaphore(%arg14 : memref<!tpu.dma_semaphore, #tpu.memory_space<semaphore_mem>>) src(%dma_wait3A_232 : memref<5120x64xf32, #tpu.memory_space<vmem_shared>>) dst(%arg9 : memref<128x64xf32, #tpu.memory_space<vmem>>)
    %add3A_233 = arith.constant 0 : i32
    %add3A_234 = arith.addi %add3A_176, %add3A_233 : i32
    "tpu.region"() ({
      %run_scoped3A = tpu.sem_alloc : memref<!tpu.dma_semaphore, #tpu.memory_space<semaphore_mem>>
      %dma_start3A_351 = arith.constant 0 : i32
      %dma_start3A_352 = arith.constant 0 : i32
      %dma_start3A_353 = tpu.memref_slice %arg9[%dma_start3A_351, %dma_start3A_352] : memref<128x64xf32, #tpu.memory_space<vmem>> -> memref<128x64xf32, #tpu.memory_space<vmem>>
      %dma_start3A_354 = arith.constant 0 : i32
      %dma_start3A_355 = tpu.memref_slice %arg6[%add3A_234, %dma_start3A_354] : memref<10240x64xf32, #tpu.memory_space<hbm>> -> memref<128x64xf32, #tpu.memory_space<hbm>>
      %dma_start3A_356 = arith.constant 0 : i32
      %dma_start3A_357 = tpu.memref_slice %arg6[%add3A_234, %dma_start3A_356] : memref<10240x64xf32, #tpu.memory_space<hbm>> -> memref<128x64xf32, #tpu.memory_space<hbm>>
      %dma_start3A_358 = arith.constant 0 : i32
      %dma_start3A_359 = arith.constant 0 : i32
      %dma_start3A_360 = tpu.memref_slice %arg9[%dma_start3A_358, %dma_start3A_359] : memref<128x64xf32, #tpu.memory_space<vmem>> -> memref<128x64xf32, #tpu.memory_space<vmem>>
      tpu.enqueue_dma source(%dma_start3A_360 : memref<128x64xf32, #tpu.memory_space<vmem>>) target(%dma_start3A_357 : memref<128x64xf32, #tpu.memory_space<hbm>>) target_semaphore(%run_scoped3A : memref<!tpu.dma_semaphore, #tpu.memory_space<semaphore_mem>>)
      %dma_wait3A_361 = arith.constant 0 : i32
      %dma_wait3A_362 = arith.constant 0 : i32
      %dma_wait3A_363 = tpu.memref_slice %arg9[%dma_wait3A_361, %dma_wait3A_362] : memref<128x64xf32, #tpu.memory_space<vmem>> -> memref<128x64xf32, #tpu.memory_space<vmem>>
      %dma_wait3A_364 = arith.constant 0 : i32
      %dma_wait3A_365 = tpu.memref_slice %arg6[%add3A_234, %dma_wait3A_364] : memref<10240x64xf32, #tpu.memory_space<hbm>> -> memref<128x64xf32, #tpu.memory_space<hbm>>
      %dma_wait3A_366 = arith.constant 0 : i32
      %dma_wait3A_367 = tpu.memref_slice %arg6[%add3A_234, %dma_wait3A_366] : memref<10240x64xf32, #tpu.memory_space<hbm>> -> memref<128x64xf32, #tpu.memory_space<hbm>>
      %dma_wait3A_368 = arith.constant 0 : i32
      %dma_wait3A_369 = arith.constant 0 : i32
      %dma_wait3A_370 = tpu.memref_slice %arg9[%dma_wait3A_368, %dma_wait3A_369] : memref<128x64xf32, #tpu.memory_space<vmem>> -> memref<128x64xf32, #tpu.memory_space<vmem>>
      tpu.wait_dma2 semaphore(%run_scoped3A : memref<!tpu.dma_semaphore, #tpu.memory_space<semaphore_mem>>) src(%dma_wait3A_370 : memref<128x64xf32, #tpu.memory_space<vmem>>) dst(%dma_wait3A_367 : memref<128x64xf32, #tpu.memory_space<hbm>>)
      tpu.yield
    }) : () -> ()
    %add3A_235 = arith.constant 128 : i32
    %add3A_236 = arith.addi %mul3A_4, %add3A_235 : i32
    %add3A_237 = arith.constant 0 : i32
    %add3A_238 = arith.addi %add3A_236, %add3A_237 : i32
    %add3A_239 = vector.broadcast %add3A_238 : i32 to vector<16xi32>
    %add3A_240 = arith.addi %add3A_239, %iota3A : vector<16xi32>
    %swap3A_241 = arith.constant 0 : index
    %swap3A_242 = tpu.vector_load %arg11[%swap3A_241] {strides = array<i32>} : memref<128xi32, #tpu.memory_space<vmem>>, vector<16xi32>,
    tpu.vector_store %arg11[%swap3A_241], %add3A_240 {strides = array<i32>} : memref<128xi32, #tpu.memory_space<vmem>>, vector<16xi32>,
    %add3A_243 = arith.constant 16 : i32
    %add3A_244 = arith.addi %add3A_236, %add3A_243 : i32
    %add3A_245 = vector.broadcast %add3A_244 : i32 to vector<16xi32>
    %add3A_246 = arith.addi %add3A_245, %iota3A : vector<16xi32>
    %swap3A_247 = arith.constant 16 : index
    %swap3A_248 = tpu.vector_load %arg11[%swap3A_247] {strides = array<i32>} : memref<128xi32, #tpu.memory_space<vmem>>, vector<16xi32>,
    tpu.vector_store %arg11[%swap3A_247], %add3A_246 {strides = array<i32>} : memref<128xi32, #tpu.memory_space<vmem>>, vector<16xi32>,
    %add3A_249 = arith.constant 32 : i32
    %add3A_250 = arith.addi %add3A_236, %add3A_249 : i32
    %add3A_251 = vector.broadcast %add3A_250 : i32 to vector<16xi32>
    %add3A_252 = arith.addi %add3A_251, %iota3A : vector<16xi32>
    %swap3A_253 = arith.constant 32 : index
    %swap3A_254 = tpu.vector_load %arg11[%swap3A_253] {strides = array<i32>} : memref<128xi32, #tpu.memory_space<vmem>>, vector<16xi32>,
    tpu.vector_store %arg11[%swap3A_253], %add3A_252 {strides = array<i32>} : memref<128xi32, #tpu.memory_space<vmem>>, vector<16xi32>,
    %add3A_255 = arith.constant 48 : i32
    %add3A_256 = arith.addi %add3A_236, %add3A_255 : i32
    %add3A_257 = vector.broadcast %add3A_256 : i32 to vector<16xi32>
    %add3A_258 = arith.addi %add3A_257, %iota3A : vector<16xi32>
    %swap3A_259 = arith.constant 48 : index
    %swap3A_260 = tpu.vector_load %arg11[%swap3A_259] {strides = array<i32>} : memref<128xi32, #tpu.memory_space<vmem>>, vector<16xi32>,
    tpu.vector_store %arg11[%swap3A_259], %add3A_258 {strides = array<i32>} : memref<128xi32, #tpu.memory_space<vmem>>, vector<16xi32>,
    %add3A_261 = arith.constant 64 : i32
    %add3A_262 = arith.addi %add3A_236, %add3A_261 : i32
    %add3A_263 = vector.broadcast %add3A_262 : i32 to vector<16xi32>
    %add3A_264 = arith.addi %add3A_263, %iota3A : vector<16xi32>
    %swap3A_265 = arith.constant 64 : index
    %swap3A_266 = tpu.vector_load %arg11[%swap3A_265] {strides = array<i32>} : memref<128xi32, #tpu.memory_space<vmem>>, vector<16xi32>,
    tpu.vector_store %arg11[%swap3A_265], %add3A_264 {strides = array<i32>} : memref<128xi32, #tpu.memory_space<vmem>>, vector<16xi32>,
    %add3A_267 = arith.constant 80 : i32
    %add3A_268 = arith.addi %add3A_236, %add3A_267 : i32
    %add3A_269 = vector.broadcast %add3A_268 : i32 to vector<16xi32>
    %add3A_270 = arith.addi %add3A_269, %iota3A : vector<16xi32>
    %swap3A_271 = arith.constant 80 : index
    %swap3A_272 = tpu.vector_load %arg11[%swap3A_271] {strides = array<i32>} : memref<128xi32, #tpu.memory_space<vmem>>, vector<16xi32>,
    tpu.vector_store %arg11[%swap3A_271], %add3A_270 {strides = array<i32>} : memref<128xi32, #tpu.memory_space<vmem>>, vector<16xi32>,
    %add3A_273 = arith.constant 96 : i32
    %add3A_274 = arith.addi %add3A_236, %add3A_273 : i32
    %add3A_275 = vector.broadcast %add3A_274 : i32 to vector<16xi32>
    %add3A_276 = arith.addi %add3A_275, %iota3A : vector<16xi32>
    %swap3A_277 = arith.constant 96 : index
    %swap3A_278 = tpu.vector_load %arg11[%swap3A_277] {strides = array<i32>} : memref<128xi32, #tpu.memory_space<vmem>>, vector<16xi32>,
    tpu.vector_store %arg11[%swap3A_277], %add3A_276 {strides = array<i32>} : memref<128xi32, #tpu.memory_space<vmem>>, vector<16xi32>,
    %add3A_279 = arith.constant 112 : i32
    %add3A_280 = arith.addi %add3A_236, %add3A_279 : i32
    %add3A_281 = vector.broadcast %add3A_280 : i32 to vector<16xi32>
    %add3A_282 = arith.addi %add3A_281, %iota3A : vector<16xi32>
    %swap3A_283 = arith.constant 112 : index
    %swap3A_284 = tpu.vector_load %arg11[%swap3A_283] {strides = array<i32>} : memref<128xi32, #tpu.memory_space<vmem>>, vector<16xi32>,
    tpu.vector_store %arg11[%swap3A_283], %add3A_282 {strides = array<i32>} : memref<128xi32, #tpu.memory_space<vmem>>, vector<16xi32>,
    %dma_start3A_285 = arith.constant 0 : i32
    %dma_start3A_286 = arith.constant 0 : i32
    %dma_start3A_287 = tpu.memref_slice %arg13[%dma_start3A_285, %dma_start3A_286] : memref<5120x64xf32, #tpu.memory_space<vmem_shared>> -> memref<5120x64xf32, #tpu.memory_space<vmem_shared>>
    tpu.enqueue_indirect_dma source(%dma_start3A_287 : memref<5120x64xf32, #tpu.memory_space<vmem_shared>>) target(%arg9 : memref<128x64xf32, #tpu.memory_space<vmem>>) offsets(%arg11 : memref<128xi32, #tpu.memory_space<vmem>>) semaphore(%arg14 : memref<!tpu.dma_semaphore, #tpu.memory_space<semaphore_mem>>)
    %dma_wait3A_288 = arith.constant 0 : i32
    %dma_wait3A_289 = arith.constant 0 : i32
    %dma_wait3A_290 = tpu.memref_slice %arg13[%dma_wait3A_288, %dma_wait3A_289] : memref<5120x64xf32, #tpu.memory_space<vmem_shared>> -> memref<5120x64xf32, #tpu.memory_space<vmem_shared>>
    tpu.wait_indirect_dma semaphore(%arg14 : memref<!tpu.dma_semaphore, #tpu.memory_space<semaphore_mem>>) src(%dma_wait3A_290 : memref<5120x64xf32, #tpu.memory_space<vmem_shared>>) dst(%arg9 : memref<128x64xf32, #tpu.memory_space<vmem>>)
    %add3A_291 = arith.constant 128 : i32
    %add3A_292 = arith.addi %add3A_176, %add3A_291 : i32
    "tpu.region"() ({
      %run_scoped3A = tpu.sem_alloc : memref<!tpu.dma_semaphore, #tpu.memory_space<semaphore_mem>>
      %dma_start3A_351 = arith.constant 0 : i32
      %dma_start3A_352 = arith.constant 0 : i32
      %dma_start3A_353 = tpu.memref_slice %arg9[%dma_start3A_351, %dma_start3A_352] : memref<128x64xf32, #tpu.memory_space<vmem>> -> memref<128x64xf32, #tpu.memory_space<vmem>>
      %dma_start3A_354 = arith.constant 0 : i32
      %dma_start3A_355 = tpu.memref_slice %arg6[%add3A_292, %dma_start3A_354] : memref<10240x64xf32, #tpu.memory_space<hbm>> -> memref<128x64xf32, #tpu.memory_space<hbm>>
      %dma_start3A_356 = arith.constant 0 : i32
      %dma_start3A_357 = tpu.memref_slice %arg6[%add3A_292, %dma_start3A_356] : memref<10240x64xf32, #tpu.memory_space<hbm>> -> memref<128x64xf32, #tpu.memory_space<hbm>>
      %dma_start3A_358 = arith.constant 0 : i32
      %dma_start3A_359 = arith.constant 0 : i32
      %dma_start3A_360 = tpu.memref_slice %arg9[%dma_start3A_358, %dma_start3A_359] : memref<128x64xf32, #tpu.memory_space<vmem>> -> memref<128x64xf32, #tpu.memory_space<vmem>>
      tpu.enqueue_dma source(%dma_start3A_360 : memref<128x64xf32, #tpu.memory_space<vmem>>) target(%dma_start3A_357 : memref<128x64xf32, #tpu.memory_space<hbm>>) target_semaphore(%run_scoped3A : memref<!tpu.dma_semaphore, #tpu.memory_space<semaphore_mem>>)
      %dma_wait3A_361 = arith.constant 0 : i32
      %dma_wait3A_362 = arith.constant 0 : i32
      %dma_wait3A_363 = tpu.memref_slice %arg9[%dma_wait3A_361, %dma_wait3A_362] : memref<128x64xf32, #tpu.memory_space<vmem>> -> memref<128x64xf32, #tpu.memory_space<vmem>>
      %dma_wait3A_364 = arith.constant 0 : i32
      %dma_wait3A_365 = tpu.memref_slice %arg6[%add3A_292, %dma_wait3A_364] : memref<10240x64xf32, #tpu.memory_space<hbm>> -> memref<128x64xf32, #tpu.memory_space<hbm>>
      %dma_wait3A_366 = arith.constant 0 : i32
      %dma_wait3A_367 = tpu.memref_slice %arg6[%add3A_292, %dma_wait3A_366] : memref<10240x64xf32, #tpu.memory_space<hbm>> -> memref<128x64xf32, #tpu.memory_space<hbm>>
      %dma_wait3A_368 = arith.constant 0 : i32
      %dma_wait3A_369 = arith.constant 0 : i32
      %dma_wait3A_370 = tpu.memref_slice %arg9[%dma_wait3A_368, %dma_wait3A_369] : memref<128x64xf32, #tpu.memory_space<vmem>> -> memref<128x64xf32, #tpu.memory_space<vmem>>
      tpu.wait_dma2 semaphore(%run_scoped3A : memref<!tpu.dma_semaphore, #tpu.memory_space<semaphore_mem>>) src(%dma_wait3A_370 : memref<128x64xf32, #tpu.memory_space<vmem>>) dst(%dma_wait3A_367 : memref<128x64xf32, #tpu.memory_space<hbm>>)
      tpu.yield
    }) : () -> ()
    %add3A_293 = arith.constant 256 : i32
    %add3A_294 = arith.addi %mul3A_4, %add3A_293 : i32
    %add3A_295 = arith.constant 0 : i32
    %add3A_296 = arith.addi %add3A_294, %add3A_295 : i32
    %add3A_297 = vector.broadcast %add3A_296 : i32 to vector<16xi32>
    %add3A_298 = arith.addi %add3A_297, %iota3A : vector<16xi32>
    %swap3A_299 = arith.constant 0 : index
    %swap3A_300 = tpu.vector_load %arg11[%swap3A_299] {strides = array<i32>} : memref<128xi32, #tpu.memory_space<vmem>>, vector<16xi32>,
    tpu.vector_store %arg11[%swap3A_299], %add3A_298 {strides = array<i32>} : memref<128xi32, #tpu.memory_space<vmem>>, vector<16xi32>,
    %add3A_301 = arith.constant 16 : i32
    %add3A_302 = arith.addi %add3A_294, %add3A_301 : i32
    %add3A_303 = vector.broadcast %add3A_302 : i32 to vector<16xi32>
    %add3A_304 = arith.addi %add3A_303, %iota3A : vector<16xi32>
    %swap3A_305 = arith.constant 16 : index
    %swap3A_306 = tpu.vector_load %arg11[%swap3A_305] {strides = array<i32>} : memref<128xi32, #tpu.memory_space<vmem>>, vector<16xi32>,
    tpu.vector_store %arg11[%swap3A_305], %add3A_304 {strides = array<i32>} : memref<128xi32, #tpu.memory_space<vmem>>, vector<16xi32>,
    %add3A_307 = arith.constant 32 : i32
    %add3A_308 = arith.addi %add3A_294, %add3A_307 : i32
    %add3A_309 = vector.broadcast %add3A_308 : i32 to vector<16xi32>
    %add3A_310 = arith.addi %add3A_309, %iota3A : vector<16xi32>
    %swap3A_311 = arith.constant 32 : index
    %swap3A_312 = tpu.vector_load %arg11[%swap3A_311] {strides = array<i32>} : memref<128xi32, #tpu.memory_space<vmem>>, vector<16xi32>,
    tpu.vector_store %arg11[%swap3A_311], %add3A_310 {strides = array<i32>} : memref<128xi32, #tpu.memory_space<vmem>>, vector<16xi32>,
    %add3A_313 = arith.constant 48 : i32
    %add3A_314 = arith.addi %add3A_294, %add3A_313 : i32
    %add3A_315 = vector.broadcast %add3A_314 : i32 to vector<16xi32>
    %add3A_316 = arith.addi %add3A_315, %iota3A : vector<16xi32>
    %swap3A_317 = arith.constant 48 : index
    %swap3A_318 = tpu.vector_load %arg11[%swap3A_317] {strides = array<i32>} : memref<128xi32, #tpu.memory_space<vmem>>, vector<16xi32>,
    tpu.vector_store %arg11[%swap3A_317], %add3A_316 {strides = array<i32>} : memref<128xi32, #tpu.memory_space<vmem>>, vector<16xi32>,
    %add3A_319 = arith.constant 0 : i32
    %add3A_320 = arith.addi %add3A_294, %add3A_319 : i32
    %add3A_321 = vector.broadcast %add3A_320 : i32 to vector<16xi32>
    %add3A_322 = arith.addi %add3A_321, %iota3A : vector<16xi32>
    %swap3A_323 = arith.constant 64 : index
    %swap3A_324 = tpu.vector_load %arg11[%swap3A_323] {strides = array<i32>} : memref<128xi32, #tpu.memory_space<vmem>>, vector<16xi32>,
    tpu.vector_store %arg11[%swap3A_323], %add3A_322 {strides = array<i32>} : memref<128xi32, #tpu.memory_space<vmem>>, vector<16xi32>,
    %add3A_325 = arith.constant 16 : i32
    %add3A_326 = arith.addi %add3A_294, %add3A_325 : i32
    %add3A_327 = vector.broadcast %add3A_326 : i32 to vector<16xi32>
    %add3A_328 = arith.addi %add3A_327, %iota3A : vector<16xi32>
    %swap3A_329 = arith.constant 80 : index
    %swap3A_330 = tpu.vector_load %arg11[%swap3A_329] {strides = array<i32>} : memref<128xi32, #tpu.memory_space<vmem>>, vector<16xi32>,
    tpu.vector_store %arg11[%swap3A_329], %add3A_328 {strides = array<i32>} : memref<128xi32, #tpu.memory_space<vmem>>, vector<16xi32>,
    %add3A_331 = arith.constant 32 : i32
    %add3A_332 = arith.addi %add3A_294, %add3A_331 : i32
    %add3A_333 = vector.broadcast %add3A_332 : i32 to vector<16xi32>
    %add3A_334 = arith.addi %add3A_333, %iota3A : vector<16xi32>
    %swap3A_335 = arith.constant 96 : index
    %swap3A_336 = tpu.vector_load %arg11[%swap3A_335] {strides = array<i32>} : memref<128xi32, #tpu.memory_space<vmem>>, vector<16xi32>,
    tpu.vector_store %arg11[%swap3A_335], %add3A_334 {strides = array<i32>} : memref<128xi32, #tpu.memory_space<vmem>>, vector<16xi32>,
    %add3A_337 = arith.constant 48 : i32
    %add3A_338 = arith.addi %add3A_294, %add3A_337 : i32
    %add3A_339 = vector.broadcast %add3A_338 : i32 to vector<16xi32>
    %add3A_340 = arith.addi %add3A_339, %iota3A : vector<16xi32>
    %swap3A_341 = arith.constant 112 : index
    %swap3A_342 = tpu.vector_load %arg11[%swap3A_341] {strides = array<i32>} : memref<128xi32, #tpu.memory_space<vmem>>, vector<16xi32>,
    tpu.vector_store %arg11[%swap3A_341], %add3A_340 {strides = array<i32>} : memref<128xi32, #tpu.memory_space<vmem>>, vector<16xi32>,
    %dma_start3A_343 = arith.constant 0 : i32
    %dma_start3A_344 = arith.constant 0 : i32
    %dma_start3A_345 = tpu.memref_slice %arg13[%dma_start3A_343, %dma_start3A_344] : memref<5120x64xf32, #tpu.memory_space<vmem_shared>> -> memref<5120x64xf32, #tpu.memory_space<vmem_shared>>
    tpu.enqueue_indirect_dma source(%dma_start3A_345 : memref<5120x64xf32, #tpu.memory_space<vmem_shared>>) target(%arg9 : memref<128x64xf32, #tpu.memory_space<vmem>>) offsets(%arg11 : memref<128xi32, #tpu.memory_space<vmem>>) semaphore(%arg14 : memref<!tpu.dma_semaphore, #tpu.memory_space<semaphore_mem>>)
    %dma_wait3A_346 = arith.constant 0 : i32
    %dma_wait3A_347 = arith.constant 0 : i32
    %dma_wait3A_348 = tpu.memref_slice %arg13[%dma_wait3A_346, %dma_wait3A_347] : memref<5120x64xf32, #tpu.memory_space<vmem_shared>> -> memref<5120x64xf32, #tpu.memory_space<vmem_shared>>
    tpu.wait_indirect_dma semaphore(%arg14 : memref<!tpu.dma_semaphore, #tpu.memory_space<semaphore_mem>>) src(%dma_wait3A_348 : memref<5120x64xf32, #tpu.memory_space<vmem_shared>>) dst(%arg9 : memref<128x64xf32, #tpu.memory_space<vmem>>)
    %add3A_349 = arith.constant 256 : i32
    %add3A_350 = arith.addi %add3A_176, %add3A_349 : i32
    "tpu.region"() ({
      %run_scoped3A = tpu.sem_alloc : memref<!tpu.dma_semaphore, #tpu.memory_space<semaphore_mem>>
      %dma_start3A_351 = arith.constant 0 : i32
      %dma_start3A_352 = arith.constant 0 : i32
      %dma_start3A_353 = tpu.memref_slice %arg9[%dma_start3A_351, %dma_start3A_352] : memref<128x64xf32, #tpu.memory_space<vmem>> -> memref<64x64xf32, #tpu.memory_space<vmem>>
      %dma_start3A_354 = arith.constant 0 : i32
      %dma_start3A_355 = tpu.memref_slice %arg6[%add3A_350, %dma_start3A_354] : memref<10240x64xf32, #tpu.memory_space<hbm>> -> memref<64x64xf32, #tpu.memory_space<hbm>>
      %dma_start3A_356 = arith.constant 0 : i32
      %dma_start3A_357 = tpu.memref_slice %arg6[%add3A_350, %dma_start3A_356] : memref<10240x64xf32, #tpu.memory_space<hbm>> -> memref<64x64xf32, #tpu.memory_space<hbm>>
      %dma_start3A_358 = arith.constant 0 : i32
      %dma_start3A_359 = arith.constant 0 : i32
      %dma_start3A_360 = tpu.memref_slice %arg9[%dma_start3A_358, %dma_start3A_359] : memref<128x64xf32, #tpu.memory_space<vmem>> -> memref<64x64xf32, #tpu.memory_space<vmem>>
      tpu.enqueue_dma source(%dma_start3A_360 : memref<64x64xf32, #tpu.memory_space<vmem>>) target(%dma_start3A_357 : memref<64x64xf32, #tpu.memory_space<hbm>>) target_semaphore(%run_scoped3A : memref<!tpu.dma_semaphore, #tpu.memory_space<semaphore_mem>>)
      %dma_wait3A_361 = arith.constant 0 : i32
      %dma_wait3A_362 = arith.constant 0 : i32
      %dma_wait3A_363 = tpu.memref_slice %arg9[%dma_wait3A_361, %dma_wait3A_362] : memref<128x64xf32, #tpu.memory_space<vmem>> -> memref<64x64xf32, #tpu.memory_space<vmem>>
      %dma_wait3A_364 = arith.constant 0 : i32
      %dma_wait3A_365 = tpu.memref_slice %arg6[%add3A_350, %dma_wait3A_364] : memref<10240x64xf32, #tpu.memory_space<hbm>> -> memref<64x64xf32, #tpu.memory_space<hbm>>
      %dma_wait3A_366 = arith.constant 0 : i32
      %dma_wait3A_367 = tpu.memref_slice %arg6[%add3A_350, %dma_wait3A_366] : memref<10240x64xf32, #tpu.memory_space<hbm>> -> memref<64x64xf32, #tpu.memory_space<hbm>>
      %dma_wait3A_368 = arith.constant 0 : i32
      %dma_wait3A_369 = arith.constant 0 : i32
      %dma_wait3A_370 = tpu.memref_slice %arg9[%dma_wait3A_368, %dma_wait3A_369] : memref<128x64xf32, #tpu.memory_space<vmem>> -> memref<64x64xf32, #tpu.memory_space<vmem>>
      tpu.wait_dma2 semaphore(%run_scoped3A : memref<!tpu.dma_semaphore, #tpu.memory_space<semaphore_mem>>) src(%dma_wait3A_370 : memref<64x64xf32, #tpu.memory_space<vmem>>) dst(%dma_wait3A_367 : memref<64x64xf32, #tpu.memory_space<hbm>>)
      tpu.yield
    }) : () -> ()
    return
  }
}

#map = affine_map<(d0, d1) -> (0, 0)>
#map1 = affine_map<(d0, d1) -> (0, 0, 0, 0)>
#map2 = affine_map<(d0, d1) -> (0, 0, 0)>
module attributes {stable_mosaic.version = 14 : i64} {
  func.func @body(%arg0: i32, %arg1: i32, %arg2: memref<20000x64xf32, #tpu.memory_space<hbm>>, %arg3: memref<2x16x161x128xi32, #tpu.memory_space<hbm>>, %arg4: memref<2x16x161x128xi32, #tpu.memory_space<hbm>>, %arg5: memref<2x16x16xi32, #tpu.memory_space<hbm>>, %arg6: memref<10240x64xf32, #tpu.memory_space<hbm>>, %arg7: memref<161x128xi32, #tpu.memory_space<vmem>>, %arg8: memref<161x128xi32, #tpu.memory_space<vmem>>, %arg9: memref<128x64xf32, #tpu.memory_space<vmem>>, %arg10: memref<128xi32, #tpu.memory_space<vmem>>, %arg11: memref<128xi32, #tpu.memory_space<vmem>>, %arg12: memref<16xi32, #tpu.memory_space<vmem>>, %arg13: memref<5120x64xf32, #tpu.memory_space<vmem_shared>>, %arg14: memref<!tpu.dma_semaphore, #tpu.memory_space<semaphore_mem>>) attributes {dimension_semantics = [#tpu.dimension_semantics<core_parallel>, #tpu.dimension_semantics<subcore_parallel>], iteration_bounds = array<i64: 2, 16>, scalar_prefetch = 0 : i64, scratch_operands = 8 : i64, tpu.core_type = #tpu.core_type<sc_vector_subcore>, window_params = [{transform_indices = #map}, {transform_indices = #map1}, {transform_indices = #map1}, {transform_indices = #map2}, {transform_indices = #map}]} {
    %iota3A = tpu.iota {dimensions = array<i32: 0>} : vector<16xi32>
    %scan3A = arith.constant 0 : i32
    %scan3A_0 = arith.constant 128 : i32
    %scan3A_1 = arith.addi %scan3A, %scan3A_0 : i32
    %scan3A_2 = arith.constant 1 : i32
    scf.for %scan3A_351 = %scan3A to %scan3A_1 step %scan3A_2  : i32 {
      %mul3A_352 = arith.constant 1 : i32
      %mul3A_353 = arith.muli %scan3A_351, %mul3A_352 : i32
      %add3A_354 = arith.constant 0 : i32
      %add3A_355 = arith.addi %add3A_354, %mul3A_353 : i32
      %broadcast_in_dim3A = arith.constant 0.000000e+00 : f32
      %broadcast_in_dim3A_356 = vector.broadcast %broadcast_in_dim3A : f32 to vector<16xf32>
      %swap3A_357 = arith.index_cast %add3A_355 : i32 to index
      %swap3A_358 = arith.constant 0 : index
      %swap3A_359 = tpu.vector_load %arg9[%swap3A_357, %swap3A_358] {strides = array<i32>} : memref<128x64xf32, #tpu.memory_space<vmem>>, vector<16xf32>,
      tpu.vector_store %arg9[%swap3A_357, %swap3A_358], %broadcast_in_dim3A_356 {strides = array<i32>} : memref<128x64xf32, #tpu.memory_space<vmem>>, vector<16xf32>,
      %broadcast_in_dim3A_360 = arith.constant 0.000000e+00 : f32
      %broadcast_in_dim3A_361 = vector.broadcast %broadcast_in_dim3A_360 : f32 to vector<16xf32>
      %swap3A_362 = arith.index_cast %add3A_355 : i32 to index
      %swap3A_363 = arith.constant 16 : index
      %swap3A_364 = tpu.vector_load %arg9[%swap3A_362, %swap3A_363] {strides = array<i32>} : memref<128x64xf32, #tpu.memory_space<vmem>>, vector<16xf32>,
      tpu.vector_store %arg9[%swap3A_362, %swap3A_363], %broadcast_in_dim3A_361 {strides = array<i32>} : memref<128x64xf32, #tpu.memory_space<vmem>>, vector<16xf32>,
      %broadcast_in_dim3A_365 = arith.constant 0.000000e+00 : f32
      %broadcast_in_dim3A_366 = vector.broadcast %broadcast_in_dim3A_365 : f32 to vector<16xf32>
      %swap3A_367 = arith.index_cast %add3A_355 : i32 to index
      %swap3A_368 = arith.constant 32 : index
      %swap3A_369 = tpu.vector_load %arg9[%swap3A_367, %swap3A_368] {strides = array<i32>} : memref<128x64xf32, #tpu.memory_space<vmem>>, vector<16xf32>,
      tpu.vector_store %arg9[%swap3A_367, %swap3A_368], %broadcast_in_dim3A_366 {strides = array<i32>} : memref<128x64xf32, #tpu.memory_space<vmem>>, vector<16xf32>,
      %broadcast_in_dim3A_370 = arith.constant 0.000000e+00 : f32
      %broadcast_in_dim3A_371 = vector.broadcast %broadcast_in_dim3A_370 : f32 to vector<16xf32>
      %swap3A_372 = arith.index_cast %add3A_355 : i32 to index
      %swap3A_373 = arith.constant 48 : index
      %swap3A_374 = tpu.vector_load %arg9[%swap3A_372, %swap3A_373] {strides = array<i32>} : memref<128x64xf32, #tpu.memory_space<vmem>>, vector<16xf32>,
      tpu.vector_store %arg9[%swap3A_372, %swap3A_373], %broadcast_in_dim3A_371 {strides = array<i32>} : memref<128x64xf32, #tpu.memory_space<vmem>>, vector<16xf32>,
    }
    %scan3A_3 = arith.constant 128 : i32
    %mul3A = arith.constant 320 : i32
    %mul3A_4 = arith.muli %arg1, %mul3A : i32
    %add3A = arith.constant 0 : i32
    %add3A_5 = arith.addi %mul3A_4, %add3A : i32
    %add3A_6 = arith.constant 0 : i32
    %add3A_7 = arith.addi %add3A_5, %add3A_6 : i32
    %add3A_8 = vector.broadcast %add3A_7 : i32 to vector<16xi32>
    %add3A_9 = arith.addi %add3A_8, %iota3A : vector<16xi32>
    %swap3A = arith.constant 0 : index
    %swap3A_10 = tpu.vector_load %arg11[%swap3A] {strides = array<i32>} : memref<128xi32, #tpu.memory_space<vmem>>, vector<16xi32>,
    tpu.vector_store %arg11[%swap3A], %add3A_9 {strides = array<i32>} : memref<128xi32, #tpu.memory_space<vmem>>, vector<16xi32>,
    %add3A_11 = arith.constant 16 : i32
    %add3A_12 = arith.addi %add3A_5, %add3A_11 : i32
    %add3A_13 = vector.broadcast %add3A_12 : i32 to vector<16xi32>
    %add3A_14 = arith.addi %add3A_13, %iota3A : vector<16xi32>
    %swap3A_15 = arith.constant 16 : index
    %swap3A_16 = tpu.vector_load %arg11[%swap3A_15] {strides = array<i32>} : memref<128xi32, #tpu.memory_space<vmem>>, vector<16xi32>,
    tpu.vector_store %arg11[%swap3A_15], %add3A_14 {strides = array<i32>} : memref<128xi32, #tpu.memory_space<vmem>>, vector<16xi32>,
    %add3A_17 = arith.constant 32 : i32
    %add3A_18 = arith.addi %add3A_5, %add3A_17 : i32
    %add3A_19 = vector.broadcast %add3A_18 : i32 to vector<16xi32>
    %add3A_20 = arith.addi %add3A_19, %iota3A : vector<16xi32>
    %swap3A_21 = arith.constant 32 : index
    %swap3A_22 = tpu.vector_load %arg11[%swap3A_21] {strides = array<i32>} : memref<128xi32, #tpu.memory_space<vmem>>, vector<16xi32>,
    tpu.vector_store %arg11[%swap3A_21], %add3A_20 {strides = array<i32>} : memref<128xi32, #tpu.memory_space<vmem>>, vector<16xi32>,
    %add3A_23 = arith.constant 48 : i32
    %add3A_24 = arith.addi %add3A_5, %add3A_23 : i32
    %add3A_25 = vector.broadcast %add3A_24 : i32 to vector<16xi32>
    %add3A_26 = arith.addi %add3A_25, %iota3A : vector<16xi32>
    %swap3A_27 = arith.constant 48 : index
    %swap3A_28 = tpu.vector_load %arg11[%swap3A_27] {strides = array<i32>} : memref<128xi32, #tpu.memory_space<vmem>>, vector<16xi32>,
    tpu.vector_store %arg11[%swap3A_27], %add3A_26 {strides = array<i32>} : memref<128xi32, #tpu.memory_space<vmem>>, vector<16xi32>,
    %add3A_29 = arith.constant 64 : i32
    %add3A_30 = arith.addi %add3A_5, %add3A_29 : i32
    %add3A_31 = vector.broadcast %add3A_30 : i32 to vector<16xi32>
    %add3A_32 = arith.addi %add3A_31, %iota3A : vector<16xi32>
    %swap3A_33 = arith.constant 64 : index
    %swap3A_34 = tpu.vector_load %arg11[%swap3A_33] {strides = array<i32>} : memref<128xi32, #tpu.memory_space<vmem>>, vector<16xi32>,
    tpu.vector_store %arg11[%swap3A_33], %add3A_32 {strides = array<i32>} : memref<128xi32, #tpu.memory_space<vmem>>, vector<16xi32>,
    %add3A_35 = arith.constant 80 : i32
    %add3A_36 = arith.addi %add3A_5, %add3A_35 : i32
    %add3A_37 = vector.broadcast %add3A_36 : i32 to vector<16xi32>
    %add3A_38 = arith.addi %add3A_37, %iota3A : vector<16xi32>
    %swap3A_39 = arith.constant 80 : index
    %swap3A_40 = tpu.vector_load %arg11[%swap3A_39] {strides = array<i32>} : memref<128xi32, #tpu.memory_space<vmem>>, vector<16xi32>,
    tpu.vector_store %arg11[%swap3A_39], %add3A_38 {strides = array<i32>} : memref<128xi32, #tpu.memory_space<vmem>>, vector<16xi32>,
    %add3A_41 = arith.constant 96 : i32
    %add3A_42 = arith.addi %add3A_5, %add3A_41 : i32
    %add3A_43 = vector.broadcast %add3A_42 : i32 to vector<16xi32>
    %add3A_44 = arith.addi %add3A_43, %iota3A : vector<16xi32>
    %swap3A_45 = arith.constant 96 : index
    %swap3A_46 = tpu.vector_load %arg11[%swap3A_45] {strides = array<i32>} : memref<128xi32, #tpu.memory_space<vmem>>, vector<16xi32>,
    tpu.vector_store %arg11[%swap3A_45], %add3A_44 {strides = array<i32>} : memref<128xi32, #tpu.memory_space<vmem>>, vector<16xi32>,
    %add3A_47 = arith.constant 112 : i32
    %add3A_48 = arith.addi %add3A_5, %add3A_47 : i32
    %add3A_49 = vector.broadcast %add3A_48 : i32 to vector<16xi32>
    %add3A_50 = arith.addi %add3A_49, %iota3A : vector<16xi32>
    %swap3A_51 = arith.constant 112 : index
    %swap3A_52 = tpu.vector_load %arg11[%swap3A_51] {strides = array<i32>} : memref<128xi32, #tpu.memory_space<vmem>>, vector<16xi32>,
    tpu.vector_store %arg11[%swap3A_51], %add3A_50 {strides = array<i32>} : memref<128xi32, #tpu.memory_space<vmem>>, vector<16xi32>,
    "tpu.region"() ({
      %run_scoped3A = tpu.sem_alloc : memref<!tpu.dma_semaphore, #tpu.memory_space<semaphore_mem>>
      %dma_start3A_351 = arith.constant 0 : i32
      %dma_start3A_352 = arith.constant 0 : i32
      %dma_start3A_353 = tpu.memref_slice %arg13[%dma_start3A_351, %dma_start3A_352] : memref<5120x64xf32, #tpu.memory_space<vmem_shared>> -> memref<5120x64xf32, #tpu.memory_space<vmem_shared>>
      tpu.enqueue_indirect_dma source(%arg9 : memref<128x64xf32, #tpu.memory_space<vmem>>) target(%dma_start3A_353 : memref<5120x64xf32, #tpu.memory_space<vmem_shared>>) offsets(%arg11 : memref<128xi32, #tpu.memory_space<vmem>>) semaphore(%run_scoped3A : memref<!tpu.dma_semaphore, #tpu.memory_space<semaphore_mem>>)
      %dma_wait3A_354 = arith.constant 0 : i32
      %dma_wait3A_355 = arith.constant 0 : i32
      %dma_wait3A_356 = tpu.memref_slice %arg13[%dma_wait3A_354, %dma_wait3A_355] : memref<5120x64xf32, #tpu.memory_space<vmem_shared>> -> memref<5120x64xf32, #tpu.memory_space<vmem_shared>>
      tpu.wait_indirect_dma semaphore(%run_scoped3A : memref<!tpu.dma_semaphore, #tpu.memory_space<semaphore_mem>>) src(%arg9 : memref<128x64xf32, #tpu.memory_space<vmem>>) dst(%dma_wait3A_356 : memref<5120x64xf32, #tpu.memory_space<vmem_shared>>)
      tpu.yield
    }) : () -> ()
    %add3A_53 = arith.constant 128 : i32
    %add3A_54 = arith.addi %mul3A_4, %add3A_53 : i32
    %add3A_55 = arith.constant 0 : i32
    %add3A_56 = arith.addi %add3A_54, %add3A_55 : i32
    %add3A_57 = vector.broadcast %add3A_56 : i32 to vector<16xi32>
    %add3A_58 = arith.addi %add3A_57, %iota3A : vector<16xi32>
    %swap3A_59 = arith.constant 0 : index
    %swap3A_60 = tpu.vector_load %arg11[%swap3A_59] {strides = array<i32>} : memref<128xi32, #tpu.memory_space<vmem>>, vector<16xi32>,
    tpu.vector_store %arg11[%swap3A_59], %add3A_58 {strides = array<i32>} : memref<128xi32, #tpu.memory_space<vmem>>, vector<16xi32>,
    %add3A_61 = arith.constant 16 : i32
    %add3A_62 = arith.addi %add3A_54, %add3A_61 : i32
    %add3A_63 = vector.broadcast %add3A_62 : i32 to vector<16xi32>
    %add3A_64 = arith.addi %add3A_63, %iota3A : vector<16xi32>
    %swap3A_65 = arith.constant 16 : index
    %swap3A_66 = tpu.vector_load %arg11[%swap3A_65] {strides = array<i32>} : memref<128xi32, #tpu.memory_space<vmem>>, vector<16xi32>,
    tpu.vector_store %arg11[%swap3A_65], %add3A_64 {strides = array<i32>} : memref<128xi32, #tpu.memory_space<vmem>>, vector<16xi32>,
    %add3A_67 = arith.constant 32 : i32
    %add3A_68 = arith.addi %add3A_54, %add3A_67 : i32
    %add3A_69 = vector.broadcast %add3A_68 : i32 to vector<16xi32>
    %add3A_70 = arith.addi %add3A_69, %iota3A : vector<16xi32>
    %swap3A_71 = arith.constant 32 : index
    %swap3A_72 = tpu.vector_load %arg11[%swap3A_71] {strides = array<i32>} : memref<128xi32, #tpu.memory_space<vmem>>, vector<16xi32>,
    tpu.vector_store %arg11[%swap3A_71], %add3A_70 {strides = array<i32>} : memref<128xi32, #tpu.memory_space<vmem>>, vector<16xi32>,
    %add3A_73 = arith.constant 48 : i32
    %add3A_74 = arith.addi %add3A_54, %add3A_73 : i32
    %add3A_75 = vector.broadcast %add3A_74 : i32 to vector<16xi32>
    %add3A_76 = arith.addi %add3A_75, %iota3A : vector<16xi32>
    %swap3A_77 = arith.constant 48 : index
    %swap3A_78 = tpu.vector_load %arg11[%swap3A_77] {strides = array<i32>} : memref<128xi32, #tpu.memory_space<vmem>>, vector<16xi32>,
    tpu.vector_store %arg11[%swap3A_77], %add3A_76 {strides = array<i32>} : memref<128xi32, #tpu.memory_space<vmem>>, vector<16xi32>,
    %add3A_79 = arith.constant 64 : i32
    %add3A_80 = arith.addi %add3A_54, %add3A_79 : i32
    %add3A_81 = vector.broadcast %add3A_80 : i32 to vector<16xi32>
    %add3A_82 = arith.addi %add3A_81, %iota3A : vector<16xi32>
    %swap3A_83 = arith.constant 64 : index
    %swap3A_84 = tpu.vector_load %arg11[%swap3A_83] {strides = array<i32>} : memref<128xi32, #tpu.memory_space<vmem>>, vector<16xi32>,
    tpu.vector_store %arg11[%swap3A_83], %add3A_82 {strides = array<i32>} : memref<128xi32, #tpu.memory_space<vmem>>, vector<16xi32>,
    %add3A_85 = arith.constant 80 : i32
    %add3A_86 = arith.addi %add3A_54, %add3A_85 : i32
    %add3A_87 = vector.broadcast %add3A_86 : i32 to vector<16xi32>
    %add3A_88 = arith.addi %add3A_87, %iota3A : vector<16xi32>
    %swap3A_89 = arith.constant 80 : index
    %swap3A_90 = tpu.vector_load %arg11[%swap3A_89] {strides = array<i32>} : memref<128xi32, #tpu.memory_space<vmem>>, vector<16xi32>,
    tpu.vector_store %arg11[%swap3A_89], %add3A_88 {strides = array<i32>} : memref<128xi32, #tpu.memory_space<vmem>>, vector<16xi32>,
    %add3A_91 = arith.constant 96 : i32
    %add3A_92 = arith.addi %add3A_54, %add3A_91 : i32
    %add3A_93 = vector.broadcast %add3A_92 : i32 to vector<16xi32>
    %add3A_94 = arith.addi %add3A_93, %iota3A : vector<16xi32>
    %swap3A_95 = arith.constant 96 : index
    %swap3A_96 = tpu.vector_load %arg11[%swap3A_95] {strides = array<i32>} : memref<128xi32, #tpu.memory_space<vmem>>, vector<16xi32>,
    tpu.vector_store %arg11[%swap3A_95], %add3A_94 {strides = array<i32>} : memref<128xi32, #tpu.memory_space<vmem>>, vector<16xi32>,
    %add3A_97 = arith.constant 112 : i32
    %add3A_98 = arith.addi %add3A_54, %add3A_97 : i32
    %add3A_99 = vector.broadcast %add3A_98 : i32 to vector<16xi32>
    %add3A_100 = arith.addi %add3A_99, %iota3A : vector<16xi32>
    %swap3A_101 = arith.constant 112 : index
    %swap3A_102 = tpu.vector_load %arg11[%swap3A_101] {strides = array<i32>} : memref<128xi32, #tpu.memory_space<vmem>>, vector<16xi32>,
    tpu.vector_store %arg11[%swap3A_101], %add3A_100 {strides = array<i32>} : memref<128xi32, #tpu.memory_space<vmem>>, vector<16xi32>,
    "tpu.region"() ({
      %run_scoped3A = tpu.sem_alloc : memref<!tpu.dma_semaphore, #tpu.memory_space<semaphore_mem>>
      %dma_start3A_351 = arith.constant 0 : i32
      %dma_start3A_352 = arith.constant 0 : i32
      %dma_start3A_353 = tpu.memref_slice %arg13[%dma_start3A_351, %dma_start3A_352] : memref<5120x64xf32, #tpu.memory_space<vmem_shared>> -> memref<5120x64xf32, #tpu.memory_space<vmem_shared>>
      tpu.enqueue_indirect_dma source(%arg9 : memref<128x64xf32, #tpu.memory_space<vmem>>) target(%dma_start3A_353 : memref<5120x64xf32, #tpu.memory_space<vmem_shared>>) offsets(%arg11 : memref<128xi32, #tpu.memory_space<vmem>>) semaphore(%run_scoped3A : memref<!tpu.dma_semaphore, #tpu.memory_space<semaphore_mem>>)
      %dma_wait3A_354 = arith.constant 0 : i32
      %dma_wait3A_355 = arith.constant 0 : i32
      %dma_wait3A_356 = tpu.memref_slice %arg13[%dma_wait3A_354, %dma_wait3A_355] : memref<5120x64xf32, #tpu.memory_space<vmem_shared>> -> memref<5120x64xf32, #tpu.memory_space<vmem_shared>>
      tpu.wait_indirect_dma semaphore(%run_scoped3A : memref<!tpu.dma_semaphore, #tpu.memory_space<semaphore_mem>>) src(%arg9 : memref<128x64xf32, #tpu.memory_space<vmem>>) dst(%dma_wait3A_356 : memref<5120x64xf32, #tpu.memory_space<vmem_shared>>)
      tpu.yield
    }) : () -> ()
    %add3A_103 = arith.constant 256 : i32
    %add3A_104 = arith.addi %mul3A_4, %add3A_103 : i32
    %add3A_105 = arith.constant 0 : i32
    %add3A_106 = arith.addi %add3A_104, %add3A_105 : i32
    %add3A_107 = vector.broadcast %add3A_106 : i32 to vector<16xi32>
    %add3A_108 = arith.addi %add3A_107, %iota3A : vector<16xi32>
    %swap3A_109 = arith.constant 0 : index
    %swap3A_110 = tpu.vector_load %arg11[%swap3A_109] {strides = array<i32>} : memref<128xi32, #tpu.memory_space<vmem>>, vector<16xi32>,
    tpu.vector_store %arg11[%swap3A_109], %add3A_108 {strides = array<i32>} : memref<128xi32, #tpu.memory_space<vmem>>, vector<16xi32>,
    %add3A_111 = arith.constant 16 : i32
    %add3A_112 = arith.addi %add3A_104, %add3A_111 : i32
    %add3A_113 = vector.broadcast %add3A_112 : i32 to vector<16xi32>
    %add3A_114 = arith.addi %add3A_113, %iota3A : vector<16xi32>
    %swap3A_115 = arith.constant 16 : index
    %swap3A_116 = tpu.vector_load %arg11[%swap3A_115] {strides = array<i32>} : memref<128xi32, #tpu.memory_space<vmem>>, vector<16xi32>,
    tpu.vector_store %arg11[%swap3A_115], %add3A_114 {strides = array<i32>} : memref<128xi32, #tpu.memory_space<vmem>>, vector<16xi32>,
    %add3A_117 = arith.constant 32 : i32
    %add3A_118 = arith.addi %add3A_104, %add3A_117 : i32
    %add3A_119 = vector.broadcast %add3A_118 : i32 to vector<16xi32>
    %add3A_120 = arith.addi %add3A_119, %iota3A : vector<16xi32>
    %swap3A_121 = arith.constant 32 : index
    %swap3A_122 = tpu.vector_load %arg11[%swap3A_121] {strides = array<i32>} : memref<128xi32, #tpu.memory_space<vmem>>, vector<16xi32>,
    tpu.vector_store %arg11[%swap3A_121], %add3A_120 {strides = array<i32>} : memref<128xi32, #tpu.memory_space<vmem>>, vector<16xi32>,
    %add3A_123 = arith.constant 48 : i32
    %add3A_124 = arith.addi %add3A_104, %add3A_123 : i32
    %add3A_125 = vector.broadcast %add3A_124 : i32 to vector<16xi32>
    %add3A_126 = arith.addi %add3A_125, %iota3A : vector<16xi32>
    %swap3A_127 = arith.constant 48 : index
    %swap3A_128 = tpu.vector_load %arg11[%swap3A_127] {strides = array<i32>} : memref<128xi32, #tpu.memory_space<vmem>>, vector<16xi32>,
    tpu.vector_store %arg11[%swap3A_127], %add3A_126 {strides = array<i32>} : memref<128xi32, #tpu.memory_space<vmem>>, vector<16xi32>,
    %add3A_129 = arith.constant 0 : i32
    %add3A_130 = arith.addi %add3A_104, %add3A_129 : i32
    %add3A_131 = vector.broadcast %add3A_130 : i32 to vector<16xi32>
    %add3A_132 = arith.addi %add3A_131, %iota3A : vector<16xi32>
    %swap3A_133 = arith.constant 64 : index
    %swap3A_134 = tpu.vector_load %arg11[%swap3A_133] {strides = array<i32>} : memref<128xi32, #tpu.memory_space<vmem>>, vector<16xi32>,
    tpu.vector_store %arg11[%swap3A_133], %add3A_132 {strides = array<i32>} : memref<128xi32, #tpu.memory_space<vmem>>, vector<16xi32>,
    %add3A_135 = arith.constant 16 : i32
    %add3A_136 = arith.addi %add3A_104, %add3A_135 : i32
    %add3A_137 = vector.broadcast %add3A_136 : i32 to vector<16xi32>
    %add3A_138 = arith.addi %add3A_137, %iota3A : vector<16xi32>
    %swap3A_139 = arith.constant 80 : index
    %swap3A_140 = tpu.vector_load %arg11[%swap3A_139] {strides = array<i32>} : memref<128xi32, #tpu.memory_space<vmem>>, vector<16xi32>,
    tpu.vector_store %arg11[%swap3A_139], %add3A_138 {strides = array<i32>} : memref<128xi32, #tpu.memory_space<vmem>>, vector<16xi32>,
    %add3A_141 = arith.constant 32 : i32
    %add3A_142 = arith.addi %add3A_104, %add3A_141 : i32
    %add3A_143 = vector.broadcast %add3A_142 : i32 to vector<16xi32>
    %add3A_144 = arith.addi %add3A_143, %iota3A : vector<16xi32>
    %swap3A_145 = arith.constant 96 : index
    %swap3A_146 = tpu.vector_load %arg11[%swap3A_145] {strides = array<i32>} : memref<128xi32, #tpu.memory_space<vmem>>, vector<16xi32>,
    tpu.vector_store %arg11[%swap3A_145], %add3A_144 {strides = array<i32>} : memref<128xi32, #tpu.memory_space<vmem>>, vector<16xi32>,
    %add3A_147 = arith.constant 48 : i32
    %add3A_148 = arith.addi %add3A_104, %add3A_147 : i32
    %add3A_149 = vector.broadcast %add3A_148 : i32 to vector<16xi32>
    %add3A_150 = arith.addi %add3A_149, %iota3A : vector<16xi32>
    %swap3A_151 = arith.constant 112 : index
    %swap3A_152 = tpu.vector_load %arg11[%swap3A_151] {strides = array<i32>} : memref<128xi32, #tpu.memory_space<vmem>>, vector<16xi32>,
    tpu.vector_store %arg11[%swap3A_151], %add3A_150 {strides = array<i32>} : memref<128xi32, #tpu.memory_space<vmem>>, vector<16xi32>,
    "tpu.region"() ({
      %run_scoped3A = tpu.sem_alloc : memref<!tpu.dma_semaphore, #tpu.memory_space<semaphore_mem>>
      %dma_start3A_351 = arith.constant 0 : i32
      %dma_start3A_352 = arith.constant 0 : i32
      %dma_start3A_353 = tpu.memref_slice %arg13[%dma_start3A_351, %dma_start3A_352] : memref<5120x64xf32, #tpu.memory_space<vmem_shared>> -> memref<5120x64xf32, #tpu.memory_space<vmem_shared>>
      tpu.enqueue_indirect_dma source(%arg9 : memref<128x64xf32, #tpu.memory_space<vmem>>) target(%dma_start3A_353 : memref<5120x64xf32, #tpu.memory_space<vmem_shared>>) offsets(%arg11 : memref<128xi32, #tpu.memory_space<vmem>>) semaphore(%run_scoped3A : memref<!tpu.dma_semaphore, #tpu.memory_space<semaphore_mem>>)
      %dma_wait3A_354 = arith.constant 0 : i32
      %dma_wait3A_355 = arith.constant 0 : i32
      %dma_wait3A_356 = tpu.memref_slice %arg13[%dma_wait3A_354, %dma_wait3A_355] : memref<5120x64xf32, #tpu.memory_space<vmem_shared>> -> memref<5120x64xf32, #tpu.memory_space<vmem_shared>>
      tpu.wait_indirect_dma semaphore(%run_scoped3A : memref<!tpu.dma_semaphore, #tpu.memory_space<semaphore_mem>>) src(%arg9 : memref<128x64xf32, #tpu.memory_space<vmem>>) dst(%dma_wait3A_356 : memref<5120x64xf32, #tpu.memory_space<vmem_shared>>)
      tpu.yield
    }) : () -> ()
    "tpu.region"() ({
      %run_scoped3A = tpu.sem_alloc : memref<!tpu.dma_semaphore, #tpu.memory_space<semaphore_mem>>
      %dma_start3A_351 = arith.constant 0 : i32
      %dma_start3A_352 = arith.constant 0 : i32
      %dma_start3A_353 = tpu.memref_slice %arg3[%arg0, %arg1, %dma_start3A_351, %dma_start3A_352] : memref<2x16x161x128xi32, #tpu.memory_space<hbm>> -> memref<1x1x161x128xi32, #tpu.memory_space<hbm>>
      %dma_start3A_354 = tpu.memref_squeeze %dma_start3A_353 : memref<1x1x161x128xi32, #tpu.memory_space<hbm>> -> memref<161x128xi32, #tpu.memory_space<hbm>>
      %dma_start3A_355 = arith.constant 0 : i32
      %dma_start3A_356 = arith.constant 0 : i32
      %dma_start3A_357 = tpu.memref_slice %arg3[%arg0, %arg1, %dma_start3A_355, %dma_start3A_356] : memref<2x16x161x128xi32, #tpu.memory_space<hbm>> -> memref<1x1x161x128xi32, #tpu.memory_space<hbm>>
      %dma_start3A_358 = tpu.memref_squeeze %dma_start3A_357 : memref<1x1x161x128xi32, #tpu.memory_space<hbm>> -> memref<161x128xi32, #tpu.memory_space<hbm>>
      tpu.enqueue_dma source(%dma_start3A_358 : memref<161x128xi32, #tpu.memory_space<hbm>>) target(%arg7 : memref<161x128xi32, #tpu.memory_space<vmem>>) target_semaphore(%run_scoped3A : memref<!tpu.dma_semaphore, #tpu.memory_space<semaphore_mem>>)
      %dma_wait3A_359 = arith.constant 0 : i32
      %dma_wait3A_360 = arith.constant 0 : i32
      %dma_wait3A_361 = tpu.memref_slice %arg3[%arg0, %arg1, %dma_wait3A_359, %dma_wait3A_360] : memref<2x16x161x128xi32, #tpu.memory_space<hbm>> -> memref<1x1x161x128xi32, #tpu.memory_space<hbm>>
      %dma_wait3A_362 = tpu.memref_squeeze %dma_wait3A_361 : memref<1x1x161x128xi32, #tpu.memory_space<hbm>> -> memref<161x128xi32, #tpu.memory_space<hbm>>
      %dma_wait3A_363 = arith.constant 0 : i32
      %dma_wait3A_364 = arith.constant 0 : i32
      %dma_wait3A_365 = tpu.memref_slice %arg3[%arg0, %arg1, %dma_wait3A_363, %dma_wait3A_364] : memref<2x16x161x128xi32, #tpu.memory_space<hbm>> -> memref<1x1x161x128xi32, #tpu.memory_space<hbm>>
      %dma_wait3A_366 = tpu.memref_squeeze %dma_wait3A_365 : memref<1x1x161x128xi32, #tpu.memory_space<hbm>> -> memref<161x128xi32, #tpu.memory_space<hbm>>
      tpu.wait_dma2 semaphore(%run_scoped3A : memref<!tpu.dma_semaphore, #tpu.memory_space<semaphore_mem>>) src(%dma_wait3A_366 : memref<161x128xi32, #tpu.memory_space<hbm>>) dst(%arg7 : memref<161x128xi32, #tpu.memory_space<vmem>>)
      tpu.yield
    }) : () -> ()
    "tpu.region"() ({
      %run_scoped3A = tpu.sem_alloc : memref<!tpu.dma_semaphore, #tpu.memory_space<semaphore_mem>>
      %dma_start3A_351 = arith.constant 0 : i32
      %dma_start3A_352 = arith.constant 0 : i32
      %dma_start3A_353 = tpu.memref_slice %arg4[%arg0, %arg1, %dma_start3A_351, %dma_start3A_352] : memref<2x16x161x128xi32, #tpu.memory_space<hbm>> -> memref<1x1x161x128xi32, #tpu.memory_space<hbm>>
      %dma_start3A_354 = tpu.memref_squeeze %dma_start3A_353 : memref<1x1x161x128xi32, #tpu.memory_space<hbm>> -> memref<161x128xi32, #tpu.memory_space<hbm>>
      %dma_start3A_355 = arith.constant 0 : i32
      %dma_start3A_356 = arith.constant 0 : i32
      %dma_start3A_357 = tpu.memref_slice %arg4[%arg0, %arg1, %dma_start3A_355, %dma_start3A_356] : memref<2x16x161x128xi32, #tpu.memory_space<hbm>> -> memref<1x1x161x128xi32, #tpu.memory_space<hbm>>
      %dma_start3A_358 = tpu.memref_squeeze %dma_start3A_357 : memref<1x1x161x128xi32, #tpu.memory_space<hbm>> -> memref<161x128xi32, #tpu.memory_space<hbm>>
      tpu.enqueue_dma source(%dma_start3A_358 : memref<161x128xi32, #tpu.memory_space<hbm>>) target(%arg8 : memref<161x128xi32, #tpu.memory_space<vmem>>) target_semaphore(%run_scoped3A : memref<!tpu.dma_semaphore, #tpu.memory_space<semaphore_mem>>)
      %dma_wait3A_359 = arith.constant 0 : i32
      %dma_wait3A_360 = arith.constant 0 : i32
      %dma_wait3A_361 = tpu.memref_slice %arg4[%arg0, %arg1, %dma_wait3A_359, %dma_wait3A_360] : memref<2x16x161x128xi32, #tpu.memory_space<hbm>> -> memref<1x1x161x128xi32, #tpu.memory_space<hbm>>
      %dma_wait3A_362 = tpu.memref_squeeze %dma_wait3A_361 : memref<1x1x161x128xi32, #tpu.memory_space<hbm>> -> memref<161x128xi32, #tpu.memory_space<hbm>>
      %dma_wait3A_363 = arith.constant 0 : i32
      %dma_wait3A_364 = arith.constant 0 : i32
      %dma_wait3A_365 = tpu.memref_slice %arg4[%arg0, %arg1, %dma_wait3A_363, %dma_wait3A_364] : memref<2x16x161x128xi32, #tpu.memory_space<hbm>> -> memref<1x1x161x128xi32, #tpu.memory_space<hbm>>
      %dma_wait3A_366 = tpu.memref_squeeze %dma_wait3A_365 : memref<1x1x161x128xi32, #tpu.memory_space<hbm>> -> memref<161x128xi32, #tpu.memory_space<hbm>>
      tpu.wait_dma2 semaphore(%run_scoped3A : memref<!tpu.dma_semaphore, #tpu.memory_space<semaphore_mem>>) src(%dma_wait3A_366 : memref<161x128xi32, #tpu.memory_space<hbm>>) dst(%arg8 : memref<161x128xi32, #tpu.memory_space<vmem>>)
      tpu.yield
    }) : () -> ()
    %dma_start3A = arith.constant 0 : i32
    %dma_start3A_153 = tpu.memref_slice %arg5[%arg0, %arg1, %dma_start3A] : memref<2x16x16xi32, #tpu.memory_space<hbm>> -> memref<1x1x16xi32, #tpu.memory_space<hbm>>
    %dma_start3A_154 = tpu.memref_squeeze %dma_start3A_153 : memref<1x1x16xi32, #tpu.memory_space<hbm>> -> memref<16xi32, #tpu.memory_space<hbm>>
    %dma_start3A_155 = arith.constant 0 : i32
    %dma_start3A_156 = tpu.memref_slice %arg5[%arg0, %arg1, %dma_start3A_155] : memref<2x16x16xi32, #tpu.memory_space<hbm>> -> memref<1x1x16xi32, #tpu.memory_space<hbm>>
    %dma_start3A_157 = tpu.memref_squeeze %dma_start3A_156 : memref<1x1x16xi32, #tpu.memory_space<hbm>> -> memref<16xi32, #tpu.memory_space<hbm>>
    tpu.enqueue_dma source(%dma_start3A_157 : memref<16xi32, #tpu.memory_space<hbm>>) target(%arg12 : memref<16xi32, #tpu.memory_space<vmem>>) target_semaphore(%arg14 : memref<!tpu.dma_semaphore, #tpu.memory_space<semaphore_mem>>)
    %dma_wait3A = arith.constant 0 : i32
    %dma_wait3A_158 = tpu.memref_slice %arg5[%arg0, %arg1, %dma_wait3A] : memref<2x16x16xi32, #tpu.memory_space<hbm>> -> memref<1x1x16xi32, #tpu.memory_space<hbm>>
    %dma_wait3A_159 = tpu.memref_squeeze %dma_wait3A_158 : memref<1x1x16xi32, #tpu.memory_space<hbm>> -> memref<16xi32, #tpu.memory_space<hbm>>
    %dma_wait3A_160 = arith.constant 0 : i32
    %dma_wait3A_161 = tpu.memref_slice %arg5[%arg0, %arg1, %dma_wait3A_160] : memref<2x16x16xi32, #tpu.memory_space<hbm>> -> memref<1x1x16xi32, #tpu.memory_space<hbm>>
    %dma_wait3A_162 = tpu.memref_squeeze %dma_wait3A_161 : memref<1x1x16xi32, #tpu.memory_space<hbm>> -> memref<16xi32, #tpu.memory_space<hbm>>
    tpu.wait_dma2 semaphore(%arg14 : memref<!tpu.dma_semaphore, #tpu.memory_space<semaphore_mem>>) src(%dma_wait3A_162 : memref<16xi32, #tpu.memory_space<hbm>>) dst(%arg12 : memref<16xi32, #tpu.memory_space<vmem>>)
    %get3A = arith.constant 0 : index
    %get3A_163 = tpu.vector_load %arg12[%get3A] {strides = array<i32>} : memref<16xi32, #tpu.memory_space<vmem>>, vector<16xi32>,
    %slice3A = vector.extract_strided_slice %get3A_163 {offsets = [0], sizes = [1], strides = [1]} : vector<16xi32> to vector<1xi32>
    %squeeze3A = vector.extract %slice3A[0] : i32 from vector<1xi32>
    %barrier3A = arith.constant 0 : index
    tpu.barrier barrier_id(%barrier3A)
    %while3A = arith.constant 0 : i32
    %while3A_164 = arith.constant 0 : i32
    %while3A_165 = arith.subi %squeeze3A, %while3A_164 : i32
    %while3A_166 = arith.addi %while3A_164, %while3A_165 : i32
    %while3A_167 = arith.constant 1 : i32
    %while3A_168 = arith.divsi %while3A_165, %while3A_167 : i32
    %while3A_169 = arith.muli %while3A_168, %while3A_167 : i32
    %while3A_170 = arith.addi %while3A_164, %while3A_169 : i32
    %while3A_171 = arith.constant 1 : i32
    scf.for %while3A_351 = %while3A_164 to %while3A_170 step %while3A_171  : i32 {
      %get3A_352 = arith.index_cast %while3A_351 : i32 to index
      %get3A_353 = arith.constant 0 : index
      %get3A_354 = tpu.vector_load %arg7[%get3A_352, %get3A_353] {strides = array<i32>} : memref<161x128xi32, #tpu.memory_space<vmem>>, vector<16xi32>,
      %mul3A_355 = arith.constant 2 : i32
      %mul3A_356 = vector.broadcast %mul3A_355 : i32 to vector<16xi32>
      %mul3A_357 = arith.muli %get3A_354, %mul3A_356 : vector<16xi32>
      %add3A_358 = arith.constant 0 : i32
      %add3A_359 = vector.broadcast %add3A_358 : i32 to vector<16xi32>
      %add3A_360 = arith.addi %mul3A_357, %add3A_359 : vector<16xi32>
      %swap3A_361 = arith.constant 0 : index
      %swap3A_362 = tpu.vector_load %arg10[%swap3A_361] {strides = array<i32>} : memref<128xi32, #tpu.memory_space<vmem>>, vector<16xi32>,
      tpu.vector_store %arg10[%swap3A_361], %add3A_360 {strides = array<i32>} : memref<128xi32, #tpu.memory_space<vmem>>, vector<16xi32>,
      %get3A_363 = arith.index_cast %while3A_351 : i32 to index
      %get3A_364 = arith.constant 16 : index
      %get3A_365 = tpu.vector_load %arg7[%get3A_363, %get3A_364] {strides = array<i32>} : memref<161x128xi32, #tpu.memory_space<vmem>>, vector<16xi32>,
      %mul3A_366 = arith.constant 2 : i32
      %mul3A_367 = vector.broadcast %mul3A_366 : i32 to vector<16xi32>
      %mul3A_368 = arith.muli %get3A_365, %mul3A_367 : vector<16xi32>
      %add3A_369 = arith.constant 0 : i32
      %add3A_370 = vector.broadcast %add3A_369 : i32 to vector<16xi32>
      %add3A_371 = arith.addi %mul3A_368, %add3A_370 : vector<16xi32>
      %swap3A_372 = arith.constant 16 : index
      %swap3A_373 = tpu.vector_load %arg10[%swap3A_372] {strides = array<i32>} : memref<128xi32, #tpu.memory_space<vmem>>, vector<16xi32>,
      tpu.vector_store %arg10[%swap3A_372], %add3A_371 {strides = array<i32>} : memref<128xi32, #tpu.memory_space<vmem>>, vector<16xi32>,
      %get3A_374 = arith.index_cast %while3A_351 : i32 to index
      %get3A_375 = arith.constant 32 : index
      %get3A_376 = tpu.vector_load %arg7[%get3A_374, %get3A_375] {strides = array<i32>} : memref<161x128xi32, #tpu.memory_space<vmem>>, vector<16xi32>,
      %mul3A_377 = arith.constant 2 : i32
      %mul3A_378 = vector.broadcast %mul3A_377 : i32 to vector<16xi32>
      %mul3A_379 = arith.muli %get3A_376, %mul3A_378 : vector<16xi32>
      %add3A_380 = arith.constant 0 : i32
      %add3A_381 = vector.broadcast %add3A_380 : i32 to vector<16xi32>
      %add3A_382 = arith.addi %mul3A_379, %add3A_381 : vector<16xi32>
      %swap3A_383 = arith.constant 32 : index
      %swap3A_384 = tpu.vector_load %arg10[%swap3A_383] {strides = array<i32>} : memref<128xi32, #tpu.memory_space<vmem>>, vector<16xi32>,
      tpu.vector_store %arg10[%swap3A_383], %add3A_382 {strides = array<i32>} : memref<128xi32, #tpu.memory_space<vmem>>, vector<16xi32>,
      %get3A_385 = arith.index_cast %while3A_351 : i32 to index
      %get3A_386 = arith.constant 48 : index
      %get3A_387 = tpu.vector_load %arg7[%get3A_385, %get3A_386] {strides = array<i32>} : memref<161x128xi32, #tpu.memory_space<vmem>>, vector<16xi32>,
      %mul3A_388 = arith.constant 2 : i32
      %mul3A_389 = vector.broadcast %mul3A_388 : i32 to vector<16xi32>
      %mul3A_390 = arith.muli %get3A_387, %mul3A_389 : vector<16xi32>
      %add3A_391 = arith.constant 0 : i32
      %add3A_392 = vector.broadcast %add3A_391 : i32 to vector<16xi32>
      %add3A_393 = arith.addi %mul3A_390, %add3A_392 : vector<16xi32>
      %swap3A_394 = arith.constant 48 : index
      %swap3A_395 = tpu.vector_load %arg10[%swap3A_394] {strides = array<i32>} : memref<128xi32, #tpu.memory_space<vmem>>, vector<16xi32>,
      tpu.vector_store %arg10[%swap3A_394], %add3A_393 {strides = array<i32>} : memref<128xi32, #tpu.memory_space<vmem>>, vector<16xi32>,
      %get3A_396 = arith.index_cast %while3A_351 : i32 to index
      %get3A_397 = arith.constant 64 : index
      %get3A_398 = tpu.vector_load %arg7[%get3A_396, %get3A_397] {strides = array<i32>} : memref<161x128xi32, #tpu.memory_space<vmem>>, vector<16xi32>,
      %mul3A_399 = arith.constant 2 : i32
      %mul3A_400 = vector.broadcast %mul3A_399 : i32 to vector<16xi32>
      %mul3A_401 = arith.muli %get3A_398, %mul3A_400 : vector<16xi32>
      %add3A_402 = arith.constant 0 : i32
      %add3A_403 = vector.broadcast %add3A_402 : i32 to vector<16xi32>
      %add3A_404 = arith.addi %mul3A_401, %add3A_403 : vector<16xi32>
      %swap3A_405 = arith.constant 64 : index
      %swap3A_406 = tpu.vector_load %arg10[%swap3A_405] {strides = array<i32>} : memref<128xi32, #tpu.memory_space<vmem>>, vector<16xi32>,
      tpu.vector_store %arg10[%swap3A_405], %add3A_404 {strides = array<i32>} : memref<128xi32, #tpu.memory_space<vmem>>, vector<16xi32>,
      %get3A_407 = arith.index_cast %while3A_351 : i32 to index
      %get3A_408 = arith.constant 80 : index
      %get3A_409 = tpu.vector_load %arg7[%get3A_407, %get3A_408] {strides = array<i32>} : memref<161x128xi32, #tpu.memory_space<vmem>>, vector<16xi32>,
      %mul3A_410 = arith.constant 2 : i32
      %mul3A_411 = vector.broadcast %mul3A_410 : i32 to vector<16xi32>
      %mul3A_412 = arith.muli %get3A_409, %mul3A_411 : vector<16xi32>
      %add3A_413 = arith.constant 0 : i32
      %add3A_414 = vector.broadcast %add3A_413 : i32 to vector<16xi32>
      %add3A_415 = arith.addi %mul3A_412, %add3A_414 : vector<16xi32>
      %swap3A_416 = arith.constant 80 : index
      %swap3A_417 = tpu.vector_load %arg10[%swap3A_416] {strides = array<i32>} : memref<128xi32, #tpu.memory_space<vmem>>, vector<16xi32>,
      tpu.vector_store %arg10[%swap3A_416], %add3A_415 {strides = array<i32>} : memref<128xi32, #tpu.memory_space<vmem>>, vector<16xi32>,
      %get3A_418 = arith.index_cast %while3A_351 : i32 to index
      %get3A_419 = arith.constant 96 : index
      %get3A_420 = tpu.vector_load %arg7[%get3A_418, %get3A_419] {strides = array<i32>} : memref<161x128xi32, #tpu.memory_space<vmem>>, vector<16xi32>,
      %mul3A_421 = arith.constant 2 : i32
      %mul3A_422 = vector.broadcast %mul3A_421 : i32 to vector<16xi32>
      %mul3A_423 = arith.muli %get3A_420, %mul3A_422 : vector<16xi32>
      %add3A_424 = arith.constant 0 : i32
      %add3A_425 = vector.broadcast %add3A_424 : i32 to vector<16xi32>
      %add3A_426 = arith.addi %mul3A_423, %add3A_425 : vector<16xi32>
      %swap3A_427 = arith.constant 96 : index
      %swap3A_428 = tpu.vector_load %arg10[%swap3A_427] {strides = array<i32>} : memref<128xi32, #tpu.memory_space<vmem>>, vector<16xi32>,
      tpu.vector_store %arg10[%swap3A_427], %add3A_426 {strides = array<i32>} : memref<128xi32, #tpu.memory_space<vmem>>, vector<16xi32>,
      %get3A_429 = arith.index_cast %while3A_351 : i32 to index
      %get3A_430 = arith.constant 112 : index
      %get3A_431 = tpu.vector_load %arg7[%get3A_429, %get3A_430] {strides = array<i32>} : memref<161x128xi32, #tpu.memory_space<vmem>>, vector<16xi32>,
      %mul3A_432 = arith.constant 2 : i32
      %mul3A_433 = vector.broadcast %mul3A_432 : i32 to vector<16xi32>
      %mul3A_434 = arith.muli %get3A_431, %mul3A_433 : vector<16xi32>
      %add3A_435 = arith.constant 0 : i32
      %add3A_436 = vector.broadcast %add3A_435 : i32 to vector<16xi32>
      %add3A_437 = arith.addi %mul3A_434, %add3A_436 : vector<16xi32>
      %swap3A_438 = arith.constant 112 : index
      %swap3A_439 = tpu.vector_load %arg10[%swap3A_438] {strides = array<i32>} : memref<128xi32, #tpu.memory_space<vmem>>, vector<16xi32>,
      tpu.vector_store %arg10[%swap3A_438], %add3A_437 {strides = array<i32>} : memref<128xi32, #tpu.memory_space<vmem>>, vector<16xi32>,
      %dma_start3A_440 = arith.constant 0 : i32
      %dma_start3A_441 = arith.constant 0 : i32
      %dma_start3A_442 = tpu.memref_slice %arg2[%dma_start3A_440, %dma_start3A_441] : memref<20000x64xf32, #tpu.memory_space<hbm>> -> memref<20000x64xf32, #tpu.memory_space<hbm>>
      tpu.enqueue_indirect_dma source(%dma_start3A_442 : memref<20000x64xf32, #tpu.memory_space<hbm>>) target(%arg9 : memref<128x64xf32, #tpu.memory_space<vmem>>) offsets(%arg10 : memref<128xi32, #tpu.memory_space<vmem>>) semaphore(%arg14 : memref<!tpu.dma_semaphore, #tpu.memory_space<semaphore_mem>>)
      %dma_wait3A_443 = arith.constant 0 : i32
      %dma_wait3A_444 = arith.constant 0 : i32
      %dma_wait3A_445 = tpu.memref_slice %arg2[%dma_wait3A_443, %dma_wait3A_444] : memref<20000x64xf32, #tpu.memory_space<hbm>> -> memref<20000x64xf32, #tpu.memory_space<hbm>>
      tpu.wait_indirect_dma semaphore(%arg14 : memref<!tpu.dma_semaphore, #tpu.memory_space<semaphore_mem>>) src(%dma_wait3A_445 : memref<20000x64xf32, #tpu.memory_space<hbm>>) dst(%arg9 : memref<128x64xf32, #tpu.memory_space<vmem>>)
      "tpu.region"() ({
        %run_scoped3A = tpu.sem_alloc : memref<!tpu.dma_semaphore, #tpu.memory_space<semaphore_mem>>
        %dma_start3A_446 = arith.constant 0 : i32
        %dma_start3A_447 = tpu.memref_slice %arg8[%while3A_351, %dma_start3A_446] : memref<161x128xi32, #tpu.memory_space<vmem>> -> memref<1x128xi32, #tpu.memory_space<vmem>>
        %dma_start3A_448 = tpu.memref_squeeze %dma_start3A_447 : memref<1x128xi32, #tpu.memory_space<vmem>> -> memref<128xi32, #tpu.memory_space<vmem>>
        %dma_start3A_449 = arith.constant 0 : i32
        %dma_start3A_450 = arith.constant 0 : i32
        %dma_start3A_451 = tpu.memref_slice %arg13[%dma_start3A_449, %dma_start3A_450] : memref<5120x64xf32, #tpu.memory_space<vmem_shared>> -> memref<5120x64xf32, #tpu.memory_space<vmem_shared>>
        tpu.enqueue_indirect_dma source(%arg9 : memref<128x64xf32, #tpu.memory_space<vmem>>) target(%dma_start3A_451 : memref<5120x64xf32, #tpu.memory_space<vmem_shared>>) offsets(%dma_start3A_448 : memref<128xi32, #tpu.memory_space<vmem>>) semaphore(%run_scoped3A : memref<!tpu.dma_semaphore, #tpu.memory_space<semaphore_mem>>) {add = true}
        %dma_wait3A_452 = arith.constant 0 : i32
        %dma_wait3A_453 = tpu.memref_slice %arg8[%while3A_351, %dma_wait3A_452] : memref<161x128xi32, #tpu.memory_space<vmem>> -> memref<1x128xi32, #tpu.memory_space<vmem>>
        %dma_wait3A_454 = tpu.memref_squeeze %dma_wait3A_453 : memref<1x128xi32, #tpu.memory_space<vmem>> -> memref<128xi32, #tpu.memory_space<vmem>>
        %dma_wait3A_455 = arith.constant 0 : i32
        %dma_wait3A_456 = arith.constant 0 : i32
        %dma_wait3A_457 = tpu.memref_slice %arg13[%dma_wait3A_455, %dma_wait3A_456] : memref<5120x64xf32, #tpu.memory_space<vmem_shared>> -> memref<5120x64xf32, #tpu.memory_space<vmem_shared>>
        tpu.wait_indirect_dma semaphore(%run_scoped3A : memref<!tpu.dma_semaphore, #tpu.memory_space<semaphore_mem>>) src(%arg9 : memref<128x64xf32, #tpu.memory_space<vmem>>) dst(%dma_wait3A_457 : memref<5120x64xf32, #tpu.memory_space<vmem_shared>>)
        tpu.yield
      }) : () -> ()
    }
    %while3A_172 = arith.constant 1 : i32
    scf.for %while3A_351 = %while3A_170 to %while3A_166 step %while3A_172  : i32 {
      %get3A_352 = arith.index_cast %while3A_351 : i32 to index
      %get3A_353 = arith.constant 0 : index
      %get3A_354 = tpu.vector_load %arg7[%get3A_352, %get3A_353] {strides = array<i32>} : memref<161x128xi32, #tpu.memory_space<vmem>>, vector<16xi32>,
      %mul3A_355 = arith.constant 2 : i32
      %mul3A_356 = vector.broadcast %mul3A_355 : i32 to vector<16xi32>
      %mul3A_357 = arith.muli %get3A_354, %mul3A_356 : vector<16xi32>
      %add3A_358 = arith.constant 0 : i32
      %add3A_359 = vector.broadcast %add3A_358 : i32 to vector<16xi32>
      %add3A_360 = arith.addi %mul3A_357, %add3A_359 : vector<16xi32>
      %swap3A_361 = arith.constant 0 : index
      %swap3A_362 = tpu.vector_load %arg10[%swap3A_361] {strides = array<i32>} : memref<128xi32, #tpu.memory_space<vmem>>, vector<16xi32>,
      tpu.vector_store %arg10[%swap3A_361], %add3A_360 {strides = array<i32>} : memref<128xi32, #tpu.memory_space<vmem>>, vector<16xi32>,
      %get3A_363 = arith.index_cast %while3A_351 : i32 to index
      %get3A_364 = arith.constant 16 : index
      %get3A_365 = tpu.vector_load %arg7[%get3A_363, %get3A_364] {strides = array<i32>} : memref<161x128xi32, #tpu.memory_space<vmem>>, vector<16xi32>,
      %mul3A_366 = arith.constant 2 : i32
      %mul3A_367 = vector.broadcast %mul3A_366 : i32 to vector<16xi32>
      %mul3A_368 = arith.muli %get3A_365, %mul3A_367 : vector<16xi32>
      %add3A_369 = arith.constant 0 : i32
      %add3A_370 = vector.broadcast %add3A_369 : i32 to vector<16xi32>
      %add3A_371 = arith.addi %mul3A_368, %add3A_370 : vector<16xi32>
      %swap3A_372 = arith.constant 16 : index
      %swap3A_373 = tpu.vector_load %arg10[%swap3A_372] {strides = array<i32>} : memref<128xi32, #tpu.memory_space<vmem>>, vector<16xi32>,
      tpu.vector_store %arg10[%swap3A_372], %add3A_371 {strides = array<i32>} : memref<128xi32, #tpu.memory_space<vmem>>, vector<16xi32>,
      %get3A_374 = arith.index_cast %while3A_351 : i32 to index
      %get3A_375 = arith.constant 32 : index
      %get3A_376 = tpu.vector_load %arg7[%get3A_374, %get3A_375] {strides = array<i32>} : memref<161x128xi32, #tpu.memory_space<vmem>>, vector<16xi32>,
      %mul3A_377 = arith.constant 2 : i32
      %mul3A_378 = vector.broadcast %mul3A_377 : i32 to vector<16xi32>
      %mul3A_379 = arith.muli %get3A_376, %mul3A_378 : vector<16xi32>
      %add3A_380 = arith.constant 0 : i32
      %add3A_381 = vector.broadcast %add3A_380 : i32 to vector<16xi32>
      %add3A_382 = arith.addi %mul3A_379, %add3A_381 : vector<16xi32>
      %swap3A_383 = arith.constant 32 : index
      %swap3A_384 = tpu.vector_load %arg10[%swap3A_383] {strides = array<i32>} : memref<128xi32, #tpu.memory_space<vmem>>, vector<16xi32>,
      tpu.vector_store %arg10[%swap3A_383], %add3A_382 {strides = array<i32>} : memref<128xi32, #tpu.memory_space<vmem>>, vector<16xi32>,
      %get3A_385 = arith.index_cast %while3A_351 : i32 to index
      %get3A_386 = arith.constant 48 : index
      %get3A_387 = tpu.vector_load %arg7[%get3A_385, %get3A_386] {strides = array<i32>} : memref<161x128xi32, #tpu.memory_space<vmem>>, vector<16xi32>,
      %mul3A_388 = arith.constant 2 : i32
      %mul3A_389 = vector.broadcast %mul3A_388 : i32 to vector<16xi32>
      %mul3A_390 = arith.muli %get3A_387, %mul3A_389 : vector<16xi32>
      %add3A_391 = arith.constant 0 : i32
      %add3A_392 = vector.broadcast %add3A_391 : i32 to vector<16xi32>
      %add3A_393 = arith.addi %mul3A_390, %add3A_392 : vector<16xi32>
      %swap3A_394 = arith.constant 48 : index
      %swap3A_395 = tpu.vector_load %arg10[%swap3A_394] {strides = array<i32>} : memref<128xi32, #tpu.memory_space<vmem>>, vector<16xi32>,
      tpu.vector_store %arg10[%swap3A_394], %add3A_393 {strides = array<i32>} : memref<128xi32, #tpu.memory_space<vmem>>, vector<16xi32>,
      %get3A_396 = arith.index_cast %while3A_351 : i32 to index
      %get3A_397 = arith.constant 64 : index
      %get3A_398 = tpu.vector_load %arg7[%get3A_396, %get3A_397] {strides = array<i32>} : memref<161x128xi32, #tpu.memory_space<vmem>>, vector<16xi32>,
      %mul3A_399 = arith.constant 2 : i32
      %mul3A_400 = vector.broadcast %mul3A_399 : i32 to vector<16xi32>
      %mul3A_401 = arith.muli %get3A_398, %mul3A_400 : vector<16xi32>
      %add3A_402 = arith.constant 0 : i32
      %add3A_403 = vector.broadcast %add3A_402 : i32 to vector<16xi32>
      %add3A_404 = arith.addi %mul3A_401, %add3A_403 : vector<16xi32>
      %swap3A_405 = arith.constant 64 : index
      %swap3A_406 = tpu.vector_load %arg10[%swap3A_405] {strides = array<i32>} : memref<128xi32, #tpu.memory_space<vmem>>, vector<16xi32>,
      tpu.vector_store %arg10[%swap3A_405], %add3A_404 {strides = array<i32>} : memref<128xi32, #tpu.memory_space<vmem>>, vector<16xi32>,
      %get3A_407 = arith.index_cast %while3A_351 : i32 to index
      %get3A_408 = arith.constant 80 : index
      %get3A_409 = tpu.vector_load %arg7[%get3A_407, %get3A_408] {strides = array<i32>} : memref<161x128xi32, #tpu.memory_space<vmem>>, vector<16xi32>,
      %mul3A_410 = arith.constant 2 : i32
      %mul3A_411 = vector.broadcast %mul3A_410 : i32 to vector<16xi32>
      %mul3A_412 = arith.muli %get3A_409, %mul3A_411 : vector<16xi32>
      %add3A_413 = arith.constant 0 : i32
      %add3A_414 = vector.broadcast %add3A_413 : i32 to vector<16xi32>
      %add3A_415 = arith.addi %mul3A_412, %add3A_414 : vector<16xi32>
      %swap3A_416 = arith.constant 80 : index
      %swap3A_417 = tpu.vector_load %arg10[%swap3A_416] {strides = array<i32>} : memref<128xi32, #tpu.memory_space<vmem>>, vector<16xi32>,
      tpu.vector_store %arg10[%swap3A_416], %add3A_415 {strides = array<i32>} : memref<128xi32, #tpu.memory_space<vmem>>, vector<16xi32>,
      %get3A_418 = arith.index_cast %while3A_351 : i32 to index
      %get3A_419 = arith.constant 96 : index
      %get3A_420 = tpu.vector_load %arg7[%get3A_418, %get3A_419] {strides = array<i32>} : memref<161x128xi32, #tpu.memory_space<vmem>>, vector<16xi32>,
      %mul3A_421 = arith.constant 2 : i32
      %mul3A_422 = vector.broadcast %mul3A_421 : i32 to vector<16xi32>
      %mul3A_423 = arith.muli %get3A_420, %mul3A_422 : vector<16xi32>
      %add3A_424 = arith.constant 0 : i32
      %add3A_425 = vector.broadcast %add3A_424 : i32 to vector<16xi32>
      %add3A_426 = arith.addi %mul3A_423, %add3A_425 : vector<16xi32>
      %swap3A_427 = arith.constant 96 : index
      %swap3A_428 = tpu.vector_load %arg10[%swap3A_427] {strides = array<i32>} : memref<128xi32, #tpu.memory_space<vmem>>, vector<16xi32>,
      tpu.vector_store %arg10[%swap3A_427], %add3A_426 {strides = array<i32>} : memref<128xi32, #tpu.memory_space<vmem>>, vector<16xi32>,
      %get3A_429 = arith.index_cast %while3A_351 : i32 to index
      %get3A_430 = arith.constant 112 : index
      %get3A_431 = tpu.vector_load %arg7[%get3A_429, %get3A_430] {strides = array<i32>} : memref<161x128xi32, #tpu.memory_space<vmem>>, vector<16xi32>,
      %mul3A_432 = arith.constant 2 : i32
      %mul3A_433 = vector.broadcast %mul3A_432 : i32 to vector<16xi32>
      %mul3A_434 = arith.muli %get3A_431, %mul3A_433 : vector<16xi32>
      %add3A_435 = arith.constant 0 : i32
      %add3A_436 = vector.broadcast %add3A_435 : i32 to vector<16xi32>
      %add3A_437 = arith.addi %mul3A_434, %add3A_436 : vector<16xi32>
      %swap3A_438 = arith.constant 112 : index
      %swap3A_439 = tpu.vector_load %arg10[%swap3A_438] {strides = array<i32>} : memref<128xi32, #tpu.memory_space<vmem>>, vector<16xi32>,
      tpu.vector_store %arg10[%swap3A_438], %add3A_437 {strides = array<i32>} : memref<128xi32, #tpu.memory_space<vmem>>, vector<16xi32>,
      %dma_start3A_440 = arith.constant 0 : i32
      %dma_start3A_441 = arith.constant 0 : i32
      %dma_start3A_442 = tpu.memref_slice %arg2[%dma_start3A_440, %dma_start3A_441] : memref<20000x64xf32, #tpu.memory_space<hbm>> -> memref<20000x64xf32, #tpu.memory_space<hbm>>
      tpu.enqueue_indirect_dma source(%dma_start3A_442 : memref<20000x64xf32, #tpu.memory_space<hbm>>) target(%arg9 : memref<128x64xf32, #tpu.memory_space<vmem>>) offsets(%arg10 : memref<128xi32, #tpu.memory_space<vmem>>) semaphore(%arg14 : memref<!tpu.dma_semaphore, #tpu.memory_space<semaphore_mem>>)
      %dma_wait3A_443 = arith.constant 0 : i32
      %dma_wait3A_444 = arith.constant 0 : i32
      %dma_wait3A_445 = tpu.memref_slice %arg2[%dma_wait3A_443, %dma_wait3A_444] : memref<20000x64xf32, #tpu.memory_space<hbm>> -> memref<20000x64xf32, #tpu.memory_space<hbm>>
      tpu.wait_indirect_dma semaphore(%arg14 : memref<!tpu.dma_semaphore, #tpu.memory_space<semaphore_mem>>) src(%dma_wait3A_445 : memref<20000x64xf32, #tpu.memory_space<hbm>>) dst(%arg9 : memref<128x64xf32, #tpu.memory_space<vmem>>)
      "tpu.region"() ({
        %run_scoped3A = tpu.sem_alloc : memref<!tpu.dma_semaphore, #tpu.memory_space<semaphore_mem>>
        %dma_start3A_446 = arith.constant 0 : i32
        %dma_start3A_447 = tpu.memref_slice %arg8[%while3A_351, %dma_start3A_446] : memref<161x128xi32, #tpu.memory_space<vmem>> -> memref<1x128xi32, #tpu.memory_space<vmem>>
        %dma_start3A_448 = tpu.memref_squeeze %dma_start3A_447 : memref<1x128xi32, #tpu.memory_space<vmem>> -> memref<128xi32, #tpu.memory_space<vmem>>
        %dma_start3A_449 = arith.constant 0 : i32
        %dma_start3A_450 = arith.constant 0 : i32
        %dma_start3A_451 = tpu.memref_slice %arg13[%dma_start3A_449, %dma_start3A_450] : memref<5120x64xf32, #tpu.memory_space<vmem_shared>> -> memref<5120x64xf32, #tpu.memory_space<vmem_shared>>
        tpu.enqueue_indirect_dma source(%arg9 : memref<128x64xf32, #tpu.memory_space<vmem>>) target(%dma_start3A_451 : memref<5120x64xf32, #tpu.memory_space<vmem_shared>>) offsets(%dma_start3A_448 : memref<128xi32, #tpu.memory_space<vmem>>) semaphore(%run_scoped3A : memref<!tpu.dma_semaphore, #tpu.memory_space<semaphore_mem>>) {add = true}
        %dma_wait3A_452 = arith.constant 0 : i32
        %dma_wait3A_453 = tpu.memref_slice %arg8[%while3A_351, %dma_wait3A_452] : memref<161x128xi32, #tpu.memory_space<vmem>> -> memref<1x128xi32, #tpu.memory_space<vmem>>
        %dma_wait3A_454 = tpu.memref_squeeze %dma_wait3A_453 : memref<1x128xi32, #tpu.memory_space<vmem>> -> memref<128xi32, #tpu.memory_space<vmem>>
        %dma_wait3A_455 = arith.constant 0 : i32
        %dma_wait3A_456 = arith.constant 0 : i32
        %dma_wait3A_457 = tpu.memref_slice %arg13[%dma_wait3A_455, %dma_wait3A_456] : memref<5120x64xf32, #tpu.memory_space<vmem_shared>> -> memref<5120x64xf32, #tpu.memory_space<vmem_shared>>
        tpu.wait_indirect_dma semaphore(%run_scoped3A : memref<!tpu.dma_semaphore, #tpu.memory_space<semaphore_mem>>) src(%arg9 : memref<128x64xf32, #tpu.memory_space<vmem>>) dst(%dma_wait3A_457 : memref<5120x64xf32, #tpu.memory_space<vmem_shared>>)
        tpu.yield
      }) : () -> ()
    }
    %barrier3A_173 = arith.constant 0 : index
    tpu.barrier barrier_id(%barrier3A_173)
    %mul3A_174 = arith.constant 5120 : i32
    %mul3A_175 = arith.muli %arg0, %mul3A_174 : i32
    %add3A_176 = arith.addi %mul3A_175, %mul3A_4 : i32
    %add3A_177 = arith.constant 0 : i32
    %add3A_178 = arith.addi %mul3A_4, %add3A_177 : i32
    %add3A_179 = arith.constant 0 : i32
    %add3A_180 = arith.addi %add3A_178, %add3A_179 : i32
    %add3A_181 = vector.broadcast %add3A_180 : i32 to vector<16xi32>
    %add3A_182 = arith.addi %add3A_181, %iota3A : vector<16xi32>
    %swap3A_183 = arith.constant 0 : index
    %swap3A_184 = tpu.vector_load %arg11[%swap3A_183] {strides = array<i32>} : memref<128xi32, #tpu.memory_space<vmem>>, vector<16xi32>,
    tpu.vector_store %arg11[%swap3A_183], %add3A_182 {strides = array<i32>} : memref<128xi32, #tpu.memory_space<vmem>>, vector<16xi32>,
    %add3A_185 = arith.constant 16 : i32
    %add3A_186 = arith.addi %add3A_178, %add3A_185 : i32
    %add3A_187 = vector.broadcast %add3A_186 : i32 to vector<16xi32>
    %add3A_188 = arith.addi %add3A_187, %iota3A : vector<16xi32>
    %swap3A_189 = arith.constant 16 : index
    %swap3A_190 = tpu.vector_load %arg11[%swap3A_189] {strides = array<i32>} : memref<128xi32, #tpu.memory_space<vmem>>, vector<16xi32>,
    tpu.vector_store %arg11[%swap3A_189], %add3A_188 {strides = array<i32>} : memref<128xi32, #tpu.memory_space<vmem>>, vector<16xi32>,
    %add3A_191 = arith.constant 32 : i32
    %add3A_192 = arith.addi %add3A_178, %add3A_191 : i32
    %add3A_193 = vector.broadcast %add3A_192 : i32 to vector<16xi32>
    %add3A_194 = arith.addi %add3A_193, %iota3A : vector<16xi32>
    %swap3A_195 = arith.constant 32 : index
    %swap3A_196 = tpu.vector_load %arg11[%swap3A_195] {strides = array<i32>} : memref<128xi32, #tpu.memory_space<vmem>>, vector<16xi32>,
    tpu.vector_store %arg11[%swap3A_195], %add3A_194 {strides = array<i32>} : memref<128xi32, #tpu.memory_space<vmem>>, vector<16xi32>,
    %add3A_197 = arith.constant 48 : i32
    %add3A_198 = arith.addi %add3A_178, %add3A_197 : i32
    %add3A_199 = vector.broadcast %add3A_198 : i32 to vector<16xi32>
    %add3A_200 = arith.addi %add3A_199, %iota3A : vector<16xi32>
    %swap3A_201 = arith.constant 48 : index
    %swap3A_202 = tpu.vector_load %arg11[%swap3A_201] {strides = array<i32>} : memref<128xi32, #tpu.memory_space<vmem>>, vector<16xi32>,
    tpu.vector_store %arg11[%swap3A_201], %add3A_200 {strides = array<i32>} : memref<128xi32, #tpu.memory_space<vmem>>, vector<16xi32>,
    %add3A_203 = arith.constant 64 : i32
    %add3A_204 = arith.addi %add3A_178, %add3A_203 : i32
    %add3A_205 = vector.broadcast %add3A_204 : i32 to vector<16xi32>
    %add3A_206 = arith.addi %add3A_205, %iota3A : vector<16xi32>
    %swap3A_207 = arith.constant 64 : index
    %swap3A_208 = tpu.vector_load %arg11[%swap3A_207] {strides = array<i32>} : memref<128xi32, #tpu.memory_space<vmem>>, vector<16xi32>,
    tpu.vector_store %arg11[%swap3A_207], %add3A_206 {strides = array<i32>} : memref<128xi32, #tpu.memory_space<vmem>>, vector<16xi32>,
    %add3A_209 = arith.constant 80 : i32
    %add3A_210 = arith.addi %add3A_178, %add3A_209 : i32
    %add3A_211 = vector.broadcast %add3A_210 : i32 to vector<16xi32>
    %add3A_212 = arith.addi %add3A_211, %iota3A : vector<16xi32>
    %swap3A_213 = arith.constant 80 : index
    %swap3A_214 = tpu.vector_load %arg11[%swap3A_213] {strides = array<i32>} : memref<128xi32, #tpu.memory_space<vmem>>, vector<16xi32>,
    tpu.vector_store %arg11[%swap3A_213], %add3A_212 {strides = array<i32>} : memref<128xi32, #tpu.memory_space<vmem>>, vector<16xi32>,
    %add3A_215 = arith.constant 96 : i32
    %add3A_216 = arith.addi %add3A_178, %add3A_215 : i32
    %add3A_217 = vector.broadcast %add3A_216 : i32 to vector<16xi32>
    %add3A_218 = arith.addi %add3A_217, %iota3A : vector<16xi32>
    %swap3A_219 = arith.constant 96 : index
    %swap3A_220 = tpu.vector_load %arg11[%swap3A_219] {strides = array<i32>} : memref<128xi32, #tpu.memory_space<vmem>>, vector<16xi32>,
    tpu.vector_store %arg11[%swap3A_219], %add3A_218 {strides = array<i32>} : memref<128xi32, #tpu.memory_space<vmem>>, vector<16xi32>,
    %add3A_221 = arith.constant 112 : i32
    %add3A_222 = arith.addi %add3A_178, %add3A_221 : i32
    %add3A_223 = vector.broadcast %add3A_222 : i32 to vector<16xi32>
    %add3A_224 = arith.addi %add3A_223, %iota3A : vector<16xi32>
    %swap3A_225 = arith.constant 112 : index
    %swap3A_226 = tpu.vector_load %arg11[%swap3A_225] {strides = array<i32>} : memref<128xi32, #tpu.memory_space<vmem>>, vector<16xi32>,
    tpu.vector_store %arg11[%swap3A_225], %add3A_224 {strides = array<i32>} : memref<128xi32, #tpu.memory_space<vmem>>, vector<16xi32>,
    %dma_start3A_227 = arith.constant 0 : i32
    %dma_start3A_228 = arith.constant 0 : i32
    %dma_start3A_229 = tpu.memref_slice %arg13[%dma_start3A_227, %dma_start3A_228] : memref<5120x64xf32, #tpu.memory_space<vmem_shared>> -> memref<5120x64xf32, #tpu.memory_space<vmem_shared>>
    tpu.enqueue_indirect_dma source(%dma_start3A_229 : memref<5120x64xf32, #tpu.memory_space<vmem_shared>>) target(%arg9 : memref<128x64xf32, #tpu.memory_space<vmem>>) offsets(%arg11 : memref<128xi32, #tpu.memory_space<vmem>>) semaphore(%arg14 : memref<!tpu.dma_semaphore, #tpu.memory_space<semaphore_mem>>)
    %dma_wait3A_230 = arith.constant 0 : i32
    %dma_wait3A_231 = arith.constant 0 : i32
    %dma_wait3A_232 = tpu.memref_slice %arg13[%dma_wait3A_230, %dma_wait3A_231] : memref<5120x64xf32, #tpu.memory_space<vmem_shared>> -> memref<5120x64xf32, #tpu.memory_space<vmem_shared>>
    tpu.wait_indirect_dma semaphore(%arg14 : memref<!tpu.dma_semaphore, #tpu.memory_space<semaphore_mem>>) src(%dma_wait3A_232 : memref<5120x64xf32, #tpu.memory_space<vmem_shared>>) dst(%arg9 : memref<128x64xf32, #tpu.memory_space<vmem>>)
    %add3A_233 = arith.constant 0 : i32
    %add3A_234 = arith.addi %add3A_176, %add3A_233 : i32
    "tpu.region"() ({
      %run_scoped3A = tpu.sem_alloc : memref<!tpu.dma_semaphore, #tpu.memory_space<semaphore_mem>>
      %dma_start3A_351 = arith.constant 0 : i32
      %dma_start3A_352 = arith.constant 0 : i32
      %dma_start3A_353 = tpu.memref_slice %arg9[%dma_start3A_351, %dma_start3A_352] : memref<128x64xf32, #tpu.memory_space<vmem>> -> memref<128x64xf32, #tpu.memory_space<vmem>>
      %dma_start3A_354 = arith.constant 0 : i32
      %dma_start3A_355 = tpu.memref_slice %arg6[%add3A_234, %dma_start3A_354] : memref<10240x64xf32, #tpu.memory_space<hbm>> -> memref<128x64xf32, #tpu.memory_space<hbm>>
      %dma_start3A_356 = arith.constant 0 : i32
      %dma_start3A_357 = tpu.memref_slice %arg6[%add3A_234, %dma_start3A_356] : memref<10240x64xf32, #tpu.memory_space<hbm>> -> memref<128x64xf32, #tpu.memory_space<hbm>>
      %dma_start3A_358 = arith.constant 0 : i32
      %dma_start3A_359 = arith.constant 0 : i32
      %dma_start3A_360 = tpu.memref_slice %arg9[%dma_start3A_358, %dma_start3A_359] : memref<128x64xf32, #tpu.memory_space<vmem>> -> memref<128x64xf32, #tpu.memory_space<vmem>>
      tpu.enqueue_dma source(%dma_start3A_360 : memref<128x64xf32, #tpu.memory_space<vmem>>) target(%dma_start3A_357 : memref<128x64xf32, #tpu.memory_space<hbm>>) target_semaphore(%run_scoped3A : memref<!tpu.dma_semaphore, #tpu.memory_space<semaphore_mem>>)
      %dma_wait3A_361 = arith.constant 0 : i32
      %dma_wait3A_362 = arith.constant 0 : i32
      %dma_wait3A_363 = tpu.memref_slice %arg9[%dma_wait3A_361, %dma_wait3A_362] : memref<128x64xf32, #tpu.memory_space<vmem>> -> memref<128x64xf32, #tpu.memory_space<vmem>>
      %dma_wait3A_364 = arith.constant 0 : i32
      %dma_wait3A_365 = tpu.memref_slice %arg6[%add3A_234, %dma_wait3A_364] : memref<10240x64xf32, #tpu.memory_space<hbm>> -> memref<128x64xf32, #tpu.memory_space<hbm>>
      %dma_wait3A_366 = arith.constant 0 : i32
      %dma_wait3A_367 = tpu.memref_slice %arg6[%add3A_234, %dma_wait3A_366] : memref<10240x64xf32, #tpu.memory_space<hbm>> -> memref<128x64xf32, #tpu.memory_space<hbm>>
      %dma_wait3A_368 = arith.constant 0 : i32
      %dma_wait3A_369 = arith.constant 0 : i32
      %dma_wait3A_370 = tpu.memref_slice %arg9[%dma_wait3A_368, %dma_wait3A_369] : memref<128x64xf32, #tpu.memory_space<vmem>> -> memref<128x64xf32, #tpu.memory_space<vmem>>
      tpu.wait_dma2 semaphore(%run_scoped3A : memref<!tpu.dma_semaphore, #tpu.memory_space<semaphore_mem>>) src(%dma_wait3A_370 : memref<128x64xf32, #tpu.memory_space<vmem>>) dst(%dma_wait3A_367 : memref<128x64xf32, #tpu.memory_space<hbm>>)
      tpu.yield
    }) : () -> ()
    %add3A_235 = arith.constant 128 : i32
    %add3A_236 = arith.addi %mul3A_4, %add3A_235 : i32
    %add3A_237 = arith.constant 0 : i32
    %add3A_238 = arith.addi %add3A_236, %add3A_237 : i32
    %add3A_239 = vector.broadcast %add3A_238 : i32 to vector<16xi32>
    %add3A_240 = arith.addi %add3A_239, %iota3A : vector<16xi32>
    %swap3A_241 = arith.constant 0 : index
    %swap3A_242 = tpu.vector_load %arg11[%swap3A_241] {strides = array<i32>} : memref<128xi32, #tpu.memory_space<vmem>>, vector<16xi32>,
    tpu.vector_store %arg11[%swap3A_241], %add3A_240 {strides = array<i32>} : memref<128xi32, #tpu.memory_space<vmem>>, vector<16xi32>,
    %add3A_243 = arith.constant 16 : i32
    %add3A_244 = arith.addi %add3A_236, %add3A_243 : i32
    %add3A_245 = vector.broadcast %add3A_244 : i32 to vector<16xi32>
    %add3A_246 = arith.addi %add3A_245, %iota3A : vector<16xi32>
    %swap3A_247 = arith.constant 16 : index
    %swap3A_248 = tpu.vector_load %arg11[%swap3A_247] {strides = array<i32>} : memref<128xi32, #tpu.memory_space<vmem>>, vector<16xi32>,
    tpu.vector_store %arg11[%swap3A_247], %add3A_246 {strides = array<i32>} : memref<128xi32, #tpu.memory_space<vmem>>, vector<16xi32>,
    %add3A_249 = arith.constant 32 : i32
    %add3A_250 = arith.addi %add3A_236, %add3A_249 : i32
    %add3A_251 = vector.broadcast %add3A_250 : i32 to vector<16xi32>
    %add3A_252 = arith.addi %add3A_251, %iota3A : vector<16xi32>
    %swap3A_253 = arith.constant 32 : index
    %swap3A_254 = tpu.vector_load %arg11[%swap3A_253] {strides = array<i32>} : memref<128xi32, #tpu.memory_space<vmem>>, vector<16xi32>,
    tpu.vector_store %arg11[%swap3A_253], %add3A_252 {strides = array<i32>} : memref<128xi32, #tpu.memory_space<vmem>>, vector<16xi32>,
    %add3A_255 = arith.constant 48 : i32
    %add3A_256 = arith.addi %add3A_236, %add3A_255 : i32
    %add3A_257 = vector.broadcast %add3A_256 : i32 to vector<16xi32>
    %add3A_258 = arith.addi %add3A_257, %iota3A : vector<16xi32>
    %swap3A_259 = arith.constant 48 : index
    %swap3A_260 = tpu.vector_load %arg11[%swap3A_259] {strides = array<i32>} : memref<128xi32, #tpu.memory_space<vmem>>, vector<16xi32>,
    tpu.vector_store %arg11[%swap3A_259], %add3A_258 {strides = array<i32>} : memref<128xi32, #tpu.memory_space<vmem>>, vector<16xi32>,
    %add3A_261 = arith.constant 64 : i32
    %add3A_262 = arith.addi %add3A_236, %add3A_261 : i32
    %add3A_263 = vector.broadcast %add3A_262 : i32 to vector<16xi32>
    %add3A_264 = arith.addi %add3A_263, %iota3A : vector<16xi32>
    %swap3A_265 = arith.constant 64 : index
    %swap3A_266 = tpu.vector_load %arg11[%swap3A_265] {strides = array<i32>} : memref<128xi32, #tpu.memory_space<vmem>>, vector<16xi32>,
    tpu.vector_store %arg11[%swap3A_265], %add3A_264 {strides = array<i32>} : memref<128xi32, #tpu.memory_space<vmem>>, vector<16xi32>,
    %add3A_267 = arith.constant 80 : i32
    %add3A_268 = arith.addi %add3A_236, %add3A_267 : i32
    %add3A_269 = vector.broadcast %add3A_268 : i32 to vector<16xi32>
    %add3A_270 = arith.addi %add3A_269, %iota3A : vector<16xi32>
    %swap3A_271 = arith.constant 80 : index
    %swap3A_272 = tpu.vector_load %arg11[%swap3A_271] {strides = array<i32>} : memref<128xi32, #tpu.memory_space<vmem>>, vector<16xi32>,
    tpu.vector_store %arg11[%swap3A_271], %add3A_270 {strides = array<i32>} : memref<128xi32, #tpu.memory_space<vmem>>, vector<16xi32>,
    %add3A_273 = arith.constant 96 : i32
    %add3A_274 = arith.addi %add3A_236, %add3A_273 : i32
    %add3A_275 = vector.broadcast %add3A_274 : i32 to vector<16xi32>
    %add3A_276 = arith.addi %add3A_275, %iota3A : vector<16xi32>
    %swap3A_277 = arith.constant 96 : index
    %swap3A_278 = tpu.vector_load %arg11[%swap3A_277] {strides = array<i32>} : memref<128xi32, #tpu.memory_space<vmem>>, vector<16xi32>,
    tpu.vector_store %arg11[%swap3A_277], %add3A_276 {strides = array<i32>} : memref<128xi32, #tpu.memory_space<vmem>>, vector<16xi32>,
    %add3A_279 = arith.constant 112 : i32
    %add3A_280 = arith.addi %add3A_236, %add3A_279 : i32
    %add3A_281 = vector.broadcast %add3A_280 : i32 to vector<16xi32>
    %add3A_282 = arith.addi %add3A_281, %iota3A : vector<16xi32>
    %swap3A_283 = arith.constant 112 : index
    %swap3A_284 = tpu.vector_load %arg11[%swap3A_283] {strides = array<i32>} : memref<128xi32, #tpu.memory_space<vmem>>, vector<16xi32>,
    tpu.vector_store %arg11[%swap3A_283], %add3A_282 {strides = array<i32>} : memref<128xi32, #tpu.memory_space<vmem>>, vector<16xi32>,
    %dma_start3A_285 = arith.constant 0 : i32
    %dma_start3A_286 = arith.constant 0 : i32
    %dma_start3A_287 = tpu.memref_slice %arg13[%dma_start3A_285, %dma_start3A_286] : memref<5120x64xf32, #tpu.memory_space<vmem_shared>> -> memref<5120x64xf32, #tpu.memory_space<vmem_shared>>
    tpu.enqueue_indirect_dma source(%dma_start3A_287 : memref<5120x64xf32, #tpu.memory_space<vmem_shared>>) target(%arg9 : memref<128x64xf32, #tpu.memory_space<vmem>>) offsets(%arg11 : memref<128xi32, #tpu.memory_space<vmem>>) semaphore(%arg14 : memref<!tpu.dma_semaphore, #tpu.memory_space<semaphore_mem>>)
    %dma_wait3A_288 = arith.constant 0 : i32
    %dma_wait3A_289 = arith.constant 0 : i32
    %dma_wait3A_290 = tpu.memref_slice %arg13[%dma_wait3A_288, %dma_wait3A_289] : memref<5120x64xf32, #tpu.memory_space<vmem_shared>> -> memref<5120x64xf32, #tpu.memory_space<vmem_shared>>
    tpu.wait_indirect_dma semaphore(%arg14 : memref<!tpu.dma_semaphore, #tpu.memory_space<semaphore_mem>>) src(%dma_wait3A_290 : memref<5120x64xf32, #tpu.memory_space<vmem_shared>>) dst(%arg9 : memref<128x64xf32, #tpu.memory_space<vmem>>)
    %add3A_291 = arith.constant 128 : i32
    %add3A_292 = arith.addi %add3A_176, %add3A_291 : i32
    "tpu.region"() ({
      %run_scoped3A = tpu.sem_alloc : memref<!tpu.dma_semaphore, #tpu.memory_space<semaphore_mem>>
      %dma_start3A_351 = arith.constant 0 : i32
      %dma_start3A_352 = arith.constant 0 : i32
      %dma_start3A_353 = tpu.memref_slice %arg9[%dma_start3A_351, %dma_start3A_352] : memref<128x64xf32, #tpu.memory_space<vmem>> -> memref<128x64xf32, #tpu.memory_space<vmem>>
      %dma_start3A_354 = arith.constant 0 : i32
      %dma_start3A_355 = tpu.memref_slice %arg6[%add3A_292, %dma_start3A_354] : memref<10240x64xf32, #tpu.memory_space<hbm>> -> memref<128x64xf32, #tpu.memory_space<hbm>>
      %dma_start3A_356 = arith.constant 0 : i32
      %dma_start3A_357 = tpu.memref_slice %arg6[%add3A_292, %dma_start3A_356] : memref<10240x64xf32, #tpu.memory_space<hbm>> -> memref<128x64xf32, #tpu.memory_space<hbm>>
      %dma_start3A_358 = arith.constant 0 : i32
      %dma_start3A_359 = arith.constant 0 : i32
      %dma_start3A_360 = tpu.memref_slice %arg9[%dma_start3A_358, %dma_start3A_359] : memref<128x64xf32, #tpu.memory_space<vmem>> -> memref<128x64xf32, #tpu.memory_space<vmem>>
      tpu.enqueue_dma source(%dma_start3A_360 : memref<128x64xf32, #tpu.memory_space<vmem>>) target(%dma_start3A_357 : memref<128x64xf32, #tpu.memory_space<hbm>>) target_semaphore(%run_scoped3A : memref<!tpu.dma_semaphore, #tpu.memory_space<semaphore_mem>>)
      %dma_wait3A_361 = arith.constant 0 : i32
      %dma_wait3A_362 = arith.constant 0 : i32
      %dma_wait3A_363 = tpu.memref_slice %arg9[%dma_wait3A_361, %dma_wait3A_362] : memref<128x64xf32, #tpu.memory_space<vmem>> -> memref<128x64xf32, #tpu.memory_space<vmem>>
      %dma_wait3A_364 = arith.constant 0 : i32
      %dma_wait3A_365 = tpu.memref_slice %arg6[%add3A_292, %dma_wait3A_364] : memref<10240x64xf32, #tpu.memory_space<hbm>> -> memref<128x64xf32, #tpu.memory_space<hbm>>
      %dma_wait3A_366 = arith.constant 0 : i32
      %dma_wait3A_367 = tpu.memref_slice %arg6[%add3A_292, %dma_wait3A_366] : memref<10240x64xf32, #tpu.memory_space<hbm>> -> memref<128x64xf32, #tpu.memory_space<hbm>>
      %dma_wait3A_368 = arith.constant 0 : i32
      %dma_wait3A_369 = arith.constant 0 : i32
      %dma_wait3A_370 = tpu.memref_slice %arg9[%dma_wait3A_368, %dma_wait3A_369] : memref<128x64xf32, #tpu.memory_space<vmem>> -> memref<128x64xf32, #tpu.memory_space<vmem>>
      tpu.wait_dma2 semaphore(%run_scoped3A : memref<!tpu.dma_semaphore, #tpu.memory_space<semaphore_mem>>) src(%dma_wait3A_370 : memref<128x64xf32, #tpu.memory_space<vmem>>) dst(%dma_wait3A_367 : memref<128x64xf32, #tpu.memory_space<hbm>>)
      tpu.yield
    }) : () -> ()
    %add3A_293 = arith.constant 256 : i32
    %add3A_294 = arith.addi %mul3A_4, %add3A_293 : i32
    %add3A_295 = arith.constant 0 : i32
    %add3A_296 = arith.addi %add3A_294, %add3A_295 : i32
    %add3A_297 = vector.broadcast %add3A_296 : i32 to vector<16xi32>
    %add3A_298 = arith.addi %add3A_297, %iota3A : vector<16xi32>
    %swap3A_299 = arith.constant 0 : index
    %swap3A_300 = tpu.vector_load %arg11[%swap3A_299] {strides = array<i32>} : memref<128xi32, #tpu.memory_space<vmem>>, vector<16xi32>,
    tpu.vector_store %arg11[%swap3A_299], %add3A_298 {strides = array<i32>} : memref<128xi32, #tpu.memory_space<vmem>>, vector<16xi32>,
    %add3A_301 = arith.constant 16 : i32
    %add3A_302 = arith.addi %add3A_294, %add3A_301 : i32
    %add3A_303 = vector.broadcast %add3A_302 : i32 to vector<16xi32>
    %add3A_304 = arith.addi %add3A_303, %iota3A : vector<16xi32>
    %swap3A_305 = arith.constant 16 : index
    %swap3A_306 = tpu.vector_load %arg11[%swap3A_305] {strides = array<i32>} : memref<128xi32, #tpu.memory_space<vmem>>, vector<16xi32>,
    tpu.vector_store %arg11[%swap3A_305], %add3A_304 {strides = array<i32>} : memref<128xi32, #tpu.memory_space<vmem>>, vector<16xi32>,
    %add3A_307 = arith.constant 32 : i32
    %add3A_308 = arith.addi %add3A_294, %add3A_307 : i32
    %add3A_309 = vector.broadcast %add3A_308 : i32 to vector<16xi32>
    %add3A_310 = arith.addi %add3A_309, %iota3A : vector<16xi32>
    %swap3A_311 = arith.constant 32 : index
    %swap3A_312 = tpu.vector_load %arg11[%swap3A_311] {strides = array<i32>} : memref<128xi32, #tpu.memory_space<vmem>>, vector<16xi32>,
    tpu.vector_store %arg11[%swap3A_311], %add3A_310 {strides = array<i32>} : memref<128xi32, #tpu.memory_space<vmem>>, vector<16xi32>,
    %add3A_313 = arith.constant 48 : i32
    %add3A_314 = arith.addi %add3A_294, %add3A_313 : i32
    %add3A_315 = vector.broadcast %add3A_314 : i32 to vector<16xi32>
    %add3A_316 = arith.addi %add3A_315, %iota3A : vector<16xi32>
    %swap3A_317 = arith.constant 48 : index
    %swap3A_318 = tpu.vector_load %arg11[%swap3A_317] {strides = array<i32>} : memref<128xi32, #tpu.memory_space<vmem>>, vector<16xi32>,
    tpu.vector_store %arg11[%swap3A_317], %add3A_316 {strides = array<i32>} : memref<128xi32, #tpu.memory_space<vmem>>, vector<16xi32>,
    %add3A_319 = arith.constant 0 : i32
    %add3A_320 = arith.addi %add3A_294, %add3A_319 : i32
    %add3A_321 = vector.broadcast %add3A_320 : i32 to vector<16xi32>
    %add3A_322 = arith.addi %add3A_321, %iota3A : vector<16xi32>
    %swap3A_323 = arith.constant 64 : index
    %swap3A_324 = tpu.vector_load %arg11[%swap3A_323] {strides = array<i32>} : memref<128xi32, #tpu.memory_space<vmem>>, vector<16xi32>,
    tpu.vector_store %arg11[%swap3A_323], %add3A_322 {strides = array<i32>} : memref<128xi32, #tpu.memory_space<vmem>>, vector<16xi32>,
    %add3A_325 = arith.constant 16 : i32
    %add3A_326 = arith.addi %add3A_294, %add3A_325 : i32
    %add3A_327 = vector.broadcast %add3A_326 : i32 to vector<16xi32>
    %add3A_328 = arith.addi %add3A_327, %iota3A : vector<16xi32>
    %swap3A_329 = arith.constant 80 : index
    %swap3A_330 = tpu.vector_load %arg11[%swap3A_329] {strides = array<i32>} : memref<128xi32, #tpu.memory_space<vmem>>, vector<16xi32>,
    tpu.vector_store %arg11[%swap3A_329], %add3A_328 {strides = array<i32>} : memref<128xi32, #tpu.memory_space<vmem>>, vector<16xi32>,
    %add3A_331 = arith.constant 32 : i32
    %add3A_332 = arith.addi %add3A_294, %add3A_331 : i32
    %add3A_333 = vector.broadcast %add3A_332 : i32 to vector<16xi32>
    %add3A_334 = arith.addi %add3A_333, %iota3A : vector<16xi32>
    %swap3A_335 = arith.constant 96 : index
    %swap3A_336 = tpu.vector_load %arg11[%swap3A_335] {strides = array<i32>} : memref<128xi32, #tpu.memory_space<vmem>>, vector<16xi32>,
    tpu.vector_store %arg11[%swap3A_335], %add3A_334 {strides = array<i32>} : memref<128xi32, #tpu.memory_space<vmem>>, vector<16xi32>,
    %add3A_337 = arith.constant 48 : i32
    %add3A_338 = arith.addi %add3A_294, %add3A_337 : i32
    %add3A_339 = vector.broadcast %add3A_338 : i32 to vector<16xi32>
    %add3A_340 = arith.addi %add3A_339, %iota3A : vector<16xi32>
    %swap3A_341 = arith.constant 112 : index
    %swap3A_342 = tpu.vector_load %arg11[%swap3A_341] {strides = array<i32>} : memref<128xi32, #tpu.memory_space<vmem>>, vector<16xi32>,
    tpu.vector_store %arg11[%swap3A_341], %add3A_340 {strides = array<i32>} : memref<128xi32, #tpu.memory_space<vmem>>, vector<16xi32>,
    %dma_start3A_343 = arith.constant 0 : i32
    %dma_start3A_344 = arith.constant 0 : i32
    %dma_start3A_345 = tpu.memref_slice %arg13[%dma_start3A_343, %dma_start3A_344] : memref<5120x64xf32, #tpu.memory_space<vmem_shared>> -> memref<5120x64xf32, #tpu.memory_space<vmem_shared>>
    tpu.enqueue_indirect_dma source(%dma_start3A_345 : memref<5120x64xf32, #tpu.memory_space<vmem_shared>>) target(%arg9 : memref<128x64xf32, #tpu.memory_space<vmem>>) offsets(%arg11 : memref<128xi32, #tpu.memory_space<vmem>>) semaphore(%arg14 : memref<!tpu.dma_semaphore, #tpu.memory_space<semaphore_mem>>)
    %dma_wait3A_346 = arith.constant 0 : i32
    %dma_wait3A_347 = arith.constant 0 : i32
    %dma_wait3A_348 = tpu.memref_slice %arg13[%dma_wait3A_346, %dma_wait3A_347] : memref<5120x64xf32, #tpu.memory_space<vmem_shared>> -> memref<5120x64xf32, #tpu.memory_space<vmem_shared>>
    tpu.wait_indirect_dma semaphore(%arg14 : memref<!tpu.dma_semaphore, #tpu.memory_space<semaphore_mem>>) src(%dma_wait3A_348 : memref<5120x64xf32, #tpu.memory_space<vmem_shared>>) dst(%arg9 : memref<128x64xf32, #tpu.memory_space<vmem>>)
    %add3A_349 = arith.constant 256 : i32
    %add3A_350 = arith.addi %add3A_176, %add3A_349 : i32
    "tpu.region"() ({
      %run_scoped3A = tpu.sem_alloc : memref<!tpu.dma_semaphore, #tpu.memory_space<semaphore_mem>>
      %dma_start3A_351 = arith.constant 0 : i32
      %dma_start3A_352 = arith.constant 0 : i32
      %dma_start3A_353 = tpu.memref_slice %arg9[%dma_start3A_351, %dma_start3A_352] : memref<128x64xf32, #tpu.memory_space<vmem>> -> memref<64x64xf32, #tpu.memory_space<vmem>>
      %dma_start3A_354 = arith.constant 0 : i32
      %dma_start3A_355 = tpu.memref_slice %arg6[%add3A_350, %dma_start3A_354] : memref<10240x64xf32, #tpu.memory_space<hbm>> -> memref<64x64xf32, #tpu.memory_space<hbm>>
      %dma_start3A_356 = arith.constant 0 : i32
      %dma_start3A_357 = tpu.memref_slice %arg6[%add3A_350, %dma_start3A_356] : memref<10240x64xf32, #tpu.memory_space<hbm>> -> memref<64x64xf32, #tpu.memory_space<hbm>>
      %dma_start3A_358 = arith.constant 0 : i32
      %dma_start3A_359 = arith.constant 0 : i32
      %dma_start3A_360 = tpu.memref_slice %arg9[%dma_start3A_358, %dma_start3A_359] : memref<128x64xf32, #tpu.memory_space<vmem>> -> memref<64x64xf32, #tpu.memory_space<vmem>>
      tpu.enqueue_dma source(%dma_start3A_360 : memref<64x64xf32, #tpu.memory_space<vmem>>) target(%dma_start3A_357 : memref<64x64xf32, #tpu.memory_space<hbm>>) target_semaphore(%run_scoped3A : memref<!tpu.dma_semaphore, #tpu.memory_space<semaphore_mem>>)
      %dma_wait3A_361 = arith.constant 0 : i32
      %dma_wait3A_362 = arith.constant 0 : i32
      %dma_wait3A_363 = tpu.memref_slice %arg9[%dma_wait3A_361, %dma_wait3A_362] : memref<128x64xf32, #tpu.memory_space<vmem>> -> memref<64x64xf32, #tpu.memory_space<vmem>>
      %dma_wait3A_364 = arith.constant 0 : i32
      %dma_wait3A_365 = tpu.memref_slice %arg6[%add3A_350, %dma_wait3A_364] : memref<10240x64xf32, #tpu.memory_space<hbm>> -> memref<64x64xf32, #tpu.memory_space<hbm>>
      %dma_wait3A_366 = arith.constant 0 : i32
      %dma_wait3A_367 = tpu.memref_slice %arg6[%add3A_350, %dma_wait3A_366] : memref<10240x64xf32, #tpu.memory_space<hbm>> -> memref<64x64xf32, #tpu.memory_space<hbm>>
      %dma_wait3A_368 = arith.constant 0 : i32
      %dma_wait3A_369 = arith.constant 0 : i32
      %dma_wait3A_370 = tpu.memref_slice %arg9[%dma_wait3A_368, %dma_wait3A_369] : memref<128x64xf32, #tpu.memory_space<vmem>> -> memref<64x64xf32, #tpu.memory_space<vmem>>
      tpu.wait_dma2 semaphore(%run_scoped3A : memref<!tpu.dma_semaphore, #tpu.memory_space<semaphore_mem>>) src(%dma_wait3A_370 : memref<64x64xf32, #tpu.memory_space<vmem>>) dst(%dma_wait3A_367 : memref<64x64xf32, #tpu.memory_space<hbm>>)
      tpu.yield
    }) : () -> ()
    return
  }
}

module attributes {stable_mosaic.version = 14 : i64} {
  func.func @_combine_body(%arg0: i32, %arg1: memref<1000x128xf32, #tpu.memory_space<vmem>>, %arg2: memref<1000x128xf32, #tpu.memory_space<vmem>>, %arg3: memref<1000x16xf32, #tpu.memory_space<vmem>>, %arg4: memref<128x128xf32, #tpu.memory_space<vmem>>, %arg5: memref<1x128xf32, #tpu.memory_space<vmem>>, %arg6: memref<1000x128xf32, #tpu.memory_space<vmem>>) attributes {dimension_semantics = [#tpu.dimension_semantics<arbitrary>], iteration_bounds = array<i64: 10>, scalar_prefetch = 0 : i64, scratch_operands = 0 : i64, tpu.core_type = #tpu.core_type<tc>, window_params = [{transform_indices = @transform_0, window_bounds = array<i64: 1000, 128>}, {transform_indices = @transform_1, window_bounds = array<i64: 1000, 128>}, {transform_indices = @transform_2, window_bounds = array<i64: 1000, 16>}, {pipeline_mode = #tpu.pipeline_mode<synchronous>, transform_indices = @transform_3, window_bounds = array<i64: 128, 128>}, {pipeline_mode = #tpu.pipeline_mode<synchronous>, transform_indices = @transform_4, window_bounds = array<i64: 1, 128>}, {transform_indices = @transform_5, window_bounds = array<i64: 1000, 128>}]} {
    %get3A = arith.constant 0 : index
    %get3A_0 = arith.constant 0 : index
    %get3A_1 = vector.load %arg3[%get3A, %get3A_0] : memref<1000x16xf32, #tpu.memory_space<vmem>>, vector<1000x1xf32>
    %get3A_2 = arith.constant 0 : index
    %get3A_3 = arith.constant 0 : index
    %get3A_4 = vector.load %arg1[%get3A_2, %get3A_3] : memref<1000x128xf32, #tpu.memory_space<vmem>>, vector<1000x128xf32>
    %get3A_5 = arith.constant 0 : index
    %get3A_6 = arith.constant 0 : index
    %get3A_7 = vector.load %arg2[%get3A_5, %get3A_6] : memref<1000x128xf32, #tpu.memory_space<vmem>>, vector<1000x128xf32>
    %add3A = arith.addf %get3A_4, %get3A_7 : vector<1000x128xf32>
    %add3A_8 = arith.constant 1.000000e+00 : f32
    %add3A_9 = vector.broadcast %add3A_8 : f32 to vector<1000x1xf32>
    %add3A_10 = arith.addf %get3A_1, %add3A_9 : vector<1000x1xf32>
    %div3A = vector.broadcast %add3A_10 : vector<1000x1xf32> to vector<1000x128xf32>
    %div3A_11 = arith.divf %add3A, %div3A : vector<1000x128xf32>
    %get3A_12 = arith.constant 0 : index
    %get3A_13 = arith.constant 0 : index
    %get3A_14 = vector.load %arg4[%get3A_12, %get3A_13] : memref<128x128xf32, #tpu.memory_space<vmem>>, vector<128x128xf32>
    %dot_general3A = arith.constant dense<0.000000e+00> : vector<1000x128xf32>
    %dot_general3A_15 = tpu.matmul %div3A_11, %get3A_14, %dot_general3A {dimension_numbers = #tpu.dot_dimension_numbers<[1], [0], [0], [1], [0, 0, 1, 1], [], []>, transpose_lhs_hint = false} : vector<1000x128xf32>, vector<128x128xf32>, vector<1000x128xf32> -> vector<1000x128xf32>
    %get3A_16 = arith.constant 0 : index
    %get3A_17 = arith.constant 0 : index
    %get3A_18 = vector.load %arg5[%get3A_16, %get3A_17] : memref<1x128xf32, #tpu.memory_space<vmem>>, vector<1x128xf32>
    %add3A_19 = vector.broadcast %get3A_18 : vector<1x128xf32> to vector<1000x128xf32>
    %add3A_20 = arith.addf %dot_general3A_15, %add3A_19 : vector<1000x128xf32>
    %max3A = arith.constant 0.000000e+00 : f32
    %max3A_21 = vector.broadcast %max3A : f32 to vector<1000x128xf32>
    %max3A_22 = arith.maximumf %add3A_20, %max3A_21 : vector<1000x128xf32>
    %swap3A = arith.constant 0 : index
    %swap3A_23 = arith.constant 0 : index
    %swap3A_24 = vector.load %arg6[%swap3A, %swap3A_23] : memref<1000x128xf32, #tpu.memory_space<vmem>>, vector<1000x128xf32>
    tpu.vector_store %arg6[%swap3A, %swap3A_23], %max3A_22 {strides = array<i32>} : memref<1000x128xf32, #tpu.memory_space<vmem>>, vector<1000x128xf32>,
    return
  }
  func.func @transform_0(%arg0: i32) -> (i32, i32) {
    %c0_i32 = arith.constant 0 : i32
    %c0_i32_0 = arith.constant 0 : i32
    return %arg0, %c0_i32 : i32, i32
  }
  func.func @transform_1(%arg0: i32) -> (i32, i32) {
    %c0_i32 = arith.constant 0 : i32
    %c0_i32_0 = arith.constant 0 : i32
    return %arg0, %c0_i32 : i32, i32
  }
  func.func @transform_2(%arg0: i32) -> (i32, i32) {
    %c0_i32 = arith.constant 0 : i32
    %c0_i32_0 = arith.constant 0 : i32
    return %arg0, %c0_i32 : i32, i32
  }
  func.func @transform_3(%arg0: i32) -> (i32, i32) {
    %c0_i32 = arith.constant 0 : i32
    %c0_i32_0 = arith.constant 0 : i32
    %c0_i32_1 = arith.constant 0 : i32
    return %c0_i32, %c0_i32_0 : i32, i32
  }
  func.func @transform_4(%arg0: i32) -> (i32, i32) {
    %c0_i32 = arith.constant 0 : i32
    %c0_i32_0 = arith.constant 0 : i32
    %c0_i32_1 = arith.constant 0 : i32
    return %c0_i32, %c0_i32_0 : i32, i32
  }
  func.func @transform_5(%arg0: i32) -> (i32, i32) {
    %c0_i32 = arith.constant 0 : i32
    %c0_i32_0 = arith.constant 0 : i32
    return %arg0, %c0_i32 : i32, i32
  }
}

module attributes {stable_mosaic.version = 14 : i64} {
  func.func @_combine_body(%arg0: i32, %arg1: memref<1000x128xf32, #tpu.memory_space<vmem>>, %arg2: memref<1000x128xf32, #tpu.memory_space<vmem>>, %arg3: memref<1000x16xf32, #tpu.memory_space<vmem>>, %arg4: memref<128x128xf32, #tpu.memory_space<vmem>>, %arg5: memref<1x128xf32, #tpu.memory_space<vmem>>, %arg6: memref<1000x128xf32, #tpu.memory_space<vmem>>) attributes {dimension_semantics = [#tpu.dimension_semantics<arbitrary>], iteration_bounds = array<i64: 10>, scalar_prefetch = 0 : i64, scratch_operands = 0 : i64, tpu.core_type = #tpu.core_type<tc>, window_params = [{transform_indices = @transform_0, window_bounds = array<i64: 1000, 128>}, {transform_indices = @transform_1, window_bounds = array<i64: 1000, 128>}, {transform_indices = @transform_2, window_bounds = array<i64: 1000, 16>}, {pipeline_mode = #tpu.pipeline_mode<synchronous>, transform_indices = @transform_3, window_bounds = array<i64: 128, 128>}, {pipeline_mode = #tpu.pipeline_mode<synchronous>, transform_indices = @transform_4, window_bounds = array<i64: 1, 128>}, {transform_indices = @transform_5, window_bounds = array<i64: 1000, 128>}]} {
    %get3A = arith.constant 0 : index
    %get3A_0 = arith.constant 0 : index
    %get3A_1 = vector.load %arg3[%get3A, %get3A_0] : memref<1000x16xf32, #tpu.memory_space<vmem>>, vector<1000x1xf32>
    %get3A_2 = arith.constant 0 : index
    %get3A_3 = arith.constant 0 : index
    %get3A_4 = vector.load %arg1[%get3A_2, %get3A_3] : memref<1000x128xf32, #tpu.memory_space<vmem>>, vector<1000x128xf32>
    %get3A_5 = arith.constant 0 : index
    %get3A_6 = arith.constant 0 : index
    %get3A_7 = vector.load %arg2[%get3A_5, %get3A_6] : memref<1000x128xf32, #tpu.memory_space<vmem>>, vector<1000x128xf32>
    %add3A = arith.addf %get3A_4, %get3A_7 : vector<1000x128xf32>
    %add3A_8 = arith.constant 1.000000e+00 : f32
    %add3A_9 = vector.broadcast %add3A_8 : f32 to vector<1000x1xf32>
    %add3A_10 = arith.addf %get3A_1, %add3A_9 : vector<1000x1xf32>
    %div3A = vector.broadcast %add3A_10 : vector<1000x1xf32> to vector<1000x128xf32>
    %div3A_11 = arith.divf %add3A, %div3A : vector<1000x128xf32>
    %get3A_12 = arith.constant 0 : index
    %get3A_13 = arith.constant 0 : index
    %get3A_14 = vector.load %arg4[%get3A_12, %get3A_13] : memref<128x128xf32, #tpu.memory_space<vmem>>, vector<128x128xf32>
    %dot_general3A = arith.constant dense<0.000000e+00> : vector<1000x128xf32>
    %dot_general3A_15 = tpu.matmul %div3A_11, %get3A_14, %dot_general3A {dimension_numbers = #tpu.dot_dimension_numbers<[1], [0], [0], [1], [0, 0, 1, 1], [], []>, transpose_lhs_hint = false} : vector<1000x128xf32>, vector<128x128xf32>, vector<1000x128xf32> -> vector<1000x128xf32>
    %get3A_16 = arith.constant 0 : index
    %get3A_17 = arith.constant 0 : index
    %get3A_18 = vector.load %arg5[%get3A_16, %get3A_17] : memref<1x128xf32, #tpu.memory_space<vmem>>, vector<1x128xf32>
    %add3A_19 = vector.broadcast %get3A_18 : vector<1x128xf32> to vector<1000x128xf32>
    %add3A_20 = arith.addf %dot_general3A_15, %add3A_19 : vector<1000x128xf32>
    %swap3A = arith.constant 0 : index
    %swap3A_21 = arith.constant 0 : index
    %swap3A_22 = vector.load %arg6[%swap3A, %swap3A_21] : memref<1000x128xf32, #tpu.memory_space<vmem>>, vector<1000x128xf32>
    tpu.vector_store %arg6[%swap3A, %swap3A_21], %add3A_20 {strides = array<i32>} : memref<1000x128xf32, #tpu.memory_space<vmem>>, vector<1000x128xf32>,
    return
  }
  func.func @transform_0(%arg0: i32) -> (i32, i32) {
    %c0_i32 = arith.constant 0 : i32
    %c0_i32_0 = arith.constant 0 : i32
    return %arg0, %c0_i32 : i32, i32
  }
  func.func @transform_1(%arg0: i32) -> (i32, i32) {
    %c0_i32 = arith.constant 0 : i32
    %c0_i32_0 = arith.constant 0 : i32
    return %arg0, %c0_i32 : i32, i32
  }
  func.func @transform_2(%arg0: i32) -> (i32, i32) {
    %c0_i32 = arith.constant 0 : i32
    %c0_i32_0 = arith.constant 0 : i32
    return %arg0, %c0_i32 : i32, i32
  }
  func.func @transform_3(%arg0: i32) -> (i32, i32) {
    %c0_i32 = arith.constant 0 : i32
    %c0_i32_0 = arith.constant 0 : i32
    %c0_i32_1 = arith.constant 0 : i32
    return %c0_i32, %c0_i32_0 : i32, i32
  }
  func.func @transform_4(%arg0: i32) -> (i32, i32) {
    %c0_i32 = arith.constant 0 : i32
    %c0_i32_0 = arith.constant 0 : i32
    %c0_i32_1 = arith.constant 0 : i32
    return %c0_i32, %c0_i32_0 : i32, i32
  }
  func.func @transform_5(%arg0: i32) -> (i32, i32) {
    %c0_i32 = arith.constant 0 : i32
    %c0_i32_0 = arith.constant 0 : i32
    return %arg0, %c0_i32 : i32, i32
  }
}

</mosaic_0001>

<sc_bundles>
// kernel: kernel.12.cloned.1.call-start
scs
__scs_entry_jumppad:
0x0: {  	(pc) =	sbr.rel $0x88, $3  }
0x1: {  	(tag) =	ssettag $0x0;
	lr =	simm.s32 $0x1  }
0x2: {  	[smem:$0x3F9B] =	sst lr;
	_ =	strace $0xD0000000  }
0x3: {  	_ = 	snop  }
0x4: {  	_ = 	snop  }
0x5: {  	_ = 	snop  }
0x6: {  	_ = 	snop  }
0x7: {  	_ = 	snop  }
__scs_overlays_trampoline_lowered:
0x8: {  	[smem:$0x3FAA] =	sst s0  }
0x9: {  	[smem:$0x3FAB] =	sst s1  }
0xa: {  	[smem:$0x3FAC] =	sst s2  }
0xb: {  	[smem:$0x3FAD] =	sst s3  }
0xc: {  	[smem:$0x3FAE] =	sst s4  }
0xd: {  	[smem:$0x3FAF] =	sst s5  }
0xe: {  	[smem:$0x3FB0] =	sst s6  }
0xf: {  	[smem:$0x3FB1] =	sst s7  }
0x10: {  	[smem:$0x3FB2] =	sst s8  }
0x11: {  	[smem:$0x3FB3] =	sst s9;
	s0 =	simm.s32 @!p0 $0x0  }
0x12: {  	s1 =	sld [smem:$0x3F99];
	s0 =	simm.s32 @p0 $0x1  }
0x13: {  	[smem:$0x3FB4] =	sst s0;
	s0 =	simm.s32 @!p1 $0x0  }
0x14: {  	s2 =	sld [smem:$0x3F98];
	s0 =	simm.s32 @p1 $0x1  }
0x15: {  	[smem:$0x3FB5] =	sst s0;
	s0 =	simm.s32 @!p2 $0x0  }
0x16: {  	s3 =	sld [smem:$0x3FDB];
	s0 =	simm.s32 @p2 $0x1  }
0x17: {  	s4 =	simm.s32 $0x1BF5;
	[smem:$0x3FB7] =	sst s0  }
0x18: {  	s0 =	sld [smem:$0x3F9A];
	_ =	swait.ge [sflag:s4], $0x0  }
0x19: {  	s7 =	sld [smem:$0x3F9B]  }
0x1a: {  	s8 =	sadd.s32 $0xFFFFE003, lr  }
0x1b: {  	s9 =	sadd.s32 $0xFFFFFEF7, lr;
	s5 =	simm.s32 $0xFFFFFFFF;
	p2 =	slt.u32 s8, $0xFFFFF086  }
0x1c: {  	p1 =	slt.u32 s9, $0xF7A;
	s5 =	simm.s32 @!p2 $0x0  }
0x1d: {  	s5 =	simm.s32 @p1 $0x1;
	p0 =	seq.s32 s7, s2  }
0x1e: {  	s7 =	smul.u32 @!p0 $0xF7A, s2;
	p2 =	seq.s32 @!p0 s5, $0x0  }
0x1f: {  	s9 =	smul.u32 $0xF7A, s1;
	s8 =	simm.s32 @!p0 $0x1BF5;
	p2 =	por !p2, p0  }
0x20: {  	[sflag:s8] =	ssyncset.s32 @!p0 $0xFFFFF086;
	s6 =	sadd.s32 @!p0 s3, s7;
	s7 =	simm.s32 @!p0 $0x108  }
0x21: {  	s3 =	sadd.s32 s3, s9;
	s6 =	sadd.s32 @!p0 $0x88, s6;
	s7 =	simm.s32 @p2 $0x1082  }
0x22: {  	[simem:s7], [sflag:s8] =	dma.local @!p0 [hbm:s6], $0xF7A  }
0x23: {  	s9 =	sor.u32 $0xD0000000, s2;
	s6 =	simm.s32 $0x108;
	_ =	swait.ge @!p0 [sflag:s8], $0x0  }
0x24: {  	s3 =	sadd.s32 $0x88, s3;
	s6 =	simm.s32 @!p1 $0x1082;
	[sflag:s4] =	ssyncset.s32 $0xFFFFF086  }
0x25: {  	[simem:s6], [sflag:s4] =	dma.local [hbm:s3], $0xF7A  }
0x26: {  	[smem:$0x3F9B] =	sst s1;
	(tag) =	ssettag s2;
	_ =	strace s9  }
0x27: {  	s1 =	sld [smem:$0x3FAB]  }
0x28: {  	s2 =	sld [smem:$0x3FAC]  }
0x29: {  	s4 =	sld [smem:$0x3FAE]  }
0x2a: {  	p0 =	seq.s32 s5, $0x0;
	s5 =	sld [smem:$0x3FAF]  }
0x2b: {  	s6 =	sld [smem:$0x3FB0]  }
0x2c: {  	s7 =	sld [smem:$0x3FB1]  }
0x2d: {  	s3 =	simm.s32 $0x108;
	s8 =	sld [smem:$0x3FB2]  }
0x2e: {  	s3 =	simm.s32 @!p0 $0x1082;
	s9 =	sld [smem:$0x3FB3]  }
0x2f: {  	lr =	sadd.s32 s0, s3;
	s0 =	sld [smem:$0x3FAA]  }
0x30: {  	s3 =	sld [smem:$0x3FAD]  }
0x31: {  	[smem:$0x3FB6] =	sst s10  }
0x32: {  	s10 =	sld [smem:$0x3FB4];
	_ =	sdelay $0x3  }
0x33: {  	p0 =	seq.s32 s10, $0x1;
	s10 =	sld [smem:$0x3FB6];
	_ =	sdelay $0x3  }
0x34: {  	[smem:$0x3FB6] =	sst s10  }
0x35: {  	s10 =	sld [smem:$0x3FB5];
	_ =	sdelay $0x3  }
0x36: {  	p1 =	seq.s32 s10, $0x1;
	s10 =	sld [smem:$0x3FB6];
	_ =	sdelay $0x3  }
0x37: {  	[smem:$0x3FB6] =	sst s10  }
0x38: {  	s10 =	sld [smem:$0x3FB7]  }
0x39: {  	_ = 	snop;
	(pc) =	sbr.ind lr, $3  }
0x3a: {  	_ = 	snop  }
0x3b: {  	_ = 	snop  }
0x3c: {  	p2 =	seq.s32 s10, $0x1;
	s10 =	sld [smem:$0x3FB6]  }
0x3d: {  	_ =	shalt  }
0x3e: {  	_ =	shalt  }
0x3f: {  	_ =	shalt  }
0x40: {  	_ =	shalt  }
0x41: {  	_ =	shalt  }
0x42: {  	_ =	shalt  }
0x43: {  	_ =	shalt  }
0x44: {  	_ =	shalt  }
0x45: {  	_ =	shalt  }
0x46: {  	_ =	shalt  }
0x47: {  	_ =	shalt  }
0x48: {  	_ =	shalt  }
0x49: {  	_ =	shalt  }
0x4a: {  	_ =	shalt  }
0x4b: {  	_ =	shalt  }
0x4c: {  	_ =	shalt  }
0x4d: {  	_ =	shalt  }
0x4e: {  	_ =	shalt  }
0x4f: {  	_ =	shalt  }
0x50: {  	_ =	shalt  }
0x51: {  	_ =	shalt  }
0x52: {  	_ =	shalt  }
0x53: {  	_ =	shalt  }
0x54: {  	_ =	shalt  }
0x55: {  	_ =	shalt  }
0x56: {  	_ =	shalt  }
0x57: {  	_ =	shalt  }
0x58: {  	_ =	shalt  }
0x59: {  	_ =	shalt  }
0x5a: {  	_ =	shalt  }
0x5b: {  	_ =	shalt  }
0x5c: {  	_ =	shalt  }
0x5d: {  	_ =	shalt  }
0x5e: {  	_ =	shalt  }
0x5f: {  	_ =	shalt  }
0x60: {  	_ =	shalt  }
0x61: {  	_ =	shalt  }
0x62: {  	_ =	shalt  }
0x63: {  	_ =	shalt  }
0x64: {  	_ =	shalt  }
0x65: {  	_ =	shalt  }
0x66: {  	_ =	shalt  }
0x67: {  	_ =	shalt  }
0x68: {  	_ =	shalt  }
0x69: {  	_ =	shalt  }
0x6a: {  	_ =	shalt  }
0x6b: {  	_ =	shalt  }
0x6c: {  	_ =	shalt  }
0x6d: {  	_ =	shalt  }
0x6e: {  	_ =	shalt  }
0x6f: {  	_ =	shalt  }
0x70: {  	_ =	shalt  }
0x71: {  	_ =	shalt  }
0x72: {  	_ =	shalt  }
0x73: {  	_ =	shalt  }
0x74: {  	_ =	shalt  }
0x75: {  	_ =	shalt  }
0x76: {  	_ =	shalt  }
0x77: {  	_ =	shalt  }
0x78: {  	_ =	shalt  }
0x79: {  	_ =	shalt  }
0x7a: {  	_ =	shalt  }
0x7b: {  	_ =	shalt  }
0x7c: {  	_ =	shalt  }
0x7d: {  	_ =	shalt  }
0x7e: {  	_ =	shalt  }
0x7f: {  	_ =	shalt  }
0x80: {  	_ =	shalt  }
0x81: {  	_ =	shalt  }
0x82: {  	_ =	shalt  }
0x83: {  	_ =	shalt  }
0x84: {  	_ =	shalt  }
0x85: {  	_ =	shalt  }
0x86: {  	_ =	shalt  }
0x87: {  	_ =	shalt  }
.Lfunc_end0:
.L_simem_size_0:
called_computation.1_lowered:
.L_overlay_start_0:
0x88: {  	s2 =	sld [smem:$0x3FD9]  }
0x89: {  	s3 =	sld [smem:$0x3FFE];
	_ =	sdelay $0x1  }
0x8a: {  	s1 =	srdreg.scid  }
0x8b: {  	s0 =	sand.u32 $0x1, s1  }
0x8c: {  	s17 =	sshll.u32 s0, $0xA;
	s2 =	sadd.s32 s3, s2  }
0x8d: {  	s2 =	sadd.s32 s2, s17  }
0x8e: {  	[smem:$0x3FC2] =	sst s2  }
0x8f: {  	_ = 	snop  }
0x90: {  	s4 =	sld [smem:$0x3FC9]  }
0x91: {  	s18 =	sld [smem:$0x3FD0];
	(tm) =	ssettm $0x1  }
0x92: {  	s19 =	sld [smem:$0x3FFB];
	_ =	sdelay $0x3  }
0x93: {  	_ =	strace s19  }
0x94: {  	s2 =	sld [smem:$0x3FFC];
	_ =	sdelay $0x3  }
0x95: {  	_ =	strace s2  }
0x96: {  	s2 =	sld [smem:$0x3FFD];
	_ =	sdelay $0x3  }
0x97: {  	_ =	strace s2  }
0x98: {  	_ =	strace $0x8FFFFFFF  }
0x99: {  	s20 =	sld [smem:$0x3FDB];
	_ =	sdelay $0x1  }
0x9a: {  	s5 =	simm.s32 $_scs_section_size  }
0x9b: {  	s6 =	simm.s32 $_size__tile_overlayer_lowered;
	s7 =	simm.s32 $_tile_overlayer_lowered  }
0x9c: {  	s8 =	simm.s32 $0x1BFF;
	s21 =	sshll.u32 s7, $0x1;
	s5 =	sadd.s32 s5, s20  }
0x9d: {  	s22 =	simm.s32 $0x0;
	s6 =	sshll.u32 s6, $0x1;
	s7 =	sadd.s32 s21, s5  }
0x9e: {  	[timem:s22], [sflag:s8] =	dma.local [hbm:s7], s6  }
0x9f: {  	_ =	swait.ge [sflag:s8], s6  }
0xa0: {  	s6 =	ssub.s32 $0x0, s6;
	[sflag:s8] =	ssyncset.done $0x0  }
0xa1: {  	[sflag:s8] =	ssyncadd.s32 s6;
	_ =	sdelay $0x1  }
0xa2: {  	s23 =	simm.s32 $0x1B8B  }
0xa3: {  	_ =	swait.ge [sflag:s23], $0x1  }
0xa4: {  	[sflag:s23] =	ssyncset.done $0x0  }
0xa5: {  	[sflag:s23] =	ssyncadd.s32 $0xFFFFFFFF  }
0xa6: {  	s6 =	sld [smem:$0x0]  }
0xa7: {  	s7 =	sand.u32 $0xFFFFFFFE, s1  }
0xa8: {  	p0 =	sne.s32 s1, s7  }
0xa9: {  	s7 =	sshll.u32 @p0 s7, $0xE  }
0xaa: {  	s7 =	sadd.s32 @p0 $0x11B8D, s7;
	s8 =	sshll.u32 @p0 s6, $0x11  }
0xab: {  	s7 =	sor.u32 @p0 s8, s7  }
0xac: {  	[sflag:s7] =	ssyncadd.remote.s32 @p0 $0x1;
	_ =	sdelay $0x1  }
0xad: {  	s7 =	simm.s32 @p0 $0x1B8D  }
0xae: {  	_ =	swait.eq @p0 [sflag:s7], $0x1  }
0xaf: {  	[sflag:s7] =	ssyncadd.s32 @p0 $0xFFFFFFFF  }
0xb0: {  	s8 =	sshll.u32 @!p0 s1, $0xE  }
0xb1: {  	s8 =	sor.u32 @!p0 $0x4000, s8;
	s7 =	simm.s32 @!p0 $0x1B8D  }
0xb2: {  	s6 =	sshll.u32 @!p0 s6, $0x11;
	s8 =	sadd.s32 @!p0 $0x11B8D, s8;
	_ =	swait.eq @!p0 [sflag:s7], $0x1  }
0xb3: {  	s6 =	sor.u32 @!p0 s6, s8;
	[sflag:s7] =	ssyncadd.s32 @!p0 $0xFFFFFFFF  }
0xb4: {  	s25 =	simm.s32 $0x1B8E;
	s24 =	sld [smem:$0x3FFE];
	[sflag:s6] =	ssyncadd.remote.s32 @!p0 $0x1  }
0xb5: {  	s26 =	simm.s32 $execute0_lowered;
	[smem:$0x3FD2] =	sst s25  }
0xb6: {  	s7 =	sshll.u32 s26, $0x1;
	_ =	strace $0x8000004C;
	[dreg:$0x1] =	wrdreg $0xFFFFFFFF  }
0xb7: {  	s28 =	simm.s32 $_size_execute0_lowered;
	s5 =	sadd.s32 s5, s7;
	[dreg:$0x0] =	wrdreg $0x0  }
0xb8: {  	s7 =	sshll.u32 s28, $0x1;
	[dreg:$0x2] =	wrdreg s5  }
0xb9: {  	[dreg:$0x3] =	wrdreg s7  }
0xba: {  	[dreg:$0x4] =	wrdreg $0xC0  }
0xbb: {  	_ =	task [dreg:s22], $0x5FFFF  }
0xbc: {  	[dreg:$0x1] =	wrdreg $0xFFFFFFFF  }
0xbd: {  	[dreg:$0x0] =	wrdreg $0x60  }
0xbe: {  	[dreg:$0x2] =	wrdreg s4  }
0xbf: {  	[dreg:$0x3] =	wrdreg s24  }
0xc0: {  	[dreg:$0x4] =	wrdreg s18  }
0xc1: {  	[dreg:$0x5] =	wrdreg $0xD2100  }
0xc2: {  	[dreg:$0x6] =	wrdreg $0x122100  }
0xc3: {  	[dreg:$0x7] =	wrdreg $0x9  }
0xc4: {  	_ =	task.clear_ibuf [dreg:s22], $0x8FFFF;
	_ =	strace $0x9000004C  }
0xc5: {  	s29 =	simm.s32 $0x9;
	_ =	strace $0x8000004E  }
0xc6: {  	_ =	swait.ge [sflag:s29], $0x1  }
0xc7: {  	[sflag:s29] =	ssyncadd.s32 $0xFFFFFFFF  }
0xc8: {  	_ =	strace $0x9000004E  }
0xc9: {  	_ =	sfence  }
0xca: {  	s30 =	sld [smem:$0x0];
	_ =	sdelay $0x2  }
0xcb: {  	s31 =	sshll.u32 s1, $0xD;
	s1 =	sshrl.u32 s1, $0x2  }
0xcc: {  	s4 =	sand.u32 $0x4000, s31;
	s1 =	sadd.s32 s1, s30  }
0xcd: {  	s0 =	sor.u32 s4, s0;
	s1 =	sshll.u32 s1, $0x11  }
0xce: {  	s0 =	sor.u32 s1, s0  }
0xcf: {  	s0 =	sadd.s32 $0x8F2B, s0  }
0xd0: {  	[sflag:s0] =	ssyncadd.remote.s32 $0x1  }
0xd1: {  	_ =	sfence.sel $0xFFFF  }
0xd2: {  	[dreg:$0x0] =	wrdreg $0xFFFFFFFF;
	(pc) =	sbr.abs _section_cstart, $3  }
0xd3: {  	[dreg:$0x1] =	wrdreg $0xFFFFFFFF  }
0xd4: {  	_ =	task.clear_ibuf [dreg:s22], $0x2FFFF;
	_ =	strace $0x9FFFFFFF  }
0xd5: {  	(tm) =	ssettm $0x7FFFFFFF  }
tec
execute0_lowered:
.L_overlay_start_1:
0x0: {  	(tag) =	ssettag $0x1  }
0x1: {  	s0 =	rddreg [dreg:$0x0]  }
0x2: {  	s6 =	rddreg [dreg:$0x1]  }
0x3: {  	s1 =	srdreg.scid;
	s8 =	rddreg [dreg:$0x2]  }
0x4: {  	s18 =	stileid.u32;
	s3 =	rddreg [dreg:$0x3]  }
0x5: {  	s4 =	rddreg [dreg:$0x4];
	s5 =	simm.s32 $0x0;
	s10 =	smul.u32 $0x5080, s18  }
0x6: {  	s7 =	sand.u32 $0x1, s1;
	[smem:$0x7FF] =	sst s5;
	s13 =	smul.u32 $0x140, s18  }
0x7: {  	s11 =	sshll.u32 s18, $0x1;
	s14 =	sadd.s32 $0x3800, s6;
	s9 =	smul.u32 $0x50800, s7  }
0x8: {  	_ =	strace $0x8000004D;
	s19 =	ssub.s32 $0x2, s7;
	s11 =	sadd.s32 s11, s6  }
0x9: {  	s30 =	smul.u32 $0x1400, s7;
	s7 =	sshll.u32 s7, $0x5;
	s12 =	sshrl.u32 s19, $0x1  }
0xa: {  	s21 =	sor.u32 $0x10, s13;
	s16 =	sor.u32 $0x30, s13;
	s17 =	sadd.s32 $0x40, s13  }
0xb: {  	s18 =	sadd.s32 $0x50, s13;
	s31 =	sadd.s32 $0x70, s13;
	s15 =	sadd.s32 $0x80, s13  }
0xc: {  	s11 =	sadd.s32 s7, s11;
	s26 =	sadd.s32 $0xA0, s13;
	s28 =	sadd.s32 $0xB0, s13  }
0xd: {  	s29 =	sadd.s32 $0xC0, s13;
	s1 =	sadd.s32 $0x100, s13;
	s9 =	sadd.s32 s10, s9  }
0xe: {  	s20 =	ssub.s32 s19, s12;
	s12 =	sor.u32 $0x20, s13;
	s19 =	sadd.s32 $0x60, s13  }
0xf: {  	v19 =	vlaneseq.u32;
	[dreg:$0x7] =	wrdreg s31;
	s22 =	sadd.s32 s13, s30;
	s30 =	sadd.s32 $0xD0, s13  }
0x10: {  	s31 =	sadd.s32 $0xE0, s13;
	v0 =	vor.u32 s21, v19;
	s21 =	sadd.s32 $0x120, s13;
	v2 =	vor.u32 s16, v19;
	s16 =	sadd.s32 $0x130, s13  }
0x11: {  	v4 =	vor.u32 s17, v19;
	v5 =	vor.u32 s18, v19;
	s11 =	sadd.s32 $0x35C00, s11;
	s17 =	simm.s32 $0xD180;
	s18 =	simm.s32 $0xA100  }
0x12: {  	s9 =	sshrl.u32 s9, $0x3;
	[dreg:$0x6] =	wrdreg s20;
	s23 =	sadd.s32 $0x80, s22  }
0x13: {  	s24 =	sadd.s32 $0x100, s22;
	s20 =	sadd.s32 $0x110, s13;
	[dreg:$0x8] =	wrdreg s16  }
0x14: {  	v6 =	vor.u32 s19, v19;
	s19 =	sshll.u32 s22, $0x1;
	s16 =	simm.s32 $0x80;
	v18 =	vor.u32 s21, v19;
	s21 =	simm.s32 $0xD200  }
0x15: {  	s10 =	sadd.s32 s9, s6;
	s6 =	sshll.u32 s22, $0x3;
	s2 =	sshll.u32 s23, $0x3  }
0x16: {  	s25 =	sshll.u32 s24, $0x3;
	s22 =	sshll.u32 s23, $0x1;
	s23 =	rddreg [dreg:$0x7]  }
0x17: {  	v12 =	vor.u32 s29, v19;
	v1 =	vor.u32 s12, v19;
	s12 =	sadd.s32 s14, s19;
	s29 =	rddreg [dreg:$0x6];
	s19 =	simm.s32 $0x2  }
0x18: {  	v14 =	vor.u32 s31, v19;
	v17 =	vor.u32 s20, v19;
	s20 =	simm.s32 $0xC980;
	s31 =	rddreg [dreg:$0x8];
	s6 =	sadd.s32 s8, s6  }
.Ltmp0:
0x19: {  	s7 =	sadd.s32 s8, s2;
	s8 =	sadd.s32 s8, s25;
	(pc) =	sbr.rel .LBB2_1-.Ltmp0, $4  }
0x1a: {  	v20 =	vimm.f32 $0.0e+00;
	v21 =	vimm.f32 $1.000000000e+00;
	v3 =	vor.u32 s13, v19;
	s25 =	sadd.s32 $0x90, s13;
	s2 =	sadd.s32 $0xF0, s13;
	s9 =	sadd.s32 $0xD800, s10  }
0x1b: {  	v8 =	vor.u32 s15, v19;
	v10 =	vor.u32 s26, v19;
	v11 =	vor.u32 s28, v19;
	s10 =	sadd.s32 $0x21A00, s10;
	s13 =	sadd.s32 s14, s22;
	s15 =	smax.u32 s29, $0x1  }
0x1c: {  	v16 =	vor.u32 s1, v19;
	v7 =	vor.u32 s23, v19;
	s22 =	simm.s32 $0x1;
	s23 =	simm.s32 $0xC100;
	v9 =	vor.u32 s25, v19;
	s25 =	sshll.u32 s24, $0x1  }
0x1d: {  	v13 =	vor.u32 s30, v19;
	v15 =	vor.u32 s2, v19;
	v19 =	vor.u32 s31, v19;
	s24 =	simm.s32 $0xC180;
	s14 =	sadd.s32 s14, s25;
	s25 =	simm.s32 $0x0  }
.LBB2_10:
0x1e: {  	[sflag:s19] =	ssyncadd.s32 $0xFFFFF800  }
.LBB2_11:
0x1f: {  	[bflag:$0x0] =	sbarrier.arrive $0xFFFF  }
0x20: {  	[tilespmem:$0xD180] =	vst v3  }
0x21: {  	[tilespmem:$0xD190] =	vst v0  }
0x22: {  	[tilespmem:$0xD1A0] =	vst v1  }
0x23: {  	[tilespmem:$0xD1B0] =	vst v2  }
0x24: {  	[tilespmem:$0xD1C0] =	vst v4  }
0x25: {  	[tilespmem:$0xD1D0] =	vst v5  }
0x26: {  	[tilespmem:$0xD1E0] =	vst v6  }
0x27: {  	[tilespmem:$0xD1F0] =	vst v7  }
0x28: {  	[tilespmem:s18], [sflag:$0x1] =	stream.indirect.gather [spmem:s3], $0x40, s17, s16, $0xb8;
	[tilespmem:$0x13610] =	vst v63  }
0x29: {  	_ =	swait.ge [sflag:s22], $0x2000  }
0x2a: {  	[sflag:s22] =	ssyncset.done $0x0  }
0x2b: {  	[sflag:s22] =	ssyncadd.s32 $0xFFFFE000  }
0x2c: {  	[hbm4b:s6+s5] =	stream.linear.scatter [tilespmem:s18], [sflag:$0x2], $0x2000, $0x38;
	[tilespmem:$0x13610] =	vst v63  }
0x2d: {  	_ =	swait.ge [sflag:s19], $0x2000  }
0x2e: {  	[sflag:s19] =	ssyncset.done $0x0  }
0x2f: {  	[sflag:s19] =	ssyncadd.s32 $0xFFFFE000  }
0x30: {  	[tilespmem:s20], [sflag:$0x1] =	stream.indirect.gather [spmem:s4], $0x10, s17, s16, $0xb8;
	[tilespmem:$0x13610] =	vst v63  }
0x31: {  	_ =	swait.ge [sflag:s22], $0x800  }
0x32: {  	[sflag:s22] =	ssyncset.done $0x0  }
0x33: {  	[sflag:s22] =	ssyncadd.s32 $0xFFFFF800  }
0x34: {  	[hbm4b:s12+s5] =	stream.linear.scatter [tilespmem:s20], [sflag:$0x2], $0x800, $0x38;
	[tilespmem:$0x13610] =	vst v63  }
0x35: {  	_ =	swait.ge [sflag:s19], $0x800  }
0x36: {  	[sflag:s19] =	ssyncset.done $0x0  }
0x37: {  	[sflag:s19] =	ssyncadd.s32 $0xFFFFF800  }
0x38: {  	[tilespmem:$0xD180] =	vst v8  }
0x39: {  	[tilespmem:$0xD190] =	vst v9  }
0x3a: {  	[tilespmem:$0xD1A0] =	vst v10  }
0x3b: {  	[tilespmem:$0xD1B0] =	vst v11  }
0x3c: {  	[tilespmem:$0xD1C0] =	vst v12  }
0x3d: {  	[tilespmem:$0xD1D0] =	vst v13  }
0x3e: {  	[tilespmem:$0xD1E0] =	vst v14  }
0x3f: {  	[tilespmem:$0xD1F0] =	vst v15  }
0x40: {  	[tilespmem:s18], [sflag:$0x1] =	stream.indirect.gather [spmem:s3], $0x40, s17, s16, $0xb8;
	[tilespmem:$0x13610] =	vst v63  }
0x41: {  	_ =	swait.ge [sflag:s22], $0x2000  }
0x42: {  	[sflag:s22] =	ssyncset.done $0x0  }
0x43: {  	[sflag:s22] =	ssyncadd.s32 $0xFFFFE000  }
0x44: {  	[hbm4b:s7+s5] =	stream.linear.scatter [tilespmem:s18], [sflag:$0x2], $0x2000, $0x38;
	[tilespmem:$0x13610] =	vst v63  }
0x45: {  	_ =	swait.ge [sflag:s19], $0x2000  }
0x46: {  	[sflag:s19] =	ssyncset.done $0x0  }
0x47: {  	[sflag:s19] =	ssyncadd.s32 $0xFFFFE000  }
0x48: {  	[tilespmem:s20], [sflag:$0x1] =	stream.indirect.gather [spmem:s4], $0x10, s17, s16, $0xb8;
	[tilespmem:$0x13610] =	vst v63  }
0x49: {  	_ =	swait.ge [sflag:s22], $0x800  }
0x4a: {  	[sflag:s22] =	ssyncset.done $0x0  }
0x4b: {  	[sflag:s22] =	ssyncadd.s32 $0xFFFFF800  }
0x4c: {  	[hbm4b:s13+s5] =	stream.linear.scatter [tilespmem:s20], [sflag:$0x2], $0x800, $0x38;
	[tilespmem:$0x13610] =	vst v63  }
0x4d: {  	_ =	swait.ge [sflag:s19], $0x800  }
0x4e: {  	[sflag:s19] =	ssyncset.done $0x0  }
0x4f: {  	[sflag:s19] =	ssyncadd.s32 $0xFFFFF800  }
0x50: {  	[tilespmem:$0xD180] =	vst v16  }
0x51: {  	[tilespmem:$0xD190] =	vst v17  }
0x52: {  	[tilespmem:$0xD1A0] =	vst v18  }
0x53: {  	[tilespmem:$0xD1B0] =	vst v19  }
0x54: {  	[tilespmem:$0xD1C0] =	vst v16  }
0x55: {  	[tilespmem:$0xD1D0] =	vst v17  }
0x56: {  	[tilespmem:$0xD1E0] =	vst v18  }
0x57: {  	[tilespmem:$0xD1F0] =	vst v19  }
0x58: {  	[tilespmem:s18], [sflag:$0x1] =	stream.indirect.gather [spmem:s3], $0x40, s17, s16, $0xb8;
	[tilespmem:$0x13610] =	vst v63  }
0x59: {  	_ =	swait.ge [sflag:s22], $0x2000  }
0x5a: {  	[sflag:s22] =	ssyncset.done $0x0  }
0x5b: {  	[sflag:s22] =	ssyncadd.s32 $0xFFFFE000  }
0x5c: {  	[hbm4b:s8+s5] =	stream.linear.scatter [tilespmem:s18], [sflag:$0x2], $0x1000, $0x38;
	[tilespmem:$0x13610] =	vst v63  }
0x5d: {  	_ =	swait.ge [sflag:s19], $0x1000  }
0x5e: {  	[sflag:s19] =	ssyncset.done $0x0  }
0x5f: {  	[sflag:s19] =	ssyncadd.s32 $0xFFFFF000  }
0x60: {  	[tilespmem:s20], [sflag:$0x1] =	stream.indirect.gather [spmem:s4], $0x10, s17, s16, $0xb8;
	[tilespmem:$0x13610] =	vst v63  }
0x61: {  	s25 =	sadd.s32 $0x1, s25;
	_ =	swait.ge [sflag:s22], $0x800  }
0x62: {  	p0 =	sne.s32 s25, s15;
	[sflag:s22] =	ssyncset.done $0x0  }
.Ltmp1:
0x63: {  	[sflag:s22] =	ssyncadd.s32 $0xFFFFF800;
	(pc) =	sbr.rel @!p0 .LBB2_12-.Ltmp1, $4  }
0x64: {  	[hbm4b:s14+s5] =	stream.linear.scatter [tilespmem:s20], [sflag:$0x2], $0x400, $0x38;
	[tilespmem:$0x13610] =	vst v63  }
0x65: {  	_ =	swait.ge [sflag:s19], $0x400  }
0x66: {  	[sflag:s19] =	ssyncset.done $0x0  }
0x67: {  	[sflag:s19] =	ssyncadd.s32 $0xFFFFFC00  }
.LBB2_1:
0x68: {  	s28 =	simm.s32 $0x100;
	s26 =	simm.s32 $0x0  }
.LBB2_2:
0x69: {  	p0 =	sne.s32 s28, $0x7F00;
	[tilespmem:s26+$0xA130] =	vst v20;
	s1 =	smov.u32 s28;
	s28 =	sadd.s32 $0x100, s28  }
.Ltmp2:
0x6a: {  	[tilespmem:s26+$0xA120] =	vst v20;
	(pc) =	sbr.rel @p0 .LBB2_2-.Ltmp2, $3  }
0x6b: {  	[tilespmem:s26+$0xA100] =	vst v20  }
0x6c: {  	[tilespmem:s26+$0xA110] =	vst v20;
	_ =	sdelay $0x1  }
0x6d: {  	s26 =	sshra.s32 s1, $0x2  }
0x6e: {  	[tilespmem:s26+$0xA130] =	vst v20  }
0x6f: {  	[tilespmem:s26+$0xA120] =	vst v20  }
0x70: {  	[tilespmem:s26+$0xA100] =	vst v20  }
0x71: {  	[tilespmem:s26+$0xA110] =	vst v20;
	s26 =	simm.s32 $0x40;
	s28 =	simm.s32 $0x0  }
.LBB2_4:
0x72: {  	p0 =	sne.s32 s26, $0x1FC0;
	[tilespmem:s28+$0xC980] =	vst v20;
	s1 =	smov.u32 s26;
	s26 =	sadd.s32 $0x40, s26  }
.Ltmp3:
0x73: {  	(pc) =	sbr.rel @p0 .LBB2_4-.Ltmp3, $2  }
0x74: {  	_ =	sdelay $0x2  }
0x75: {  	s28 =	sshra.s32 s1, $0x2  }
0x76: {  	[tilespmem:s28+$0xC980] =	vst v20;
	s26 =	simm.s32 $0x40;
	s28 =	simm.s32 $0x0  }
.LBB2_6:
0x77: {  	p0 =	sne.s32 s26, $0x1FC0;
	[tilespmem:s28+$0xC180] =	vst v21;
	s1 =	smov.u32 s26;
	s26 =	sadd.s32 $0x40, s26  }
.Ltmp4:
0x78: {  	(pc) =	sbr.rel @p0 .LBB2_6-.Ltmp4, $2  }
0x79: {  	_ =	sdelay $0x2  }
0x7a: {  	s28 =	sshra.s32 s1, $0x2  }
0x7b: {  	[tilespmem:s28+$0xC180] =	vst v21  }
0x7c: {  	[tilespmem:$0xD180] =	vst v3  }
0x7d: {  	[tilespmem:$0xD190] =	vst v0  }
0x7e: {  	[tilespmem:$0xD1A0] =	vst v1  }
0x7f: {  	[tilespmem:$0xD1B0] =	vst v2  }
0x80: {  	[tilespmem:$0xD1C0] =	vst v4  }
0x81: {  	[tilespmem:$0xD1D0] =	vst v5  }
0x82: {  	[tilespmem:$0xD1E0] =	vst v6  }
0x83: {  	[tilespmem:$0xD1F0] =	vst v7  }
0x84: {  	[spmem:s3] =	stream.indirect.scatter [tilespmem:s18], [sflag:$0x2], $0x40, s17, s16, $0xb8;
	[tilespmem:$0x13610] =	vst v63  }
0x85: {  	_ =	swait.ge [sflag:s19], $0x2000  }
0x86: {  	[sflag:s19] =	ssyncset.done $0x0  }
0x87: {  	[sflag:s19] =	ssyncadd.s32 $0xFFFFE000  }
0x88: {  	[spmem:s4] =	stream.indirect.scatter [tilespmem:s20], [sflag:$0x2], $0x10, s17, s16, $0xb8;
	[tilespmem:$0x13610] =	vst v63  }
0x89: {  	_ =	swait.ge [sflag:s19], $0x800  }
0x8a: {  	[sflag:s19] =	ssyncset.done $0x0  }
0x8b: {  	[sflag:s19] =	ssyncadd.s32 $0xFFFFF800  }
0x8c: {  	[tilespmem:$0xD180] =	vst v8  }
0x8d: {  	[tilespmem:$0xD190] =	vst v9  }
0x8e: {  	[tilespmem:$0xD1A0] =	vst v10  }
0x8f: {  	[tilespmem:$0xD1B0] =	vst v11  }
0x90: {  	[tilespmem:$0xD1C0] =	vst v12  }
0x91: {  	[tilespmem:$0xD1D0] =	vst v13  }
0x92: {  	[tilespmem:$0xD1E0] =	vst v14  }
0x93: {  	[tilespmem:$0xD1F0] =	vst v15  }
0x94: {  	[spmem:s3] =	stream.indirect.scatter [tilespmem:s18], [sflag:$0x2], $0x40, s17, s16, $0xb8;
	[tilespmem:$0x13610] =	vst v63  }
0x95: {  	_ =	swait.ge [sflag:s19], $0x2000  }
0x96: {  	[sflag:s19] =	ssyncset.done $0x0  }
0x97: {  	[sflag:s19] =	ssyncadd.s32 $0xFFFFE000  }
0x98: {  	[spmem:s4] =	stream.indirect.scatter [tilespmem:s20], [sflag:$0x2], $0x10, s17, s16, $0xb8;
	[tilespmem:$0x13610] =	vst v63  }
0x99: {  	_ =	swait.ge [sflag:s19], $0x800  }
0x9a: {  	[sflag:s19] =	ssyncset.done $0x0  }
0x9b: {  	[sflag:s19] =	ssyncadd.s32 $0xFFFFF800  }
0x9c: {  	[tilespmem:$0xD180] =	vst v16  }
0x9d: {  	[tilespmem:$0xD190] =	vst v17  }
0x9e: {  	[tilespmem:$0xD1A0] =	vst v18  }
0x9f: {  	[tilespmem:$0xD1B0] =	vst v19  }
0xa0: {  	[tilespmem:$0xD1C0] =	vst v16  }
0xa1: {  	[tilespmem:$0xD1D0] =	vst v17  }
0xa2: {  	[tilespmem:$0xD1E0] =	vst v18  }
0xa3: {  	[tilespmem:$0xD1F0] =	vst v19  }
0xa4: {  	[spmem:s3] =	stream.indirect.scatter [tilespmem:s18], [sflag:$0x2], $0x40, s17, s16, $0xb8;
	[tilespmem:$0x13610] =	vst v63  }
0xa5: {  	_ =	swait.ge [sflag:s19], $0x2000  }
0xa6: {  	[sflag:s19] =	ssyncset.done $0x0  }
0xa7: {  	[sflag:s19] =	ssyncadd.s32 $0xFFFFE000  }
0xa8: {  	[spmem:s4] =	stream.indirect.scatter [tilespmem:s20], [sflag:$0x2], $0x10, s17, s16, $0xb8;
	[tilespmem:$0x13610] =	vst v63  }
0xa9: {  	_ =	swait.ge [sflag:s19], $0x800  }
0xaa: {  	[sflag:s19] =	ssyncset.done $0x0  }
0xab: {  	[sflag:s19] =	ssyncadd.s32 $0xFFFFF800  }
0xac: {  	[tilespmem:s5], [sflag:$0x2] =	stream.linear.gather [hbm4b:s9+s5], $0x5080, $0x38;
	[tilespmem:$0x13610] =	vst v63  }
0xad: {  	_ =	swait.ge [sflag:s19], $0x5080  }
0xae: {  	[sflag:s19] =	ssyncset.done $0x0  }
0xaf: {  	s26 =	simm.s32 $0x5080;
	[sflag:s19] =	ssyncadd.s32 $0xFFFFAF80  }
0xb0: {  	[tilespmem:s26], [sflag:$0x2] =	stream.linear.gather [hbm4b:s10+s5], $0x5080, $0x38;
	[tilespmem:$0x13610] =	vst v63  }
0xb1: {  	_ =	swait.ge [sflag:s19], $0x5080  }
0xb2: {  	[sflag:s19] =	ssyncset.done $0x0  }
0xb3: {  	[sflag:s19] =	ssyncadd.s32 $0xFFFFAF80  }
0xb4: {  	[tilespmem:s21], [sflag:$0x1] =	stream.linear.gather [hbm4b:s11+s5], $0x10, $0x38;
	[tilespmem:$0x13610] =	vst v63  }
0xb5: {  	_ =	swait.ge [sflag:s22], $0x10  }
0xb6: {  	[sflag:s22] =	ssyncset.done $0x0  }
0xb7: {  	[sflag:s22] =	ssyncadd.s32 $0xFFFFFFF0  }
0xb8: {  	v22 =	vld [tilespmem:$0xD200];
	_ =	sdelay $0x4  }
0xb9: {  	(v2sf) =	vpush v22, $0x0;
	_ =	sdelay $0xe  }
0xba: {  	s29 =	spop (v2sf)  }
0xbb: {  	p0 =	slt.s32 s29, $0x1  }
.Ltmp5:
0xbc: {  	_ = 	snop;
	(pc) =	sbr.rel @p0 .LBB2_11-.Ltmp5, $3  }
0xbd: {  	_ =	sdelay $0x1  }
0xbe: {  	[bflag:$0x0] =	sbarrier.arrive $0xFFFF  }
0xbf: {  	s28 =	simm.s32 $0x40  }
0xc0: {  	v22 =	vld [tilespmem:s28+$0xFFFFFFC0];
	_ =	sdelay $0x4  }
0xc1: {  	v22 =	vshll.u32 v22, $0x1  }
0xc2: {  	[tilespmem:$0xC100] =	vst v22  }
0xc3: {  	v22 =	vld [tilespmem:s28+$0xFFFFFFD0];
	_ =	sdelay $0x4  }
0xc4: {  	v22 =	vshll.u32 v22, $0x1  }
0xc5: {  	[tilespmem:$0xC110] =	vst v22  }
0xc6: {  	v22 =	vld [tilespmem:s28+$0xFFFFFFE0];
	_ =	sdelay $0x4  }
0xc7: {  	v22 =	vshll.u32 v22, $0x1  }
0xc8: {  	[tilespmem:$0xC120] =	vst v22  }
0xc9: {  	v22 =	vld [tilespmem:s28+$0xFFFFFFF0];
	_ =	sdelay $0x4  }
0xca: {  	v22 =	vshll.u32 v22, $0x1  }
0xcb: {  	[tilespmem:$0xC130] =	vst v22  }
0xcc: {  	v22 =	vld [tilespmem:s28+$0x0];
	_ =	sdelay $0x4  }
0xcd: {  	v22 =	vshll.u32 v22, $0x1  }
0xce: {  	[tilespmem:$0xC140] =	vst v22  }
0xcf: {  	v22 =	vld [tilespmem:s28+$0x10];
	_ =	sdelay $0x4  }
0xd0: {  	v22 =	vshll.u32 v22, $0x1  }
0xd1: {  	[tilespmem:$0xC150] =	vst v22  }
0xd2: {  	v22 =	vld [tilespmem:s28+$0x20];
	_ =	sdelay $0x4  }
0xd3: {  	v22 =	vshll.u32 v22, $0x1  }
0xd4: {  	[tilespmem:$0xC160] =	vst v22  }
0xd5: {  	v22 =	vld [tilespmem:s28+$0x30];
	_ =	sdelay $0x4  }
0xd6: {  	v22 =	vshll.u32 v22, $0x1  }
0xd7: {  	[tilespmem:$0xC170] =	vst v22  }
0xd8: {  	[tilespmem:s18], [sflag:$0x1] =	stream.indirect.gather [hbm4b:s0+s16], $0x40, s23, s16, $0xb8;
	[tilespmem:$0x13610] =	vst v63  }
0xd9: {  	_ =	swait.ge [sflag:s22], $0x2000  }
0xda: {  	[sflag:s22] =	ssyncset.done $0x0  }
0xdb: {  	[sflag:s22] =	ssyncadd.s32 $0xFFFFE000  }
0xdc: {  	[spmem:s3] =	stream.indirect.scatter.add.f32 [tilespmem:s18], [sflag:$0x2], $0x40, s26, s16, $0xb8;
	[tilespmem:$0x13610] =	vst v63  }
0xdd: {  	p0 =	sne.s32 s29, $0x1;
	_ =	swait.ge [sflag:s19], $0x2000  }
.Ltmp6:
0xde: {  	[sflag:s19] =	ssyncset.done $0x0;
	(pc) =	sbr.rel @!p0 .LBB2_10-.Ltmp6, $4  }
0xdf: {  	[sflag:s19] =	ssyncadd.s32 $0xFFFFE000  }
0xe0: {  	[spmem:s4] =	stream.indirect.scatter.add.f32 [tilespmem:s24], [sflag:$0x2], $0x10, s26, s16, $0xb8;
	[tilespmem:$0x13610] =	vst v63  }
0xe1: {  	_ =	swait.ge [sflag:s19], $0x800  }
0xe2: {  	s29 =	sadd.s32 $0xFFFFFFFF, s29;
	[sflag:s19] =	ssyncset.done $0x0  }
.LBB2_9:
0xe3: {  	[sflag:s19] =	ssyncadd.s32 $0xFFFFF800;
	s26 =	sadd.s32 $0x80, s26;
	s28 =	sadd.s32 $0x80, s28  }
0xe4: {  	p0 =	sne.s32 s29, $0x1;
	s29 =	sadd.s32 $0xFFFFFFFF, s29;
	v22 =	vld [tilespmem:s28+$0xFFFFFFC0];
	_ =	sdelay $0x4  }
0xe5: {  	v22 =	vshll.u32 v22, $0x1  }
0xe6: {  	[tilespmem:$0xC100] =	vst v22  }
0xe7: {  	v22 =	vld [tilespmem:s28+$0xFFFFFFD0];
	_ =	sdelay $0x4  }
0xe8: {  	v22 =	vshll.u32 v22, $0x1  }
0xe9: {  	[tilespmem:$0xC110] =	vst v22  }
0xea: {  	v22 =	vld [tilespmem:s28+$0xFFFFFFE0];
	_ =	sdelay $0x4  }
0xeb: {  	v22 =	vshll.u32 v22, $0x1  }
0xec: {  	[tilespmem:$0xC120] =	vst v22  }
0xed: {  	v22 =	vld [tilespmem:s28+$0xFFFFFFF0];
	_ =	sdelay $0x4  }
0xee: {  	v22 =	vshll.u32 v22, $0x1  }
0xef: {  	[tilespmem:$0xC130] =	vst v22  }
0xf0: {  	v22 =	vld [tilespmem:s28+$0x0];
	_ =	sdelay $0x4  }
0xf1: {  	v22 =	vshll.u32 v22, $0x1  }
0xf2: {  	[tilespmem:$0xC140] =	vst v22  }
0xf3: {  	v22 =	vld [tilespmem:s28+$0x10];
	_ =	sdelay $0x4  }
0xf4: {  	v22 =	vshll.u32 v22, $0x1  }
0xf5: {  	[tilespmem:$0xC150] =	vst v22  }
0xf6: {  	v22 =	vld [tilespmem:s28+$0x20];
	_ =	sdelay $0x4  }
0xf7: {  	v22 =	vshll.u32 v22, $0x1  }
0xf8: {  	[tilespmem:$0xC160] =	vst v22  }
0xf9: {  	v22 =	vld [tilespmem:s28+$0x30];
	_ =	sdelay $0x4  }
0xfa: {  	v22 =	vshll.u32 v22, $0x1  }
0xfb: {  	[tilespmem:$0xC170] =	vst v22  }
0xfc: {  	[tilespmem:s18], [sflag:$0x1] =	stream.indirect.gather [hbm4b:s0+s16], $0x40, s23, s16, $0xb8;
	[tilespmem:$0x13610] =	vst v63  }
0xfd: {  	_ =	swait.ge [sflag:s22], $0x2000  }
0xfe: {  	[sflag:s22] =	ssyncset.done $0x0  }
0xff: {  	[sflag:s22] =	ssyncadd.s32 $0xFFFFE000  }
0x100: {  	[spmem:s3] =	stream.indirect.scatter.add.f32 [tilespmem:s18], [sflag:$0x2], $0x40, s26, s16, $0xb8;
	[tilespmem:$0x13610] =	vst v63  }
0x101: {  	_ =	swait.ge [sflag:s19], $0x2000  }
.Ltmp7:
0x102: {  	[sflag:s19] =	ssyncset.done $0x0;
	(pc) =	sbr.rel @p0 .LBB2_9-.Ltmp7, $4  }
0x103: {  	[sflag:s19] =	ssyncadd.s32 $0xFFFFE000  }
0x104: {  	[spmem:s4] =	stream.indirect.scatter.add.f32 [tilespmem:s24], [sflag:$0x2], $0x10, s26, s16, $0xb8;
	[tilespmem:$0x13610] =	vst v63  }
0x105: {  	_ =	swait.ge [sflag:s19], $0x800  }
0x106: {  	[sflag:s19] =	ssyncset.done $0x0  }
.Ltmp8:
0x107: {  	_ = 	snop;
	(pc) =	sbr.rel .LBB2_10-.Ltmp8, $1  }
0x108: {  	_ =	sdelay $0x3  }
.LBB2_12:
0x109: {  	_ =	sfence.sel $0x180000  }
0x10a: {  	[bflag:$0x0] =	sbarrier.arrive $0xFFFF  }
0x10b: {  	_ =	strace $0x9000004D  }
0x10c: {  	s0 =	stileid.u32;
	[bflag:$0x2] =	sbarrier.arrive $0xFFFF  }
0x10d: {  	p0 =	sne.s32 s0, $0x0;
	s0 =	rddreg [dreg:$0x5]  }
0x10e: {  	s0 =	sadd.s32 @!p0 $0x100000, s0  }
0x10f: {  	[sflag:s0] =	ssyncadd.tile.s32 @!p0 $0x1;
	_ =	shalt  }
.Lfunc_end2:
_tile_overlayer_lowered:
.L_overlay_start_2:
0x110: {  	(tag) =	ssettag $0x2  }
0x111: {  	s0 =	rddreg [dreg:$0x0];
	s2 =	stileid.u32  }
0x112: {  	s1 =	rddreg [dreg:$0x1];
	p0 =	sne.s32 s2, $0x0  }
0x113: {  	s3 =	rddreg [dreg:$0x2];
	[bflag:$0x3] =	sbarrier.arrive $0xFFFF;
	s2 =	simm.s32 @!p0 $0x1C02  }
0x114: {  	[timem:s3], [sflag:s2] =	dma.local @!p0 [hbm:s0], s1  }
0x115: {  	s0 =	simm.s32 @!p0 $0x2  }
0x116: {  	_ =	swait.ge @!p0 [sflag:s0], s1  }
0x117: {  	s1 =	ssub.s32 @!p0 $0x0, s1;
	[sflag:s0] =	ssyncset.done @!p0 $0x0  }
0x118: {  	[sflag:s0] =	ssyncadd.s32 @!p0 s1  }
0x119: {  	[bflag:$0x3] =	sbarrier.arrive $0xFFFF  }
0x11a: {  	_ =	shalt  }

// kernel: kernel.15.cloned.1.call-start
scs
__scs_entry_jumppad:
0x0: {  	(pc) =	sbr.rel $0x88, $3  }
0x1: {  	(tag) =	ssettag $0x0;
	lr =	simm.s32 $0x1  }
0x2: {  	[smem:$0x3F9B] =	sst lr;
	_ =	strace $0xD0000000  }
0x3: {  	_ = 	snop  }
0x4: {  	_ = 	snop  }
0x5: {  	_ = 	snop  }
0x6: {  	_ = 	snop  }
0x7: {  	_ = 	snop  }
__scs_overlays_trampoline_lowered:
0x8: {  	[smem:$0x3FAA] =	sst s0  }
0x9: {  	[smem:$0x3FAB] =	sst s1  }
0xa: {  	[smem:$0x3FAC] =	sst s2  }
0xb: {  	[smem:$0x3FAD] =	sst s3  }
0xc: {  	[smem:$0x3FAE] =	sst s4  }
0xd: {  	[smem:$0x3FAF] =	sst s5  }
0xe: {  	[smem:$0x3FB0] =	sst s6  }
0xf: {  	[smem:$0x3FB1] =	sst s7  }
0x10: {  	[smem:$0x3FB2] =	sst s8  }
0x11: {  	[smem:$0x3FB3] =	sst s9;
	s0 =	simm.s32 @!p0 $0x0  }
0x12: {  	s1 =	sld [smem:$0x3F99];
	s0 =	simm.s32 @p0 $0x1  }
0x13: {  	[smem:$0x3FB4] =	sst s0;
	s0 =	simm.s32 @!p1 $0x0  }
0x14: {  	s2 =	sld [smem:$0x3F98];
	s0 =	simm.s32 @p1 $0x1  }
0x15: {  	[smem:$0x3FB5] =	sst s0;
	s0 =	simm.s32 @!p2 $0x0  }
0x16: {  	s3 =	sld [smem:$0x3FDB];
	s0 =	simm.s32 @p2 $0x1  }
0x17: {  	s4 =	simm.s32 $0x1BF5;
	[smem:$0x3FB7] =	sst s0  }
0x18: {  	s0 =	sld [smem:$0x3F9A];
	_ =	swait.ge [sflag:s4], $0x0  }
0x19: {  	s7 =	sld [smem:$0x3F9B]  }
0x1a: {  	s8 =	sadd.s32 $0xFFFFE003, lr  }
0x1b: {  	s9 =	sadd.s32 $0xFFFFFEF7, lr;
	s5 =	simm.s32 $0xFFFFFFFF;
	p2 =	slt.u32 s8, $0xFFFFF086  }
0x1c: {  	p1 =	slt.u32 s9, $0xF7A;
	s5 =	simm.s32 @!p2 $0x0  }
0x1d: {  	s5 =	simm.s32 @p1 $0x1;
	p0 =	seq.s32 s7, s2  }
0x1e: {  	s7 =	smul.u32 @!p0 $0xF7A, s2;
	p2 =	seq.s32 @!p0 s5, $0x0  }
0x1f: {  	s9 =	smul.u32 $0xF7A, s1;
	s8 =	simm.s32 @!p0 $0x1BF5;
	p2 =	por !p2, p0  }
0x20: {  	[sflag:s8] =	ssyncset.s32 @!p0 $0xFFFFF086;
	s6 =	sadd.s32 @!p0 s3, s7;
	s7 =	simm.s32 @!p0 $0x108  }
0x21: {  	s3 =	sadd.s32 s3, s9;
	s6 =	sadd.s32 @!p0 $0x88, s6;
	s7 =	simm.s32 @p2 $0x1082  }
0x22: {  	[simem:s7], [sflag:s8] =	dma.local @!p0 [hbm:s6], $0xF7A  }
0x23: {  	s9 =	sor.u32 $0xD0000000, s2;
	s6 =	simm.s32 $0x108;
	_ =	swait.ge @!p0 [sflag:s8], $0x0  }
0x24: {  	s3 =	sadd.s32 $0x88, s3;
	s6 =	simm.s32 @!p1 $0x1082;
	[sflag:s4] =	ssyncset.s32 $0xFFFFF086  }
0x25: {  	[simem:s6], [sflag:s4] =	dma.local [hbm:s3], $0xF7A  }
0x26: {  	[smem:$0x3F9B] =	sst s1;
	(tag) =	ssettag s2;
	_ =	strace s9  }
0x27: {  	s1 =	sld [smem:$0x3FAB]  }
0x28: {  	s2 =	sld [smem:$0x3FAC]  }
0x29: {  	s4 =	sld [smem:$0x3FAE]  }
0x2a: {  	p0 =	seq.s32 s5, $0x0;
	s5 =	sld [smem:$0x3FAF]  }
0x2b: {  	s6 =	sld [smem:$0x3FB0]  }
0x2c: {  	s7 =	sld [smem:$0x3FB1]  }
0x2d: {  	s3 =	simm.s32 $0x108;
	s8 =	sld [smem:$0x3FB2]  }
0x2e: {  	s3 =	simm.s32 @!p0 $0x1082;
	s9 =	sld [smem:$0x3FB3]  }
0x2f: {  	lr =	sadd.s32 s0, s3;
	s0 =	sld [smem:$0x3FAA]  }
0x30: {  	s3 =	sld [smem:$0x3FAD]  }
0x31: {  	[smem:$0x3FB6] =	sst s10  }
0x32: {  	s10 =	sld [smem:$0x3FB4];
	_ =	sdelay $0x3  }
0x33: {  	p0 =	seq.s32 s10, $0x1;
	s10 =	sld [smem:$0x3FB6];
	_ =	sdelay $0x3  }
0x34: {  	[smem:$0x3FB6] =	sst s10  }
0x35: {  	s10 =	sld [smem:$0x3FB5];
	_ =	sdelay $0x3  }
0x36: {  	p1 =	seq.s32 s10, $0x1;
	s10 =	sld [smem:$0x3FB6];
	_ =	sdelay $0x3  }
0x37: {  	[smem:$0x3FB6] =	sst s10  }
0x38: {  	s10 =	sld [smem:$0x3FB7]  }
0x39: {  	_ = 	snop;
	(pc) =	sbr.ind lr, $3  }
0x3a: {  	_ = 	snop  }
0x3b: {  	_ = 	snop  }
0x3c: {  	p2 =	seq.s32 s10, $0x1;
	s10 =	sld [smem:$0x3FB6]  }
0x3d: {  	_ =	shalt  }
0x3e: {  	_ =	shalt  }
0x3f: {  	_ =	shalt  }
0x40: {  	_ =	shalt  }
0x41: {  	_ =	shalt  }
0x42: {  	_ =	shalt  }
0x43: {  	_ =	shalt  }
0x44: {  	_ =	shalt  }
0x45: {  	_ =	shalt  }
0x46: {  	_ =	shalt  }
0x47: {  	_ =	shalt  }
0x48: {  	_ =	shalt  }
0x49: {  	_ =	shalt  }
0x4a: {  	_ =	shalt  }
0x4b: {  	_ =	shalt  }
0x4c: {  	_ =	shalt  }
0x4d: {  	_ =	shalt  }
0x4e: {  	_ =	shalt  }
0x4f: {  	_ =	shalt  }
0x50: {  	_ =	shalt  }
0x51: {  	_ =	shalt  }
0x52: {  	_ =	shalt  }
0x53: {  	_ =	shalt  }
0x54: {  	_ =	shalt  }
0x55: {  	_ =	shalt  }
0x56: {  	_ =	shalt  }
0x57: {  	_ =	shalt  }
0x58: {  	_ =	shalt  }
0x59: {  	_ =	shalt  }
0x5a: {  	_ =	shalt  }
0x5b: {  	_ =	shalt  }
0x5c: {  	_ =	shalt  }
0x5d: {  	_ =	shalt  }
0x5e: {  	_ =	shalt  }
0x5f: {  	_ =	shalt  }
0x60: {  	_ =	shalt  }
0x61: {  	_ =	shalt  }
0x62: {  	_ =	shalt  }
0x63: {  	_ =	shalt  }
0x64: {  	_ =	shalt  }
0x65: {  	_ =	shalt  }
0x66: {  	_ =	shalt  }
0x67: {  	_ =	shalt  }
0x68: {  	_ =	shalt  }
0x69: {  	_ =	shalt  }
0x6a: {  	_ =	shalt  }
0x6b: {  	_ =	shalt  }
0x6c: {  	_ =	shalt  }
0x6d: {  	_ =	shalt  }
0x6e: {  	_ =	shalt  }
0x6f: {  	_ =	shalt  }
0x70: {  	_ =	shalt  }
0x71: {  	_ =	shalt  }
0x72: {  	_ =	shalt  }
0x73: {  	_ =	shalt  }
0x74: {  	_ =	shalt  }
0x75: {  	_ =	shalt  }
0x76: {  	_ =	shalt  }
0x77: {  	_ =	shalt  }
0x78: {  	_ =	shalt  }
0x79: {  	_ =	shalt  }
0x7a: {  	_ =	shalt  }
0x7b: {  	_ =	shalt  }
0x7c: {  	_ =	shalt  }
0x7d: {  	_ =	shalt  }
0x7e: {  	_ =	shalt  }
0x7f: {  	_ =	shalt  }
0x80: {  	_ =	shalt  }
0x81: {  	_ =	shalt  }
0x82: {  	_ =	shalt  }
0x83: {  	_ =	shalt  }
0x84: {  	_ =	shalt  }
0x85: {  	_ =	shalt  }
0x86: {  	_ =	shalt  }
0x87: {  	_ =	shalt  }
.Lfunc_end0:
.L_simem_size_0:
called_computation.2_lowered:
.L_overlay_start_0:
0x88: {  	s2 =	sld [smem:$0x3FD9]  }
0x89: {  	s3 =	sld [smem:$0x3FFE];
	_ =	sdelay $0x1  }
0x8a: {  	s1 =	srdreg.scid  }
0x8b: {  	s0 =	sand.u32 $0x1, s1  }
0x8c: {  	s17 =	sshll.u32 s0, $0xA;
	s2 =	sadd.s32 s3, s2  }
0x8d: {  	s2 =	sadd.s32 s2, s17  }
0x8e: {  	[smem:$0x3FC2] =	sst s2  }
0x8f: {  	_ = 	snop  }
0x90: {  	s2 =	sld [smem:$0x3FC9];
	(tm) =	ssettm $0x1  }
0x91: {  	s18 =	sld [smem:$0x3FFB];
	_ =	sdelay $0x3  }
0x92: {  	_ =	strace s18  }
0x93: {  	s3 =	sld [smem:$0x3FFC];
	_ =	sdelay $0x3  }
0x94: {  	_ =	strace s3  }
0x95: {  	s3 =	sld [smem:$0x3FFD];
	_ =	sdelay $0x3  }
0x96: {  	_ =	strace s3  }
0x97: {  	_ =	strace $0x8FFFFFFF  }
0x98: {  	s19 =	sld [smem:$0x3FDB];
	_ =	sdelay $0x1  }
0x99: {  	s4 =	simm.s32 $_scs_section_size  }
0x9a: {  	s5 =	simm.s32 $_size__tile_overlayer_lowered;
	s6 =	simm.s32 $_tile_overlayer_lowered  }
0x9b: {  	s22 =	simm.s32 $0x1BFF;
	s21 =	sshll.u32 s6, $0x1;
	s3 =	sadd.s32 s4, s19  }
0x9c: {  	s7 =	simm.s32 $0x0;
	s20 =	sshll.u32 s5, $0x1;
	s5 =	sadd.s32 s21, s3  }
0x9d: {  	[timem:s7], [sflag:s22] =	dma.local [hbm:s5], s20  }
0x9e: {  	_ =	swait.ge [sflag:s22], s20  }
0x9f: {  	s4 =	ssub.s32 $0x0, s20;
	[sflag:s22] =	ssyncset.done $0x0  }
0xa0: {  	[sflag:s22] =	ssyncadd.s32 s4;
	_ =	sdelay $0x1  }
0xa1: {  	s23 =	simm.s32 $0x1B8B  }
0xa2: {  	_ =	swait.ge [sflag:s23], $0x1  }
0xa3: {  	[sflag:s23] =	ssyncset.done $0x0  }
0xa4: {  	s25 =	simm.s32 $0x1B8E;
	s24 =	sld [smem:$0x3FFE];
	[sflag:s23] =	ssyncadd.s32 $0xFFFFFFFF  }
0xa5: {  	s26 =	simm.s32 $execute0_lowered;
	[smem:$0x3FD2] =	sst s25  }
0xa6: {  	s5 =	sshll.u32 s26, $0x1;
	_ =	strace $0x80000049;
	[dreg:$0x1] =	wrdreg $0xFFFFFFFF  }
0xa7: {  	s28 =	simm.s32 $_size_execute0_lowered;
	s3 =	sadd.s32 s3, s5;
	[dreg:$0x0] =	wrdreg $0x0  }
0xa8: {  	s5 =	sshll.u32 s28, $0x1;
	[dreg:$0x2] =	wrdreg s3  }
0xa9: {  	[dreg:$0x3] =	wrdreg s5  }
0xaa: {  	[dreg:$0x4] =	wrdreg $0xC0  }
0xab: {  	_ =	task [dreg:s7], $0x5FFFF  }
0xac: {  	[dreg:$0x1] =	wrdreg $0xFFFFFFFF  }
0xad: {  	[dreg:$0x0] =	wrdreg $0x60  }
0xae: {  	[dreg:$0x2] =	wrdreg s2  }
0xaf: {  	[dreg:$0x3] =	wrdreg s24  }
0xb0: {  	[dreg:$0x4] =	wrdreg $0xC2100  }
0xb1: {  	[dreg:$0x5] =	wrdreg $0xA  }
0xb2: {  	_ =	task.clear_ibuf [dreg:s7], $0x6FFFF;
	_ =	strace $0x90000049  }
0xb3: {  	s29 =	simm.s32 $0xA;
	_ =	strace $0x8000004B  }
0xb4: {  	_ =	swait.ge [sflag:s29], $0x1  }
0xb5: {  	[sflag:s29] =	ssyncadd.s32 $0xFFFFFFFF  }
0xb6: {  	_ =	strace $0x9000004B  }
0xb7: {  	_ =	sfence  }
0xb8: {  	s30 =	sld [smem:$0x0];
	_ =	sdelay $0x2  }
0xb9: {  	s31 =	sshll.u32 s1, $0xD;
	s1 =	sshrl.u32 s1, $0x2  }
0xba: {  	s3 =	sand.u32 $0x4000, s31;
	s1 =	sadd.s32 s1, s30  }
0xbb: {  	s0 =	sor.u32 s3, s0;
	s1 =	sshll.u32 s1, $0x11  }
0xbc: {  	s0 =	sor.u32 s1, s0  }
0xbd: {  	s0 =	sadd.s32 $0x8F2B, s0  }
0xbe: {  	[sflag:s0] =	ssyncadd.remote.s32 $0x1  }
0xbf: {  	_ =	sfence.sel $0xFFFF  }
0xc0: {  	[dreg:$0x0] =	wrdreg $0xFFFFFFFF;
	(pc) =	sbr.abs _section_cstart, $3  }
0xc1: {  	[dreg:$0x1] =	wrdreg $0xFFFFFFFF  }
0xc2: {  	_ =	task.clear_ibuf [dreg:s7], $0x2FFFF;
	_ =	strace $0x9FFFFFFF  }
0xc3: {  	(tm) =	ssettm $0x7FFFFFFF  }
tec
execute0_lowered:
.L_overlay_start_1:
0x0: {  	(tag) =	ssettag $0x1  }
0x1: {  	s1 =	rddreg [dreg:$0x0];
	s0 =	srdreg.scid  }
0x2: {  	s5 =	rddreg [dreg:$0x1];
	s6 =	sand.u32 $0x1, s0  }
0x3: {  	s0 =	stileid.u32;
	s7 =	smul.u32 $0x50800, s6  }
0x4: {  	s3 =	rddreg [dreg:$0x2];
	s4 =	simm.s32 $0x0;
	s8 =	smul.u32 $0x5080, s0  }
0x5: {  	[smem:$0x7FF] =	sst s4;
	s9 =	smul.u32 $0x140, s0  }
0x6: {  	s2 =	rddreg [dreg:$0x3];
	s25 =	smul.u32 $0x1400, s6;
	_ =	strace $0x8000004A  }
0x7: {  	s10 =	ssub.s32 $0x2, s6;
	s11 =	sshll.u32 s0, $0x1;
	s30 =	sshll.u32 s6, $0x5  }
0x8: {  	s12 =	sshrl.u32 s10, $0x1;
	s11 =	sadd.s32 s11, s5;
	s7 =	sadd.s32 s8, s7  }
0x9: {  	s8 =	sadd.s32 s9, s25;
	s12 =	ssub.s32 s10, s12;
	s26 =	sor.u32 $0x10, s9  }
0xa: {  	s28 =	sor.u32 $0x20, s9;
	s29 =	sor.u32 $0x30, s9;
	s14 =	sadd.s32 $0x40, s9  }
0xb: {  	s15 =	sadd.s32 $0x50, s9;
	s16 =	sadd.s32 $0x60, s9;
	s17 =	sadd.s32 $0x70, s9  }
0xc: {  	s18 =	sadd.s32 $0x80, s9;
	s19 =	sadd.s32 $0x90, s9;
	s20 =	sadd.s32 $0xA0, s9  }
0xd: {  	s21 =	sadd.s32 $0xB0, s9;
	s22 =	sadd.s32 $0xC0, s9;
	s23 =	sadd.s32 $0xD0, s9  }
0xe: {  	s24 =	sadd.s32 $0xE0, s9;
	s25 =	sadd.s32 $0xF0, s9;
	s31 =	sadd.s32 s30, s11  }
0xf: {  	v19 =	vlaneseq.u32;
	s30 =	sadd.s32 $0x130, s9;
	s7 =	sshrl.u32 s7, $0x3;
	s8 =	sshll.u32 s8, $0x3  }
0x10: {  	v0 =	vor.u32 s26, v19;
	v1 =	vor.u32 s28, v19;
	v2 =	vor.u32 s29, v19;
	s26 =	sadd.s32 $0x100, s9;
	s28 =	sadd.s32 $0x110, s9;
	s29 =	sadd.s32 $0x120, s9  }
0x11: {  	v20 =	vimm.f32 $0.0e+00;
	v5 =	vor.u32 s9, v19;
	v3 =	vor.u32 s14, v19;
	s11 =	smax.u32 s12, $0x1;
	s12 =	simm.s32 $0x80;
	s14 =	simm.s32 $0xA100  }
.Ltmp0:
0x12: {  	v4 =	vor.u32 s15, v19;
	v6 =	vor.u32 s16, v19;
	v7 =	vor.u32 s17, v19;
	s15 =	simm.s32 $0x2;
	s16 =	simm.s32 $0xC200;
	(pc) =	sbr.rel .LBB2_1-.Ltmp0, $4  }
0x13: {  	v8 =	vor.u32 s18, v19;
	v9 =	vor.u32 s19, v19;
	v10 =	vor.u32 s20, v19;
	s17 =	simm.s32 $0x1;
	s18 =	simm.s32 $0xC100;
	s7 =	sadd.s32 s7, s5  }
0x14: {  	v11 =	vor.u32 s21, v19;
	v12 =	vor.u32 s22, v19;
	v13 =	vor.u32 s23, v19;
	s19 =	simm.s32 $0x0;
	s13 =	sadd.s32 s8, s5;
	s5 =	sadd.s32 $0xD800, s7  }
0x15: {  	v14 =	vor.u32 s24, v19;
	v15 =	vor.u32 s25, v19;
	v16 =	vor.u32 s26, v19;
	s6 =	sadd.s32 $0x21A00, s7;
	s7 =	sadd.s32 $0x35C00, s31;
	s8 =	sadd.s32 $0x35E00, s13  }
0x16: {  	v17 =	vor.u32 s28, v19;
	v18 =	vor.u32 s29, v19;
	v19 =	vor.u32 s30, v19;
	s9 =	sadd.s32 $0x36200, s13;
	s10 =	sadd.s32 $0x36600, s13;
	s13 =	simm.s32 $0xC180  }
.LBB2_6:
0x17: {  	[sflag:s15] =	ssyncadd.s32 $0xFFFFE000  }
.LBB2_7:
0x18: {  	[bflag:$0x0] =	sbarrier.arrive $0xFFFF  }
0x19: {  	[tilespmem:$0xC180] =	vst v5  }
0x1a: {  	[tilespmem:$0xC190] =	vst v0  }
0x1b: {  	[tilespmem:$0xC1A0] =	vst v1  }
0x1c: {  	[tilespmem:$0xC1B0] =	vst v2  }
0x1d: {  	[tilespmem:$0xC1C0] =	vst v3  }
0x1e: {  	[tilespmem:$0xC1D0] =	vst v4  }
0x1f: {  	[tilespmem:$0xC1E0] =	vst v6  }
0x20: {  	[tilespmem:$0xC1F0] =	vst v7  }
0x21: {  	[tilespmem:s14], [sflag:$0x1] =	stream.indirect.gather [spmem:s3], $0x40, s13, s12, $0xb8;
	[tilespmem:$0x11210] =	vst v63  }
0x22: {  	_ =	swait.ge [sflag:s17], $0x2000  }
0x23: {  	[sflag:s17] =	ssyncset.done $0x0  }
0x24: {  	[sflag:s17] =	ssyncadd.s32 $0xFFFFE000  }
0x25: {  	[hbm4b:s8+s4] =	stream.linear.scatter [tilespmem:s14], [sflag:$0x2], $0x2000, $0x38;
	[tilespmem:$0x11210] =	vst v63  }
0x26: {  	_ =	swait.ge [sflag:s15], $0x2000  }
0x27: {  	[sflag:s15] =	ssyncset.done $0x0  }
0x28: {  	[sflag:s15] =	ssyncadd.s32 $0xFFFFE000  }
0x29: {  	[tilespmem:$0xC180] =	vst v8  }
0x2a: {  	[tilespmem:$0xC190] =	vst v9  }
0x2b: {  	[tilespmem:$0xC1A0] =	vst v10  }
0x2c: {  	[tilespmem:$0xC1B0] =	vst v11  }
0x2d: {  	[tilespmem:$0xC1C0] =	vst v12  }
0x2e: {  	[tilespmem:$0xC1D0] =	vst v13  }
0x2f: {  	[tilespmem:$0xC1E0] =	vst v14  }
0x30: {  	[tilespmem:$0xC1F0] =	vst v15  }
0x31: {  	[tilespmem:s14], [sflag:$0x1] =	stream.indirect.gather [spmem:s3], $0x40, s13, s12, $0xb8;
	[tilespmem:$0x11210] =	vst v63  }
0x32: {  	_ =	swait.ge [sflag:s17], $0x2000  }
0x33: {  	[sflag:s17] =	ssyncset.done $0x0  }
0x34: {  	[sflag:s17] =	ssyncadd.s32 $0xFFFFE000  }
0x35: {  	[hbm4b:s9+s4] =	stream.linear.scatter [tilespmem:s14], [sflag:$0x2], $0x2000, $0x38;
	[tilespmem:$0x11210] =	vst v63  }
0x36: {  	_ =	swait.ge [sflag:s15], $0x2000  }
0x37: {  	[sflag:s15] =	ssyncset.done $0x0  }
0x38: {  	[sflag:s15] =	ssyncadd.s32 $0xFFFFE000  }
0x39: {  	[tilespmem:$0xC180] =	vst v16  }
0x3a: {  	[tilespmem:$0xC190] =	vst v17  }
0x3b: {  	[tilespmem:$0xC1A0] =	vst v18  }
0x3c: {  	[tilespmem:$0xC1B0] =	vst v19  }
0x3d: {  	[tilespmem:$0xC1C0] =	vst v16  }
0x3e: {  	[tilespmem:$0xC1D0] =	vst v17  }
0x3f: {  	[tilespmem:$0xC1E0] =	vst v18  }
0x40: {  	[tilespmem:$0xC1F0] =	vst v19  }
0x41: {  	[tilespmem:s14], [sflag:$0x1] =	stream.indirect.gather [spmem:s3], $0x40, s13, s12, $0xb8;
	[tilespmem:$0x11210] =	vst v63  }
0x42: {  	s19 =	sadd.s32 $0x1, s19;
	_ =	swait.ge [sflag:s17], $0x2000  }
0x43: {  	p0 =	sne.s32 s19, s11;
	[sflag:s17] =	ssyncset.done $0x0  }
.Ltmp1:
0x44: {  	[sflag:s17] =	ssyncadd.s32 $0xFFFFE000;
	(pc) =	sbr.rel @!p0 .LBB2_8-.Ltmp1, $4  }
0x45: {  	[hbm4b:s10+s4] =	stream.linear.scatter [tilespmem:s14], [sflag:$0x2], $0x1000, $0x38;
	[tilespmem:$0x11210] =	vst v63  }
0x46: {  	_ =	swait.ge [sflag:s15], $0x1000  }
0x47: {  	[sflag:s15] =	ssyncset.done $0x0  }
0x48: {  	[sflag:s15] =	ssyncadd.s32 $0xFFFFF000  }
.LBB2_1:
0x49: {  	s21 =	simm.s32 $0x100;
	s20 =	simm.s32 $0x0  }
.LBB2_2:
0x4a: {  	p0 =	sne.s32 s21, $0x7F00;
	[tilespmem:s20+$0xA130] =	vst v20;
	s22 =	smov.u32 s21;
	s21 =	sadd.s32 $0x100, s21  }
.Ltmp2:
0x4b: {  	[tilespmem:s20+$0xA120] =	vst v20;
	(pc) =	sbr.rel @p0 .LBB2_2-.Ltmp2, $3  }
0x4c: {  	[tilespmem:s20+$0xA100] =	vst v20  }
0x4d: {  	[tilespmem:s20+$0xA110] =	vst v20;
	_ =	sdelay $0x1  }
0x4e: {  	s20 =	sshra.s32 s22, $0x2  }
0x4f: {  	[tilespmem:s20+$0xA130] =	vst v20  }
0x50: {  	[tilespmem:s20+$0xA120] =	vst v20  }
0x51: {  	[tilespmem:s20+$0xA100] =	vst v20  }
0x52: {  	[tilespmem:s20+$0xA110] =	vst v20  }
0x53: {  	[tilespmem:$0xC180] =	vst v5  }
0x54: {  	[tilespmem:$0xC190] =	vst v0  }
0x55: {  	[tilespmem:$0xC1A0] =	vst v1  }
0x56: {  	[tilespmem:$0xC1B0] =	vst v2  }
0x57: {  	[tilespmem:$0xC1C0] =	vst v3  }
0x58: {  	[tilespmem:$0xC1D0] =	vst v4  }
0x59: {  	[tilespmem:$0xC1E0] =	vst v6  }
0x5a: {  	[tilespmem:$0xC1F0] =	vst v7  }
0x5b: {  	[spmem:s3] =	stream.indirect.scatter [tilespmem:s14], [sflag:$0x2], $0x40, s13, s12, $0xb8;
	[tilespmem:$0x11210] =	vst v63  }
0x5c: {  	_ =	swait.ge [sflag:s15], $0x2000  }
0x5d: {  	[sflag:s15] =	ssyncset.done $0x0  }
0x5e: {  	[sflag:s15] =	ssyncadd.s32 $0xFFFFE000  }
0x5f: {  	[tilespmem:$0xC180] =	vst v8  }
0x60: {  	[tilespmem:$0xC190] =	vst v9  }
0x61: {  	[tilespmem:$0xC1A0] =	vst v10  }
0x62: {  	[tilespmem:$0xC1B0] =	vst v11  }
0x63: {  	[tilespmem:$0xC1C0] =	vst v12  }
0x64: {  	[tilespmem:$0xC1D0] =	vst v13  }
0x65: {  	[tilespmem:$0xC1E0] =	vst v14  }
0x66: {  	[tilespmem:$0xC1F0] =	vst v15  }
0x67: {  	[spmem:s3] =	stream.indirect.scatter [tilespmem:s14], [sflag:$0x2], $0x40, s13, s12, $0xb8;
	[tilespmem:$0x11210] =	vst v63  }
0x68: {  	_ =	swait.ge [sflag:s15], $0x2000  }
0x69: {  	[sflag:s15] =	ssyncset.done $0x0  }
0x6a: {  	[sflag:s15] =	ssyncadd.s32 $0xFFFFE000  }
0x6b: {  	[tilespmem:$0xC180] =	vst v16  }
0x6c: {  	[tilespmem:$0xC190] =	vst v17  }
0x6d: {  	[tilespmem:$0xC1A0] =	vst v18  }
0x6e: {  	[tilespmem:$0xC1B0] =	vst v19  }
0x6f: {  	[tilespmem:$0xC1C0] =	vst v16  }
0x70: {  	[tilespmem:$0xC1D0] =	vst v17  }
0x71: {  	[tilespmem:$0xC1E0] =	vst v18  }
0x72: {  	[tilespmem:$0xC1F0] =	vst v19  }
0x73: {  	[spmem:s3] =	stream.indirect.scatter [tilespmem:s14], [sflag:$0x2], $0x40, s13, s12, $0xb8;
	[tilespmem:$0x11210] =	vst v63  }
0x74: {  	_ =	swait.ge [sflag:s15], $0x2000  }
0x75: {  	[sflag:s15] =	ssyncset.done $0x0  }
0x76: {  	[sflag:s15] =	ssyncadd.s32 $0xFFFFE000  }
0x77: {  	[tilespmem:s4], [sflag:$0x2] =	stream.linear.gather [hbm4b:s5+s4], $0x5080, $0x38;
	[tilespmem:$0x11210] =	vst v63  }
0x78: {  	_ =	swait.ge [sflag:s15], $0x5080  }
0x79: {  	[sflag:s15] =	ssyncset.done $0x0  }
0x7a: {  	s20 =	simm.s32 $0x5080;
	[sflag:s15] =	ssyncadd.s32 $0xFFFFAF80  }
0x7b: {  	[tilespmem:s20], [sflag:$0x2] =	stream.linear.gather [hbm4b:s6+s4], $0x5080, $0x38;
	[tilespmem:$0x11210] =	vst v63  }
0x7c: {  	_ =	swait.ge [sflag:s15], $0x5080  }
0x7d: {  	[sflag:s15] =	ssyncset.done $0x0  }
0x7e: {  	[sflag:s15] =	ssyncadd.s32 $0xFFFFAF80  }
0x7f: {  	[tilespmem:s16], [sflag:$0x1] =	stream.linear.gather [hbm4b:s7+s4], $0x10, $0x38;
	[tilespmem:$0x11210] =	vst v63  }
0x80: {  	_ =	swait.ge [sflag:s17], $0x10  }
0x81: {  	[sflag:s17] =	ssyncset.done $0x0  }
0x82: {  	[sflag:s17] =	ssyncadd.s32 $0xFFFFFFF0  }
0x83: {  	v21 =	vld [tilespmem:$0xC200];
	_ =	sdelay $0x4  }
0x84: {  	(v2sf) =	vpush v21, $0x0;
	_ =	sdelay $0xe  }
0x85: {  	s22 =	spop (v2sf)  }
0x86: {  	p0 =	slt.s32 s22, $0x1  }
.Ltmp3:
0x87: {  	_ = 	snop;
	(pc) =	sbr.rel @p0 .LBB2_7-.Ltmp3, $3  }
0x88: {  	_ =	sdelay $0x1  }
0x89: {  	[bflag:$0x0] =	sbarrier.arrive $0xFFFF  }
0x8a: {  	s21 =	simm.s32 $0x40  }
0x8b: {  	v21 =	vld [tilespmem:s21+$0xFFFFFFC0];
	_ =	sdelay $0x4  }
0x8c: {  	v21 =	vshll.u32 v21, $0x1  }
0x8d: {  	v21 =	vor.u32 $0x1, v21  }
0x8e: {  	[tilespmem:$0xC100] =	vst v21  }
0x8f: {  	v21 =	vld [tilespmem:s21+$0xFFFFFFD0];
	_ =	sdelay $0x4  }
0x90: {  	v21 =	vshll.u32 v21, $0x1  }
0x91: {  	v21 =	vor.u32 $0x1, v21  }
0x92: {  	[tilespmem:$0xC110] =	vst v21  }
0x93: {  	v21 =	vld [tilespmem:s21+$0xFFFFFFE0];
	_ =	sdelay $0x4  }
0x94: {  	v21 =	vshll.u32 v21, $0x1  }
0x95: {  	v21 =	vor.u32 $0x1, v21  }
0x96: {  	[tilespmem:$0xC120] =	vst v21  }
0x97: {  	v21 =	vld [tilespmem:s21+$0xFFFFFFF0];
	_ =	sdelay $0x4  }
0x98: {  	v21 =	vshll.u32 v21, $0x1  }
0x99: {  	v21 =	vor.u32 $0x1, v21  }
0x9a: {  	[tilespmem:$0xC130] =	vst v21  }
0x9b: {  	v21 =	vld [tilespmem:s21+$0x0];
	_ =	sdelay $0x4  }
0x9c: {  	v21 =	vshll.u32 v21, $0x1  }
0x9d: {  	v21 =	vor.u32 $0x1, v21  }
0x9e: {  	[tilespmem:$0xC140] =	vst v21  }
0x9f: {  	v21 =	vld [tilespmem:s21+$0x10];
	_ =	sdelay $0x4  }
0xa0: {  	v21 =	vshll.u32 v21, $0x1  }
0xa1: {  	v21 =	vor.u32 $0x1, v21  }
0xa2: {  	[tilespmem:$0xC150] =	vst v21  }
0xa3: {  	v21 =	vld [tilespmem:s21+$0x20];
	_ =	sdelay $0x4  }
0xa4: {  	v21 =	vshll.u32 v21, $0x1  }
0xa5: {  	v21 =	vor.u32 $0x1, v21  }
0xa6: {  	[tilespmem:$0xC160] =	vst v21  }
0xa7: {  	v21 =	vld [tilespmem:s21+$0x30];
	_ =	sdelay $0x4  }
0xa8: {  	v21 =	vshll.u32 v21, $0x1  }
0xa9: {  	v21 =	vor.u32 $0x1, v21  }
0xaa: {  	[tilespmem:$0xC170] =	vst v21  }
0xab: {  	[tilespmem:s14], [sflag:$0x1] =	stream.indirect.gather [hbm4b:s1+s12], $0x40, s18, s12, $0xb8;
	[tilespmem:$0x11210] =	vst v63  }
0xac: {  	p0 =	sne.s32 s22, $0x1;
	_ =	swait.ge [sflag:s17], $0x2000  }
.Ltmp4:
0xad: {  	[sflag:s17] =	ssyncset.done $0x0;
	(pc) =	sbr.rel @!p0 .LBB2_6-.Ltmp4, $4  }
0xae: {  	[sflag:s17] =	ssyncadd.s32 $0xFFFFE000  }
0xaf: {  	[spmem:s3] =	stream.indirect.scatter.add.f32 [tilespmem:s14], [sflag:$0x2], $0x40, s20, s12, $0xb8;
	[tilespmem:$0x11210] =	vst v63  }
0xb0: {  	_ =	swait.ge [sflag:s15], $0x2000  }
0xb1: {  	s22 =	sadd.s32 $0xFFFFFFFF, s22;
	[sflag:s15] =	ssyncset.done $0x0  }
.LBB2_5:
0xb2: {  	[sflag:s15] =	ssyncadd.s32 $0xFFFFE000;
	s20 =	sadd.s32 $0x80, s20;
	s21 =	sadd.s32 $0x80, s21  }
0xb3: {  	p0 =	sne.s32 s22, $0x1;
	s22 =	sadd.s32 $0xFFFFFFFF, s22;
	v21 =	vld [tilespmem:s21+$0xFFFFFFC0];
	_ =	sdelay $0x4  }
0xb4: {  	v21 =	vshll.u32 v21, $0x1  }
0xb5: {  	v21 =	vor.u32 $0x1, v21  }
0xb6: {  	[tilespmem:$0xC100] =	vst v21  }
0xb7: {  	v21 =	vld [tilespmem:s21+$0xFFFFFFD0];
	_ =	sdelay $0x4  }
0xb8: {  	v21 =	vshll.u32 v21, $0x1  }
0xb9: {  	v21 =	vor.u32 $0x1, v21  }
0xba: {  	[tilespmem:$0xC110] =	vst v21  }
0xbb: {  	v21 =	vld [tilespmem:s21+$0xFFFFFFE0];
	_ =	sdelay $0x4  }
0xbc: {  	v21 =	vshll.u32 v21, $0x1  }
0xbd: {  	v21 =	vor.u32 $0x1, v21  }
0xbe: {  	[tilespmem:$0xC120] =	vst v21  }
0xbf: {  	v21 =	vld [tilespmem:s21+$0xFFFFFFF0];
	_ =	sdelay $0x4  }
0xc0: {  	v21 =	vshll.u32 v21, $0x1  }
0xc1: {  	v21 =	vor.u32 $0x1, v21  }
0xc2: {  	[tilespmem:$0xC130] =	vst v21  }
0xc3: {  	v21 =	vld [tilespmem:s21+$0x0];
	_ =	sdelay $0x4  }
0xc4: {  	v21 =	vshll.u32 v21, $0x1  }
0xc5: {  	v21 =	vor.u32 $0x1, v21  }
0xc6: {  	[tilespmem:$0xC140] =	vst v21  }
0xc7: {  	v21 =	vld [tilespmem:s21+$0x10];
	_ =	sdelay $0x4  }
0xc8: {  	v21 =	vshll.u32 v21, $0x1  }
0xc9: {  	v21 =	vor.u32 $0x1, v21  }
0xca: {  	[tilespmem:$0xC150] =	vst v21  }
0xcb: {  	v21 =	vld [tilespmem:s21+$0x20];
	_ =	sdelay $0x4  }
0xcc: {  	v21 =	vshll.u32 v21, $0x1  }
0xcd: {  	v21 =	vor.u32 $0x1, v21  }
0xce: {  	[tilespmem:$0xC160] =	vst v21  }
0xcf: {  	v21 =	vld [tilespmem:s21+$0x30];
	_ =	sdelay $0x4  }
0xd0: {  	v21 =	vshll.u32 v21, $0x1  }
0xd1: {  	v21 =	vor.u32 $0x1, v21  }
0xd2: {  	[tilespmem:$0xC170] =	vst v21  }
0xd3: {  	[tilespmem:s14], [sflag:$0x1] =	stream.indirect.gather [hbm4b:s1+s12], $0x40, s18, s12, $0xb8;
	[tilespmem:$0x11210] =	vst v63  }
0xd4: {  	_ =	swait.ge [sflag:s17], $0x2000  }
.Ltmp5:
0xd5: {  	[sflag:s17] =	ssyncset.done $0x0;
	(pc) =	sbr.rel @p0 .LBB2_5-.Ltmp5, $4  }
0xd6: {  	[sflag:s17] =	ssyncadd.s32 $0xFFFFE000  }
0xd7: {  	[spmem:s3] =	stream.indirect.scatter.add.f32 [tilespmem:s14], [sflag:$0x2], $0x40, s20, s12, $0xb8;
	[tilespmem:$0x11210] =	vst v63  }
0xd8: {  	_ =	swait.ge [sflag:s15], $0x2000  }
0xd9: {  	[sflag:s15] =	ssyncset.done $0x0  }
.Ltmp6:
0xda: {  	_ = 	snop;
	(pc) =	sbr.rel .LBB2_6-.Ltmp6, $1  }
0xdb: {  	_ =	sdelay $0x3  }
.LBB2_8:
0xdc: {  	_ =	sfence.sel $0x180000  }
0xdd: {  	[bflag:$0x0] =	sbarrier.arrive $0xFFFF  }
0xde: {  	p0 =	sne.s32 s0, $0x0;
	_ =	strace $0x9000004A  }
0xdf: {  	s0 =	sadd.s32 @!p0 $0x100000, s2;
	[bflag:$0x2] =	sbarrier.arrive $0xFFFF  }
0xe0: {  	[sflag:s0] =	ssyncadd.tile.s32 @!p0 $0x1;
	_ =	shalt  }
.Lfunc_end2:
_tile_overlayer_lowered:
.L_overlay_start_2:
0xe1: {  	(tag) =	ssettag $0x2  }
0xe2: {  	s0 =	rddreg [dreg:$0x0];
	s2 =	stileid.u32  }
0xe3: {  	s1 =	rddreg [dreg:$0x1];
	p0 =	sne.s32 s2, $0x0  }
0xe4: {  	s3 =	rddreg [dreg:$0x2];
	[bflag:$0x3] =	sbarrier.arrive $0xFFFF;
	s2 =	simm.s32 @!p0 $0x1C02  }
0xe5: {  	[timem:s3], [sflag:s2] =	dma.local @!p0 [hbm:s0], s1  }
0xe6: {  	s0 =	simm.s32 @!p0 $0x2  }
0xe7: {  	_ =	swait.ge @!p0 [sflag:s0], s1  }
0xe8: {  	s1 =	ssub.s32 @!p0 $0x0, s1;
	[sflag:s0] =	ssyncset.done @!p0 $0x0  }
0xe9: {  	[sflag:s0] =	ssyncadd.s32 @!p0 s1  }
0xea: {  	[bflag:$0x3] =	sbarrier.arrive $0xFFFF  }
0xeb: {  	_ =	shalt  }

// kernel: kernel.18.cloned.1.call-start
scs
__scs_entry_jumppad:
0x0: {  	(pc) =	sbr.rel $0x88, $3  }
0x1: {  	(tag) =	ssettag $0x0;
	lr =	simm.s32 $0x1  }
0x2: {  	[smem:$0x3F9B] =	sst lr;
	_ =	strace $0xD0000000  }
0x3: {  	_ = 	snop  }
0x4: {  	_ = 	snop  }
0x5: {  	_ = 	snop  }
0x6: {  	_ = 	snop  }
0x7: {  	_ = 	snop  }
__scs_overlays_trampoline_lowered:
0x8: {  	[smem:$0x3FAA] =	sst s0  }
0x9: {  	[smem:$0x3FAB] =	sst s1  }
0xa: {  	[smem:$0x3FAC] =	sst s2  }
0xb: {  	[smem:$0x3FAD] =	sst s3  }
0xc: {  	[smem:$0x3FAE] =	sst s4  }
0xd: {  	[smem:$0x3FAF] =	sst s5  }
0xe: {  	[smem:$0x3FB0] =	sst s6  }
0xf: {  	[smem:$0x3FB1] =	sst s7  }
0x10: {  	[smem:$0x3FB2] =	sst s8  }
0x11: {  	[smem:$0x3FB3] =	sst s9;
	s0 =	simm.s32 @!p0 $0x0  }
0x12: {  	s1 =	sld [smem:$0x3F99];
	s0 =	simm.s32 @p0 $0x1  }
0x13: {  	[smem:$0x3FB4] =	sst s0;
	s0 =	simm.s32 @!p1 $0x0  }
0x14: {  	s2 =	sld [smem:$0x3F98];
	s0 =	simm.s32 @p1 $0x1  }
0x15: {  	[smem:$0x3FB5] =	sst s0;
	s0 =	simm.s32 @!p2 $0x0  }
0x16: {  	s3 =	sld [smem:$0x3FDB];
	s0 =	simm.s32 @p2 $0x1  }
0x17: {  	s4 =	simm.s32 $0x1BF5;
	[smem:$0x3FB7] =	sst s0  }
0x18: {  	s0 =	sld [smem:$0x3F9A];
	_ =	swait.ge [sflag:s4], $0x0  }
0x19: {  	s7 =	sld [smem:$0x3F9B]  }
0x1a: {  	s8 =	sadd.s32 $0xFFFFE003, lr  }
0x1b: {  	s9 =	sadd.s32 $0xFFFFFEF7, lr;
	s5 =	simm.s32 $0xFFFFFFFF;
	p2 =	slt.u32 s8, $0xFFFFF086  }
0x1c: {  	p1 =	slt.u32 s9, $0xF7A;
	s5 =	simm.s32 @!p2 $0x0  }
0x1d: {  	s5 =	simm.s32 @p1 $0x1;
	p0 =	seq.s32 s7, s2  }
0x1e: {  	s7 =	smul.u32 @!p0 $0xF7A, s2;
	p2 =	seq.s32 @!p0 s5, $0x0  }
0x1f: {  	s9 =	smul.u32 $0xF7A, s1;
	s8 =	simm.s32 @!p0 $0x1BF5;
	p2 =	por !p2, p0  }
0x20: {  	[sflag:s8] =	ssyncset.s32 @!p0 $0xFFFFF086;
	s6 =	sadd.s32 @!p0 s3, s7;
	s7 =	simm.s32 @!p0 $0x108  }
0x21: {  	s3 =	sadd.s32 s3, s9;
	s6 =	sadd.s32 @!p0 $0x88, s6;
	s7 =	simm.s32 @p2 $0x1082  }
0x22: {  	[simem:s7], [sflag:s8] =	dma.local @!p0 [hbm:s6], $0xF7A  }
0x23: {  	s9 =	sor.u32 $0xD0000000, s2;
	s6 =	simm.s32 $0x108;
	_ =	swait.ge @!p0 [sflag:s8], $0x0  }
0x24: {  	s3 =	sadd.s32 $0x88, s3;
	s6 =	simm.s32 @!p1 $0x1082;
	[sflag:s4] =	ssyncset.s32 $0xFFFFF086  }
0x25: {  	[simem:s6], [sflag:s4] =	dma.local [hbm:s3], $0xF7A  }
0x26: {  	[smem:$0x3F9B] =	sst s1;
	(tag) =	ssettag s2;
	_ =	strace s9  }
0x27: {  	s1 =	sld [smem:$0x3FAB]  }
0x28: {  	s2 =	sld [smem:$0x3FAC]  }
0x29: {  	s4 =	sld [smem:$0x3FAE]  }
0x2a: {  	p0 =	seq.s32 s5, $0x0;
	s5 =	sld [smem:$0x3FAF]  }
0x2b: {  	s6 =	sld [smem:$0x3FB0]  }
0x2c: {  	s7 =	sld [smem:$0x3FB1]  }
0x2d: {  	s3 =	simm.s32 $0x108;
	s8 =	sld [smem:$0x3FB2]  }
0x2e: {  	s3 =	simm.s32 @!p0 $0x1082;
	s9 =	sld [smem:$0x3FB3]  }
0x2f: {  	lr =	sadd.s32 s0, s3;
	s0 =	sld [smem:$0x3FAA]  }
0x30: {  	s3 =	sld [smem:$0x3FAD]  }
0x31: {  	[smem:$0x3FB6] =	sst s10  }
0x32: {  	s10 =	sld [smem:$0x3FB4];
	_ =	sdelay $0x3  }
0x33: {  	p0 =	seq.s32 s10, $0x1;
	s10 =	sld [smem:$0x3FB6];
	_ =	sdelay $0x3  }
0x34: {  	[smem:$0x3FB6] =	sst s10  }
0x35: {  	s10 =	sld [smem:$0x3FB5];
	_ =	sdelay $0x3  }
0x36: {  	p1 =	seq.s32 s10, $0x1;
	s10 =	sld [smem:$0x3FB6];
	_ =	sdelay $0x3  }
0x37: {  	[smem:$0x3FB6] =	sst s10  }
0x38: {  	s10 =	sld [smem:$0x3FB7]  }
0x39: {  	_ = 	snop;
	(pc) =	sbr.ind lr, $3  }
0x3a: {  	_ = 	snop  }
0x3b: {  	_ = 	snop  }
0x3c: {  	p2 =	seq.s32 s10, $0x1;
	s10 =	sld [smem:$0x3FB6]  }
0x3d: {  	_ =	shalt  }
0x3e: {  	_ =	shalt  }
0x3f: {  	_ =	shalt  }
0x40: {  	_ =	shalt  }
0x41: {  	_ =	shalt  }
0x42: {  	_ =	shalt  }
0x43: {  	_ =	shalt  }
0x44: {  	_ =	shalt  }
0x45: {  	_ =	shalt  }
0x46: {  	_ =	shalt  }
0x47: {  	_ =	shalt  }
0x48: {  	_ =	shalt  }
0x49: {  	_ =	shalt  }
0x4a: {  	_ =	shalt  }
0x4b: {  	_ =	shalt  }
0x4c: {  	_ =	shalt  }
0x4d: {  	_ =	shalt  }
0x4e: {  	_ =	shalt  }
0x4f: {  	_ =	shalt  }
0x50: {  	_ =	shalt  }
0x51: {  	_ =	shalt  }
0x52: {  	_ =	shalt  }
0x53: {  	_ =	shalt  }
0x54: {  	_ =	shalt  }
0x55: {  	_ =	shalt  }
0x56: {  	_ =	shalt  }
0x57: {  	_ =	shalt  }
0x58: {  	_ =	shalt  }
0x59: {  	_ =	shalt  }
0x5a: {  	_ =	shalt  }
0x5b: {  	_ =	shalt  }
0x5c: {  	_ =	shalt  }
0x5d: {  	_ =	shalt  }
0x5e: {  	_ =	shalt  }
0x5f: {  	_ =	shalt  }
0x60: {  	_ =	shalt  }
0x61: {  	_ =	shalt  }
0x62: {  	_ =	shalt  }
0x63: {  	_ =	shalt  }
0x64: {  	_ =	shalt  }
0x65: {  	_ =	shalt  }
0x66: {  	_ =	shalt  }
0x67: {  	_ =	shalt  }
0x68: {  	_ =	shalt  }
0x69: {  	_ =	shalt  }
0x6a: {  	_ =	shalt  }
0x6b: {  	_ =	shalt  }
0x6c: {  	_ =	shalt  }
0x6d: {  	_ =	shalt  }
0x6e: {  	_ =	shalt  }
0x6f: {  	_ =	shalt  }
0x70: {  	_ =	shalt  }
0x71: {  	_ =	shalt  }
0x72: {  	_ =	shalt  }
0x73: {  	_ =	shalt  }
0x74: {  	_ =	shalt  }
0x75: {  	_ =	shalt  }
0x76: {  	_ =	shalt  }
0x77: {  	_ =	shalt  }
0x78: {  	_ =	shalt  }
0x79: {  	_ =	shalt  }
0x7a: {  	_ =	shalt  }
0x7b: {  	_ =	shalt  }
0x7c: {  	_ =	shalt  }
0x7d: {  	_ =	shalt  }
0x7e: {  	_ =	shalt  }
0x7f: {  	_ =	shalt  }
0x80: {  	_ =	shalt  }
0x81: {  	_ =	shalt  }
0x82: {  	_ =	shalt  }
0x83: {  	_ =	shalt  }
0x84: {  	_ =	shalt  }
0x85: {  	_ =	shalt  }
0x86: {  	_ =	shalt  }
0x87: {  	_ =	shalt  }
.Lfunc_end0:
.L_simem_size_0:
called_computation.3_lowered:
.L_overlay_start_0:
0x88: {  	s2 =	sld [smem:$0x3FD9]  }
0x89: {  	s3 =	sld [smem:$0x3FFE];
	_ =	sdelay $0x1  }
0x8a: {  	s1 =	srdreg.scid  }
0x8b: {  	s0 =	sand.u32 $0x1, s1  }
0x8c: {  	s17 =	sshll.u32 s0, $0xA;
	s2 =	sadd.s32 s3, s2  }
0x8d: {  	s2 =	sadd.s32 s2, s17  }
0x8e: {  	[smem:$0x3FC2] =	sst s2  }
0x8f: {  	_ = 	snop  }
0x90: {  	s18 =	sld [smem:$0x3FD0];
	(tm) =	ssettm $0x1  }
0x91: {  	s19 =	sld [smem:$0x3FFB];
	_ =	sdelay $0x3  }
0x92: {  	_ =	strace s19  }
0x93: {  	s2 =	sld [smem:$0x3FFC];
	_ =	sdelay $0x3  }
0x94: {  	_ =	strace s2  }
0x95: {  	s2 =	sld [smem:$0x3FFD];
	_ =	sdelay $0x3  }
0x96: {  	_ =	strace s2  }
0x97: {  	_ =	strace $0x8FFFFFFF  }
0x98: {  	s20 =	sld [smem:$0x3FDB];
	_ =	sdelay $0x1  }
0x99: {  	s4 =	simm.s32 $_scs_section_size  }
0x9a: {  	s5 =	simm.s32 $_size__tile_overlayer_lowered;
	s6 =	simm.s32 $_tile_overlayer_lowered  }
0x9b: {  	s7 =	simm.s32 $0x1BFF;
	s21 =	sshll.u32 s6, $0x1;
	s4 =	sadd.s32 s4, s20  }
0x9c: {  	s22 =	simm.s32 $0x0;
	s5 =	sshll.u32 s5, $0x1;
	s6 =	sadd.s32 s21, s4  }
0x9d: {  	[timem:s22], [sflag:s7] =	dma.local [hbm:s6], s5  }
0x9e: {  	_ =	swait.ge [sflag:s7], s5  }
0x9f: {  	s5 =	ssub.s32 $0x0, s5;
	[sflag:s7] =	ssyncset.done $0x0  }
0xa0: {  	[sflag:s7] =	ssyncadd.s32 s5;
	_ =	sdelay $0x1  }
0xa1: {  	s23 =	simm.s32 $0x1B8B  }
0xa2: {  	_ =	swait.ge [sflag:s23], $0x1  }
0xa3: {  	[sflag:s23] =	ssyncset.done $0x0  }
0xa4: {  	[sflag:s23] =	ssyncadd.s32 $0xFFFFFFFF  }
0xa5: {  	s5 =	sld [smem:$0x0]  }
0xa6: {  	s6 =	sand.u32 $0xFFFFFFFE, s1  }
0xa7: {  	p0 =	sne.s32 s1, s6  }
0xa8: {  	s6 =	sshll.u32 @p0 s6, $0xE  }
0xa9: {  	s6 =	sadd.s32 @p0 $0x11B8D, s6;
	s7 =	sshll.u32 @p0 s5, $0x11  }
0xaa: {  	s6 =	sor.u32 @p0 s7, s6  }
0xab: {  	[sflag:s6] =	ssyncadd.remote.s32 @p0 $0x1;
	_ =	sdelay $0x1  }
0xac: {  	s6 =	simm.s32 @p0 $0x1B8D  }
0xad: {  	_ =	swait.eq @p0 [sflag:s6], $0x1  }
0xae: {  	[sflag:s6] =	ssyncadd.s32 @p0 $0xFFFFFFFF  }
0xaf: {  	s7 =	sshll.u32 @!p0 s1, $0xE  }
0xb0: {  	s7 =	sor.u32 @!p0 $0x4000, s7;
	s6 =	simm.s32 @!p0 $0x1B8D  }
0xb1: {  	s5 =	sshll.u32 @!p0 s5, $0x11;
	s7 =	sadd.s32 @!p0 $0x11B8D, s7;
	_ =	swait.eq @!p0 [sflag:s6], $0x1  }
0xb2: {  	s5 =	sor.u32 @!p0 s5, s7;
	[sflag:s6] =	ssyncadd.s32 @!p0 $0xFFFFFFFF  }
0xb3: {  	s25 =	simm.s32 $0x1B8E;
	s24 =	sld [smem:$0x3FFE];
	[sflag:s5] =	ssyncadd.remote.s32 @!p0 $0x1  }
0xb4: {  	s26 =	simm.s32 $execute0_lowered;
	[smem:$0x3FD2] =	sst s25  }
0xb5: {  	s6 =	sshll.u32 s26, $0x1;
	_ =	strace $0x80000052;
	[dreg:$0x1] =	wrdreg $0xFFFFFFFF  }
0xb6: {  	s28 =	simm.s32 $_size_execute0_lowered;
	s4 =	sadd.s32 s4, s6;
	[dreg:$0x0] =	wrdreg $0x0  }
0xb7: {  	s6 =	sshll.u32 s28, $0x1;
	[dreg:$0x2] =	wrdreg s4  }
0xb8: {  	[dreg:$0x3] =	wrdreg s6  }
0xb9: {  	[dreg:$0x4] =	wrdreg $0xC0  }
0xba: {  	_ =	task [dreg:s22], $0x5FFFF  }
0xbb: {  	[dreg:$0x1] =	wrdreg $0xFFFFFFFF  }
0xbc: {  	[dreg:$0x0] =	wrdreg $0x60  }
0xbd: {  	[dreg:$0x2] =	wrdreg s18  }
0xbe: {  	[dreg:$0x3] =	wrdreg s24  }
0xbf: {  	[dreg:$0x4] =	wrdreg $0xC2100  }
0xc0: {  	[dreg:$0x5] =	wrdreg $0x9  }
0xc1: {  	_ =	task.clear_ibuf [dreg:s22], $0x6FFFF;
	_ =	strace $0x90000052  }
0xc2: {  	s29 =	simm.s32 $0x9;
	_ =	strace $0x80000054  }
0xc3: {  	_ =	swait.ge [sflag:s29], $0x1  }
0xc4: {  	[sflag:s29] =	ssyncadd.s32 $0xFFFFFFFF  }
0xc5: {  	_ =	strace $0x90000054  }
0xc6: {  	_ =	sfence  }
0xc7: {  	s30 =	sld [smem:$0x0];
	_ =	sdelay $0x2  }
0xc8: {  	s31 =	sshll.u32 s1, $0xD;
	s1 =	sshrl.u32 s1, $0x2  }
0xc9: {  	s4 =	sand.u32 $0x4000, s31;
	s1 =	sadd.s32 s1, s30  }
0xca: {  	s0 =	sor.u32 s4, s0;
	s1 =	sshll.u32 s1, $0x11  }
0xcb: {  	s0 =	sor.u32 s1, s0  }
0xcc: {  	s0 =	sadd.s32 $0x8F2B, s0  }
0xcd: {  	[sflag:s0] =	ssyncadd.remote.s32 $0x1  }
0xce: {  	_ =	sfence.sel $0xFFFF  }
0xcf: {  	[dreg:$0x0] =	wrdreg $0xFFFFFFFF;
	(pc) =	sbr.abs _section_cstart, $3  }
0xd0: {  	[dreg:$0x1] =	wrdreg $0xFFFFFFFF  }
0xd1: {  	_ =	task.clear_ibuf [dreg:s22], $0x2FFFF;
	_ =	strace $0x9FFFFFFF  }
0xd2: {  	(tm) =	ssettm $0x7FFFFFFF  }
0xd3: {  	_ =	shalt  }
tec
execute0_lowered:
.L_overlay_start_1:
0x0: {  	(tag) =	ssettag $0x1  }
0x1: {  	s1 =	rddreg [dreg:$0x0];
	s0 =	srdreg.scid  }
0x2: {  	s5 =	rddreg [dreg:$0x1];
	s6 =	sand.u32 $0x1, s0  }
0x3: {  	s0 =	stileid.u32;
	s7 =	smul.u32 $0x50800, s6  }
0x4: {  	s3 =	rddreg [dreg:$0x2];
	s4 =	simm.s32 $0x0;
	s8 =	smul.u32 $0x5080, s0  }
0x5: {  	[smem:$0x7FF] =	sst s4;
	s9 =	smul.u32 $0x140, s0  }
0x6: {  	s2 =	rddreg [dreg:$0x3];
	s25 =	smul.u32 $0x1400, s6;
	_ =	strace $0x80000053  }
0x7: {  	s10 =	ssub.s32 $0x2, s6;
	s11 =	sshll.u32 s0, $0x1;
	s30 =	sshll.u32 s6, $0x5  }
0x8: {  	s12 =	sshrl.u32 s10, $0x1;
	s11 =	sadd.s32 s11, s5;
	s7 =	sadd.s32 s8, s7  }
0x9: {  	s8 =	sadd.s32 s9, s25;
	s12 =	ssub.s32 s10, s12;
	s26 =	sor.u32 $0x10, s9  }
0xa: {  	s28 =	sor.u32 $0x20, s9;
	s29 =	sor.u32 $0x30, s9;
	s14 =	sadd.s32 $0x40, s9  }
0xb: {  	s15 =	sadd.s32 $0x50, s9;
	s16 =	sadd.s32 $0x60, s9;
	s17 =	sadd.s32 $0x70, s9  }
0xc: {  	s18 =	sadd.s32 $0x80, s9;
	s19 =	sadd.s32 $0x90, s9;
	s20 =	sadd.s32 $0xA0, s9  }
0xd: {  	s21 =	sadd.s32 $0xB0, s9;
	s22 =	sadd.s32 $0xC0, s9;
	s23 =	sadd.s32 $0xD0, s9  }
0xe: {  	s24 =	sadd.s32 $0xE0, s9;
	s25 =	sadd.s32 $0xF0, s9;
	s31 =	sadd.s32 s30, s11  }
0xf: {  	v19 =	vlaneseq.u32;
	s30 =	sadd.s32 $0x130, s9;
	s7 =	sshrl.u32 s7, $0x3;
	s8 =	sshll.u32 s8, $0x3  }
0x10: {  	v0 =	vor.u32 s26, v19;
	v1 =	vor.u32 s28, v19;
	v2 =	vor.u32 s29, v19;
	s26 =	sadd.s32 $0x100, s9;
	s28 =	sadd.s32 $0x110, s9;
	s29 =	sadd.s32 $0x120, s9  }
0x11: {  	v20 =	vimm.f32 $0.0e+00;
	v5 =	vor.u32 s9, v19;
	v3 =	vor.u32 s14, v19;
	s11 =	smax.u32 s12, $0x1;
	s12 =	simm.s32 $0x80;
	s14 =	simm.s32 $0xA100  }
.Ltmp0:
0x12: {  	v4 =	vor.u32 s15, v19;
	v6 =	vor.u32 s16, v19;
	v7 =	vor.u32 s17, v19;
	s15 =	simm.s32 $0x2;
	s16 =	simm.s32 $0xC200;
	(pc) =	sbr.rel .LBB2_1-.Ltmp0, $4  }
0x13: {  	v8 =	vor.u32 s18, v19;
	v9 =	vor.u32 s19, v19;
	v10 =	vor.u32 s20, v19;
	s17 =	simm.s32 $0x1;
	s18 =	simm.s32 $0xC100;
	s7 =	sadd.s32 s7, s5  }
0x14: {  	v11 =	vor.u32 s21, v19;
	v12 =	vor.u32 s22, v19;
	v13 =	vor.u32 s23, v19;
	s19 =	simm.s32 $0x0;
	s13 =	sadd.s32 s8, s5;
	s5 =	sadd.s32 $0xD800, s7  }
0x15: {  	v14 =	vor.u32 s24, v19;
	v15 =	vor.u32 s25, v19;
	v16 =	vor.u32 s26, v19;
	s6 =	sadd.s32 $0x21A00, s7;
	s7 =	sadd.s32 $0x35C00, s31;
	s8 =	sadd.s32 $0x49E00, s13  }
0x16: {  	v17 =	vor.u32 s28, v19;
	v18 =	vor.u32 s29, v19;
	v19 =	vor.u32 s30, v19;
	s9 =	sadd.s32 $0x4A200, s13;
	s10 =	sadd.s32 $0x4A600, s13;
	s13 =	simm.s32 $0xC180  }
.LBB2_6:
0x17: {  	[sflag:s15] =	ssyncadd.s32 $0xFFFFE000  }
.LBB2_7:
0x18: {  	[bflag:$0x0] =	sbarrier.arrive $0xFFFF  }
0x19: {  	[tilespmem:$0xC180] =	vst v5  }
0x1a: {  	[tilespmem:$0xC190] =	vst v0  }
0x1b: {  	[tilespmem:$0xC1A0] =	vst v1  }
0x1c: {  	[tilespmem:$0xC1B0] =	vst v2  }
0x1d: {  	[tilespmem:$0xC1C0] =	vst v3  }
0x1e: {  	[tilespmem:$0xC1D0] =	vst v4  }
0x1f: {  	[tilespmem:$0xC1E0] =	vst v6  }
0x20: {  	[tilespmem:$0xC1F0] =	vst v7  }
0x21: {  	[tilespmem:s14], [sflag:$0x1] =	stream.indirect.gather [spmem:s3], $0x40, s13, s12, $0xb8;
	[tilespmem:$0x11210] =	vst v63  }
0x22: {  	_ =	swait.ge [sflag:s17], $0x2000  }
0x23: {  	[sflag:s17] =	ssyncset.done $0x0  }
0x24: {  	[sflag:s17] =	ssyncadd.s32 $0xFFFFE000  }
0x25: {  	[hbm4b:s8+s4] =	stream.linear.scatter [tilespmem:s14], [sflag:$0x2], $0x2000, $0x38;
	[tilespmem:$0x11210] =	vst v63  }
0x26: {  	_ =	swait.ge [sflag:s15], $0x2000  }
0x27: {  	[sflag:s15] =	ssyncset.done $0x0  }
0x28: {  	[sflag:s15] =	ssyncadd.s32 $0xFFFFE000  }
0x29: {  	[tilespmem:$0xC180] =	vst v8  }
0x2a: {  	[tilespmem:$0xC190] =	vst v9  }
0x2b: {  	[tilespmem:$0xC1A0] =	vst v10  }
0x2c: {  	[tilespmem:$0xC1B0] =	vst v11  }
0x2d: {  	[tilespmem:$0xC1C0] =	vst v12  }
0x2e: {  	[tilespmem:$0xC1D0] =	vst v13  }
0x2f: {  	[tilespmem:$0xC1E0] =	vst v14  }
0x30: {  	[tilespmem:$0xC1F0] =	vst v15  }
0x31: {  	[tilespmem:s14], [sflag:$0x1] =	stream.indirect.gather [spmem:s3], $0x40, s13, s12, $0xb8;
	[tilespmem:$0x11210] =	vst v63  }
0x32: {  	_ =	swait.ge [sflag:s17], $0x2000  }
0x33: {  	[sflag:s17] =	ssyncset.done $0x0  }
0x34: {  	[sflag:s17] =	ssyncadd.s32 $0xFFFFE000  }
0x35: {  	[hbm4b:s9+s4] =	stream.linear.scatter [tilespmem:s14], [sflag:$0x2], $0x2000, $0x38;
	[tilespmem:$0x11210] =	vst v63  }
0x36: {  	_ =	swait.ge [sflag:s15], $0x2000  }
0x37: {  	[sflag:s15] =	ssyncset.done $0x0  }
0x38: {  	[sflag:s15] =	ssyncadd.s32 $0xFFFFE000  }
0x39: {  	[tilespmem:$0xC180] =	vst v16  }
0x3a: {  	[tilespmem:$0xC190] =	vst v17  }
0x3b: {  	[tilespmem:$0xC1A0] =	vst v18  }
0x3c: {  	[tilespmem:$0xC1B0] =	vst v19  }
0x3d: {  	[tilespmem:$0xC1C0] =	vst v16  }
0x3e: {  	[tilespmem:$0xC1D0] =	vst v17  }
0x3f: {  	[tilespmem:$0xC1E0] =	vst v18  }
0x40: {  	[tilespmem:$0xC1F0] =	vst v19  }
0x41: {  	[tilespmem:s14], [sflag:$0x1] =	stream.indirect.gather [spmem:s3], $0x40, s13, s12, $0xb8;
	[tilespmem:$0x11210] =	vst v63  }
0x42: {  	s19 =	sadd.s32 $0x1, s19;
	_ =	swait.ge [sflag:s17], $0x2000  }
0x43: {  	p0 =	sne.s32 s19, s11;
	[sflag:s17] =	ssyncset.done $0x0  }
.Ltmp1:
0x44: {  	[sflag:s17] =	ssyncadd.s32 $0xFFFFE000;
	(pc) =	sbr.rel @!p0 .LBB2_8-.Ltmp1, $4  }
0x45: {  	[hbm4b:s10+s4] =	stream.linear.scatter [tilespmem:s14], [sflag:$0x2], $0x1000, $0x38;
	[tilespmem:$0x11210] =	vst v63  }
0x46: {  	_ =	swait.ge [sflag:s15], $0x1000  }
0x47: {  	[sflag:s15] =	ssyncset.done $0x0  }
0x48: {  	[sflag:s15] =	ssyncadd.s32 $0xFFFFF000  }
.LBB2_1:
0x49: {  	s21 =	simm.s32 $0x100;
	s20 =	simm.s32 $0x0  }
.LBB2_2:
0x4a: {  	p0 =	sne.s32 s21, $0x7F00;
	[tilespmem:s20+$0xA130] =	vst v20;
	s22 =	smov.u32 s21;
	s21 =	sadd.s32 $0x100, s21  }
.Ltmp2:
0x4b: {  	[tilespmem:s20+$0xA120] =	vst v20;
	(pc) =	sbr.rel @p0 .LBB2_2-.Ltmp2, $3  }
0x4c: {  	[tilespmem:s20+$0xA100] =	vst v20  }
0x4d: {  	[tilespmem:s20+$0xA110] =	vst v20;
	_ =	sdelay $0x1  }
0x4e: {  	s20 =	sshra.s32 s22, $0x2  }
0x4f: {  	[tilespmem:s20+$0xA130] =	vst v20  }
0x50: {  	[tilespmem:s20+$0xA120] =	vst v20  }
0x51: {  	[tilespmem:s20+$0xA100] =	vst v20  }
0x52: {  	[tilespmem:s20+$0xA110] =	vst v20  }
0x53: {  	[tilespmem:$0xC180] =	vst v5  }
0x54: {  	[tilespmem:$0xC190] =	vst v0  }
0x55: {  	[tilespmem:$0xC1A0] =	vst v1  }
0x56: {  	[tilespmem:$0xC1B0] =	vst v2  }
0x57: {  	[tilespmem:$0xC1C0] =	vst v3  }
0x58: {  	[tilespmem:$0xC1D0] =	vst v4  }
0x59: {  	[tilespmem:$0xC1E0] =	vst v6  }
0x5a: {  	[tilespmem:$0xC1F0] =	vst v7  }
0x5b: {  	[spmem:s3] =	stream.indirect.scatter [tilespmem:s14], [sflag:$0x2], $0x40, s13, s12, $0xb8;
	[tilespmem:$0x11210] =	vst v63  }
0x5c: {  	_ =	swait.ge [sflag:s15], $0x2000  }
0x5d: {  	[sflag:s15] =	ssyncset.done $0x0  }
0x5e: {  	[sflag:s15] =	ssyncadd.s32 $0xFFFFE000  }
0x5f: {  	[tilespmem:$0xC180] =	vst v8  }
0x60: {  	[tilespmem:$0xC190] =	vst v9  }
0x61: {  	[tilespmem:$0xC1A0] =	vst v10  }
0x62: {  	[tilespmem:$0xC1B0] =	vst v11  }
0x63: {  	[tilespmem:$0xC1C0] =	vst v12  }
0x64: {  	[tilespmem:$0xC1D0] =	vst v13  }
0x65: {  	[tilespmem:$0xC1E0] =	vst v14  }
0x66: {  	[tilespmem:$0xC1F0] =	vst v15  }
0x67: {  	[spmem:s3] =	stream.indirect.scatter [tilespmem:s14], [sflag:$0x2], $0x40, s13, s12, $0xb8;
	[tilespmem:$0x11210] =	vst v63  }
0x68: {  	_ =	swait.ge [sflag:s15], $0x2000  }
0x69: {  	[sflag:s15] =	ssyncset.done $0x0  }
0x6a: {  	[sflag:s15] =	ssyncadd.s32 $0xFFFFE000  }
0x6b: {  	[tilespmem:$0xC180] =	vst v16  }
0x6c: {  	[tilespmem:$0xC190] =	vst v17  }
0x6d: {  	[tilespmem:$0xC1A0] =	vst v18  }
0x6e: {  	[tilespmem:$0xC1B0] =	vst v19  }
0x6f: {  	[tilespmem:$0xC1C0] =	vst v16  }
0x70: {  	[tilespmem:$0xC1D0] =	vst v17  }
0x71: {  	[tilespmem:$0xC1E0] =	vst v18  }
0x72: {  	[tilespmem:$0xC1F0] =	vst v19  }
0x73: {  	[spmem:s3] =	stream.indirect.scatter [tilespmem:s14], [sflag:$0x2], $0x40, s13, s12, $0xb8;
	[tilespmem:$0x11210] =	vst v63  }
0x74: {  	_ =	swait.ge [sflag:s15], $0x2000  }
0x75: {  	[sflag:s15] =	ssyncset.done $0x0  }
0x76: {  	[sflag:s15] =	ssyncadd.s32 $0xFFFFE000  }
0x77: {  	[tilespmem:s4], [sflag:$0x2] =	stream.linear.gather [hbm4b:s5+s4], $0x5080, $0x38;
	[tilespmem:$0x11210] =	vst v63  }
0x78: {  	_ =	swait.ge [sflag:s15], $0x5080  }
0x79: {  	[sflag:s15] =	ssyncset.done $0x0  }
0x7a: {  	s20 =	simm.s32 $0x5080;
	[sflag:s15] =	ssyncadd.s32 $0xFFFFAF80  }
0x7b: {  	[tilespmem:s20], [sflag:$0x2] =	stream.linear.gather [hbm4b:s6+s4], $0x5080, $0x38;
	[tilespmem:$0x11210] =	vst v63  }
0x7c: {  	_ =	swait.ge [sflag:s15], $0x5080  }
0x7d: {  	[sflag:s15] =	ssyncset.done $0x0  }
0x7e: {  	[sflag:s15] =	ssyncadd.s32 $0xFFFFAF80  }
0x7f: {  	[tilespmem:s16], [sflag:$0x1] =	stream.linear.gather [hbm4b:s7+s4], $0x10, $0x38;
	[tilespmem:$0x11210] =	vst v63  }
0x80: {  	_ =	swait.ge [sflag:s17], $0x10  }
0x81: {  	[sflag:s17] =	ssyncset.done $0x0  }
0x82: {  	[sflag:s17] =	ssyncadd.s32 $0xFFFFFFF0  }
0x83: {  	v21 =	vld [tilespmem:$0xC200];
	_ =	sdelay $0x4  }
0x84: {  	(v2sf) =	vpush v21, $0x0;
	_ =	sdelay $0xe  }
0x85: {  	s22 =	spop (v2sf)  }
0x86: {  	p0 =	slt.s32 s22, $0x1  }
.Ltmp3:
0x87: {  	_ = 	snop;
	(pc) =	sbr.rel @p0 .LBB2_7-.Ltmp3, $3  }
0x88: {  	_ =	sdelay $0x1  }
0x89: {  	[bflag:$0x0] =	sbarrier.arrive $0xFFFF  }
0x8a: {  	s21 =	simm.s32 $0x40  }
0x8b: {  	v21 =	vld [tilespmem:s21+$0xFFFFFFC0];
	_ =	sdelay $0x4  }
0x8c: {  	v21 =	vshll.u32 v21, $0x1  }
0x8d: {  	[tilespmem:$0xC100] =	vst v21  }
0x8e: {  	v21 =	vld [tilespmem:s21+$0xFFFFFFD0];
	_ =	sdelay $0x4  }
0x8f: {  	v21 =	vshll.u32 v21, $0x1  }
0x90: {  	[tilespmem:$0xC110] =	vst v21  }
0x91: {  	v21 =	vld [tilespmem:s21+$0xFFFFFFE0];
	_ =	sdelay $0x4  }
0x92: {  	v21 =	vshll.u32 v21, $0x1  }
0x93: {  	[tilespmem:$0xC120] =	vst v21  }
0x94: {  	v21 =	vld [tilespmem:s21+$0xFFFFFFF0];
	_ =	sdelay $0x4  }
0x95: {  	v21 =	vshll.u32 v21, $0x1  }
0x96: {  	[tilespmem:$0xC130] =	vst v21  }
0x97: {  	v21 =	vld [tilespmem:s21+$0x0];
	_ =	sdelay $0x4  }
0x98: {  	v21 =	vshll.u32 v21, $0x1  }
0x99: {  	[tilespmem:$0xC140] =	vst v21  }
0x9a: {  	v21 =	vld [tilespmem:s21+$0x10];
	_ =	sdelay $0x4  }
0x9b: {  	v21 =	vshll.u32 v21, $0x1  }
0x9c: {  	[tilespmem:$0xC150] =	vst v21  }
0x9d: {  	v21 =	vld [tilespmem:s21+$0x20];
	_ =	sdelay $0x4  }
0x9e: {  	v21 =	vshll.u32 v21, $0x1  }
0x9f: {  	[tilespmem:$0xC160] =	vst v21  }
0xa0: {  	v21 =	vld [tilespmem:s21+$0x30];
	_ =	sdelay $0x4  }
0xa1: {  	v21 =	vshll.u32 v21, $0x1  }
0xa2: {  	[tilespmem:$0xC170] =	vst v21  }
0xa3: {  	[tilespmem:s14], [sflag:$0x1] =	stream.indirect.gather [hbm4b:s1+s12], $0x40, s18, s12, $0xb8;
	[tilespmem:$0x11210] =	vst v63  }
0xa4: {  	p0 =	sne.s32 s22, $0x1;
	_ =	swait.ge [sflag:s17], $0x2000  }
.Ltmp4:
0xa5: {  	[sflag:s17] =	ssyncset.done $0x0;
	(pc) =	sbr.rel @!p0 .LBB2_6-.Ltmp4, $4  }
0xa6: {  	[sflag:s17] =	ssyncadd.s32 $0xFFFFE000  }
0xa7: {  	[spmem:s3] =	stream.indirect.scatter.add.f32 [tilespmem:s14], [sflag:$0x2], $0x40, s20, s12, $0xb8;
	[tilespmem:$0x11210] =	vst v63  }
0xa8: {  	_ =	swait.ge [sflag:s15], $0x2000  }
0xa9: {  	s22 =	sadd.s32 $0xFFFFFFFF, s22;
	[sflag:s15] =	ssyncset.done $0x0  }
.LBB2_5:
0xaa: {  	[sflag:s15] =	ssyncadd.s32 $0xFFFFE000;
	s20 =	sadd.s32 $0x80, s20;
	s21 =	sadd.s32 $0x80, s21  }
0xab: {  	p0 =	sne.s32 s22, $0x1;
	s22 =	sadd.s32 $0xFFFFFFFF, s22;
	v21 =	vld [tilespmem:s21+$0xFFFFFFC0];
	_ =	sdelay $0x4  }
0xac: {  	v21 =	vshll.u32 v21, $0x1  }
0xad: {  	[tilespmem:$0xC100] =	vst v21  }
0xae: {  	v21 =	vld [tilespmem:s21+$0xFFFFFFD0];
	_ =	sdelay $0x4  }
0xaf: {  	v21 =	vshll.u32 v21, $0x1  }
0xb0: {  	[tilespmem:$0xC110] =	vst v21  }
0xb1: {  	v21 =	vld [tilespmem:s21+$0xFFFFFFE0];
	_ =	sdelay $0x4  }
0xb2: {  	v21 =	vshll.u32 v21, $0x1  }
0xb3: {  	[tilespmem:$0xC120] =	vst v21  }
0xb4: {  	v21 =	vld [tilespmem:s21+$0xFFFFFFF0];
	_ =	sdelay $0x4  }
0xb5: {  	v21 =	vshll.u32 v21, $0x1  }
0xb6: {  	[tilespmem:$0xC130] =	vst v21  }
0xb7: {  	v21 =	vld [tilespmem:s21+$0x0];
	_ =	sdelay $0x4  }
0xb8: {  	v21 =	vshll.u32 v21, $0x1  }
0xb9: {  	[tilespmem:$0xC140] =	vst v21  }
0xba: {  	v21 =	vld [tilespmem:s21+$0x10];
	_ =	sdelay $0x4  }
0xbb: {  	v21 =	vshll.u32 v21, $0x1  }
0xbc: {  	[tilespmem:$0xC150] =	vst v21  }
0xbd: {  	v21 =	vld [tilespmem:s21+$0x20];
	_ =	sdelay $0x4  }
0xbe: {  	v21 =	vshll.u32 v21, $0x1  }
0xbf: {  	[tilespmem:$0xC160] =	vst v21  }
0xc0: {  	v21 =	vld [tilespmem:s21+$0x30];
	_ =	sdelay $0x4  }
0xc1: {  	v21 =	vshll.u32 v21, $0x1  }
0xc2: {  	[tilespmem:$0xC170] =	vst v21  }
0xc3: {  	[tilespmem:s14], [sflag:$0x1] =	stream.indirect.gather [hbm4b:s1+s12], $0x40, s18, s12, $0xb8;
	[tilespmem:$0x11210] =	vst v63  }
0xc4: {  	_ =	swait.ge [sflag:s17], $0x2000  }
.Ltmp5:
0xc5: {  	[sflag:s17] =	ssyncset.done $0x0;
	(pc) =	sbr.rel @p0 .LBB2_5-.Ltmp5, $4  }
0xc6: {  	[sflag:s17] =	ssyncadd.s32 $0xFFFFE000  }
0xc7: {  	[spmem:s3] =	stream.indirect.scatter.add.f32 [tilespmem:s14], [sflag:$0x2], $0x40, s20, s12, $0xb8;
	[tilespmem:$0x11210] =	vst v63  }
0xc8: {  	_ =	swait.ge [sflag:s15], $0x2000  }
0xc9: {  	[sflag:s15] =	ssyncset.done $0x0  }
.Ltmp6:
0xca: {  	_ = 	snop;
	(pc) =	sbr.rel .LBB2_6-.Ltmp6, $1  }
0xcb: {  	_ =	sdelay $0x3  }
.LBB2_8:
0xcc: {  	_ =	sfence.sel $0x180000  }
0xcd: {  	[bflag:$0x0] =	sbarrier.arrive $0xFFFF  }
0xce: {  	p0 =	sne.s32 s0, $0x0;
	_ =	strace $0x90000053  }
0xcf: {  	s0 =	sadd.s32 @!p0 $0x100000, s2;
	[bflag:$0x2] =	sbarrier.arrive $0xFFFF  }
0xd0: {  	[sflag:s0] =	ssyncadd.tile.s32 @!p0 $0x1;
	_ =	shalt  }
.Lfunc_end2:
_tile_overlayer_lowered:
.L_overlay_start_2:
0xd1: {  	(tag) =	ssettag $0x2  }
0xd2: {  	s0 =	rddreg [dreg:$0x0];
	s2 =	stileid.u32  }
0xd3: {  	s1 =	rddreg [dreg:$0x1];
	p0 =	sne.s32 s2, $0x0  }
0xd4: {  	s3 =	rddreg [dreg:$0x2];
	[bflag:$0x3] =	sbarrier.arrive $0xFFFF;
	s2 =	simm.s32 @!p0 $0x1C02  }
0xd5: {  	[timem:s3], [sflag:s2] =	dma.local @!p0 [hbm:s0], s1  }
0xd6: {  	s0 =	simm.s32 @!p0 $0x2  }
0xd7: {  	_ =	swait.ge @!p0 [sflag:s0], s1  }
0xd8: {  	s1 =	ssub.s32 @!p0 $0x0, s1;
	[sflag:s0] =	ssyncset.done @!p0 $0x0  }
0xd9: {  	[sflag:s0] =	ssyncadd.s32 @!p0 s1  }
0xda: {  	[bflag:$0x3] =	sbarrier.arrive $0xFFFF  }
0xdb: {  	_ =	shalt  }

// kernel: kernel.21.cloned.1.call-start
scs
__scs_entry_jumppad:
0x0: {  	(pc) =	sbr.rel $0x88, $3  }
0x1: {  	(tag) =	ssettag $0x0;
	lr =	simm.s32 $0x1  }
0x2: {  	[smem:$0x3F9B] =	sst lr;
	_ =	strace $0xD0000000  }
0x3: {  	_ = 	snop  }
0x4: {  	_ = 	snop  }
0x5: {  	_ = 	snop  }
0x6: {  	_ = 	snop  }
0x7: {  	_ = 	snop  }
__scs_overlays_trampoline_lowered:
0x8: {  	[smem:$0x3FAA] =	sst s0  }
0x9: {  	[smem:$0x3FAB] =	sst s1  }
0xa: {  	[smem:$0x3FAC] =	sst s2  }
0xb: {  	[smem:$0x3FAD] =	sst s3  }
0xc: {  	[smem:$0x3FAE] =	sst s4  }
0xd: {  	[smem:$0x3FAF] =	sst s5  }
0xe: {  	[smem:$0x3FB0] =	sst s6  }
0xf: {  	[smem:$0x3FB1] =	sst s7  }
0x10: {  	[smem:$0x3FB2] =	sst s8  }
0x11: {  	[smem:$0x3FB3] =	sst s9;
	s0 =	simm.s32 @!p0 $0x0  }
0x12: {  	s1 =	sld [smem:$0x3F99];
	s0 =	simm.s32 @p0 $0x1  }
0x13: {  	[smem:$0x3FB4] =	sst s0;
	s0 =	simm.s32 @!p1 $0x0  }
0x14: {  	s2 =	sld [smem:$0x3F98];
	s0 =	simm.s32 @p1 $0x1  }
0x15: {  	[smem:$0x3FB5] =	sst s0;
	s0 =	simm.s32 @!p2 $0x0  }
0x16: {  	s3 =	sld [smem:$0x3FDB];
	s0 =	simm.s32 @p2 $0x1  }
0x17: {  	s4 =	simm.s32 $0x1BF5;
	[smem:$0x3FB7] =	sst s0  }
0x18: {  	s0 =	sld [smem:$0x3F9A];
	_ =	swait.ge [sflag:s4], $0x0  }
0x19: {  	s7 =	sld [smem:$0x3F9B]  }
0x1a: {  	s8 =	sadd.s32 $0xFFFFE003, lr  }
0x1b: {  	s9 =	sadd.s32 $0xFFFFFEF7, lr;
	s5 =	simm.s32 $0xFFFFFFFF;
	p2 =	slt.u32 s8, $0xFFFFF086  }
0x1c: {  	p1 =	slt.u32 s9, $0xF7A;
	s5 =	simm.s32 @!p2 $0x0  }
0x1d: {  	s5 =	simm.s32 @p1 $0x1;
	p0 =	seq.s32 s7, s2  }
0x1e: {  	s7 =	smul.u32 @!p0 $0xF7A, s2;
	p2 =	seq.s32 @!p0 s5, $0x0  }
0x1f: {  	s9 =	smul.u32 $0xF7A, s1;
	s8 =	simm.s32 @!p0 $0x1BF5;
	p2 =	por !p2, p0  }
0x20: {  	[sflag:s8] =	ssyncset.s32 @!p0 $0xFFFFF086;
	s6 =	sadd.s32 @!p0 s3, s7;
	s7 =	simm.s32 @!p0 $0x108  }
0x21: {  	s3 =	sadd.s32 s3, s9;
	s6 =	sadd.s32 @!p0 $0x88, s6;
	s7 =	simm.s32 @p2 $0x1082  }
0x22: {  	[simem:s7], [sflag:s8] =	dma.local @!p0 [hbm:s6], $0xF7A  }
0x23: {  	s9 =	sor.u32 $0xD0000000, s2;
	s6 =	simm.s32 $0x108;
	_ =	swait.ge @!p0 [sflag:s8], $0x0  }
0x24: {  	s3 =	sadd.s32 $0x88, s3;
	s6 =	simm.s32 @!p1 $0x1082;
	[sflag:s4] =	ssyncset.s32 $0xFFFFF086  }
0x25: {  	[simem:s6], [sflag:s4] =	dma.local [hbm:s3], $0xF7A  }
0x26: {  	[smem:$0x3F9B] =	sst s1;
	(tag) =	ssettag s2;
	_ =	strace s9  }
0x27: {  	s1 =	sld [smem:$0x3FAB]  }
0x28: {  	s2 =	sld [smem:$0x3FAC]  }
0x29: {  	s4 =	sld [smem:$0x3FAE]  }
0x2a: {  	p0 =	seq.s32 s5, $0x0;
	s5 =	sld [smem:$0x3FAF]  }
0x2b: {  	s6 =	sld [smem:$0x3FB0]  }
0x2c: {  	s7 =	sld [smem:$0x3FB1]  }
0x2d: {  	s3 =	simm.s32 $0x108;
	s8 =	sld [smem:$0x3FB2]  }
0x2e: {  	s3 =	simm.s32 @!p0 $0x1082;
	s9 =	sld [smem:$0x3FB3]  }
0x2f: {  	lr =	sadd.s32 s0, s3;
	s0 =	sld [smem:$0x3FAA]  }
0x30: {  	s3 =	sld [smem:$0x3FAD]  }
0x31: {  	[smem:$0x3FB6] =	sst s10  }
0x32: {  	s10 =	sld [smem:$0x3FB4];
	_ =	sdelay $0x3  }
0x33: {  	p0 =	seq.s32 s10, $0x1;
	s10 =	sld [smem:$0x3FB6];
	_ =	sdelay $0x3  }
0x34: {  	[smem:$0x3FB6] =	sst s10  }
0x35: {  	s10 =	sld [smem:$0x3FB5];
	_ =	sdelay $0x3  }
0x36: {  	p1 =	seq.s32 s10, $0x1;
	s10 =	sld [smem:$0x3FB6];
	_ =	sdelay $0x3  }
0x37: {  	[smem:$0x3FB6] =	sst s10  }
0x38: {  	s10 =	sld [smem:$0x3FB7]  }
0x39: {  	_ = 	snop;
	(pc) =	sbr.ind lr, $3  }
0x3a: {  	_ = 	snop  }
0x3b: {  	_ = 	snop  }
0x3c: {  	p2 =	seq.s32 s10, $0x1;
	s10 =	sld [smem:$0x3FB6]  }
0x3d: {  	_ =	shalt  }
0x3e: {  	_ =	shalt  }
0x3f: {  	_ =	shalt  }
0x40: {  	_ =	shalt  }
0x41: {  	_ =	shalt  }
0x42: {  	_ =	shalt  }
0x43: {  	_ =	shalt  }
0x44: {  	_ =	shalt  }
0x45: {  	_ =	shalt  }
0x46: {  	_ =	shalt  }
0x47: {  	_ =	shalt  }
0x48: {  	_ =	shalt  }
0x49: {  	_ =	shalt  }
0x4a: {  	_ =	shalt  }
0x4b: {  	_ =	shalt  }
0x4c: {  	_ =	shalt  }
0x4d: {  	_ =	shalt  }
0x4e: {  	_ =	shalt  }
0x4f: {  	_ =	shalt  }
0x50: {  	_ =	shalt  }
0x51: {  	_ =	shalt  }
0x52: {  	_ =	shalt  }
0x53: {  	_ =	shalt  }
0x54: {  	_ =	shalt  }
0x55: {  	_ =	shalt  }
0x56: {  	_ =	shalt  }
0x57: {  	_ =	shalt  }
0x58: {  	_ =	shalt  }
0x59: {  	_ =	shalt  }
0x5a: {  	_ =	shalt  }
0x5b: {  	_ =	shalt  }
0x5c: {  	_ =	shalt  }
0x5d: {  	_ =	shalt  }
0x5e: {  	_ =	shalt  }
0x5f: {  	_ =	shalt  }
0x60: {  	_ =	shalt  }
0x61: {  	_ =	shalt  }
0x62: {  	_ =	shalt  }
0x63: {  	_ =	shalt  }
0x64: {  	_ =	shalt  }
0x65: {  	_ =	shalt  }
0x66: {  	_ =	shalt  }
0x67: {  	_ =	shalt  }
0x68: {  	_ =	shalt  }
0x69: {  	_ =	shalt  }
0x6a: {  	_ =	shalt  }
0x6b: {  	_ =	shalt  }
0x6c: {  	_ =	shalt  }
0x6d: {  	_ =	shalt  }
0x6e: {  	_ =	shalt  }
0x6f: {  	_ =	shalt  }
0x70: {  	_ =	shalt  }
0x71: {  	_ =	shalt  }
0x72: {  	_ =	shalt  }
0x73: {  	_ =	shalt  }
0x74: {  	_ =	shalt  }
0x75: {  	_ =	shalt  }
0x76: {  	_ =	shalt  }
0x77: {  	_ =	shalt  }
0x78: {  	_ =	shalt  }
0x79: {  	_ =	shalt  }
0x7a: {  	_ =	shalt  }
0x7b: {  	_ =	shalt  }
0x7c: {  	_ =	shalt  }
0x7d: {  	_ =	shalt  }
0x7e: {  	_ =	shalt  }
0x7f: {  	_ =	shalt  }
0x80: {  	_ =	shalt  }
0x81: {  	_ =	shalt  }
0x82: {  	_ =	shalt  }
0x83: {  	_ =	shalt  }
0x84: {  	_ =	shalt  }
0x85: {  	_ =	shalt  }
0x86: {  	_ =	shalt  }
0x87: {  	_ =	shalt  }
.Lfunc_end0:
.L_simem_size_0:
called_computation.4_lowered:
.L_overlay_start_0:
0x88: {  	s2 =	sld [smem:$0x3FD9]  }
0x89: {  	s3 =	sld [smem:$0x3FFE];
	_ =	sdelay $0x1  }
0x8a: {  	s1 =	srdreg.scid  }
0x8b: {  	s0 =	sand.u32 $0x1, s1  }
0x8c: {  	s17 =	sshll.u32 s0, $0xA;
	s2 =	sadd.s32 s3, s2  }
0x8d: {  	s2 =	sadd.s32 s2, s17  }
0x8e: {  	[smem:$0x3FC2] =	sst s2  }
0x8f: {  	_ = 	snop  }
0x90: {  	s2 =	sld [smem:$0x3FD0];
	(tm) =	ssettm $0x1  }
0x91: {  	s18 =	sld [smem:$0x3FFB];
	_ =	sdelay $0x3  }
0x92: {  	_ =	strace s18  }
0x93: {  	s3 =	sld [smem:$0x3FFC];
	_ =	sdelay $0x3  }
0x94: {  	_ =	strace s3  }
0x95: {  	s3 =	sld [smem:$0x3FFD];
	_ =	sdelay $0x3  }
0x96: {  	_ =	strace s3  }
0x97: {  	_ =	strace $0x8FFFFFFF  }
0x98: {  	s19 =	sld [smem:$0x3FDB];
	_ =	sdelay $0x1  }
0x99: {  	s4 =	simm.s32 $_scs_section_size  }
0x9a: {  	s5 =	simm.s32 $_size__tile_overlayer_lowered;
	s6 =	simm.s32 $_tile_overlayer_lowered  }
0x9b: {  	s22 =	simm.s32 $0x1BFF;
	s21 =	sshll.u32 s6, $0x1;
	s3 =	sadd.s32 s4, s19  }
0x9c: {  	s7 =	simm.s32 $0x0;
	s20 =	sshll.u32 s5, $0x1;
	s5 =	sadd.s32 s21, s3  }
0x9d: {  	[timem:s7], [sflag:s22] =	dma.local [hbm:s5], s20  }
0x9e: {  	_ =	swait.ge [sflag:s22], s20  }
0x9f: {  	s4 =	ssub.s32 $0x0, s20;
	[sflag:s22] =	ssyncset.done $0x0  }
0xa0: {  	[sflag:s22] =	ssyncadd.s32 s4;
	_ =	sdelay $0x1  }
0xa1: {  	s23 =	simm.s32 $0x1B8B  }
0xa2: {  	_ =	swait.ge [sflag:s23], $0x1  }
0xa3: {  	[sflag:s23] =	ssyncset.done $0x0  }
0xa4: {  	s25 =	simm.s32 $0x1B8E;
	s24 =	sld [smem:$0x3FFE];
	[sflag:s23] =	ssyncadd.s32 $0xFFFFFFFF  }
0xa5: {  	s26 =	simm.s32 $execute0_lowered;
	[smem:$0x3FD2] =	sst s25  }
0xa6: {  	s5 =	sshll.u32 s26, $0x1;
	_ =	strace $0x8000004F;
	[dreg:$0x1] =	wrdreg $0xFFFFFFFF  }
0xa7: {  	s28 =	simm.s32 $_size_execute0_lowered;
	s3 =	sadd.s32 s3, s5;
	[dreg:$0x0] =	wrdreg $0x0  }
0xa8: {  	s5 =	sshll.u32 s28, $0x1;
	[dreg:$0x2] =	wrdreg s3  }
0xa9: {  	[dreg:$0x3] =	wrdreg s5  }
0xaa: {  	[dreg:$0x4] =	wrdreg $0xC0  }
0xab: {  	_ =	task [dreg:s7], $0x5FFFF  }
0xac: {  	[dreg:$0x1] =	wrdreg $0xFFFFFFFF  }
0xad: {  	[dreg:$0x0] =	wrdreg $0x60  }
0xae: {  	[dreg:$0x2] =	wrdreg s2  }
0xaf: {  	[dreg:$0x3] =	wrdreg s24  }
0xb0: {  	[dreg:$0x4] =	wrdreg $0xC2100  }
0xb1: {  	[dreg:$0x5] =	wrdreg $0xA  }
0xb2: {  	_ =	task.clear_ibuf [dreg:s7], $0x6FFFF;
	_ =	strace $0x9000004F  }
0xb3: {  	s29 =	simm.s32 $0xA;
	_ =	strace $0x80000051  }
0xb4: {  	_ =	swait.ge [sflag:s29], $0x1  }
0xb5: {  	[sflag:s29] =	ssyncadd.s32 $0xFFFFFFFF  }
0xb6: {  	_ =	strace $0x90000051  }
0xb7: {  	_ =	sfence  }
0xb8: {  	s30 =	sld [smem:$0x0];
	_ =	sdelay $0x2  }
0xb9: {  	s31 =	sshll.u32 s1, $0xD;
	s1 =	sshrl.u32 s1, $0x2  }
0xba: {  	s3 =	sand.u32 $0x4000, s31;
	s1 =	sadd.s32 s1, s30  }
0xbb: {  	s0 =	sor.u32 s3, s0;
	s1 =	sshll.u32 s1, $0x11  }
0xbc: {  	s0 =	sor.u32 s1, s0  }
0xbd: {  	s0 =	sadd.s32 $0x8F2B, s0  }
0xbe: {  	[sflag:s0] =	ssyncadd.remote.s32 $0x1  }
0xbf: {  	_ =	sfence.sel $0xFFFF  }
0xc0: {  	[dreg:$0x0] =	wrdreg $0xFFFFFFFF;
	(pc) =	sbr.abs _section_cstart, $3  }
0xc1: {  	[dreg:$0x1] =	wrdreg $0xFFFFFFFF  }
0xc2: {  	_ =	task.clear_ibuf [dreg:s7], $0x2FFFF;
	_ =	strace $0x9FFFFFFF  }
0xc3: {  	(tm) =	ssettm $0x7FFFFFFF  }
tec
execute0_lowered:
.L_overlay_start_1:
0x0: {  	(tag) =	ssettag $0x1  }
0x1: {  	s1 =	rddreg [dreg:$0x0];
	s0 =	srdreg.scid  }
0x2: {  	s5 =	rddreg [dreg:$0x1];
	s6 =	sand.u32 $0x1, s0  }
0x3: {  	s0 =	stileid.u32;
	s7 =	smul.u32 $0x50800, s6  }
0x4: {  	s3 =	rddreg [dreg:$0x2];
	s4 =	simm.s32 $0x0;
	s8 =	smul.u32 $0x5080, s0  }
0x5: {  	[smem:$0x7FF] =	sst s4;
	s9 =	smul.u32 $0x140, s0  }
0x6: {  	s2 =	rddreg [dreg:$0x3];
	s25 =	smul.u32 $0x1400, s6;
	_ =	strace $0x80000050  }
0x7: {  	s10 =	ssub.s32 $0x2, s6;
	s11 =	sshll.u32 s0, $0x1;
	s30 =	sshll.u32 s6, $0x5  }
0x8: {  	s12 =	sshrl.u32 s10, $0x1;
	s11 =	sadd.s32 s11, s5;
	s7 =	sadd.s32 s8, s7  }
0x9: {  	s8 =	sadd.s32 s9, s25;
	s12 =	ssub.s32 s10, s12;
	s26 =	sor.u32 $0x10, s9  }
0xa: {  	s28 =	sor.u32 $0x20, s9;
	s29 =	sor.u32 $0x30, s9;
	s14 =	sadd.s32 $0x40, s9  }
0xb: {  	s15 =	sadd.s32 $0x50, s9;
	s16 =	sadd.s32 $0x60, s9;
	s17 =	sadd.s32 $0x70, s9  }
0xc: {  	s18 =	sadd.s32 $0x80, s9;
	s19 =	sadd.s32 $0x90, s9;
	s20 =	sadd.s32 $0xA0, s9  }
0xd: {  	s21 =	sadd.s32 $0xB0, s9;
	s22 =	sadd.s32 $0xC0, s9;
	s23 =	sadd.s32 $0xD0, s9  }
0xe: {  	s24 =	sadd.s32 $0xE0, s9;
	s25 =	sadd.s32 $0xF0, s9;
	s31 =	sadd.s32 s30, s11  }
0xf: {  	v19 =	vlaneseq.u32;
	s30 =	sadd.s32 $0x130, s9;
	s7 =	sshrl.u32 s7, $0x3;
	s8 =	sshll.u32 s8, $0x3  }
0x10: {  	v0 =	vor.u32 s26, v19;
	v1 =	vor.u32 s28, v19;
	v2 =	vor.u32 s29, v19;
	s26 =	sadd.s32 $0x100, s9;
	s28 =	sadd.s32 $0x110, s9;
	s29 =	sadd.s32 $0x120, s9  }
0x11: {  	v20 =	vimm.f32 $0.0e+00;
	v5 =	vor.u32 s9, v19;
	v3 =	vor.u32 s14, v19;
	s11 =	smax.u32 s12, $0x1;
	s12 =	simm.s32 $0x80;
	s14 =	simm.s32 $0xA100  }
.Ltmp0:
0x12: {  	v4 =	vor.u32 s15, v19;
	v6 =	vor.u32 s16, v19;
	v7 =	vor.u32 s17, v19;
	s15 =	simm.s32 $0x2;
	s16 =	simm.s32 $0xC200;
	(pc) =	sbr.rel .LBB2_1-.Ltmp0, $4  }
0x13: {  	v8 =	vor.u32 s18, v19;
	v9 =	vor.u32 s19, v19;
	v10 =	vor.u32 s20, v19;
	s17 =	simm.s32 $0x1;
	s18 =	simm.s32 $0xC100;
	s7 =	sadd.s32 s7, s5  }
0x14: {  	v11 =	vor.u32 s21, v19;
	v12 =	vor.u32 s22, v19;
	v13 =	vor.u32 s23, v19;
	s19 =	simm.s32 $0x0;
	s13 =	sadd.s32 s8, s5;
	s5 =	sadd.s32 $0xD800, s7  }
0x15: {  	v14 =	vor.u32 s24, v19;
	v15 =	vor.u32 s25, v19;
	v16 =	vor.u32 s26, v19;
	s6 =	sadd.s32 $0x21A00, s7;
	s7 =	sadd.s32 $0x35C00, s31;
	s8 =	sadd.s32 $0x35E00, s13  }
0x16: {  	v17 =	vor.u32 s28, v19;
	v18 =	vor.u32 s29, v19;
	v19 =	vor.u32 s30, v19;
	s9 =	sadd.s32 $0x36200, s13;
	s10 =	sadd.s32 $0x36600, s13;
	s13 =	simm.s32 $0xC180  }
.LBB2_6:
0x17: {  	[sflag:s15] =	ssyncadd.s32 $0xFFFFE000  }
.LBB2_7:
0x18: {  	[bflag:$0x0] =	sbarrier.arrive $0xFFFF  }
0x19: {  	[tilespmem:$0xC180] =	vst v5  }
0x1a: {  	[tilespmem:$0xC190] =	vst v0  }
0x1b: {  	[tilespmem:$0xC1A0] =	vst v1  }
0x1c: {  	[tilespmem:$0xC1B0] =	vst v2  }
0x1d: {  	[tilespmem:$0xC1C0] =	vst v3  }
0x1e: {  	[tilespmem:$0xC1D0] =	vst v4  }
0x1f: {  	[tilespmem:$0xC1E0] =	vst v6  }
0x20: {  	[tilespmem:$0xC1F0] =	vst v7  }
0x21: {  	[tilespmem:s14], [sflag:$0x1] =	stream.indirect.gather [spmem:s3], $0x40, s13, s12, $0xb8;
	[tilespmem:$0x11210] =	vst v63  }
0x22: {  	_ =	swait.ge [sflag:s17], $0x2000  }
0x23: {  	[sflag:s17] =	ssyncset.done $0x0  }
0x24: {  	[sflag:s17] =	ssyncadd.s32 $0xFFFFE000  }
0x25: {  	[hbm4b:s8+s4] =	stream.linear.scatter [tilespmem:s14], [sflag:$0x2], $0x2000, $0x38;
	[tilespmem:$0x11210] =	vst v63  }
0x26: {  	_ =	swait.ge [sflag:s15], $0x2000  }
0x27: {  	[sflag:s15] =	ssyncset.done $0x0  }
0x28: {  	[sflag:s15] =	ssyncadd.s32 $0xFFFFE000  }
0x29: {  	[tilespmem:$0xC180] =	vst v8  }
0x2a: {  	[tilespmem:$0xC190] =	vst v9  }
0x2b: {  	[tilespmem:$0xC1A0] =	vst v10  }
0x2c: {  	[tilespmem:$0xC1B0] =	vst v11  }
0x2d: {  	[tilespmem:$0xC1C0] =	vst v12  }
0x2e: {  	[tilespmem:$0xC1D0] =	vst v13  }
0x2f: {  	[tilespmem:$0xC1E0] =	vst v14  }
0x30: {  	[tilespmem:$0xC1F0] =	vst v15  }
0x31: {  	[tilespmem:s14], [sflag:$0x1] =	stream.indirect.gather [spmem:s3], $0x40, s13, s12, $0xb8;
	[tilespmem:$0x11210] =	vst v63  }
0x32: {  	_ =	swait.ge [sflag:s17], $0x2000  }
0x33: {  	[sflag:s17] =	ssyncset.done $0x0  }
0x34: {  	[sflag:s17] =	ssyncadd.s32 $0xFFFFE000  }
0x35: {  	[hbm4b:s9+s4] =	stream.linear.scatter [tilespmem:s14], [sflag:$0x2], $0x2000, $0x38;
	[tilespmem:$0x11210] =	vst v63  }
0x36: {  	_ =	swait.ge [sflag:s15], $0x2000  }
0x37: {  	[sflag:s15] =	ssyncset.done $0x0  }
0x38: {  	[sflag:s15] =	ssyncadd.s32 $0xFFFFE000  }
0x39: {  	[tilespmem:$0xC180] =	vst v16  }
0x3a: {  	[tilespmem:$0xC190] =	vst v17  }
0x3b: {  	[tilespmem:$0xC1A0] =	vst v18  }
0x3c: {  	[tilespmem:$0xC1B0] =	vst v19  }
0x3d: {  	[tilespmem:$0xC1C0] =	vst v16  }
0x3e: {  	[tilespmem:$0xC1D0] =	vst v17  }
0x3f: {  	[tilespmem:$0xC1E0] =	vst v18  }
0x40: {  	[tilespmem:$0xC1F0] =	vst v19  }
0x41: {  	[tilespmem:s14], [sflag:$0x1] =	stream.indirect.gather [spmem:s3], $0x40, s13, s12, $0xb8;
	[tilespmem:$0x11210] =	vst v63  }
0x42: {  	s19 =	sadd.s32 $0x1, s19;
	_ =	swait.ge [sflag:s17], $0x2000  }
0x43: {  	p0 =	sne.s32 s19, s11;
	[sflag:s17] =	ssyncset.done $0x0  }
.Ltmp1:
0x44: {  	[sflag:s17] =	ssyncadd.s32 $0xFFFFE000;
	(pc) =	sbr.rel @!p0 .LBB2_8-.Ltmp1, $4  }
0x45: {  	[hbm4b:s10+s4] =	stream.linear.scatter [tilespmem:s14], [sflag:$0x2], $0x1000, $0x38;
	[tilespmem:$0x11210] =	vst v63  }
0x46: {  	_ =	swait.ge [sflag:s15], $0x1000  }
0x47: {  	[sflag:s15] =	ssyncset.done $0x0  }
0x48: {  	[sflag:s15] =	ssyncadd.s32 $0xFFFFF000  }
.LBB2_1:
0x49: {  	s21 =	simm.s32 $0x100;
	s20 =	simm.s32 $0x0  }
.LBB2_2:
0x4a: {  	p0 =	sne.s32 s21, $0x7F00;
	[tilespmem:s20+$0xA130] =	vst v20;
	s22 =	smov.u32 s21;
	s21 =	sadd.s32 $0x100, s21  }
.Ltmp2:
0x4b: {  	[tilespmem:s20+$0xA120] =	vst v20;
	(pc) =	sbr.rel @p0 .LBB2_2-.Ltmp2, $3  }
0x4c: {  	[tilespmem:s20+$0xA100] =	vst v20  }
0x4d: {  	[tilespmem:s20+$0xA110] =	vst v20;
	_ =	sdelay $0x1  }
0x4e: {  	s20 =	sshra.s32 s22, $0x2  }
0x4f: {  	[tilespmem:s20+$0xA130] =	vst v20  }
0x50: {  	[tilespmem:s20+$0xA120] =	vst v20  }
0x51: {  	[tilespmem:s20+$0xA100] =	vst v20  }
0x52: {  	[tilespmem:s20+$0xA110] =	vst v20  }
0x53: {  	[tilespmem:$0xC180] =	vst v5  }
0x54: {  	[tilespmem:$0xC190] =	vst v0  }
0x55: {  	[tilespmem:$0xC1A0] =	vst v1  }
0x56: {  	[tilespmem:$0xC1B0] =	vst v2  }
0x57: {  	[tilespmem:$0xC1C0] =	vst v3  }
0x58: {  	[tilespmem:$0xC1D0] =	vst v4  }
0x59: {  	[tilespmem:$0xC1E0] =	vst v6  }
0x5a: {  	[tilespmem:$0xC1F0] =	vst v7  }
0x5b: {  	[spmem:s3] =	stream.indirect.scatter [tilespmem:s14], [sflag:$0x2], $0x40, s13, s12, $0xb8;
	[tilespmem:$0x11210] =	vst v63  }
0x5c: {  	_ =	swait.ge [sflag:s15], $0x2000  }
0x5d: {  	[sflag:s15] =	ssyncset.done $0x0  }
0x5e: {  	[sflag:s15] =	ssyncadd.s32 $0xFFFFE000  }
0x5f: {  	[tilespmem:$0xC180] =	vst v8  }
0x60: {  	[tilespmem:$0xC190] =	vst v9  }
0x61: {  	[tilespmem:$0xC1A0] =	vst v10  }
0x62: {  	[tilespmem:$0xC1B0] =	vst v11  }
0x63: {  	[tilespmem:$0xC1C0] =	vst v12  }
0x64: {  	[tilespmem:$0xC1D0] =	vst v13  }
0x65: {  	[tilespmem:$0xC1E0] =	vst v14  }
0x66: {  	[tilespmem:$0xC1F0] =	vst v15  }
0x67: {  	[spmem:s3] =	stream.indirect.scatter [tilespmem:s14], [sflag:$0x2], $0x40, s13, s12, $0xb8;
	[tilespmem:$0x11210] =	vst v63  }
0x68: {  	_ =	swait.ge [sflag:s15], $0x2000  }
0x69: {  	[sflag:s15] =	ssyncset.done $0x0  }
0x6a: {  	[sflag:s15] =	ssyncadd.s32 $0xFFFFE000  }
0x6b: {  	[tilespmem:$0xC180] =	vst v16  }
0x6c: {  	[tilespmem:$0xC190] =	vst v17  }
0x6d: {  	[tilespmem:$0xC1A0] =	vst v18  }
0x6e: {  	[tilespmem:$0xC1B0] =	vst v19  }
0x6f: {  	[tilespmem:$0xC1C0] =	vst v16  }
0x70: {  	[tilespmem:$0xC1D0] =	vst v17  }
0x71: {  	[tilespmem:$0xC1E0] =	vst v18  }
0x72: {  	[tilespmem:$0xC1F0] =	vst v19  }
0x73: {  	[spmem:s3] =	stream.indirect.scatter [tilespmem:s14], [sflag:$0x2], $0x40, s13, s12, $0xb8;
	[tilespmem:$0x11210] =	vst v63  }
0x74: {  	_ =	swait.ge [sflag:s15], $0x2000  }
0x75: {  	[sflag:s15] =	ssyncset.done $0x0  }
0x76: {  	[sflag:s15] =	ssyncadd.s32 $0xFFFFE000  }
0x77: {  	[tilespmem:s4], [sflag:$0x2] =	stream.linear.gather [hbm4b:s5+s4], $0x5080, $0x38;
	[tilespmem:$0x11210] =	vst v63  }
0x78: {  	_ =	swait.ge [sflag:s15], $0x5080  }
0x79: {  	[sflag:s15] =	ssyncset.done $0x0  }
0x7a: {  	s20 =	simm.s32 $0x5080;
	[sflag:s15] =	ssyncadd.s32 $0xFFFFAF80  }
0x7b: {  	[tilespmem:s20], [sflag:$0x2] =	stream.linear.gather [hbm4b:s6+s4], $0x5080, $0x38;
	[tilespmem:$0x11210] =	vst v63  }
0x7c: {  	_ =	swait.ge [sflag:s15], $0x5080  }
0x7d: {  	[sflag:s15] =	ssyncset.done $0x0  }
0x7e: {  	[sflag:s15] =	ssyncadd.s32 $0xFFFFAF80  }
0x7f: {  	[tilespmem:s16], [sflag:$0x1] =	stream.linear.gather [hbm4b:s7+s4], $0x10, $0x38;
	[tilespmem:$0x11210] =	vst v63  }
0x80: {  	_ =	swait.ge [sflag:s17], $0x10  }
0x81: {  	[sflag:s17] =	ssyncset.done $0x0  }
0x82: {  	[sflag:s17] =	ssyncadd.s32 $0xFFFFFFF0  }
0x83: {  	v21 =	vld [tilespmem:$0xC200];
	_ =	sdelay $0x4  }
0x84: {  	(v2sf) =	vpush v21, $0x0;
	_ =	sdelay $0xe  }
0x85: {  	s22 =	spop (v2sf)  }
0x86: {  	p0 =	slt.s32 s22, $0x1  }
.Ltmp3:
0x87: {  	_ = 	snop;
	(pc) =	sbr.rel @p0 .LBB2_7-.Ltmp3, $3  }
0x88: {  	_ =	sdelay $0x1  }
0x89: {  	[bflag:$0x0] =	sbarrier.arrive $0xFFFF  }
0x8a: {  	s21 =	simm.s32 $0x40  }
0x8b: {  	v21 =	vld [tilespmem:s21+$0xFFFFFFC0];
	_ =	sdelay $0x4  }
0x8c: {  	v21 =	vshll.u32 v21, $0x1  }
0x8d: {  	v21 =	vor.u32 $0x1, v21  }
0x8e: {  	[tilespmem:$0xC100] =	vst v21  }
0x8f: {  	v21 =	vld [tilespmem:s21+$0xFFFFFFD0];
	_ =	sdelay $0x4  }
0x90: {  	v21 =	vshll.u32 v21, $0x1  }
0x91: {  	v21 =	vor.u32 $0x1, v21  }
0x92: {  	[tilespmem:$0xC110] =	vst v21  }
0x93: {  	v21 =	vld [tilespmem:s21+$0xFFFFFFE0];
	_ =	sdelay $0x4  }
0x94: {  	v21 =	vshll.u32 v21, $0x1  }
0x95: {  	v21 =	vor.u32 $0x1, v21  }
0x96: {  	[tilespmem:$0xC120] =	vst v21  }
0x97: {  	v21 =	vld [tilespmem:s21+$0xFFFFFFF0];
	_ =	sdelay $0x4  }
0x98: {  	v21 =	vshll.u32 v21, $0x1  }
0x99: {  	v21 =	vor.u32 $0x1, v21  }
0x9a: {  	[tilespmem:$0xC130] =	vst v21  }
0x9b: {  	v21 =	vld [tilespmem:s21+$0x0];
	_ =	sdelay $0x4  }
0x9c: {  	v21 =	vshll.u32 v21, $0x1  }
0x9d: {  	v21 =	vor.u32 $0x1, v21  }
0x9e: {  	[tilespmem:$0xC140] =	vst v21  }
0x9f: {  	v21 =	vld [tilespmem:s21+$0x10];
	_ =	sdelay $0x4  }
0xa0: {  	v21 =	vshll.u32 v21, $0x1  }
0xa1: {  	v21 =	vor.u32 $0x1, v21  }
0xa2: {  	[tilespmem:$0xC150] =	vst v21  }
0xa3: {  	v21 =	vld [tilespmem:s21+$0x20];
	_ =	sdelay $0x4  }
0xa4: {  	v21 =	vshll.u32 v21, $0x1  }
0xa5: {  	v21 =	vor.u32 $0x1, v21  }
0xa6: {  	[tilespmem:$0xC160] =	vst v21  }
0xa7: {  	v21 =	vld [tilespmem:s21+$0x30];
	_ =	sdelay $0x4  }
0xa8: {  	v21 =	vshll.u32 v21, $0x1  }
0xa9: {  	v21 =	vor.u32 $0x1, v21  }
0xaa: {  	[tilespmem:$0xC170] =	vst v21  }
0xab: {  	[tilespmem:s14], [sflag:$0x1] =	stream.indirect.gather [hbm4b:s1+s12], $0x40, s18, s12, $0xb8;
	[tilespmem:$0x11210] =	vst v63  }
0xac: {  	p0 =	sne.s32 s22, $0x1;
	_ =	swait.ge [sflag:s17], $0x2000  }
.Ltmp4:
0xad: {  	[sflag:s17] =	ssyncset.done $0x0;
	(pc) =	sbr.rel @!p0 .LBB2_6-.Ltmp4, $4  }
0xae: {  	[sflag:s17] =	ssyncadd.s32 $0xFFFFE000  }
0xaf: {  	[spmem:s3] =	stream.indirect.scatter.add.f32 [tilespmem:s14], [sflag:$0x2], $0x40, s20, s12, $0xb8;
	[tilespmem:$0x11210] =	vst v63  }
0xb0: {  	_ =	swait.ge [sflag:s15], $0x2000  }
0xb1: {  	s22 =	sadd.s32 $0xFFFFFFFF, s22;
	[sflag:s15] =	ssyncset.done $0x0  }
.LBB2_5:
0xb2: {  	[sflag:s15] =	ssyncadd.s32 $0xFFFFE000;
	s20 =	sadd.s32 $0x80, s20;
	s21 =	sadd.s32 $0x80, s21  }
0xb3: {  	p0 =	sne.s32 s22, $0x1;
	s22 =	sadd.s32 $0xFFFFFFFF, s22;
	v21 =	vld [tilespmem:s21+$0xFFFFFFC0];
	_ =	sdelay $0x4  }
0xb4: {  	v21 =	vshll.u32 v21, $0x1  }
0xb5: {  	v21 =	vor.u32 $0x1, v21  }
0xb6: {  	[tilespmem:$0xC100] =	vst v21  }
0xb7: {  	v21 =	vld [tilespmem:s21+$0xFFFFFFD0];
	_ =	sdelay $0x4  }
0xb8: {  	v21 =	vshll.u32 v21, $0x1  }
0xb9: {  	v21 =	vor.u32 $0x1, v21  }
0xba: {  	[tilespmem:$0xC110] =	vst v21  }
0xbb: {  	v21 =	vld [tilespmem:s21+$0xFFFFFFE0];
	_ =	sdelay $0x4  }
0xbc: {  	v21 =	vshll.u32 v21, $0x1  }
0xbd: {  	v21 =	vor.u32 $0x1, v21  }
0xbe: {  	[tilespmem:$0xC120] =	vst v21  }
0xbf: {  	v21 =	vld [tilespmem:s21+$0xFFFFFFF0];
	_ =	sdelay $0x4  }
0xc0: {  	v21 =	vshll.u32 v21, $0x1  }
0xc1: {  	v21 =	vor.u32 $0x1, v21  }
0xc2: {  	[tilespmem:$0xC130] =	vst v21  }
0xc3: {  	v21 =	vld [tilespmem:s21+$0x0];
	_ =	sdelay $0x4  }
0xc4: {  	v21 =	vshll.u32 v21, $0x1  }
0xc5: {  	v21 =	vor.u32 $0x1, v21  }
0xc6: {  	[tilespmem:$0xC140] =	vst v21  }
0xc7: {  	v21 =	vld [tilespmem:s21+$0x10];
	_ =	sdelay $0x4  }
0xc8: {  	v21 =	vshll.u32 v21, $0x1  }
0xc9: {  	v21 =	vor.u32 $0x1, v21  }
0xca: {  	[tilespmem:$0xC150] =	vst v21  }
0xcb: {  	v21 =	vld [tilespmem:s21+$0x20];
	_ =	sdelay $0x4  }
0xcc: {  	v21 =	vshll.u32 v21, $0x1  }
0xcd: {  	v21 =	vor.u32 $0x1, v21  }
0xce: {  	[tilespmem:$0xC160] =	vst v21  }
0xcf: {  	v21 =	vld [tilespmem:s21+$0x30];
	_ =	sdelay $0x4  }
0xd0: {  	v21 =	vshll.u32 v21, $0x1  }
0xd1: {  	v21 =	vor.u32 $0x1, v21  }
0xd2: {  	[tilespmem:$0xC170] =	vst v21  }
0xd3: {  	[tilespmem:s14], [sflag:$0x1] =	stream.indirect.gather [hbm4b:s1+s12], $0x40, s18, s12, $0xb8;
	[tilespmem:$0x11210] =	vst v63  }
0xd4: {  	_ =	swait.ge [sflag:s17], $0x2000  }
.Ltmp5:
0xd5: {  	[sflag:s17] =	ssyncset.done $0x0;
	(pc) =	sbr.rel @p0 .LBB2_5-.Ltmp5, $4  }
0xd6: {  	[sflag:s17] =	ssyncadd.s32 $0xFFFFE000  }
0xd7: {  	[spmem:s3] =	stream.indirect.scatter.add.f32 [tilespmem:s14], [sflag:$0x2], $0x40, s20, s12, $0xb8;
	[tilespmem:$0x11210] =	vst v63  }
0xd8: {  	_ =	swait.ge [sflag:s15], $0x2000  }
0xd9: {  	[sflag:s15] =	ssyncset.done $0x0  }
.Ltmp6:
0xda: {  	_ = 	snop;
	(pc) =	sbr.rel .LBB2_6-.Ltmp6, $1  }
0xdb: {  	_ =	sdelay $0x3  }
.LBB2_8:
0xdc: {  	_ =	sfence.sel $0x180000  }
0xdd: {  	[bflag:$0x0] =	sbarrier.arrive $0xFFFF  }
0xde: {  	p0 =	sne.s32 s0, $0x0;
	_ =	strace $0x90000050  }
0xdf: {  	s0 =	sadd.s32 @!p0 $0x100000, s2;
	[bflag:$0x2] =	sbarrier.arrive $0xFFFF  }
0xe0: {  	[sflag:s0] =	ssyncadd.tile.s32 @!p0 $0x1;
	_ =	shalt  }
.Lfunc_end2:
_tile_overlayer_lowered:
.L_overlay_start_2:
0xe1: {  	(tag) =	ssettag $0x2  }
0xe2: {  	s0 =	rddreg [dreg:$0x0];
	s2 =	stileid.u32  }
0xe3: {  	s1 =	rddreg [dreg:$0x1];
	p0 =	sne.s32 s2, $0x0  }
0xe4: {  	s3 =	rddreg [dreg:$0x2];
	[bflag:$0x3] =	sbarrier.arrive $0xFFFF;
	s2 =	simm.s32 @!p0 $0x1C02  }
0xe5: {  	[timem:s3], [sflag:s2] =	dma.local @!p0 [hbm:s0], s1  }
0xe6: {  	s0 =	simm.s32 @!p0 $0x2  }
0xe7: {  	_ =	swait.ge @!p0 [sflag:s0], s1  }
0xe8: {  	s1 =	ssub.s32 @!p0 $0x0, s1;
	[sflag:s0] =	ssyncset.done @!p0 $0x0  }
0xe9: {  	[sflag:s0] =	ssyncadd.s32 @!p0 s1  }
0xea: {  	[bflag:$0x3] =	sbarrier.arrive $0xFFFF  }
0xeb: {  	_ =	shalt  }

// kernel: kernel.9.cloned.1.call-start
scs
__scs_entry_jumppad:
0x0: {  	(pc) =	sbr.rel $0x88, $3  }
0x1: {  	(tag) =	ssettag $0x0;
	lr =	simm.s32 $0x1  }
0x2: {  	[smem:$0x3F9B] =	sst lr;
	_ =	strace $0xD0000000  }
0x3: {  	_ = 	snop  }
0x4: {  	_ = 	snop  }
0x5: {  	_ = 	snop  }
0x6: {  	_ = 	snop  }
0x7: {  	_ = 	snop  }
__scs_overlays_trampoline_lowered:
0x8: {  	[smem:$0x3FAA] =	sst s0  }
0x9: {  	[smem:$0x3FAB] =	sst s1  }
0xa: {  	[smem:$0x3FAC] =	sst s2  }
0xb: {  	[smem:$0x3FAD] =	sst s3  }
0xc: {  	[smem:$0x3FAE] =	sst s4  }
0xd: {  	[smem:$0x3FAF] =	sst s5  }
0xe: {  	[smem:$0x3FB0] =	sst s6  }
0xf: {  	[smem:$0x3FB1] =	sst s7  }
0x10: {  	[smem:$0x3FB2] =	sst s8  }
0x11: {  	[smem:$0x3FB3] =	sst s9;
	s0 =	simm.s32 @!p0 $0x0  }
0x12: {  	s1 =	sld [smem:$0x3F99];
	s0 =	simm.s32 @p0 $0x1  }
0x13: {  	[smem:$0x3FB4] =	sst s0;
	s0 =	simm.s32 @!p1 $0x0  }
0x14: {  	s2 =	sld [smem:$0x3F98];
	s0 =	simm.s32 @p1 $0x1  }
0x15: {  	[smem:$0x3FB5] =	sst s0;
	s0 =	simm.s32 @!p2 $0x0  }
0x16: {  	s3 =	sld [smem:$0x3FDB];
	s0 =	simm.s32 @p2 $0x1  }
0x17: {  	s4 =	simm.s32 $0x1BF5;
	[smem:$0x3FB7] =	sst s0  }
0x18: {  	s0 =	sld [smem:$0x3F9A];
	_ =	swait.ge [sflag:s4], $0x0  }
0x19: {  	s7 =	sld [smem:$0x3F9B]  }
0x1a: {  	s8 =	sadd.s32 $0xFFFFE003, lr  }
0x1b: {  	s9 =	sadd.s32 $0xFFFFFEF7, lr;
	s5 =	simm.s32 $0xFFFFFFFF;
	p2 =	slt.u32 s8, $0xFFFFF086  }
0x1c: {  	p1 =	slt.u32 s9, $0xF7A;
	s5 =	simm.s32 @!p2 $0x0  }
0x1d: {  	s5 =	simm.s32 @p1 $0x1;
	p0 =	seq.s32 s7, s2  }
0x1e: {  	s7 =	smul.u32 @!p0 $0xF7A, s2;
	p2 =	seq.s32 @!p0 s5, $0x0  }
0x1f: {  	s9 =	smul.u32 $0xF7A, s1;
	s8 =	simm.s32 @!p0 $0x1BF5;
	p2 =	por !p2, p0  }
0x20: {  	[sflag:s8] =	ssyncset.s32 @!p0 $0xFFFFF086;
	s6 =	sadd.s32 @!p0 s3, s7;
	s7 =	simm.s32 @!p0 $0x108  }
0x21: {  	s3 =	sadd.s32 s3, s9;
	s6 =	sadd.s32 @!p0 $0x88, s6;
	s7 =	simm.s32 @p2 $0x1082  }
0x22: {  	[simem:s7], [sflag:s8] =	dma.local @!p0 [hbm:s6], $0xF7A  }
0x23: {  	s9 =	sor.u32 $0xD0000000, s2;
	s6 =	simm.s32 $0x108;
	_ =	swait.ge @!p0 [sflag:s8], $0x0  }
0x24: {  	s3 =	sadd.s32 $0x88, s3;
	s6 =	simm.s32 @!p1 $0x1082;
	[sflag:s4] =	ssyncset.s32 $0xFFFFF086  }
0x25: {  	[simem:s6], [sflag:s4] =	dma.local [hbm:s3], $0xF7A  }
0x26: {  	[smem:$0x3F9B] =	sst s1;
	(tag) =	ssettag s2;
	_ =	strace s9  }
0x27: {  	s1 =	sld [smem:$0x3FAB]  }
0x28: {  	s2 =	sld [smem:$0x3FAC]  }
0x29: {  	s4 =	sld [smem:$0x3FAE]  }
0x2a: {  	p0 =	seq.s32 s5, $0x0;
	s5 =	sld [smem:$0x3FAF]  }
0x2b: {  	s6 =	sld [smem:$0x3FB0]  }
0x2c: {  	s7 =	sld [smem:$0x3FB1]  }
0x2d: {  	s3 =	simm.s32 $0x108;
	s8 =	sld [smem:$0x3FB2]  }
0x2e: {  	s3 =	simm.s32 @!p0 $0x1082;
	s9 =	sld [smem:$0x3FB3]  }
0x2f: {  	lr =	sadd.s32 s0, s3;
	s0 =	sld [smem:$0x3FAA]  }
0x30: {  	s3 =	sld [smem:$0x3FAD]  }
0x31: {  	[smem:$0x3FB6] =	sst s10  }
0x32: {  	s10 =	sld [smem:$0x3FB4];
	_ =	sdelay $0x3  }
0x33: {  	p0 =	seq.s32 s10, $0x1;
	s10 =	sld [smem:$0x3FB6];
	_ =	sdelay $0x3  }
0x34: {  	[smem:$0x3FB6] =	sst s10  }
0x35: {  	s10 =	sld [smem:$0x3FB5];
	_ =	sdelay $0x3  }
0x36: {  	p1 =	seq.s32 s10, $0x1;
	s10 =	sld [smem:$0x3FB6];
	_ =	sdelay $0x3  }
0x37: {  	[smem:$0x3FB6] =	sst s10  }
0x38: {  	s10 =	sld [smem:$0x3FB7]  }
0x39: {  	_ = 	snop;
	(pc) =	sbr.ind lr, $3  }
0x3a: {  	_ = 	snop  }
0x3b: {  	_ = 	snop  }
0x3c: {  	p2 =	seq.s32 s10, $0x1;
	s10 =	sld [smem:$0x3FB6]  }
0x3d: {  	_ =	shalt  }
0x3e: {  	_ =	shalt  }
0x3f: {  	_ =	shalt  }
0x40: {  	_ =	shalt  }
0x41: {  	_ =	shalt  }
0x42: {  	_ =	shalt  }
0x43: {  	_ =	shalt  }
0x44: {  	_ =	shalt  }
0x45: {  	_ =	shalt  }
0x46: {  	_ =	shalt  }
0x47: {  	_ =	shalt  }
0x48: {  	_ =	shalt  }
0x49: {  	_ =	shalt  }
0x4a: {  	_ =	shalt  }
0x4b: {  	_ =	shalt  }
0x4c: {  	_ =	shalt  }
0x4d: {  	_ =	shalt  }
0x4e: {  	_ =	shalt  }
0x4f: {  	_ =	shalt  }
0x50: {  	_ =	shalt  }
0x51: {  	_ =	shalt  }
0x52: {  	_ =	shalt  }
0x53: {  	_ =	shalt  }
0x54: {  	_ =	shalt  }
0x55: {  	_ =	shalt  }
0x56: {  	_ =	shalt  }
0x57: {  	_ =	shalt  }
0x58: {  	_ =	shalt  }
0x59: {  	_ =	shalt  }
0x5a: {  	_ =	shalt  }
0x5b: {  	_ =	shalt  }
0x5c: {  	_ =	shalt  }
0x5d: {  	_ =	shalt  }
0x5e: {  	_ =	shalt  }
0x5f: {  	_ =	shalt  }
0x60: {  	_ =	shalt  }
0x61: {  	_ =	shalt  }
0x62: {  	_ =	shalt  }
0x63: {  	_ =	shalt  }
0x64: {  	_ =	shalt  }
0x65: {  	_ =	shalt  }
0x66: {  	_ =	shalt  }
0x67: {  	_ =	shalt  }
0x68: {  	_ =	shalt  }
0x69: {  	_ =	shalt  }
0x6a: {  	_ =	shalt  }
0x6b: {  	_ =	shalt  }
0x6c: {  	_ =	shalt  }
0x6d: {  	_ =	shalt  }
0x6e: {  	_ =	shalt  }
0x6f: {  	_ =	shalt  }
0x70: {  	_ =	shalt  }
0x71: {  	_ =	shalt  }
0x72: {  	_ =	shalt  }
0x73: {  	_ =	shalt  }
0x74: {  	_ =	shalt  }
0x75: {  	_ =	shalt  }
0x76: {  	_ =	shalt  }
0x77: {  	_ =	shalt  }
0x78: {  	_ =	shalt  }
0x79: {  	_ =	shalt  }
0x7a: {  	_ =	shalt  }
0x7b: {  	_ =	shalt  }
0x7c: {  	_ =	shalt  }
0x7d: {  	_ =	shalt  }
0x7e: {  	_ =	shalt  }
0x7f: {  	_ =	shalt  }
0x80: {  	_ =	shalt  }
0x81: {  	_ =	shalt  }
0x82: {  	_ =	shalt  }
0x83: {  	_ =	shalt  }
0x84: {  	_ =	shalt  }
0x85: {  	_ =	shalt  }
0x86: {  	_ =	shalt  }
0x87: {  	_ =	shalt  }
.Lfunc_end0:
.L_simem_size_0:
called_computation_lowered:
.L_overlay_start_0:
0x88: {  	s2 =	sld [smem:$0x3FD9]  }
0x89: {  	s3 =	sld [smem:$0x3FFE];
	_ =	sdelay $0x1  }
0x8a: {  	s1 =	srdreg.scid  }
0x8b: {  	s0 =	sand.u32 $0x1, s1  }
0x8c: {  	s17 =	sshll.u32 s0, $0xA;
	s2 =	sadd.s32 s3, s2  }
0x8d: {  	s2 =	sadd.s32 s2, s17  }
0x8e: {  	[smem:$0x3FC2] =	sst s2  }
0x8f: {  	_ = 	snop  }
0x90: {  	s2 =	sld [smem:$0x3FD0];
	(tm) =	ssettm $0x1  }
0x91: {  	s18 =	sld [smem:$0x3FFB];
	_ =	sdelay $0x3  }
0x92: {  	_ =	strace s18  }
0x93: {  	s3 =	sld [smem:$0x3FFC];
	_ =	sdelay $0x3  }
0x94: {  	_ =	strace s3  }
0x95: {  	s3 =	sld [smem:$0x3FFD];
	_ =	sdelay $0x3  }
0x96: {  	_ =	strace s3  }
0x97: {  	_ =	strace $0x8FFFFFFF  }
0x98: {  	s19 =	sld [smem:$0x3FDB];
	_ =	sdelay $0x1  }
0x99: {  	s4 =	simm.s32 $_scs_section_size  }
0x9a: {  	s5 =	simm.s32 $_size__tile_overlayer_lowered;
	s6 =	simm.s32 $_tile_overlayer_lowered  }
0x9b: {  	s22 =	simm.s32 $0x1BFF;
	s21 =	sshll.u32 s6, $0x1;
	s3 =	sadd.s32 s4, s19  }
0x9c: {  	s7 =	simm.s32 $0x0;
	s20 =	sshll.u32 s5, $0x1;
	s5 =	sadd.s32 s21, s3  }
0x9d: {  	[timem:s7], [sflag:s22] =	dma.local [hbm:s5], s20  }
0x9e: {  	_ =	swait.ge [sflag:s22], s20  }
0x9f: {  	s4 =	ssub.s32 $0x0, s20;
	[sflag:s22] =	ssyncset.done $0x0  }
0xa0: {  	[sflag:s22] =	ssyncadd.s32 s4;
	_ =	sdelay $0x1  }
0xa1: {  	s23 =	simm.s32 $0x1B8B  }
0xa2: {  	_ =	swait.ge [sflag:s23], $0x1  }
0xa3: {  	[sflag:s23] =	ssyncset.done $0x0  }
0xa4: {  	s25 =	simm.s32 $0x1B8E;
	s24 =	sld [smem:$0x3FFE];
	[sflag:s23] =	ssyncadd.s32 $0xFFFFFFFF  }
0xa5: {  	s26 =	simm.s32 $execute0_lowered;
	[smem:$0x3FD2] =	sst s25  }
0xa6: {  	s5 =	sshll.u32 s26, $0x1;
	_ =	strace $0x80000046;
	[dreg:$0x1] =	wrdreg $0xFFFFFFFF  }
0xa7: {  	s28 =	simm.s32 $_size_execute0_lowered;
	s3 =	sadd.s32 s3, s5;
	[dreg:$0x0] =	wrdreg $0x0  }
0xa8: {  	s5 =	sshll.u32 s28, $0x1;
	[dreg:$0x2] =	wrdreg s3  }
0xa9: {  	[dreg:$0x3] =	wrdreg s5  }
0xaa: {  	[dreg:$0x4] =	wrdreg $0xC0  }
0xab: {  	_ =	task [dreg:s7], $0x5FFFF  }
0xac: {  	[dreg:$0x1] =	wrdreg $0xFFFFFFFF  }
0xad: {  	[dreg:$0x0] =	wrdreg $0x60  }
0xae: {  	[dreg:$0x2] =	wrdreg s2  }
0xaf: {  	[dreg:$0x3] =	wrdreg s24  }
0xb0: {  	[dreg:$0x4] =	wrdreg $0x9  }
0xb1: {  	_ =	task.clear_ibuf [dreg:s7], $0x5FFFF;
	_ =	strace $0x90000046  }
0xb2: {  	s29 =	simm.s32 $0x9;
	_ =	strace $0x80000048  }
0xb3: {  	_ =	swait.ge [sflag:s29], $0x1  }
0xb4: {  	[sflag:s29] =	ssyncadd.s32 $0xFFFFFFFF  }
0xb5: {  	_ =	strace $0x90000048  }
0xb6: {  	_ =	sfence  }
0xb7: {  	s30 =	sld [smem:$0x0];
	_ =	sdelay $0x2  }
0xb8: {  	s31 =	sshll.u32 s1, $0xD;
	s1 =	sshrl.u32 s1, $0x2  }
0xb9: {  	s3 =	sand.u32 $0x4000, s31;
	s1 =	sadd.s32 s1, s30  }
0xba: {  	s0 =	sor.u32 s3, s0;
	s1 =	sshll.u32 s1, $0x11  }
0xbb: {  	s0 =	sor.u32 s1, s0  }
0xbc: {  	s0 =	sadd.s32 $0x8F2B, s0  }
0xbd: {  	[sflag:s0] =	ssyncadd.remote.s32 $0x1  }
0xbe: {  	_ =	sfence.sel $0xFFFF  }
0xbf: {  	[dreg:$0x0] =	wrdreg $0xFFFFFFFF;
	(pc) =	sbr.abs _section_cstart, $3  }
0xc0: {  	[dreg:$0x1] =	wrdreg $0xFFFFFFFF  }
0xc1: {  	_ =	task.clear_ibuf [dreg:s7], $0x2FFFF;
	_ =	strace $0x9FFFFFFF  }
0xc2: {  	(tm) =	ssettm $0x7FFFFFFF  }
0xc3: {  	_ =	shalt  }
tec
execute0_lowered:
.L_overlay_start_1:
0x0: {  	(tag) =	ssettag $0x1  }
0x1: {  	s3 =	rddreg [dreg:$0x0];
	s0 =	srdreg.scid  }
0x2: {  	s4 =	rddreg [dreg:$0x1];
	s1 =	stileid.u32  }
0x3: {  	s2 =	simm.s32 $0x0;
	s13 =	simm.s32 $0x14120;
	s14 =	simm.s32 $0x0  }
0x4: {  	s5 =	sand.u32 $0x1, s0;
	s0 =	rddreg [dreg:$0x2];
	s7 =	smul.u32 $0x5080, s1  }
0x5: {  	[smem:$0x7FF] =	sst s2;
	s8 =	smul.u32 $0xA00, s1;
	s9 =	sshll.u32 s1, $0x1  }
0x6: {  	s6 =	smul.u32 $0x50800, s5;
	_ =	strace $0x80000047;
	s30 =	ssub.s32 $0x2, s5  }
0x7: {  	s11 =	smul.u32 $0x1388, s5;
	s5 =	sshll.u32 s5, $0x5;
	s29 =	sadd.s32 s8, s4  }
0x8: {  	s31 =	sshrl.u32 s30, $0x1;
	s3 =	sadd.s32 s3, s8;
	s6 =	sadd.s32 s7, s6  }
0x9: {  	s12 =	sadd.s32 $0x1388, s11;
	v0 =	vmov s11;
	s11 =	simm.s32 $0xF090;
	s6 =	sshrl.u32 s6, $0x3  }
0xa: {  	v1 =	vmov s12;
	s12 =	simm.s32 $0xA000;
	s10 =	sadd.s32 s6, s4;
	s4 =	sadd.s32 s9, s4  }
0xb: {  	s9 =	ssub.s32 s30, s31;
	s5 =	sadd.s32 s5, s4;
	s4 =	sadd.s32 $0x3800, s29  }
0xc: {  	v2 =	vlaneseq.u32;
	s6 =	sadd.s32 $0xD800, s10;
	s7 =	sadd.s32 $0x21A00, s10;
	s8 =	smax.u32 s9, $0x1  }
0xd: {  	v3 =	vimm.s32 $0x0;
	v4 =	vor.u32 $0x5080, v2;
	v5 =	vadd.s32 $0x1388, v2;
	s9 =	simm.s32 $0x1;
	s10 =	simm.s32 $0x5000;
	s5 =	sadd.s32 $0x35C00, s5  }
.LBB2_1:
0xe: {  	[tilespmem:s2], [sflag:$0x1] =	stream.linear.gather [hbm4b:s3+s2], $0x5000, $0x38;
	[tilespmem:$0x14130] =	vst v63  }
0xf: {  	_ =	swait.ge [sflag:s9], $0x5000  }
0x10: {  	[sflag:s9] =	ssyncset.done $0x0  }
0x11: {  	[sflag:s9] =	ssyncadd.s32 $0xFFFFB000  }
0x12: {  	[tilespmem:s10], [sflag:$0x1] =	stream.linear.gather [hbm4b:s4+s2], $0x5000, $0x38;
	[tilespmem:$0x14130] =	vst v63  }
0x13: {  	_ =	swait.ge [sflag:s9], $0x5000  }
0x14: {  	[sflag:s9] =	ssyncset.done $0x0  }
0x15: {  	s15 =	simm.s32 $0x0;
	s17 =	simm.s32 $0x0;
	[sflag:s9] =	ssyncadd.s32 $0xFFFFB000  }
.LBB2_2:
0x16: {  	s16 =	sshra.s32 s15, $0x2  }
0x17: {  	v6 =	vld [tilespmem:s16+$0x5000];
	_ =	sdelay $0x4  }
0x18: {  	vm0 =	vge.s32 v6, v0;
	vm1 =	vlt.s32 v6, v1  }
0x19: {  	vm0 =	vmand vm0, vm1  }
0x1a: {  	v7 =	vsel vm0, $0x1, v3  }
0x1b: {  	(xrf0) =	vadd.scan.msk.s32 $0xffff, v7;
	_ =	sdelay $0x2  }
0x1c: {  	v7 =	vmov s17  }
0x1d: {  	v7 =	vadd.s32 $0xFFFFFFFF, v7  }
0x1e: {  	v7 =	vbroadcast v7, $0x0  }
0x1f: {  	v8, _, _ =	vpop (xrf0)  }
0x20: {  	v7 =	vadd.s32 v8, v7  }
0x21: {  	v7 =	vsel vm0, v7, v4;
	_ =	sdelay $0x3  }
0x22: {  	v6 =	vsub.s32 v6, v0  }
0x23: {  	[tilespmem:v7+s11+$0x0] =	vst.idx.msk $0xffff, v6  }
0x24: {  	(v2sf) =	vpush v8, $0xF;
	v6 =	vld [tilespmem:s16+$0x0];
	_ =	sdelay $0x4  }
0x25: {  	[tilespmem:v7+s12+$0x0] =	vst.idx.msk $0xffff, v6  }
0x26: {  	v6 =	vld [tilespmem:s16+$0x5010];
	_ =	sdelay $0x4  }
0x27: {  	vm14 =	vge.s32 v6, v0;
	vm15 =	vlt.s32 v6, v1  }
0x28: {  	vm0 =	vmand vm14, vm15  }
0x29: {  	v7 =	vsel vm0, $0x1, v3  }
0x2a: {  	(xrf0) =	vadd.scan.msk.s32 $0xffff, v7  }
0x2b: {  	s18 =	spop (v2sf)  }
0x2c: {  	s23 =	sadd.s32 s17, s18  }
0x2d: {  	v7 =	vmov s23  }
0x2e: {  	v7 =	vadd.s32 $0xFFFFFFFF, v7  }
0x2f: {  	v7 =	vbroadcast v7, $0x0  }
0x30: {  	v57, _, _ =	vpop (xrf0)  }
0x31: {  	v7 =	vadd.s32 v57, v7  }
0x32: {  	v7 =	vsel vm0, v7, v4;
	_ =	sdelay $0x3  }
0x33: {  	v6 =	vsub.s32 v6, v0  }
0x34: {  	[tilespmem:v7+s11+$0x0] =	vst.idx.msk $0xffff, v6  }
0x35: {  	(v2sf) =	vpush v57, $0xF;
	v6 =	vld [tilespmem:s16+$0x10];
	_ =	sdelay $0x4  }
0x36: {  	[tilespmem:v7+s12+$0x0] =	vst.idx.msk $0xffff, v6  }
0x37: {  	v6 =	vld [tilespmem:s16+$0x5020];
	_ =	sdelay $0x4  }
0x38: {  	vm4 =	vge.s32 v6, v0;
	vm5 =	vlt.s32 v6, v1  }
0x39: {  	vm0 =	vmand vm4, vm5  }
0x3a: {  	v7 =	vsel vm0, $0x1, v3  }
0x3b: {  	(xrf0) =	vadd.scan.msk.s32 $0xffff, v7  }
0x3c: {  	s24 =	spop (v2sf)  }
0x3d: {  	s17 =	sadd.s32 s23, s24  }
0x3e: {  	v7 =	vmov s17  }
0x3f: {  	v7 =	vadd.s32 $0xFFFFFFFF, v7  }
0x40: {  	v7 =	vbroadcast v7, $0x0  }
0x41: {  	v58, _, _ =	vpop (xrf0)  }
0x42: {  	v7 =	vadd.s32 v58, v7  }
0x43: {  	v7 =	vsel vm0, v7, v4;
	_ =	sdelay $0x3  }
0x44: {  	v6 =	vsub.s32 v6, v0  }
0x45: {  	[tilespmem:v7+s11+$0x0] =	vst.idx.msk $0xffff, v6  }
0x46: {  	(v2sf) =	vpush v58, $0xF;
	v6 =	vld [tilespmem:s16+$0x20];
	_ =	sdelay $0x4  }
0x47: {  	[tilespmem:v7+s12+$0x0] =	vst.idx.msk $0xffff, v6  }
0x48: {  	v6 =	vld [tilespmem:s16+$0x5030];
	_ =	sdelay $0x4  }
0x49: {  	vm6 =	vge.s32 v6, v0;
	vm7 =	vlt.s32 v6, v1  }
0x4a: {  	vm0 =	vmand vm6, vm7  }
0x4b: {  	v7 =	vsel vm0, $0x1, v3  }
0x4c: {  	(xrf0) =	vadd.scan.msk.s32 $0xffff, v7  }
0x4d: {  	s25 =	spop (v2sf)  }
0x4e: {  	s17 =	sadd.s32 s17, s25  }
0x4f: {  	v7 =	vmov s17  }
0x50: {  	v7 =	vadd.s32 $0xFFFFFFFF, v7  }
0x51: {  	v7 =	vbroadcast v7, $0x0  }
0x52: {  	v59, _, _ =	vpop (xrf0)  }
0x53: {  	v7 =	vadd.s32 v59, v7  }
0x54: {  	v7 =	vsel vm0, v7, v4;
	_ =	sdelay $0x3  }
0x55: {  	v6 =	vsub.s32 v6, v0  }
0x56: {  	[tilespmem:v7+s11+$0x0] =	vst.idx.msk $0xffff, v6  }
0x57: {  	(v2sf) =	vpush v59, $0xF;
	v6 =	vld [tilespmem:s16+$0x30];
	_ =	sdelay $0x4  }
0x58: {  	[tilespmem:v7+s12+$0x0] =	vst.idx.msk $0xffff, v6  }
0x59: {  	v6 =	vld [tilespmem:s16+$0x5040];
	_ =	sdelay $0x4  }
0x5a: {  	vm8 =	vge.s32 v6, v0;
	vm9 =	vlt.s32 v6, v1  }
0x5b: {  	vm0 =	vmand vm8, vm9  }
0x5c: {  	v7 =	vsel vm0, $0x1, v3  }
0x5d: {  	(xrf0) =	vadd.scan.msk.s32 $0xffff, v7  }
0x5e: {  	s26 =	spop (v2sf)  }
0x5f: {  	s17 =	sadd.s32 s17, s26  }
0x60: {  	v7 =	vmov s17  }
0x61: {  	v7 =	vadd.s32 $0xFFFFFFFF, v7  }
0x62: {  	v7 =	vbroadcast v7, $0x0  }
0x63: {  	v60, _, _ =	vpop (xrf0)  }
0x64: {  	v7 =	vadd.s32 v60, v7  }
0x65: {  	v7 =	vsel vm0, v7, v4;
	_ =	sdelay $0x3  }
0x66: {  	v6 =	vsub.s32 v6, v0  }
0x67: {  	[tilespmem:v7+s11+$0x0] =	vst.idx.msk $0xffff, v6  }
0x68: {  	(v2sf) =	vpush v60, $0xF;
	v6 =	vld [tilespmem:s16+$0x40];
	_ =	sdelay $0x4  }
0x69: {  	[tilespmem:v7+s12+$0x0] =	vst.idx.msk $0xffff, v6  }
0x6a: {  	v6 =	vld [tilespmem:s16+$0x5050];
	_ =	sdelay $0x4  }
0x6b: {  	vm10 =	vge.s32 v6, v0;
	vm11 =	vlt.s32 v6, v1  }
0x6c: {  	vm0 =	vmand vm10, vm11  }
0x6d: {  	v7 =	vsel vm0, $0x1, v3  }
0x6e: {  	(xrf0) =	vadd.scan.msk.s32 $0xffff, v7  }
0x6f: {  	s28 =	spop (v2sf)  }
0x70: {  	s17 =	sadd.s32 s17, s28  }
0x71: {  	v7 =	vmov s17  }
0x72: {  	v7 =	vadd.s32 $0xFFFFFFFF, v7  }
0x73: {  	v7 =	vbroadcast v7, $0x0  }
0x74: {  	v61, _, _ =	vpop (xrf0)  }
0x75: {  	v7 =	vadd.s32 v61, v7  }
0x76: {  	v7 =	vsel vm0, v7, v4;
	_ =	sdelay $0x3  }
0x77: {  	v6 =	vsub.s32 v6, v0  }
0x78: {  	[tilespmem:v7+s11+$0x0] =	vst.idx.msk $0xffff, v6  }
0x79: {  	(v2sf) =	vpush v61, $0xF;
	v6 =	vld [tilespmem:s16+$0x50];
	_ =	sdelay $0x4  }
0x7a: {  	[tilespmem:v7+s12+$0x0] =	vst.idx.msk $0xffff, v6  }
0x7b: {  	v6 =	vld [tilespmem:s16+$0x5060];
	_ =	sdelay $0x4  }
0x7c: {  	vm12 =	vge.s32 v6, v0;
	vm13 =	vlt.s32 v6, v1  }
0x7d: {  	vm0 =	vmand vm12, vm13  }
0x7e: {  	v7 =	vsel vm0, $0x1, v3  }
0x7f: {  	(xrf0) =	vadd.scan.msk.s32 $0xffff, v7  }
0x80: {  	s29 =	spop (v2sf)  }
0x81: {  	s17 =	sadd.s32 s17, s29  }
0x82: {  	v7 =	vmov s17  }
0x83: {  	v7 =	vadd.s32 $0xFFFFFFFF, v7  }
0x84: {  	v7 =	vbroadcast v7, $0x0  }
0x85: {  	v62, _, _ =	vpop (xrf0)  }
0x86: {  	v7 =	vadd.s32 v62, v7  }
0x87: {  	v7 =	vsel vm0, v7, v4;
	_ =	sdelay $0x3  }
0x88: {  	v6 =	vsub.s32 v6, v0  }
0x89: {  	[tilespmem:v7+s11+$0x0] =	vst.idx.msk $0xffff, v6  }
0x8a: {  	v6 =	vld [tilespmem:s16+$0x60];
	_ =	sdelay $0x3  }
0x8b: {  	(v2sf) =	vpush v62, $0xF  }
0x8c: {  	[tilespmem:v7+s12+$0x0] =	vst.idx.msk $0xffff, v6  }
0x8d: {  	v6 =	vld [tilespmem:s16+$0x5070];
	_ =	sdelay $0x4  }
0x8e: {  	vm14 =	vge.s32 v6, v0;
	vm15 =	vlt.s32 v6, v1  }
0x8f: {  	vm0 =	vmand vm14, vm15  }
0x90: {  	v7 =	vsel vm0, $0x1, v3  }
0x91: {  	(xrf0) =	vadd.scan.msk.s32 $0xffff, v7;
	_ =	sdelay $0x4  }
0x92: {  	s30 =	spop (v2sf)  }
0x93: {  	s17 =	sadd.s32 s17, s30;
	v7, _, _ =	vpop (xrf0)  }
0x94: {  	v63 =	vmov s17;
	(v2sf) =	vpush v7, $0xF  }
0x95: {  	v8 =	vadd.s32 $0xFFFFFFFF, v63  }
0x96: {  	v8 =	vbroadcast v8, $0x0;
	_ =	sdelay $0x1  }
0x97: {  	v7 =	vadd.s32 v7, v8  }
0x98: {  	v7 =	vsel vm0, v7, v4;
	_ =	sdelay $0x3  }
0x99: {  	v6 =	vsub.s32 v6, v0  }
0x9a: {  	[tilespmem:v7+s11+$0x0] =	vst.idx.msk $0xffff, v6  }
0x9b: {  	p0 =	sne.s32 s15, $0x13E00;
	v6 =	vld [tilespmem:s16+$0x70]  }
.Ltmp0:
0x9c: {  	_ = 	snop;
	(pc) =	sbr.rel @p0 .LBB2_2-.Ltmp0, $3  }
0x9d: {  	_ =	sdelay $0x1  }
0x9e: {  	s31 =	spop (v2sf)  }
0x9f: {  	s15 =	sadd.s32 $0x200, s15;
	[tilespmem:v7+s12+$0x0] =	vst.idx.msk $0xffff, v6;
	s17 =	sadd.s32 s17, s31  }
0xa0: {  	[tilespmem:s17+$0xA000] =	vst v2  }
0xa1: {  	[tilespmem:s17+$0xF090] =	vst v5  }
0xa2: {  	[tilespmem:s17+$0xA010] =	vst v2  }
0xa3: {  	[tilespmem:s17+$0xF0A0] =	vst v5  }
0xa4: {  	[tilespmem:s17+$0xA020] =	vst v2  }
0xa5: {  	[tilespmem:s17+$0xF0B0] =	vst v5  }
0xa6: {  	[tilespmem:s17+$0xA030] =	vst v2  }
0xa7: {  	[tilespmem:s17+$0xF0C0] =	vst v5  }
0xa8: {  	[tilespmem:s17+$0xA040] =	vst v2;
	s15 =	sadd.s32 $0x7F, s17  }
0xa9: {  	[tilespmem:s17+$0xF0D0] =	vst v5;
	s16 =	sand.u32 $0x7F, s15  }
0xaa: {  	[tilespmem:s17+$0xA050] =	vst v2;
	s31 =	sshra.s32 s15, $0x1F;
	p1 =	slt.s32 s15, $0x1;
	p0 =	sne.s32 s16, $0x0  }
0xab: {  	[tilespmem:s17+$0xF0E0] =	vst v5;
	s16 =	sshrl.u32 s31, $0x19;
	p0 =	por !p1, !p0  }
0xac: {  	[tilespmem:s17+$0xA060] =	vst v2;
	s15 =	sadd.s32 s16, s15;
	s16 =	simm.s32 $0x1;
	p0 =	por !p0, !p0  }
0xad: {  	[tilespmem:s17+$0xF0F0] =	vst v5;
	s15 =	sshra.s32 s15, $0x7;
	s16 =	simm.s32 @!p0 $0x0  }
0xae: {  	[tilespmem:s17+$0xA070] =	vst v2;
	s15 =	ssub.s32 s15, s16  }
0xaf: {  	[tilespmem:s17+$0xF100] =	vst v5;
	v6 =	vmov s15  }
0xb0: {  	[tilespmem:$0x14120] =	vst v6  }
0xb1: {  	[hbm4b:s5+s2] =	stream.linear.scatter [tilespmem:s13], [sflag:$0x1], $0x10, $0x38;
	[tilespmem:$0x14130] =	vst v63  }
0xb2: {  	_ =	swait.ge [sflag:s9], $0x10  }
0xb3: {  	[sflag:s9] =	ssyncset.done $0x0  }
0xb4: {  	[sflag:s9] =	ssyncadd.s32 $0xFFFFFFF0  }
0xb5: {  	[hbm4b:s6+s2] =	stream.linear.scatter [tilespmem:s12], [sflag:$0x1], $0x5080, $0x38;
	[tilespmem:$0x14130] =	vst v63  }
0xb6: {  	s14 =	sadd.s32 $0x1, s14;
	_ =	swait.ge [sflag:s9], $0x5080  }
0xb7: {  	p0 =	sne.s32 s14, s8;
	[sflag:s9] =	ssyncset.done $0x0  }
.Ltmp1:
0xb8: {  	[sflag:s9] =	ssyncadd.s32 $0xFFFFAF80;
	(pc) =	sbr.rel @p0 .LBB2_1-.Ltmp1, $4  }
0xb9: {  	[hbm4b:s7+s2] =	stream.linear.scatter [tilespmem:s11], [sflag:$0x1], $0x5080, $0x38;
	[tilespmem:$0x14130] =	vst v63  }
0xba: {  	_ =	swait.ge [sflag:s9], $0x5080  }
0xbb: {  	[sflag:s9] =	ssyncset.done $0x0  }
0xbc: {  	[sflag:s9] =	ssyncadd.s32 $0xFFFFAF80  }
0xbd: {  	_ =	sfence.sel $0x180000  }
0xbe: {  	[bflag:$0x0] =	sbarrier.arrive $0xFFFF  }
0xbf: {  	p0 =	sne.s32 s1, $0x0;
	_ =	strace $0x90000047  }
0xc0: {  	s0 =	sadd.s32 @!p0 $0x100000, s0;
	[bflag:$0x2] =	sbarrier.arrive $0xFFFF  }
0xc1: {  	[sflag:s0] =	ssyncadd.tile.s32 @!p0 $0x1;
	_ =	shalt  }
.Lfunc_end2:
_tile_overlayer_lowered:
.L_overlay_start_2:
0xc2: {  	(tag) =	ssettag $0x2  }
0xc3: {  	s0 =	rddreg [dreg:$0x0];
	s2 =	stileid.u32  }
0xc4: {  	s1 =	rddreg [dreg:$0x1];
	p0 =	sne.s32 s2, $0x0  }
0xc5: {  	s3 =	rddreg [dreg:$0x2];
	[bflag:$0x3] =	sbarrier.arrive $0xFFFF;
	s2 =	simm.s32 @!p0 $0x1C01  }
0xc6: {  	[timem:s3], [sflag:s2] =	dma.local @!p0 [hbm:s0], s1  }
0xc7: {  	s0 =	simm.s32 @!p0 $0x1  }
0xc8: {  	_ =	swait.ge @!p0 [sflag:s0], s1  }
0xc9: {  	s1 =	ssub.s32 @!p0 $0x0, s1;
	[sflag:s0] =	ssyncset.done @!p0 $0x0  }
0xca: {  	[sflag:s0] =	ssyncadd.s32 @!p0 s1  }
0xcb: {  	[bflag:$0x3] =	sbarrier.arrive $0xFFFF  }
0xcc: {  	_ =	shalt  }

</sc_bundles>
